<compile_context>
chip_gen: v7x
topology: tpu7x:2x2x1
jax: 0.10.2.dev20260603
libtpu: 0.0.44.dev20260713+nightly
codegen_flags: <defaults>
</compile_context>

<pallas_src>
import functools

import jax
import jax.numpy as jnp
from jax import lax
from jax.experimental import pallas as pl
from jax.experimental.pallas import tpu as pltpu
from jax.experimental.pallas import tpu_sc as plsc

_BLOCK_S = 512


def _add_pe_tc_kernel(x_ref, pe_ref, o_ref):
    o_ref[...] = x_ref[...] + pe_ref[...][None, :, :]


def _tc_kernel(inputs, pos_table):
    B, S, D = inputs.shape
    grid = (S // _BLOCK_S,)
    return pl.pallas_call(
        _add_pe_tc_kernel,
        grid=grid,
        in_specs=[
            pl.BlockSpec((B, _BLOCK_S, D), lambda i: (0, i, 0)),
            pl.BlockSpec((_BLOCK_S, D), lambda i: (i, 0)),
        ],
        out_specs=pl.BlockSpec((B, _BLOCK_S, D), lambda i: (0, i, 0)),
        out_shape=jax.ShapeDtypeStruct((B, S, D), inputs.dtype),
        compiler_params=pltpu.CompilerParams(
            dimension_semantics=("parallel",),
        ),
    )(inputs, pos_table)


_CHUNK_W = 16384
_NBUF = 2
_UNROLL = 8


def _make_sc_kernel(NWORDS, TWORDS):
    info = plsc.get_sparse_core_info()
    NC, NS, L = info.num_cores, info.num_subcores, info.num_lanes
    NW = NC * NS
    words_per_w = NWORDS // NW
    n_chunks = words_per_w // _CHUNK_W
    mesh = plsc.VectorSubcoreMesh(core_axis_name="c", subcore_axis_name="s")

    @functools.partial(
        pl.kernel,
        mesh=mesh,
        out_type=jax.ShapeDtypeStruct((NWORDS,), jnp.float32),
        scratch_types=(
            [pltpu.VMEM((_CHUNK_W,), jnp.float32) for _ in range(3 * _NBUF)]
            + [pltpu.SemaphoreType.DMA for _ in range(3 * _NBUF)]
        ),
    )
    def k(x_hbm, t_hbm, o_hbm, *scratch):
        bufx = scratch[:_NBUF]
        buft = scratch[_NBUF:2 * _NBUF]
        bufo = scratch[2 * _NBUF:3 * _NBUF]
        semx = scratch[3 * _NBUF:4 * _NBUF]
        semt = scratch[4 * _NBUF:5 * _NBUF]
        semo = scratch[5 * _NBUF:6 * _NBUF]
        wid = lax.axis_index("s") * NC + lax.axis_index("c")
        base = wid * words_per_w
        tbase = lax.rem(base, TWORDS)

        fills = [None] * n_chunks
        stores = [None] * n_chunks

        def start_fill(c):
            b = c % _NBUF
            fx = pltpu.async_copy(
                x_hbm.at[pl.ds(base + c * _CHUNK_W, _CHUNK_W)], bufx[b], semx[b])
            ft = pltpu.async_copy(
                t_hbm.at[pl.ds(tbase + c * _CHUNK_W, _CHUNK_W)], buft[b], semt[b])
            fills[c] = (fx, ft)

        def run_add(b):
            @plsc.parallel_loop(0, _CHUNK_W, step=L, unroll=_UNROLL)
            def _(i):
                s = pl.ds(i, L)
                bufo[b][s] = bufx[b][s] + buft[b][s]

        for c in range(min(_NBUF, n_chunks)):
            start_fill(c)
        for c in range(n_chunks):
            b = c % _NBUF
            fills[c][0].wait()
            fills[c][1].wait()
            if c - _NBUF >= 0:
                stores[c - _NBUF].wait()
            stores[c] = pltpu.async_copy(
                bufx[b], o_hbm.at[pl.ds(base + c * _CHUNK_W, _CHUNK_W)], semo[b])
            if c + _NBUF < n_chunks:
                start_fill(c + _NBUF)
        for c in range(max(0, n_chunks - _NBUF), n_chunks):
            stores[c].wait()

    return k


def kernel(inputs, pos_table):
    B, S, D = inputs.shape
    x = inputs.reshape(B * S * D)
    t = pos_table.reshape(S * D)
    out = _make_sc_kernel(B * S * D, S * D)(x, t)
    return out.reshape(B, S, D)

# --- scband reference (transcript-rebuilt; emitter-appended) ---
"""Pipeline reference for scband-positional-encoding-26843545600815 (READ-ONLY COPY).

The authoritative reference and input builder live on the scoring server;
editing this copy changes nothing except your own understanding.
"""

import jax, jax.numpy as jnp
import numpy as np

SEQ_LENGTH = 8192
EMBEDDING_DIM = 1024

def setup_inputs(seed: int = 0) -> dict:
    key = jax.random.key(seed)
    k1, k2 = jax.random.split(key)
    inputs = jax.random.normal(k1, (4, SEQ_LENGTH, EMBEDDING_DIM), dtype=jnp.float32)
    # nn.Embedding default init: N(0, 1)
    pos_table = jax.random.normal(k2, (SEQ_LENGTH, EMBEDDING_DIM), dtype=jnp.float32)
    return {"inputs": inputs, "pos_table": pos_table}

def reference(inputs, pos_table):
    # positional_encoding(torch.arange(seq_length)) -> gather of all rows
    idx = jnp.arange(SEQ_LENGTH)
    pe = jnp.take(pos_table, idx, axis=0)  # [seq_length, embedding_dim]
    # broadcast add over batch dim
    return inputs + pe

if __name__ == "__main__":
    import jax
    _d = setup_inputs()
    print(jax.jit(kernel)(*tuple(_d.values())))

</pallas_src>

<mosaic_0001>
#map = affine_map<(d0, d1) -> (0)>
module attributes {stable_mosaic.version = 14 : i64} {
  func.func @k(%arg0: i32, %arg1: i32, %arg2: memref<33554432xf32, #tpu.memory_space<hbm>>, %arg3: memref<8388608xf32, #tpu.memory_space<hbm>>, %arg4: memref<33554432xf32, #tpu.memory_space<hbm>>, %arg5: memref<16384xf32, #tpu.memory_space<vmem>>, %arg6: memref<16384xf32, #tpu.memory_space<vmem>>, %arg7: memref<16384xf32, #tpu.memory_space<vmem>>, %arg8: memref<16384xf32, #tpu.memory_space<vmem>>, %arg9: memref<16384xf32, #tpu.memory_space<vmem>>, %arg10: memref<16384xf32, #tpu.memory_space<vmem>>, %arg11: memref<!tpu.dma_semaphore, #tpu.memory_space<semaphore_mem>>, %arg12: memref<!tpu.dma_semaphore, #tpu.memory_space<semaphore_mem>>, %arg13: memref<!tpu.dma_semaphore, #tpu.memory_space<semaphore_mem>>, %arg14: memref<!tpu.dma_semaphore, #tpu.memory_space<semaphore_mem>>, %arg15: memref<!tpu.dma_semaphore, #tpu.memory_space<semaphore_mem>>, %arg16: memref<!tpu.dma_semaphore, #tpu.memory_space<semaphore_mem>>) attributes {dimension_semantics = [#tpu.dimension_semantics<core_parallel>, #tpu.dimension_semantics<subcore_parallel>], iteration_bounds = array<i64: 2, 16>, scalar_prefetch = 0 : i64, scratch_operands = 12 : i64, tpu.core_type = #tpu.core_type<sc_vector_subcore>, window_params = [{transform_indices = #map}, {transform_indices = #map}, {transform_indices = #map}]} {
    %mul3A = arith.constant 2 : i32
    %mul3A_0 = arith.muli %arg1, %mul3A : i32
    %add3A = arith.addi %mul3A_0, %arg0 : i32
    %mul3A_1 = arith.constant 1048576 : i32
    %mul3A_2 = arith.muli %add3A, %mul3A_1 : i32
    %rem3A = arith.constant 8388608 : i32
    %rem3A_3 = arith.remsi %mul3A_2, %rem3A : i32
    %add3A_4 = arith.constant 0 : i32
    %add3A_5 = arith.addi %mul3A_2, %add3A_4 : i32
    %dma_start3A = tpu.memref_slice %arg2[%add3A_5] : memref<33554432xf32, #tpu.memory_space<hbm>> -> memref<16384xf32, #tpu.memory_space<hbm>>
    %dma_start3A_6 = tpu.memref_slice %arg2[%add3A_5] : memref<33554432xf32, #tpu.memory_space<hbm>> -> memref<16384xf32, #tpu.memory_space<hbm>>
    tpu.enqueue_dma source(%dma_start3A_6 : memref<16384xf32, #tpu.memory_space<hbm>>) target(%arg5 : memref<16384xf32, #tpu.memory_space<vmem>>) target_semaphore(%arg11 : memref<!tpu.dma_semaphore, #tpu.memory_space<semaphore_mem>>)
    %add3A_7 = arith.constant 0 : i32
    %add3A_8 = arith.addi %rem3A_3, %add3A_7 : i32
    %dma_start3A_9 = tpu.memref_slice %arg3[%add3A_8] : memref<8388608xf32, #tpu.memory_space<hbm>> -> memref<16384xf32, #tpu.memory_space<hbm>>
    %dma_start3A_10 = tpu.memref_slice %arg3[%add3A_8] : memref<8388608xf32, #tpu.memory_space<hbm>> -> memref<16384xf32, #tpu.memory_space<hbm>>
    tpu.enqueue_dma source(%dma_start3A_10 : memref<16384xf32, #tpu.memory_space<hbm>>) target(%arg7 : memref<16384xf32, #tpu.memory_space<vmem>>) target_semaphore(%arg13 : memref<!tpu.dma_semaphore, #tpu.memory_space<semaphore_mem>>)
    %add3A_11 = arith.constant 16384 : i32
    %add3A_12 = arith.addi %mul3A_2, %add3A_11 : i32
    %dma_start3A_13 = tpu.memref_slice %arg2[%add3A_12] : memref<33554432xf32, #tpu.memory_space<hbm>> -> memref<16384xf32, #tpu.memory_space<hbm>>
    %dma_start3A_14 = tpu.memref_slice %arg2[%add3A_12] : memref<33554432xf32, #tpu.memory_space<hbm>> -> memref<16384xf32, #tpu.memory_space<hbm>>
    tpu.enqueue_dma source(%dma_start3A_14 : memref<16384xf32, #tpu.memory_space<hbm>>) target(%arg6 : memref<16384xf32, #tpu.memory_space<vmem>>) target_semaphore(%arg12 : memref<!tpu.dma_semaphore, #tpu.memory_space<semaphore_mem>>)
    %add3A_15 = arith.constant 16384 : i32
    %add3A_16 = arith.addi %rem3A_3, %add3A_15 : i32
    %dma_start3A_17 = tpu.memref_slice %arg3[%add3A_16] : memref<8388608xf32, #tpu.memory_space<hbm>> -> memref<16384xf32, #tpu.memory_space<hbm>>
    %dma_start3A_18 = tpu.memref_slice %arg3[%add3A_16] : memref<8388608xf32, #tpu.memory_space<hbm>> -> memref<16384xf32, #tpu.memory_space<hbm>>
    tpu.enqueue_dma source(%dma_start3A_18 : memref<16384xf32, #tpu.memory_space<hbm>>) target(%arg8 : memref<16384xf32, #tpu.memory_space<vmem>>) target_semaphore(%arg14 : memref<!tpu.dma_semaphore, #tpu.memory_space<semaphore_mem>>)
    %dma_wait3A = tpu.memref_slice %arg2[%add3A_5] : memref<33554432xf32, #tpu.memory_space<hbm>> -> memref<16384xf32, #tpu.memory_space<hbm>>
    %dma_wait3A_19 = tpu.memref_slice %arg2[%add3A_5] : memref<33554432xf32, #tpu.memory_space<hbm>> -> memref<16384xf32, #tpu.memory_space<hbm>>
    tpu.wait_dma2 semaphore(%arg11 : memref<!tpu.dma_semaphore, #tpu.memory_space<semaphore_mem>>) src(%dma_wait3A_19 : memref<16384xf32, #tpu.memory_space<hbm>>) dst(%arg5 : memref<16384xf32, #tpu.memory_space<vmem>>)
    %dma_wait3A_20 = tpu.memref_slice %arg3[%add3A_8] : memref<8388608xf32, #tpu.memory_space<hbm>> -> memref<16384xf32, #tpu.memory_space<hbm>>
    %dma_wait3A_21 = tpu.memref_slice %arg3[%add3A_8] : memref<8388608xf32, #tpu.memory_space<hbm>> -> memref<16384xf32, #tpu.memory_space<hbm>>
    tpu.wait_dma2 semaphore(%arg13 : memref<!tpu.dma_semaphore, #tpu.memory_space<semaphore_mem>>) src(%dma_wait3A_21 : memref<16384xf32, #tpu.memory_space<hbm>>) dst(%arg7 : memref<16384xf32, #tpu.memory_space<vmem>>)
    %add3A_22 = arith.constant 0 : i32
    %add3A_23 = arith.addi %mul3A_2, %add3A_22 : i32
    %dma_start3A_24 = tpu.memref_slice %arg4[%add3A_23] : memref<33554432xf32, #tpu.memory_space<hbm>> -> memref<16384xf32, #tpu.memory_space<hbm>>
    %dma_start3A_25 = tpu.memref_slice %arg4[%add3A_23] : memref<33554432xf32, #tpu.memory_space<hbm>> -> memref<16384xf32, #tpu.memory_space<hbm>>
    tpu.enqueue_dma source(%arg5 : memref<16384xf32, #tpu.memory_space<vmem>>) target(%dma_start3A_25 : memref<16384xf32, #tpu.memory_space<hbm>>) target_semaphore(%arg15 : memref<!tpu.dma_semaphore, #tpu.memory_space<semaphore_mem>>)
    %add3A_26 = arith.constant 32768 : i32
    %add3A_27 = arith.addi %mul3A_2, %add3A_26 : i32
    %dma_start3A_28 = tpu.memref_slice %arg2[%add3A_27] : memref<33554432xf32, #tpu.memory_space<hbm>> -> memref<16384xf32, #tpu.memory_space<hbm>>
    %dma_start3A_29 = tpu.memref_slice %arg2[%add3A_27] : memref<33554432xf32, #tpu.memory_space<hbm>> -> memref<16384xf32, #tpu.memory_space<hbm>>
    tpu.enqueue_dma source(%dma_start3A_29 : memref<16384xf32, #tpu.memory_space<hbm>>) target(%arg5 : memref<16384xf32, #tpu.memory_space<vmem>>) target_semaphore(%arg11 : memref<!tpu.dma_semaphore, #tpu.memory_space<semaphore_mem>>)
    %add3A_30 = arith.constant 32768 : i32
    %add3A_31 = arith.addi %rem3A_3, %add3A_30 : i32
    %dma_start3A_32 = tpu.memref_slice %arg3[%add3A_31] : memref<8388608xf32, #tpu.memory_space<hbm>> -> memref<16384xf32, #tpu.memory_space<hbm>>
    %dma_start3A_33 = tpu.memref_slice %arg3[%add3A_31] : memref<8388608xf32, #tpu.memory_space<hbm>> -> memref<16384xf32, #tpu.memory_space<hbm>>
    tpu.enqueue_dma source(%dma_start3A_33 : memref<16384xf32, #tpu.memory_space<hbm>>) target(%arg7 : memref<16384xf32, #tpu.memory_space<vmem>>) target_semaphore(%arg13 : memref<!tpu.dma_semaphore, #tpu.memory_space<semaphore_mem>>)
    %dma_wait3A_34 = tpu.memref_slice %arg2[%add3A_12] : memref<33554432xf32, #tpu.memory_space<hbm>> -> memref<16384xf32, #tpu.memory_space<hbm>>
    %dma_wait3A_35 = tpu.memref_slice %arg2[%add3A_12] : memref<33554432xf32, #tpu.memory_space<hbm>> -> memref<16384xf32, #tpu.memory_space<hbm>>
    tpu.wait_dma2 semaphore(%arg12 : memref<!tpu.dma_semaphore, #tpu.memory_space<semaphore_mem>>) src(%dma_wait3A_35 : memref<16384xf32, #tpu.memory_space<hbm>>) dst(%arg6 : memref<16384xf32, #tpu.memory_space<vmem>>)
    %dma_wait3A_36 = tpu.memref_slice %arg3[%add3A_16] : memref<8388608xf32, #tpu.memory_space<hbm>> -> memref<16384xf32, #tpu.memory_space<hbm>>
    %dma_wait3A_37 = tpu.memref_slice %arg3[%add3A_16] : memref<8388608xf32, #tpu.memory_space<hbm>> -> memref<16384xf32, #tpu.memory_space<hbm>>
    tpu.wait_dma2 semaphore(%arg14 : memref<!tpu.dma_semaphore, #tpu.memory_space<semaphore_mem>>) src(%dma_wait3A_37 : memref<16384xf32, #tpu.memory_space<hbm>>) dst(%arg8 : memref<16384xf32, #tpu.memory_space<vmem>>)
    %add3A_38 = arith.constant 16384 : i32
    %add3A_39 = arith.addi %mul3A_2, %add3A_38 : i32
    %dma_start3A_40 = tpu.memref_slice %arg4[%add3A_39] : memref<33554432xf32, #tpu.memory_space<hbm>> -> memref<16384xf32, #tpu.memory_space<hbm>>
    %dma_start3A_41 = tpu.memref_slice %arg4[%add3A_39] : memref<33554432xf32, #tpu.memory_space<hbm>> -> memref<16384xf32, #tpu.memory_space<hbm>>
    tpu.enqueue_dma source(%arg6 : memref<16384xf32, #tpu.memory_space<vmem>>) target(%dma_start3A_41 : memref<16384xf32, #tpu.memory_space<hbm>>) target_semaphore(%arg16 : memref<!tpu.dma_semaphore, #tpu.memory_space<semaphore_mem>>)
    %add3A_42 = arith.constant 49152 : i32
    %add3A_43 = arith.addi %mul3A_2, %add3A_42 : i32
    %dma_start3A_44 = tpu.memref_slice %arg2[%add3A_43] : memref<33554432xf32, #tpu.memory_space<hbm>> -> memref<16384xf32, #tpu.memory_space<hbm>>
    %dma_start3A_45 = tpu.memref_slice %arg2[%add3A_43] : memref<33554432xf32, #tpu.memory_space<hbm>> -> memref<16384xf32, #tpu.memory_space<hbm>>
    tpu.enqueue_dma source(%dma_start3A_45 : memref<16384xf32, #tpu.memory_space<hbm>>) target(%arg6 : memref<16384xf32, #tpu.memory_space<vmem>>) target_semaphore(%arg12 : memref<!tpu.dma_semaphore, #tpu.memory_space<semaphore_mem>>)
    %add3A_46 = arith.constant 49152 : i32
    %add3A_47 = arith.addi %rem3A_3, %add3A_46 : i32
    %dma_start3A_48 = tpu.memref_slice %arg3[%add3A_47] : memref<8388608xf32, #tpu.memory_space<hbm>> -> memref<16384xf32, #tpu.memory_space<hbm>>
    %dma_start3A_49 = tpu.memref_slice %arg3[%add3A_47] : memref<8388608xf32, #tpu.memory_space<hbm>> -> memref<16384xf32, #tpu.memory_space<hbm>>
    tpu.enqueue_dma source(%dma_start3A_49 : memref<16384xf32, #tpu.memory_space<hbm>>) target(%arg8 : memref<16384xf32, #tpu.memory_space<vmem>>) target_semaphore(%arg14 : memref<!tpu.dma_semaphore, #tpu.memory_space<semaphore_mem>>)
    %dma_wait3A_50 = tpu.memref_slice %arg2[%add3A_27] : memref<33554432xf32, #tpu.memory_space<hbm>> -> memref<16384xf32, #tpu.memory_space<hbm>>
    %dma_wait3A_51 = tpu.memref_slice %arg2[%add3A_27] : memref<33554432xf32, #tpu.memory_space<hbm>> -> memref<16384xf32, #tpu.memory_space<hbm>>
    tpu.wait_dma2 semaphore(%arg11 : memref<!tpu.dma_semaphore, #tpu.memory_space<semaphore_mem>>) src(%dma_wait3A_51 : memref<16384xf32, #tpu.memory_space<hbm>>) dst(%arg5 : memref<16384xf32, #tpu.memory_space<vmem>>)
    %dma_wait3A_52 = tpu.memref_slice %arg3[%add3A_31] : memref<8388608xf32, #tpu.memory_space<hbm>> -> memref<16384xf32, #tpu.memory_space<hbm>>
    %dma_wait3A_53 = tpu.memref_slice %arg3[%add3A_31] : memref<8388608xf32, #tpu.memory_space<hbm>> -> memref<16384xf32, #tpu.memory_space<hbm>>
    tpu.wait_dma2 semaphore(%arg13 : memref<!tpu.dma_semaphore, #tpu.memory_space<semaphore_mem>>) src(%dma_wait3A_53 : memref<16384xf32, #tpu.memory_space<hbm>>) dst(%arg7 : memref<16384xf32, #tpu.memory_space<vmem>>)
    %dma_wait3A_54 = tpu.memref_slice %arg4[%add3A_23] : memref<33554432xf32, #tpu.memory_space<hbm>> -> memref<16384xf32, #tpu.memory_space<hbm>>
    %dma_wait3A_55 = tpu.memref_slice %arg4[%add3A_23] : memref<33554432xf32, #tpu.memory_space<hbm>> -> memref<16384xf32, #tpu.memory_space<hbm>>
    tpu.wait_dma2 semaphore(%arg15 : memref<!tpu.dma_semaphore, #tpu.memory_space<semaphore_mem>>) src(%arg5 : memref<16384xf32, #tpu.memory_space<vmem>>) dst(%dma_wait3A_55 : memref<16384xf32, #tpu.memory_space<hbm>>)
    %add3A_56 = arith.constant 32768 : i32
    %add3A_57 = arith.addi %mul3A_2, %add3A_56 : i32
    %dma_start3A_58 = tpu.memref_slice %arg4[%add3A_57] : memref<33554432xf32, #tpu.memory_space<hbm>> -> memref<16384xf32, #tpu.memory_space<hbm>>
    %dma_start3A_59 = tpu.memref_slice %arg4[%add3A_57] : memref<33554432xf32, #tpu.memory_space<hbm>> -> memref<16384xf32, #tpu.memory_space<hbm>>
    tpu.enqueue_dma source(%arg5 : memref<16384xf32, #tpu.memory_space<vmem>>) target(%dma_start3A_59 : memref<16384xf32, #tpu.memory_space<hbm>>) target_semaphore(%arg15 : memref<!tpu.dma_semaphore, #tpu.memory_space<semaphore_mem>>)
    %add3A_60 = arith.constant 65536 : i32
    %add3A_61 = arith.addi %mul3A_2, %add3A_60 : i32
    %dma_start3A_62 = tpu.memref_slice %arg2[%add3A_61] : memref<33554432xf32, #tpu.memory_space<hbm>> -> memref<16384xf32, #tpu.memory_space<hbm>>
    %dma_start3A_63 = tpu.memref_slice %arg2[%add3A_61] : memref<33554432xf32, #tpu.memory_space<hbm>> -> memref<16384xf32, #tpu.memory_space<hbm>>
    tpu.enqueue_dma source(%dma_start3A_63 : memref<16384xf32, #tpu.memory_space<hbm>>) target(%arg5 : memref<16384xf32, #tpu.memory_space<vmem>>) target_semaphore(%arg11 : memref<!tpu.dma_semaphore, #tpu.memory_space<semaphore_mem>>)
    %add3A_64 = arith.constant 65536 : i32
    %add3A_65 = arith.addi %rem3A_3, %add3A_64 : i32
    %dma_start3A_66 = tpu.memref_slice %arg3[%add3A_65] : memref<8388608xf32, #tpu.memory_space<hbm>> -> memref<16384xf32, #tpu.memory_space<hbm>>
    %dma_start3A_67 = tpu.memref_slice %arg3[%add3A_65] : memref<8388608xf32, #tpu.memory_space<hbm>> -> memref<16384xf32, #tpu.memory_space<hbm>>
    tpu.enqueue_dma source(%dma_start3A_67 : memref<16384xf32, #tpu.memory_space<hbm>>) target(%arg7 : memref<16384xf32, #tpu.memory_space<vmem>>) target_semaphore(%arg13 : memref<!tpu.dma_semaphore, #tpu.memory_space<semaphore_mem>>)
    %dma_wait3A_68 = tpu.memref_slice %arg2[%add3A_43] : memref<33554432xf32, #tpu.memory_space<hbm>> -> memref<16384xf32, #tpu.memory_space<hbm>>
    %dma_wait3A_69 = tpu.memref_slice %arg2[%add3A_43] : memref<33554432xf32, #tpu.memory_space<hbm>> -> memref<16384xf32, #tpu.memory_space<hbm>>
    tpu.wait_dma2 semaphore(%arg12 : memref<!tpu.dma_semaphore, #tpu.memory_space<semaphore_mem>>) src(%dma_wait3A_69 : memref<16384xf32, #tpu.memory_space<hbm>>) dst(%arg6 : memref<16384xf32, #tpu.memory_space<vmem>>)
    %dma_wait3A_70 = tpu.memref_slice %arg3[%add3A_47] : memref<8388608xf32, #tpu.memory_space<hbm>> -> memref<16384xf32, #tpu.memory_space<hbm>>
    %dma_wait3A_71 = tpu.memref_slice %arg3[%add3A_47] : memref<8388608xf32, #tpu.memory_space<hbm>> -> memref<16384xf32, #tpu.memory_space<hbm>>
    tpu.wait_dma2 semaphore(%arg14 : memref<!tpu.dma_semaphore, #tpu.memory_space<semaphore_mem>>) src(%dma_wait3A_71 : memref<16384xf32, #tpu.memory_space<hbm>>) dst(%arg8 : memref<16384xf32, #tpu.memory_space<vmem>>)
    %dma_wait3A_72 = tpu.memref_slice %arg4[%add3A_39] : memref<33554432xf32, #tpu.memory_space<hbm>> -> memref<16384xf32, #tpu.memory_space<hbm>>
    %dma_wait3A_73 = tpu.memref_slice %arg4[%add3A_39] : memref<33554432xf32, #tpu.memory_space<hbm>> -> memref<16384xf32, #tpu.memory_space<hbm>>
    tpu.wait_dma2 semaphore(%arg16 : memref<!tpu.dma_semaphore, #tpu.memory_space<semaphore_mem>>) src(%arg6 : memref<16384xf32, #tpu.memory_space<vmem>>) dst(%dma_wait3A_73 : memref<16384xf32, #tpu.memory_space<hbm>>)
    %add3A_74 = arith.constant 49152 : i32
    %add3A_75 = arith.addi %mul3A_2, %add3A_74 : i32
    %dma_start3A_76 = tpu.memref_slice %arg4[%add3A_75] : memref<33554432xf32, #tpu.memory_space<hbm>> -> memref<16384xf32, #tpu.memory_space<hbm>>
    %dma_start3A_77 = tpu.memref_slice %arg4[%add3A_75] : memref<33554432xf32, #tpu.memory_space<hbm>> -> memref<16384xf32, #tpu.memory_space<hbm>>
    tpu.enqueue_dma source(%arg6 : memref<16384xf32, #tpu.memory_space<vmem>>) target(%dma_start3A_77 : memref<16384xf32, #tpu.memory_space<hbm>>) target_semaphore(%arg16 : memref<!tpu.dma_semaphore, #tpu.memory_space<semaphore_mem>>)
    %add3A_78 = arith.constant 81920 : i32
    %add3A_79 = arith.addi %mul3A_2, %add3A_78 : i32
    %dma_start3A_80 = tpu.memref_slice %arg2[%add3A_79] : memref<33554432xf32, #tpu.memory_space<hbm>> -> memref<16384xf32, #tpu.memory_space<hbm>>
    %dma_start3A_81 = tpu.memref_slice %arg2[%add3A_79] : memref<33554432xf32, #tpu.memory_space<hbm>> -> memref<16384xf32, #tpu.memory_space<hbm>>
    tpu.enqueue_dma source(%dma_start3A_81 : memref<16384xf32, #tpu.memory_space<hbm>>) target(%arg6 : memref<16384xf32, #tpu.memory_space<vmem>>) target_semaphore(%arg12 : memref<!tpu.dma_semaphore, #tpu.memory_space<semaphore_mem>>)
    %add3A_82 = arith.constant 81920 : i32
    %add3A_83 = arith.addi %rem3A_3, %add3A_82 : i32
    %dma_start3A_84 = tpu.memref_slice %arg3[%add3A_83] : memref<8388608xf32, #tpu.memory_space<hbm>> -> memref<16384xf32, #tpu.memory_space<hbm>>
    %dma_start3A_85 = tpu.memref_slice %arg3[%add3A_83] : memref<8388608xf32, #tpu.memory_space<hbm>> -> memref<16384xf32, #tpu.memory_space<hbm>>
    tpu.enqueue_dma source(%dma_start3A_85 : memref<16384xf32, #tpu.memory_space<hbm>>) target(%arg8 : memref<16384xf32, #tpu.memory_space<vmem>>) target_semaphore(%arg14 : memref<!tpu.dma_semaphore, #tpu.memory_space<semaphore_mem>>)
    %dma_wait3A_86 = tpu.memref_slice %arg2[%add3A_61] : memref<33554432xf32, #tpu.memory_space<hbm>> -> memref<16384xf32, #tpu.memory_space<hbm>>
    %dma_wait3A_87 = tpu.memref_slice %arg2[%add3A_61] : memref<33554432xf32, #tpu.memory_space<hbm>> -> memref<16384xf32, #tpu.memory_space<hbm>>
    tpu.wait_dma2 semaphore(%arg11 : memref<!tpu.dma_semaphore, #tpu.memory_space<semaphore_mem>>) src(%dma_wait3A_87 : memref<16384xf32, #tpu.memory_space<hbm>>) dst(%arg5 : memref<16384xf32, #tpu.memory_space<vmem>>)
    %dma_wait3A_88 = tpu.memref_slice %arg3[%add3A_65] : memref<8388608xf32, #tpu.memory_space<hbm>> -> memref<16384xf32, #tpu.memory_space<hbm>>
    %dma_wait3A_89 = tpu.memref_slice %arg3[%add3A_65] : memref<8388608xf32, #tpu.memory_space<hbm>> -> memref<16384xf32, #tpu.memory_space<hbm>>
    tpu.wait_dma2 semaphore(%arg13 : memref<!tpu.dma_semaphore, #tpu.memory_space<semaphore_mem>>) src(%dma_wait3A_89 : memref<16384xf32, #tpu.memory_space<hbm>>) dst(%arg7 : memref<16384xf32, #tpu.memory_space<vmem>>)
    %dma_wait3A_90 = tpu.memref_slice %arg4[%add3A_57] : memref<33554432xf32, #tpu.memory_space<hbm>> -> memref<16384xf32, #tpu.memory_space<hbm>>
    %dma_wait3A_91 = tpu.memref_slice %arg4[%add3A_57] : memref<33554432xf32, #tpu.memory_space<hbm>> -> memref<16384xf32, #tpu.memory_space<hbm>>
    tpu.wait_dma2 semaphore(%arg15 : memref<!tpu.dma_semaphore, #tpu.memory_space<semaphore_mem>>) src(%arg5 : memref<16384xf32, #tpu.memory_space<vmem>>) dst(%dma_wait3A_91 : memref<16384xf32, #tpu.memory_space<hbm>>)
    %add3A_92 = arith.constant 65536 : i32
    %add3A_93 = arith.addi %mul3A_2, %add3A_92 : i32
    %dma_start3A_94 = tpu.memref_slice %arg4[%add3A_93] : memref<33554432xf32, #tpu.memory_space<hbm>> -> memref<16384xf32, #tpu.memory_space<hbm>>
    %dma_start3A_95 = tpu.memref_slice %arg4[%add3A_93] : memref<33554432xf32, #tpu.memory_space<hbm>> -> memref<16384xf32, #tpu.memory_space<hbm>>
    tpu.enqueue_dma source(%arg5 : memref<16384xf32, #tpu.memory_space<vmem>>) target(%dma_start3A_95 : memref<16384xf32, #tpu.memory_space<hbm>>) target_semaphore(%arg15 : memref<!tpu.dma_semaphore, #tpu.memory_space<semaphore_mem>>)
    %add3A_96 = arith.constant 98304 : i32
    %add3A_97 = arith.addi %mul3A_2, %add3A_96 : i32
    %dma_start3A_98 = tpu.memref_slice %arg2[%add3A_97] : memref<33554432xf32, #tpu.memory_space<hbm>> -> memref<16384xf32, #tpu.memory_space<hbm>>
    %dma_start3A_99 = tpu.memref_slice %arg2[%add3A_97] : memref<33554432xf32, #tpu.memory_space<hbm>> -> memref<16384xf32, #tpu.memory_space<hbm>>
    tpu.enqueue_dma source(%dma_start3A_99 : memref<16384xf32, #tpu.memory_space<hbm>>) target(%arg5 : memref<16384xf32, #tpu.memory_space<vmem>>) target_semaphore(%arg11 : memref<!tpu.dma_semaphore, #tpu.memory_space<semaphore_mem>>)
    %add3A_100 = arith.constant 98304 : i32
    %add3A_101 = arith.addi %rem3A_3, %add3A_100 : i32
    %dma_start3A_102 = tpu.memref_slice %arg3[%add3A_101] : memref<8388608xf32, #tpu.memory_space<hbm>> -> memref<16384xf32, #tpu.memory_space<hbm>>
    %dma_start3A_103 = tpu.memref_slice %arg3[%add3A_101] : memref<8388608xf32, #tpu.memory_space<hbm>> -> memref<16384xf32, #tpu.memory_space<hbm>>
    tpu.enqueue_dma source(%dma_start3A_103 : memref<16384xf32, #tpu.memory_space<hbm>>) target(%arg7 : memref<16384xf32, #tpu.memory_space<vmem>>) target_semaphore(%arg13 : memref<!tpu.dma_semaphore, #tpu.memory_space<semaphore_mem>>)
    %dma_wait3A_104 = tpu.memref_slice %arg2[%add3A_79] : memref<33554432xf32, #tpu.memory_space<hbm>> -> memref<16384xf32, #tpu.memory_space<hbm>>
    %dma_wait3A_105 = tpu.memref_slice %arg2[%add3A_79] : memref<33554432xf32, #tpu.memory_space<hbm>> -> memref<16384xf32, #tpu.memory_space<hbm>>
    tpu.wait_dma2 semaphore(%arg12 : memref<!tpu.dma_semaphore, #tpu.memory_space<semaphore_mem>>) src(%dma_wait3A_105 : memref<16384xf32, #tpu.memory_space<hbm>>) dst(%arg6 : memref<16384xf32, #tpu.memory_space<vmem>>)
    %dma_wait3A_106 = tpu.memref_slice %arg3[%add3A_83] : memref<8388608xf32, #tpu.memory_space<hbm>> -> memref<16384xf32, #tpu.memory_space<hbm>>
    %dma_wait3A_107 = tpu.memref_slice %arg3[%add3A_83] : memref<8388608xf32, #tpu.memory_space<hbm>> -> memref<16384xf32, #tpu.memory_space<hbm>>
    tpu.wait_dma2 semaphore(%arg14 : memref<!tpu.dma_semaphore, #tpu.memory_space<semaphore_mem>>) src(%dma_wait3A_107 : memref<16384xf32, #tpu.memory_space<hbm>>) dst(%arg8 : memref<16384xf32, #tpu.memory_space<vmem>>)
    %dma_wait3A_108 = tpu.memref_slice %arg4[%add3A_75] : memref<33554432xf32, #tpu.memory_space<hbm>> -> memref<16384xf32, #tpu.memory_space<hbm>>
    %dma_wait3A_109 = tpu.memref_slice %arg4[%add3A_75] : memref<33554432xf32, #tpu.memory_space<hbm>> -> memref<16384xf32, #tpu.memory_space<hbm>>
    tpu.wait_dma2 semaphore(%arg16 : memref<!tpu.dma_semaphore, #tpu.memory_space<semaphore_mem>>) src(%arg6 : memref<16384xf32, #tpu.memory_space<vmem>>) dst(%dma_wait3A_109 : memref<16384xf32, #tpu.memory_space<hbm>>)
    %add3A_110 = arith.constant 81920 : i32
    %add3A_111 = arith.addi %mul3A_2, %add3A_110 : i32
    %dma_start3A_112 = tpu.memref_slice %arg4[%add3A_111] : memref<33554432xf32, #tpu.memory_space<hbm>> -> memref<16384xf32, #tpu.memory_space<hbm>>
    %dma_start3A_113 = tpu.memref_slice %arg4[%add3A_111] : memref<33554432xf32, #tpu.memory_space<hbm>> -> memref<16384xf32, #tpu.memory_space<hbm>>
    tpu.enqueue_dma source(%arg6 : memref<16384xf32, #tpu.memory_space<vmem>>) target(%dma_start3A_113 : memref<16384xf32, #tpu.memory_space<hbm>>) target_semaphore(%arg16 : memref<!tpu.dma_semaphore, #tpu.memory_space<semaphore_mem>>)
    %add3A_114 = arith.constant 114688 : i32
    %add3A_115 = arith.addi %mul3A_2, %add3A_114 : i32
    %dma_start3A_116 = tpu.memref_slice %arg2[%add3A_115] : memref<33554432xf32, #tpu.memory_space<hbm>> -> memref<16384xf32, #tpu.memory_space<hbm>>
    %dma_start3A_117 = tpu.memref_slice %arg2[%add3A_115] : memref<33554432xf32, #tpu.memory_space<hbm>> -> memref<16384xf32, #tpu.memory_space<hbm>>
    tpu.enqueue_dma source(%dma_start3A_117 : memref<16384xf32, #tpu.memory_space<hbm>>) target(%arg6 : memref<16384xf32, #tpu.memory_space<vmem>>) target_semaphore(%arg12 : memref<!tpu.dma_semaphore, #tpu.memory_space<semaphore_mem>>)
    %add3A_118 = arith.constant 114688 : i32
    %add3A_119 = arith.addi %rem3A_3, %add3A_118 : i32
    %dma_start3A_120 = tpu.memref_slice %arg3[%add3A_119] : memref<8388608xf32, #tpu.memory_space<hbm>> -> memref<16384xf32, #tpu.memory_space<hbm>>
    %dma_start3A_121 = tpu.memref_slice %arg3[%add3A_119] : memref<8388608xf32, #tpu.memory_space<hbm>> -> memref<16384xf32, #tpu.memory_space<hbm>>
    tpu.enqueue_dma source(%dma_start3A_121 : memref<16384xf32, #tpu.memory_space<hbm>>) target(%arg8 : memref<16384xf32, #tpu.memory_space<vmem>>) target_semaphore(%arg14 : memref<!tpu.dma_semaphore, #tpu.memory_space<semaphore_mem>>)
    %dma_wait3A_122 = tpu.memref_slice %arg2[%add3A_97] : memref<33554432xf32, #tpu.memory_space<hbm>> -> memref<16384xf32, #tpu.memory_space<hbm>>
    %dma_wait3A_123 = tpu.memref_slice %arg2[%add3A_97] : memref<33554432xf32, #tpu.memory_space<hbm>> -> memref<16384xf32, #tpu.memory_space<hbm>>
    tpu.wait_dma2 semaphore(%arg11 : memref<!tpu.dma_semaphore, #tpu.memory_space<semaphore_mem>>) src(%dma_wait3A_123 : memref<16384xf32, #tpu.memory_space<hbm>>) dst(%arg5 : memref<16384xf32, #tpu.memory_space<vmem>>)
    %dma_wait3A_124 = tpu.memref_slice %arg3[%add3A_101] : memref<8388608xf32, #tpu.memory_space<hbm>> -> memref<16384xf32, #tpu.memory_space<hbm>>
    %dma_wait3A_125 = tpu.memref_slice %arg3[%add3A_101] : memref<8388608xf32, #tpu.memory_space<hbm>> -> memref<16384xf32, #tpu.memory_space<hbm>>
    tpu.wait_dma2 semaphore(%arg13 : memref<!tpu.dma_semaphore, #tpu.memory_space<semaphore_mem>>) src(%dma_wait3A_125 : memref<16384xf32, #tpu.memory_space<hbm>>) dst(%arg7 : memref<16384xf32, #tpu.memory_space<vmem>>)
    %dma_wait3A_126 = tpu.memref_slice %arg4[%add3A_93] : memref<33554432xf32, #tpu.memory_space<hbm>> -> memref<16384xf32, #tpu.memory_space<hbm>>
    %dma_wait3A_127 = tpu.memref_slice %arg4[%add3A_93] : memref<33554432xf32, #tpu.memory_space<hbm>> -> memref<16384xf32, #tpu.memory_space<hbm>>
    tpu.wait_dma2 semaphore(%arg15 : memref<!tpu.dma_semaphore, #tpu.memory_space<semaphore_mem>>) src(%arg5 : memref<16384xf32, #tpu.memory_space<vmem>>) dst(%dma_wait3A_127 : memref<16384xf32, #tpu.memory_space<hbm>>)
    %add3A_128 = arith.constant 98304 : i32
    %add3A_129 = arith.addi %mul3A_2, %add3A_128 : i32
    %dma_start3A_130 = tpu.memref_slice %arg4[%add3A_129] : memref<33554432xf32, #tpu.memory_space<hbm>> -> memref<16384xf32, #tpu.memory_space<hbm>>
    %dma_start3A_131 = tpu.memref_slice %arg4[%add3A_129] : memref<33554432xf32, #tpu.memory_space<hbm>> -> memref<16384xf32, #tpu.memory_space<hbm>>
    tpu.enqueue_dma source(%arg5 : memref<16384xf32, #tpu.memory_space<vmem>>) target(%dma_start3A_131 : memref<16384xf32, #tpu.memory_space<hbm>>) target_semaphore(%arg15 : memref<!tpu.dma_semaphore, #tpu.memory_space<semaphore_mem>>)
    %add3A_132 = arith.constant 131072 : i32
    %add3A_133 = arith.addi %mul3A_2, %add3A_132 : i32
    %dma_start3A_134 = tpu.memref_slice %arg2[%add3A_133] : memref<33554432xf32, #tpu.memory_space<hbm>> -> memref<16384xf32, #tpu.memory_space<hbm>>
    %dma_start3A_135 = tpu.memref_slice %arg2[%add3A_133] : memref<33554432xf32, #tpu.memory_space<hbm>> -> memref<16384xf32, #tpu.memory_space<hbm>>
    tpu.enqueue_dma source(%dma_start3A_135 : memref<16384xf32, #tpu.memory_space<hbm>>) target(%arg5 : memref<16384xf32, #tpu.memory_space<vmem>>) target_semaphore(%arg11 : memref<!tpu.dma_semaphore, #tpu.memory_space<semaphore_mem>>)
    %add3A_136 = arith.constant 131072 : i32
    %add3A_137 = arith.addi %rem3A_3, %add3A_136 : i32
    %dma_start3A_138 = tpu.memref_slice %arg3[%add3A_137] : memref<8388608xf32, #tpu.memory_space<hbm>> -> memref<16384xf32, #tpu.memory_space<hbm>>
    %dma_start3A_139 = tpu.memref_slice %arg3[%add3A_137] : memref<8388608xf32, #tpu.memory_space<hbm>> -> memref<16384xf32, #tpu.memory_space<hbm>>
    tpu.enqueue_dma source(%dma_start3A_139 : memref<16384xf32, #tpu.memory_space<hbm>>) target(%arg7 : memref<16384xf32, #tpu.memory_space<vmem>>) target_semaphore(%arg13 : memref<!tpu.dma_semaphore, #tpu.memory_space<semaphore_mem>>)
    %dma_wait3A_140 = tpu.memref_slice %arg2[%add3A_115] : memref<33554432xf32, #tpu.memory_space<hbm>> -> memref<16384xf32, #tpu.memory_space<hbm>>
    %dma_wait3A_141 = tpu.memref_slice %arg2[%add3A_115] : memref<33554432xf32, #tpu.memory_space<hbm>> -> memref<16384xf32, #tpu.memory_space<hbm>>
    tpu.wait_dma2 semaphore(%arg12 : memref<!tpu.dma_semaphore, #tpu.memory_space<semaphore_mem>>) src(%dma_wait3A_141 : memref<16384xf32, #tpu.memory_space<hbm>>) dst(%arg6 : memref<16384xf32, #tpu.memory_space<vmem>>)
    %dma_wait3A_142 = tpu.memref_slice %arg3[%add3A_119] : memref<8388608xf32, #tpu.memory_space<hbm>> -> memref<16384xf32, #tpu.memory_space<hbm>>
    %dma_wait3A_143 = tpu.memref_slice %arg3[%add3A_119] : memref<8388608xf32, #tpu.memory_space<hbm>> -> memref<16384xf32, #tpu.memory_space<hbm>>
    tpu.wait_dma2 semaphore(%arg14 : memref<!tpu.dma_semaphore, #tpu.memory_space<semaphore_mem>>) src(%dma_wait3A_143 : memref<16384xf32, #tpu.memory_space<hbm>>) dst(%arg8 : memref<16384xf32, #tpu.memory_space<vmem>>)
    %dma_wait3A_144 = tpu.memref_slice %arg4[%add3A_111] : memref<33554432xf32, #tpu.memory_space<hbm>> -> memref<16384xf32, #tpu.memory_space<hbm>>
    %dma_wait3A_145 = tpu.memref_slice %arg4[%add3A_111] : memref<33554432xf32, #tpu.memory_space<hbm>> -> memref<16384xf32, #tpu.memory_space<hbm>>
    tpu.wait_dma2 semaphore(%arg16 : memref<!tpu.dma_semaphore, #tpu.memory_space<semaphore_mem>>) src(%arg6 : memref<16384xf32, #tpu.memory_space<vmem>>) dst(%dma_wait3A_145 : memref<16384xf32, #tpu.memory_space<hbm>>)
    %add3A_146 = arith.constant 114688 : i32
    %add3A_147 = arith.addi %mul3A_2, %add3A_146 : i32
    %dma_start3A_148 = tpu.memref_slice %arg4[%add3A_147] : memref<33554432xf32, #tpu.memory_space<hbm>> -> memref<16384xf32, #tpu.memory_space<hbm>>
    %dma_start3A_149 = tpu.memref_slice %arg4[%add3A_147] : memref<33554432xf32, #tpu.memory_space<hbm>> -> memref<16384xf32, #tpu.memory_space<hbm>>
    tpu.enqueue_dma source(%arg6 : memref<16384xf32, #tpu.memory_space<vmem>>) target(%dma_start3A_149 : memref<16384xf32, #tpu.memory_space<hbm>>) target_semaphore(%arg16 : memref<!tpu.dma_semaphore, #tpu.memory_space<semaphore_mem>>)
    %add3A_150 = arith.constant 147456 : i32
    %add3A_151 = arith.addi %mul3A_2, %add3A_150 : i32
    %dma_start3A_152 = tpu.memref_slice %arg2[%add3A_151] : memref<33554432xf32, #tpu.memory_space<hbm>> -> memref<16384xf32, #tpu.memory_space<hbm>>
    %dma_start3A_153 = tpu.memref_slice %arg2[%add3A_151] : memref<33554432xf32, #tpu.memory_space<hbm>> -> memref<16384xf32, #tpu.memory_space<hbm>>
    tpu.enqueue_dma source(%dma_start3A_153 : memref<16384xf32, #tpu.memory_space<hbm>>) target(%arg6 : memref<16384xf32, #tpu.memory_space<vmem>>) target_semaphore(%arg12 : memref<!tpu.dma_semaphore, #tpu.memory_space<semaphore_mem>>)
    %add3A_154 = arith.constant 147456 : i32
    %add3A_155 = arith.addi %rem3A_3, %add3A_154 : i32
    %dma_start3A_156 = tpu.memref_slice %arg3[%add3A_155] : memref<8388608xf32, #tpu.memory_space<hbm>> -> memref<16384xf32, #tpu.memory_space<hbm>>
    %dma_start3A_157 = tpu.memref_slice %arg3[%add3A_155] : memref<8388608xf32, #tpu.memory_space<hbm>> -> memref<16384xf32, #tpu.memory_space<hbm>>
    tpu.enqueue_dma source(%dma_start3A_157 : memref<16384xf32, #tpu.memory_space<hbm>>) target(%arg8 : memref<16384xf32, #tpu.memory_space<vmem>>) target_semaphore(%arg14 : memref<!tpu.dma_semaphore, #tpu.memory_space<semaphore_mem>>)
    %dma_wait3A_158 = tpu.memref_slice %arg2[%add3A_133] : memref<33554432xf32, #tpu.memory_space<hbm>> -> memref<16384xf32, #tpu.memory_space<hbm>>
    %dma_wait3A_159 = tpu.memref_slice %arg2[%add3A_133] : memref<33554432xf32, #tpu.memory_space<hbm>> -> memref<16384xf32, #tpu.memory_space<hbm>>
    tpu.wait_dma2 semaphore(%arg11 : memref<!tpu.dma_semaphore, #tpu.memory_space<semaphore_mem>>) src(%dma_wait3A_159 : memref<16384xf32, #tpu.memory_space<hbm>>) dst(%arg5 : memref<16384xf32, #tpu.memory_space<vmem>>)
    %dma_wait3A_160 = tpu.memref_slice %arg3[%add3A_137] : memref<8388608xf32, #tpu.memory_space<hbm>> -> memref<16384xf32, #tpu.memory_space<hbm>>
    %dma_wait3A_161 = tpu.memref_slice %arg3[%add3A_137] : memref<8388608xf32, #tpu.memory_space<hbm>> -> memref<16384xf32, #tpu.memory_space<hbm>>
    tpu.wait_dma2 semaphore(%arg13 : memref<!tpu.dma_semaphore, #tpu.memory_space<semaphore_mem>>) src(%dma_wait3A_161 : memref<16384xf32, #tpu.memory_space<hbm>>) dst(%arg7 : memref<16384xf32, #tpu.memory_space<vmem>>)
    %dma_wait3A_162 = tpu.memref_slice %arg4[%add3A_129] : memref<33554432xf32, #tpu.memory_space<hbm>> -> memref<16384xf32, #tpu.memory_space<hbm>>
    %dma_wait3A_163 = tpu.memref_slice %arg4[%add3A_129] : memref<33554432xf32, #tpu.memory_space<hbm>> -> memref<16384xf32, #tpu.memory_space<hbm>>
    tpu.wait_dma2 semaphore(%arg15 : memref<!tpu.dma_semaphore, #tpu.memory_space<semaphore_mem>>) src(%arg5 : memref<16384xf32, #tpu.memory_space<vmem>>) dst(%dma_wait3A_163 : memref<16384xf32, #tpu.memory_space<hbm>>)
    %add3A_164 = arith.constant 131072 : i32
    %add3A_165 = arith.addi %mul3A_2, %add3A_164 : i32
    %dma_start3A_166 = tpu.memref_slice %arg4[%add3A_165] : memref<33554432xf32, #tpu.memory_space<hbm>> -> memref<16384xf32, #tpu.memory_space<hbm>>
    %dma_start3A_167 = tpu.memref_slice %arg4[%add3A_165] : memref<33554432xf32, #tpu.memory_space<hbm>> -> memref<16384xf32, #tpu.memory_space<hbm>>
    tpu.enqueue_dma source(%arg5 : memref<16384xf32, #tpu.memory_space<vmem>>) target(%dma_start3A_167 : memref<16384xf32, #tpu.memory_space<hbm>>) target_semaphore(%arg15 : memref<!tpu.dma_semaphore, #tpu.memory_space<semaphore_mem>>)
    %add3A_168 = arith.constant 163840 : i32
    %add3A_169 = arith.addi %mul3A_2, %add3A_168 : i32
    %dma_start3A_170 = tpu.memref_slice %arg2[%add3A_169] : memref<33554432xf32, #tpu.memory_space<hbm>> -> memref<16384xf32, #tpu.memory_space<hbm>>
    %dma_start3A_171 = tpu.memref_slice %arg2[%add3A_169] : memref<33554432xf32, #tpu.memory_space<hbm>> -> memref<16384xf32, #tpu.memory_space<hbm>>
    tpu.enqueue_dma source(%dma_start3A_171 : memref<16384xf32, #tpu.memory_space<hbm>>) target(%arg5 : memref<16384xf32, #tpu.memory_space<vmem>>) target_semaphore(%arg11 : memref<!tpu.dma_semaphore, #tpu.memory_space<semaphore_mem>>)
    %add3A_172 = arith.constant 163840 : i32
    %add3A_173 = arith.addi %rem3A_3, %add3A_172 : i32
    %dma_start3A_174 = tpu.memref_slice %arg3[%add3A_173] : memref<8388608xf32, #tpu.memory_space<hbm>> -> memref<16384xf32, #tpu.memory_space<hbm>>
    %dma_start3A_175 = tpu.memref_slice %arg3[%add3A_173] : memref<8388608xf32, #tpu.memory_space<hbm>> -> memref<16384xf32, #tpu.memory_space<hbm>>
    tpu.enqueue_dma source(%dma_start3A_175 : memref<16384xf32, #tpu.memory_space<hbm>>) target(%arg7 : memref<16384xf32, #tpu.memory_space<vmem>>) target_semaphore(%arg13 : memref<!tpu.dma_semaphore, #tpu.memory_space<semaphore_mem>>)
    %dma_wait3A_176 = tpu.memref_slice %arg2[%add3A_151] : memref<33554432xf32, #tpu.memory_space<hbm>> -> memref<16384xf32, #tpu.memory_space<hbm>>
    %dma_wait3A_177 = tpu.memref_slice %arg2[%add3A_151] : memref<33554432xf32, #tpu.memory_space<hbm>> -> memref<16384xf32, #tpu.memory_space<hbm>>
    tpu.wait_dma2 semaphore(%arg12 : memref<!tpu.dma_semaphore, #tpu.memory_space<semaphore_mem>>) src(%dma_wait3A_177 : memref<16384xf32, #tpu.memory_space<hbm>>) dst(%arg6 : memref<16384xf32, #tpu.memory_space<vmem>>)
    %dma_wait3A_178 = tpu.memref_slice %arg3[%add3A_155] : memref<8388608xf32, #tpu.memory_space<hbm>> -> memref<16384xf32, #tpu.memory_space<hbm>>
    %dma_wait3A_179 = tpu.memref_slice %arg3[%add3A_155] : memref<8388608xf32, #tpu.memory_space<hbm>> -> memref<16384xf32, #tpu.memory_space<hbm>>
    tpu.wait_dma2 semaphore(%arg14 : memref<!tpu.dma_semaphore, #tpu.memory_space<semaphore_mem>>) src(%dma_wait3A_179 : memref<16384xf32, #tpu.memory_space<hbm>>) dst(%arg8 : memref<16384xf32, #tpu.memory_space<vmem>>)
    %dma_wait3A_180 = tpu.memref_slice %arg4[%add3A_147] : memref<33554432xf32, #tpu.memory_space<hbm>> -> memref<16384xf32, #tpu.memory_space<hbm>>
    %dma_wait3A_181 = tpu.memref_slice %arg4[%add3A_147] : memref<33554432xf32, #tpu.memory_space<hbm>> -> memref<16384xf32, #tpu.memory_space<hbm>>
    tpu.wait_dma2 semaphore(%arg16 : memref<!tpu.dma_semaphore, #tpu.memory_space<semaphore_mem>>) src(%arg6 : memref<16384xf32, #tpu.memory_space<vmem>>) dst(%dma_wait3A_181 : memref<16384xf32, #tpu.memory_space<hbm>>)
    %add3A_182 = arith.constant 147456 : i32
    %add3A_183 = arith.addi %mul3A_2, %add3A_182 : i32
    %dma_start3A_184 = tpu.memref_slice %arg4[%add3A_183] : memref<33554432xf32, #tpu.memory_space<hbm>> -> memref<16384xf32, #tpu.memory_space<hbm>>
    %dma_start3A_185 = tpu.memref_slice %arg4[%add3A_183] : memref<33554432xf32, #tpu.memory_space<hbm>> -> memref<16384xf32, #tpu.memory_space<hbm>>
    tpu.enqueue_dma source(%arg6 : memref<16384xf32, #tpu.memory_space<vmem>>) target(%dma_start3A_185 : memref<16384xf32, #tpu.memory_space<hbm>>) target_semaphore(%arg16 : memref<!tpu.dma_semaphore, #tpu.memory_space<semaphore_mem>>)
    %add3A_186 = arith.constant 180224 : i32
    %add3A_187 = arith.addi %mul3A_2, %add3A_186 : i32
    %dma_start3A_188 = tpu.memref_slice %arg2[%add3A_187] : memref<33554432xf32, #tpu.memory_space<hbm>> -> memref<16384xf32, #tpu.memory_space<hbm>>
    %dma_start3A_189 = tpu.memref_slice %arg2[%add3A_187] : memref<33554432xf32, #tpu.memory_space<hbm>> -> memref<16384xf32, #tpu.memory_space<hbm>>
    tpu.enqueue_dma source(%dma_start3A_189 : memref<16384xf32, #tpu.memory_space<hbm>>) target(%arg6 : memref<16384xf32, #tpu.memory_space<vmem>>) target_semaphore(%arg12 : memref<!tpu.dma_semaphore, #tpu.memory_space<semaphore_mem>>)
    %add3A_190 = arith.constant 180224 : i32
    %add3A_191 = arith.addi %rem3A_3, %add3A_190 : i32
    %dma_start3A_192 = tpu.memref_slice %arg3[%add3A_191] : memref<8388608xf32, #tpu.memory_space<hbm>> -> memref<16384xf32, #tpu.memory_space<hbm>>
    %dma_start3A_193 = tpu.memref_slice %arg3[%add3A_191] : memref<8388608xf32, #tpu.memory_space<hbm>> -> memref<16384xf32, #tpu.memory_space<hbm>>
    tpu.enqueue_dma source(%dma_start3A_193 : memref<16384xf32, #tpu.memory_space<hbm>>) target(%arg8 : memref<16384xf32, #tpu.memory_space<vmem>>) target_semaphore(%arg14 : memref<!tpu.dma_semaphore, #tpu.memory_space<semaphore_mem>>)
    %dma_wait3A_194 = tpu.memref_slice %arg2[%add3A_169] : memref<33554432xf32, #tpu.memory_space<hbm>> -> memref<16384xf32, #tpu.memory_space<hbm>>
    %dma_wait3A_195 = tpu.memref_slice %arg2[%add3A_169] : memref<33554432xf32, #tpu.memory_space<hbm>> -> memref<16384xf32, #tpu.memory_space<hbm>>
    tpu.wait_dma2 semaphore(%arg11 : memref<!tpu.dma_semaphore, #tpu.memory_space<semaphore_mem>>) src(%dma_wait3A_195 : memref<16384xf32, #tpu.memory_space<hbm>>) dst(%arg5 : memref<16384xf32, #tpu.memory_space<vmem>>)
    %dma_wait3A_196 = tpu.memref_slice %arg3[%add3A_173] : memref<8388608xf32, #tpu.memory_space<hbm>> -> memref<16384xf32, #tpu.memory_space<hbm>>
    %dma_wait3A_197 = tpu.memref_slice %arg3[%add3A_173] : memref<8388608xf32, #tpu.memory_space<hbm>> -> memref<16384xf32, #tpu.memory_space<hbm>>
    tpu.wait_dma2 semaphore(%arg13 : memref<!tpu.dma_semaphore, #tpu.memory_space<semaphore_mem>>) src(%dma_wait3A_197 : memref<16384xf32, #tpu.memory_space<hbm>>) dst(%arg7 : memref<16384xf32, #tpu.memory_space<vmem>>)
    %dma_wait3A_198 = tpu.memref_slice %arg4[%add3A_165] : memref<33554432xf32, #tpu.memory_space<hbm>> -> memref<16384xf32, #tpu.memory_space<hbm>>
    %dma_wait3A_199 = tpu.memref_slice %arg4[%add3A_165] : memref<33554432xf32, #tpu.memory_space<hbm>> -> memref<16384xf32, #tpu.memory_space<hbm>>
    tpu.wait_dma2 semaphore(%arg15 : memref<!tpu.dma_semaphore, #tpu.memory_space<semaphore_mem>>) src(%arg5 : memref<16384xf32, #tpu.memory_space<vmem>>) dst(%dma_wait3A_199 : memref<16384xf32, #tpu.memory_space<hbm>>)
    %add3A_200 = arith.constant 163840 : i32
    %add3A_201 = arith.addi %mul3A_2, %add3A_200 : i32
    %dma_start3A_202 = tpu.memref_slice %arg4[%add3A_201] : memref<33554432xf32, #tpu.memory_space<hbm>> -> memref<16384xf32, #tpu.memory_space<hbm>>
    %dma_start3A_203 = tpu.memref_slice %arg4[%add3A_201] : memref<33554432xf32, #tpu.memory_space<hbm>> -> memref<16384xf32, #tpu.memory_space<hbm>>
    tpu.enqueue_dma source(%arg5 : memref<16384xf32, #tpu.memory_space<vmem>>) target(%dma_start3A_203 : memref<16384xf32, #tpu.memory_space<hbm>>) target_semaphore(%arg15 : memref<!tpu.dma_semaphore, #tpu.memory_space<semaphore_mem>>)
    %add3A_204 = arith.constant 196608 : i32
    %add3A_205 = arith.addi %mul3A_2, %add3A_204 : i32
    %dma_start3A_206 = tpu.memref_slice %arg2[%add3A_205] : memref<33554432xf32, #tpu.memory_space<hbm>> -> memref<16384xf32, #tpu.memory_space<hbm>>
    %dma_start3A_207 = tpu.memref_slice %arg2[%add3A_205] : memref<33554432xf32, #tpu.memory_space<hbm>> -> memref<16384xf32, #tpu.memory_space<hbm>>
    tpu.enqueue_dma source(%dma_start3A_207 : memref<16384xf32, #tpu.memory_space<hbm>>) target(%arg5 : memref<16384xf32, #tpu.memory_space<vmem>>) target_semaphore(%arg11 : memref<!tpu.dma_semaphore, #tpu.memory_space<semaphore_mem>>)
    %add3A_208 = arith.constant 196608 : i32
    %add3A_209 = arith.addi %rem3A_3, %add3A_208 : i32
    %dma_start3A_210 = tpu.memref_slice %arg3[%add3A_209] : memref<8388608xf32, #tpu.memory_space<hbm>> -> memref<16384xf32, #tpu.memory_space<hbm>>
    %dma_start3A_211 = tpu.memref_slice %arg3[%add3A_209] : memref<8388608xf32, #tpu.memory_space<hbm>> -> memref<16384xf32, #tpu.memory_space<hbm>>
    tpu.enqueue_dma source(%dma_start3A_211 : memref<16384xf32, #tpu.memory_space<hbm>>) target(%arg7 : memref<16384xf32, #tpu.memory_space<vmem>>) target_semaphore(%arg13 : memref<!tpu.dma_semaphore, #tpu.memory_space<semaphore_mem>>)
    %dma_wait3A_212 = tpu.memref_slice %arg2[%add3A_187] : memref<33554432xf32, #tpu.memory_space<hbm>> -> memref<16384xf32, #tpu.memory_space<hbm>>
    %dma_wait3A_213 = tpu.memref_slice %arg2[%add3A_187] : memref<33554432xf32, #tpu.memory_space<hbm>> -> memref<16384xf32, #tpu.memory_space<hbm>>
    tpu.wait_dma2 semaphore(%arg12 : memref<!tpu.dma_semaphore, #tpu.memory_space<semaphore_mem>>) src(%dma_wait3A_213 : memref<16384xf32, #tpu.memory_space<hbm>>) dst(%arg6 : memref<16384xf32, #tpu.memory_space<vmem>>)
    %dma_wait3A_214 = tpu.memref_slice %arg3[%add3A_191] : memref<8388608xf32, #tpu.memory_space<hbm>> -> memref<16384xf32, #tpu.memory_space<hbm>>
    %dma_wait3A_215 = tpu.memref_slice %arg3[%add3A_191] : memref<8388608xf32, #tpu.memory_space<hbm>> -> memref<16384xf32, #tpu.memory_space<hbm>>
    tpu.wait_dma2 semaphore(%arg14 : memref<!tpu.dma_semaphore, #tpu.memory_space<semaphore_mem>>) src(%dma_wait3A_215 : memref<16384xf32, #tpu.memory_space<hbm>>) dst(%arg8 : memref<16384xf32, #tpu.memory_space<vmem>>)
    %dma_wait3A_216 = tpu.memref_slice %arg4[%add3A_183] : memref<33554432xf32, #tpu.memory_space<hbm>> -> memref<16384xf32, #tpu.memory_space<hbm>>
    %dma_wait3A_217 = tpu.memref_slice %arg4[%add3A_183] : memref<33554432xf32, #tpu.memory_space<hbm>> -> memref<16384xf32, #tpu.memory_space<hbm>>
    tpu.wait_dma2 semaphore(%arg16 : memref<!tpu.dma_semaphore, #tpu.memory_space<semaphore_mem>>) src(%arg6 : memref<16384xf32, #tpu.memory_space<vmem>>) dst(%dma_wait3A_217 : memref<16384xf32, #tpu.memory_space<hbm>>)
    %add3A_218 = arith.constant 180224 : i32
    %add3A_219 = arith.addi %mul3A_2, %add3A_218 : i32
    %dma_start3A_220 = tpu.memref_slice %arg4[%add3A_219] : memref<33554432xf32, #tpu.memory_space<hbm>> -> memref<16384xf32, #tpu.memory_space<hbm>>
    %dma_start3A_221 = tpu.memref_slice %arg4[%add3A_219] : memref<33554432xf32, #tpu.memory_space<hbm>> -> memref<16384xf32, #tpu.memory_space<hbm>>
    tpu.enqueue_dma source(%arg6 : memref<16384xf32, #tpu.memory_space<vmem>>) target(%dma_start3A_221 : memref<16384xf32, #tpu.memory_space<hbm>>) target_semaphore(%arg16 : memref<!tpu.dma_semaphore, #tpu.memory_space<semaphore_mem>>)
    %add3A_222 = arith.constant 212992 : i32
    %add3A_223 = arith.addi %mul3A_2, %add3A_222 : i32
    %dma_start3A_224 = tpu.memref_slice %arg2[%add3A_223] : memref<33554432xf32, #tpu.memory_space<hbm>> -> memref<16384xf32, #tpu.memory_space<hbm>>
    %dma_start3A_225 = tpu.memref_slice %arg2[%add3A_223] : memref<33554432xf32, #tpu.memory_space<hbm>> -> memref<16384xf32, #tpu.memory_space<hbm>>
    tpu.enqueue_dma source(%dma_start3A_225 : memref<16384xf32, #tpu.memory_space<hbm>>) target(%arg6 : memref<16384xf32, #tpu.memory_space<vmem>>) target_semaphore(%arg12 : memref<!tpu.dma_semaphore, #tpu.memory_space<semaphore_mem>>)
    %add3A_226 = arith.constant 212992 : i32
    %add3A_227 = arith.addi %rem3A_3, %add3A_226 : i32
    %dma_start3A_228 = tpu.memref_slice %arg3[%add3A_227] : memref<8388608xf32, #tpu.memory_space<hbm>> -> memref<16384xf32, #tpu.memory_space<hbm>>
    %dma_start3A_229 = tpu.memref_slice %arg3[%add3A_227] : memref<8388608xf32, #tpu.memory_space<hbm>> -> memref<16384xf32, #tpu.memory_space<hbm>>
    tpu.enqueue_dma source(%dma_start3A_229 : memref<16384xf32, #tpu.memory_space<hbm>>) target(%arg8 : memref<16384xf32, #tpu.memory_space<vmem>>) target_semaphore(%arg14 : memref<!tpu.dma_semaphore, #tpu.memory_space<semaphore_mem>>)
    %dma_wait3A_230 = tpu.memref_slice %arg2[%add3A_205] : memref<33554432xf32, #tpu.memory_space<hbm>> -> memref<16384xf32, #tpu.memory_space<hbm>>
    %dma_wait3A_231 = tpu.memref_slice %arg2[%add3A_205] : memref<33554432xf32, #tpu.memory_space<hbm>> -> memref<16384xf32, #tpu.memory_space<hbm>>
    tpu.wait_dma2 semaphore(%arg11 : memref<!tpu.dma_semaphore, #tpu.memory_space<semaphore_mem>>) src(%dma_wait3A_231 : memref<16384xf32, #tpu.memory_space<hbm>>) dst(%arg5 : memref<16384xf32, #tpu.memory_space<vmem>>)
    %dma_wait3A_232 = tpu.memref_slice %arg3[%add3A_209] : memref<8388608xf32, #tpu.memory_space<hbm>> -> memref<16384xf32, #tpu.memory_space<hbm>>
    %dma_wait3A_233 = tpu.memref_slice %arg3[%add3A_209] : memref<8388608xf32, #tpu.memory_space<hbm>> -> memref<16384xf32, #tpu.memory_space<hbm>>
    tpu.wait_dma2 semaphore(%arg13 : memref<!tpu.dma_semaphore, #tpu.memory_space<semaphore_mem>>) src(%dma_wait3A_233 : memref<16384xf32, #tpu.memory_space<hbm>>) dst(%arg7 : memref<16384xf32, #tpu.memory_space<vmem>>)
    %dma_wait3A_234 = tpu.memref_slice %arg4[%add3A_201] : memref<33554432xf32, #tpu.memory_space<hbm>> -> memref<16384xf32, #tpu.memory_space<hbm>>
    %dma_wait3A_235 = tpu.memref_slice %arg4[%add3A_201] : memref<33554432xf32, #tpu.memory_space<hbm>> -> memref<16384xf32, #tpu.memory_space<hbm>>
    tpu.wait_dma2 semaphore(%arg15 : memref<!tpu.dma_semaphore, #tpu.memory_space<semaphore_mem>>) src(%arg5 : memref<16384xf32, #tpu.memory_space<vmem>>) dst(%dma_wait3A_235 : memref<16384xf32, #tpu.memory_space<hbm>>)
    %add3A_236 = arith.constant 196608 : i32
    %add3A_237 = arith.addi %mul3A_2, %add3A_236 : i32
    %dma_start3A_238 = tpu.memref_slice %arg4[%add3A_237] : memref<33554432xf32, #tpu.memory_space<hbm>> -> memref<16384xf32, #tpu.memory_space<hbm>>
    %dma_start3A_239 = tpu.memref_slice %arg4[%add3A_237] : memref<33554432xf32, #tpu.memory_space<hbm>> -> memref<16384xf32, #tpu.memory_space<hbm>>
    tpu.enqueue_dma source(%arg5 : memref<16384xf32, #tpu.memory_space<vmem>>) target(%dma_start3A_239 : memref<16384xf32, #tpu.memory_space<hbm>>) target_semaphore(%arg15 : memref<!tpu.dma_semaphore, #tpu.memory_space<semaphore_mem>>)
    %add3A_240 = arith.constant 229376 : i32
    %add3A_241 = arith.addi %mul3A_2, %add3A_240 : i32
    %dma_start3A_242 = tpu.memref_slice %arg2[%add3A_241] : memref<33554432xf32, #tpu.memory_space<hbm>> -> memref<16384xf32, #tpu.memory_space<hbm>>
    %dma_start3A_243 = tpu.memref_slice %arg2[%add3A_241] : memref<33554432xf32, #tpu.memory_space<hbm>> -> memref<16384xf32, #tpu.memory_space<hbm>>
    tpu.enqueue_dma source(%dma_start3A_243 : memref<16384xf32, #tpu.memory_space<hbm>>) target(%arg5 : memref<16384xf32, #tpu.memory_space<vmem>>) target_semaphore(%arg11 : memref<!tpu.dma_semaphore, #tpu.memory_space<semaphore_mem>>)
    %add3A_244 = arith.constant 229376 : i32
    %add3A_245 = arith.addi %rem3A_3, %add3A_244 : i32
    %dma_start3A_246 = tpu.memref_slice %arg3[%add3A_245] : memref<8388608xf32, #tpu.memory_space<hbm>> -> memref<16384xf32, #tpu.memory_space<hbm>>
    %dma_start3A_247 = tpu.memref_slice %arg3[%add3A_245] : memref<8388608xf32, #tpu.memory_space<hbm>> -> memref<16384xf32, #tpu.memory_space<hbm>>
    tpu.enqueue_dma source(%dma_start3A_247 : memref<16384xf32, #tpu.memory_space<hbm>>) target(%arg7 : memref<16384xf32, #tpu.memory_space<vmem>>) target_semaphore(%arg13 : memref<!tpu.dma_semaphore, #tpu.memory_space<semaphore_mem>>)
    %dma_wait3A_248 = tpu.memref_slice %arg2[%add3A_223] : memref<33554432xf32, #tpu.memory_space<hbm>> -> memref<16384xf32, #tpu.memory_space<hbm>>
    %dma_wait3A_249 = tpu.memref_slice %arg2[%add3A_223] : memref<33554432xf32, #tpu.memory_space<hbm>> -> memref<16384xf32, #tpu.memory_space<hbm>>
    tpu.wait_dma2 semaphore(%arg12 : memref<!tpu.dma_semaphore, #tpu.memory_space<semaphore_mem>>) src(%dma_wait3A_249 : memref<16384xf32, #tpu.memory_space<hbm>>) dst(%arg6 : memref<16384xf32, #tpu.memory_space<vmem>>)
    %dma_wait3A_250 = tpu.memref_slice %arg3[%add3A_227] : memref<8388608xf32, #tpu.memory_space<hbm>> -> memref<16384xf32, #tpu.memory_space<hbm>>
    %dma_wait3A_251 = tpu.memref_slice %arg3[%add3A_227] : memref<8388608xf32, #tpu.memory_space<hbm>> -> memref<16384xf32, #tpu.memory_space<hbm>>
    tpu.wait_dma2 semaphore(%arg14 : memref<!tpu.dma_semaphore, #tpu.memory_space<semaphore_mem>>) src(%dma_wait3A_251 : memref<16384xf32, #tpu.memory_space<hbm>>) dst(%arg8 : memref<16384xf32, #tpu.memory_space<vmem>>)
    %dma_wait3A_252 = tpu.memref_slice %arg4[%add3A_219] : memref<33554432xf32, #tpu.memory_space<hbm>> -> memref<16384xf32, #tpu.memory_space<hbm>>
    %dma_wait3A_253 = tpu.memref_slice %arg4[%add3A_219] : memref<33554432xf32, #tpu.memory_space<hbm>> -> memref<16384xf32, #tpu.memory_space<hbm>>
    tpu.wait_dma2 semaphore(%arg16 : memref<!tpu.dma_semaphore, #tpu.memory_space<semaphore_mem>>) src(%arg6 : memref<16384xf32, #tpu.memory_space<vmem>>) dst(%dma_wait3A_253 : memref<16384xf32, #tpu.memory_space<hbm>>)
    %add3A_254 = arith.constant 212992 : i32
    %add3A_255 = arith.addi %mul3A_2, %add3A_254 : i32
    %dma_start3A_256 = tpu.memref_slice %arg4[%add3A_255] : memref<33554432xf32, #tpu.memory_space<hbm>> -> memref<16384xf32, #tpu.memory_space<hbm>>
    %dma_start3A_257 = tpu.memref_slice %arg4[%add3A_255] : memref<33554432xf32, #tpu.memory_space<hbm>> -> memref<16384xf32, #tpu.memory_space<hbm>>
    tpu.enqueue_dma source(%arg6 : memref<16384xf32, #tpu.memory_space<vmem>>) target(%dma_start3A_257 : memref<16384xf32, #tpu.memory_space<hbm>>) target_semaphore(%arg16 : memref<!tpu.dma_semaphore, #tpu.memory_space<semaphore_mem>>)
    %add3A_258 = arith.constant 245760 : i32
    %add3A_259 = arith.addi %mul3A_2, %add3A_258 : i32
    %dma_start3A_260 = tpu.memref_slice %arg2[%add3A_259] : memref<33554432xf32, #tpu.memory_space<hbm>> -> memref<16384xf32, #tpu.memory_space<hbm>>
    %dma_start3A_261 = tpu.memref_slice %arg2[%add3A_259] : memref<33554432xf32, #tpu.memory_space<hbm>> -> memref<16384xf32, #tpu.memory_space<hbm>>
    tpu.enqueue_dma source(%dma_start3A_261 : memref<16384xf32, #tpu.memory_space<hbm>>) target(%arg6 : memref<16384xf32, #tpu.memory_space<vmem>>) target_semaphore(%arg12 : memref<!tpu.dma_semaphore, #tpu.memory_space<semaphore_mem>>)
    %add3A_262 = arith.constant 245760 : i32
    %add3A_263 = arith.addi %rem3A_3, %add3A_262 : i32
    %dma_start3A_264 = tpu.memref_slice %arg3[%add3A_263] : memref<8388608xf32, #tpu.memory_space<hbm>> -> memref<16384xf32, #tpu.memory_space<hbm>>
    %dma_start3A_265 = tpu.memref_slice %arg3[%add3A_263] : memref<8388608xf32, #tpu.memory_space<hbm>> -> memref<16384xf32, #tpu.memory_space<hbm>>
    tpu.enqueue_dma source(%dma_start3A_265 : memref<16384xf32, #tpu.memory_space<hbm>>) target(%arg8 : memref<16384xf32, #tpu.memory_space<vmem>>) target_semaphore(%arg14 : memref<!tpu.dma_semaphore, #tpu.memory_space<semaphore_mem>>)
    %dma_wait3A_266 = tpu.memref_slice %arg2[%add3A_241] : memref<33554432xf32, #tpu.memory_space<hbm>> -> memref<16384xf32, #tpu.memory_space<hbm>>
    %dma_wait3A_267 = tpu.memref_slice %arg2[%add3A_241] : memref<33554432xf32, #tpu.memory_space<hbm>> -> memref<16384xf32, #tpu.memory_space<hbm>>
    tpu.wait_dma2 semaphore(%arg11 : memref<!tpu.dma_semaphore, #tpu.memory_space<semaphore_mem>>) src(%dma_wait3A_267 : memref<16384xf32, #tpu.memory_space<hbm>>) dst(%arg5 : memref<16384xf32, #tpu.memory_space<vmem>>)
    %dma_wait3A_268 = tpu.memref_slice %arg3[%add3A_245] : memref<8388608xf32, #tpu.memory_space<hbm>> -> memref<16384xf32, #tpu.memory_space<hbm>>
    %dma_wait3A_269 = tpu.memref_slice %arg3[%add3A_245] : memref<8388608xf32, #tpu.memory_space<hbm>> -> memref<16384xf32, #tpu.memory_space<hbm>>
    tpu.wait_dma2 semaphore(%arg13 : memref<!tpu.dma_semaphore, #tpu.memory_space<semaphore_mem>>) src(%dma_wait3A_269 : memref<16384xf32, #tpu.memory_space<hbm>>) dst(%arg7 : memref<16384xf32, #tpu.memory_space<vmem>>)
    %dma_wait3A_270 = tpu.memref_slice %arg4[%add3A_237] : memref<33554432xf32, #tpu.memory_space<hbm>> -> memref<16384xf32, #tpu.memory_space<hbm>>
    %dma_wait3A_271 = tpu.memref_slice %arg4[%add3A_237] : memref<33554432xf32, #tpu.memory_space<hbm>> -> memref<16384xf32, #tpu.memory_space<hbm>>
    tpu.wait_dma2 semaphore(%arg15 : memref<!tpu.dma_semaphore, #tpu.memory_space<semaphore_mem>>) src(%arg5 : memref<16384xf32, #tpu.memory_space<vmem>>) dst(%dma_wait3A_271 : memref<16384xf32, #tpu.memory_space<hbm>>)
    %add3A_272 = arith.constant 229376 : i32
    %add3A_273 = arith.addi %mul3A_2, %add3A_272 : i32
    %dma_start3A_274 = tpu.memref_slice %arg4[%add3A_273] : memref<33554432xf32, #tpu.memory_space<hbm>> -> memref<16384xf32, #tpu.memory_space<hbm>>
    %dma_start3A_275 = tpu.memref_slice %arg4[%add3A_273] : memref<33554432xf32, #tpu.memory_space<hbm>> -> memref<16384xf32, #tpu.memory_space<hbm>>
    tpu.enqueue_dma source(%arg5 : memref<16384xf32, #tpu.memory_space<vmem>>) target(%dma_start3A_275 : memref<16384xf32, #tpu.memory_space<hbm>>) target_semaphore(%arg15 : memref<!tpu.dma_semaphore, #tpu.memory_space<semaphore_mem>>)
    %add3A_276 = arith.constant 262144 : i32
    %add3A_277 = arith.addi %mul3A_2, %add3A_276 : i32
    %dma_start3A_278 = tpu.memref_slice %arg2[%add3A_277] : memref<33554432xf32, #tpu.memory_space<hbm>> -> memref<16384xf32, #tpu.memory_space<hbm>>
    %dma_start3A_279 = tpu.memref_slice %arg2[%add3A_277] : memref<33554432xf32, #tpu.memory_space<hbm>> -> memref<16384xf32, #tpu.memory_space<hbm>>
    tpu.enqueue_dma source(%dma_start3A_279 : memref<16384xf32, #tpu.memory_space<hbm>>) target(%arg5 : memref<16384xf32, #tpu.memory_space<vmem>>) target_semaphore(%arg11 : memref<!tpu.dma_semaphore, #tpu.memory_space<semaphore_mem>>)
    %add3A_280 = arith.constant 262144 : i32
    %add3A_281 = arith.addi %rem3A_3, %add3A_280 : i32
    %dma_start3A_282 = tpu.memref_slice %arg3[%add3A_281] : memref<8388608xf32, #tpu.memory_space<hbm>> -> memref<16384xf32, #tpu.memory_space<hbm>>
    %dma_start3A_283 = tpu.memref_slice %arg3[%add3A_281] : memref<8388608xf32, #tpu.memory_space<hbm>> -> memref<16384xf32, #tpu.memory_space<hbm>>
    tpu.enqueue_dma source(%dma_start3A_283 : memref<16384xf32, #tpu.memory_space<hbm>>) target(%arg7 : memref<16384xf32, #tpu.memory_space<vmem>>) target_semaphore(%arg13 : memref<!tpu.dma_semaphore, #tpu.memory_space<semaphore_mem>>)
    %dma_wait3A_284 = tpu.memref_slice %arg2[%add3A_259] : memref<33554432xf32, #tpu.memory_space<hbm>> -> memref<16384xf32, #tpu.memory_space<hbm>>
    %dma_wait3A_285 = tpu.memref_slice %arg2[%add3A_259] : memref<33554432xf32, #tpu.memory_space<hbm>> -> memref<16384xf32, #tpu.memory_space<hbm>>
    tpu.wait_dma2 semaphore(%arg12 : memref<!tpu.dma_semaphore, #tpu.memory_space<semaphore_mem>>) src(%dma_wait3A_285 : memref<16384xf32, #tpu.memory_space<hbm>>) dst(%arg6 : memref<16384xf32, #tpu.memory_space<vmem>>)
    %dma_wait3A_286 = tpu.memref_slice %arg3[%add3A_263] : memref<8388608xf32, #tpu.memory_space<hbm>> -> memref<16384xf32, #tpu.memory_space<hbm>>
    %dma_wait3A_287 = tpu.memref_slice %arg3[%add3A_263] : memref<8388608xf32, #tpu.memory_space<hbm>> -> memref<16384xf32, #tpu.memory_space<hbm>>
    tpu.wait_dma2 semaphore(%arg14 : memref<!tpu.dma_semaphore, #tpu.memory_space<semaphore_mem>>) src(%dma_wait3A_287 : memref<16384xf32, #tpu.memory_space<hbm>>) dst(%arg8 : memref<16384xf32, #tpu.memory_space<vmem>>)
    %dma_wait3A_288 = tpu.memref_slice %arg4[%add3A_255] : memref<33554432xf32, #tpu.memory_space<hbm>> -> memref<16384xf32, #tpu.memory_space<hbm>>
    %dma_wait3A_289 = tpu.memref_slice %arg4[%add3A_255] : memref<33554432xf32, #tpu.memory_space<hbm>> -> memref<16384xf32, #tpu.memory_space<hbm>>
    tpu.wait_dma2 semaphore(%arg16 : memref<!tpu.dma_semaphore, #tpu.memory_space<semaphore_mem>>) src(%arg6 : memref<16384xf32, #tpu.memory_space<vmem>>) dst(%dma_wait3A_289 : memref<16384xf32, #tpu.memory_space<hbm>>)
    %add3A_290 = arith.constant 245760 : i32
    %add3A_291 = arith.addi %mul3A_2, %add3A_290 : i32
    %dma_start3A_292 = tpu.memref_slice %arg4[%add3A_291] : memref<33554432xf32, #tpu.memory_space<hbm>> -> memref<16384xf32, #tpu.memory_space<hbm>>
    %dma_start3A_293 = tpu.memref_slice %arg4[%add3A_291] : memref<33554432xf32, #tpu.memory_space<hbm>> -> memref<16384xf32, #tpu.memory_space<hbm>>
    tpu.enqueue_dma source(%arg6 : memref<16384xf32, #tpu.memory_space<vmem>>) target(%dma_start3A_293 : memref<16384xf32, #tpu.memory_space<hbm>>) target_semaphore(%arg16 : memref<!tpu.dma_semaphore, #tpu.memory_space<semaphore_mem>>)
    %add3A_294 = arith.constant 278528 : i32
    %add3A_295 = arith.addi %mul3A_2, %add3A_294 : i32
    %dma_start3A_296 = tpu.memref_slice %arg2[%add3A_295] : memref<33554432xf32, #tpu.memory_space<hbm>> -> memref<16384xf32, #tpu.memory_space<hbm>>
    %dma_start3A_297 = tpu.memref_slice %arg2[%add3A_295] : memref<33554432xf32, #tpu.memory_space<hbm>> -> memref<16384xf32, #tpu.memory_space<hbm>>
    tpu.enqueue_dma source(%dma_start3A_297 : memref<16384xf32, #tpu.memory_space<hbm>>) target(%arg6 : memref<16384xf32, #tpu.memory_space<vmem>>) target_semaphore(%arg12 : memref<!tpu.dma_semaphore, #tpu.memory_space<semaphore_mem>>)
    %add3A_298 = arith.constant 278528 : i32
    %add3A_299 = arith.addi %rem3A_3, %add3A_298 : i32
    %dma_start3A_300 = tpu.memref_slice %arg3[%add3A_299] : memref<8388608xf32, #tpu.memory_space<hbm>> -> memref<16384xf32, #tpu.memory_space<hbm>>
    %dma_start3A_301 = tpu.memref_slice %arg3[%add3A_299] : memref<8388608xf32, #tpu.memory_space<hbm>> -> memref<16384xf32, #tpu.memory_space<hbm>>
    tpu.enqueue_dma source(%dma_start3A_301 : memref<16384xf32, #tpu.memory_space<hbm>>) target(%arg8 : memref<16384xf32, #tpu.memory_space<vmem>>) target_semaphore(%arg14 : memref<!tpu.dma_semaphore, #tpu.memory_space<semaphore_mem>>)
    %dma_wait3A_302 = tpu.memref_slice %arg2[%add3A_277] : memref<33554432xf32, #tpu.memory_space<hbm>> -> memref<16384xf32, #tpu.memory_space<hbm>>
    %dma_wait3A_303 = tpu.memref_slice %arg2[%add3A_277] : memref<33554432xf32, #tpu.memory_space<hbm>> -> memref<16384xf32, #tpu.memory_space<hbm>>
    tpu.wait_dma2 semaphore(%arg11 : memref<!tpu.dma_semaphore, #tpu.memory_space<semaphore_mem>>) src(%dma_wait3A_303 : memref<16384xf32, #tpu.memory_space<hbm>>) dst(%arg5 : memref<16384xf32, #tpu.memory_space<vmem>>)
    %dma_wait3A_304 = tpu.memref_slice %arg3[%add3A_281] : memref<8388608xf32, #tpu.memory_space<hbm>> -> memref<16384xf32, #tpu.memory_space<hbm>>
    %dma_wait3A_305 = tpu.memref_slice %arg3[%add3A_281] : memref<8388608xf32, #tpu.memory_space<hbm>> -> memref<16384xf32, #tpu.memory_space<hbm>>
    tpu.wait_dma2 semaphore(%arg13 : memref<!tpu.dma_semaphore, #tpu.memory_space<semaphore_mem>>) src(%dma_wait3A_305 : memref<16384xf32, #tpu.memory_space<hbm>>) dst(%arg7 : memref<16384xf32, #tpu.memory_space<vmem>>)
    %dma_wait3A_306 = tpu.memref_slice %arg4[%add3A_273] : memref<33554432xf32, #tpu.memory_space<hbm>> -> memref<16384xf32, #tpu.memory_space<hbm>>
    %dma_wait3A_307 = tpu.memref_slice %arg4[%add3A_273] : memref<33554432xf32, #tpu.memory_space<hbm>> -> memref<16384xf32, #tpu.memory_space<hbm>>
    tpu.wait_dma2 semaphore(%arg15 : memref<!tpu.dma_semaphore, #tpu.memory_space<semaphore_mem>>) src(%arg5 : memref<16384xf32, #tpu.memory_space<vmem>>) dst(%dma_wait3A_307 : memref<16384xf32, #tpu.memory_space<hbm>>)
    %add3A_308 = arith.constant 262144 : i32
    %add3A_309 = arith.addi %mul3A_2, %add3A_308 : i32
    %dma_start3A_310 = tpu.memref_slice %arg4[%add3A_309] : memref<33554432xf32, #tpu.memory_space<hbm>> -> memref<16384xf32, #tpu.memory_space<hbm>>
    %dma_start3A_311 = tpu.memref_slice %arg4[%add3A_309] : memref<33554432xf32, #tpu.memory_space<hbm>> -> memref<16384xf32, #tpu.memory_space<hbm>>
    tpu.enqueue_dma source(%arg5 : memref<16384xf32, #tpu.memory_space<vmem>>) target(%dma_start3A_311 : memref<16384xf32, #tpu.memory_space<hbm>>) target_semaphore(%arg15 : memref<!tpu.dma_semaphore, #tpu.memory_space<semaphore_mem>>)
    %add3A_312 = arith.constant 294912 : i32
    %add3A_313 = arith.addi %mul3A_2, %add3A_312 : i32
    %dma_start3A_314 = tpu.memref_slice %arg2[%add3A_313] : memref<33554432xf32, #tpu.memory_space<hbm>> -> memref<16384xf32, #tpu.memory_space<hbm>>
    %dma_start3A_315 = tpu.memref_slice %arg2[%add3A_313] : memref<33554432xf32, #tpu.memory_space<hbm>> -> memref<16384xf32, #tpu.memory_space<hbm>>
    tpu.enqueue_dma source(%dma_start3A_315 : memref<16384xf32, #tpu.memory_space<hbm>>) target(%arg5 : memref<16384xf32, #tpu.memory_space<vmem>>) target_semaphore(%arg11 : memref<!tpu.dma_semaphore, #tpu.memory_space<semaphore_mem>>)
    %add3A_316 = arith.constant 294912 : i32
    %add3A_317 = arith.addi %rem3A_3, %add3A_316 : i32
    %dma_start3A_318 = tpu.memref_slice %arg3[%add3A_317] : memref<8388608xf32, #tpu.memory_space<hbm>> -> memref<16384xf32, #tpu.memory_space<hbm>>
    %dma_start3A_319 = tpu.memref_slice %arg3[%add3A_317] : memref<8388608xf32, #tpu.memory_space<hbm>> -> memref<16384xf32, #tpu.memory_space<hbm>>
    tpu.enqueue_dma source(%dma_start3A_319 : memref<16384xf32, #tpu.memory_space<hbm>>) target(%arg7 : memref<16384xf32, #tpu.memory_space<vmem>>) target_semaphore(%arg13 : memref<!tpu.dma_semaphore, #tpu.memory_space<semaphore_mem>>)
    %dma_wait3A_320 = tpu.memref_slice %arg2[%add3A_295] : memref<33554432xf32, #tpu.memory_space<hbm>> -> memref<16384xf32, #tpu.memory_space<hbm>>
    %dma_wait3A_321 = tpu.memref_slice %arg2[%add3A_295] : memref<33554432xf32, #tpu.memory_space<hbm>> -> memref<16384xf32, #tpu.memory_space<hbm>>
    tpu.wait_dma2 semaphore(%arg12 : memref<!tpu.dma_semaphore, #tpu.memory_space<semaphore_mem>>) src(%dma_wait3A_321 : memref<16384xf32, #tpu.memory_space<hbm>>) dst(%arg6 : memref<16384xf32, #tpu.memory_space<vmem>>)
    %dma_wait3A_322 = tpu.memref_slice %arg3[%add3A_299] : memref<8388608xf32, #tpu.memory_space<hbm>> -> memref<16384xf32, #tpu.memory_space<hbm>>
    %dma_wait3A_323 = tpu.memref_slice %arg3[%add3A_299] : memref<8388608xf32, #tpu.memory_space<hbm>> -> memref<16384xf32, #tpu.memory_space<hbm>>
    tpu.wait_dma2 semaphore(%arg14 : memref<!tpu.dma_semaphore, #tpu.memory_space<semaphore_mem>>) src(%dma_wait3A_323 : memref<16384xf32, #tpu.memory_space<hbm>>) dst(%arg8 : memref<16384xf32, #tpu.memory_space<vmem>>)
    %dma_wait3A_324 = tpu.memref_slice %arg4[%add3A_291] : memref<33554432xf32, #tpu.memory_space<hbm>> -> memref<16384xf32, #tpu.memory_space<hbm>>
    %dma_wait3A_325 = tpu.memref_slice %arg4[%add3A_291] : memref<33554432xf32, #tpu.memory_space<hbm>> -> memref<16384xf32, #tpu.memory_space<hbm>>
    tpu.wait_dma2 semaphore(%arg16 : memref<!tpu.dma_semaphore, #tpu.memory_space<semaphore_mem>>) src(%arg6 : memref<16384xf32, #tpu.memory_space<vmem>>) dst(%dma_wait3A_325 : memref<16384xf32, #tpu.memory_space<hbm>>)
    %add3A_326 = arith.constant 278528 : i32
    %add3A_327 = arith.addi %mul3A_2, %add3A_326 : i32
    %dma_start3A_328 = tpu.memref_slice %arg4[%add3A_327] : memref<33554432xf32, #tpu.memory_space<hbm>> -> memref<16384xf32, #tpu.memory_space<hbm>>
    %dma_start3A_329 = tpu.memref_slice %arg4[%add3A_327] : memref<33554432xf32, #tpu.memory_space<hbm>> -> memref<16384xf32, #tpu.memory_space<hbm>>
    tpu.enqueue_dma source(%arg6 : memref<16384xf32, #tpu.memory_space<vmem>>) target(%dma_start3A_329 : memref<16384xf32, #tpu.memory_space<hbm>>) target_semaphore(%arg16 : memref<!tpu.dma_semaphore, #tpu.memory_space<semaphore_mem>>)
    %add3A_330 = arith.constant 311296 : i32
    %add3A_331 = arith.addi %mul3A_2, %add3A_330 : i32
    %dma_start3A_332 = tpu.memref_slice %arg2[%add3A_331] : memref<33554432xf32, #tpu.memory_space<hbm>> -> memref<16384xf32, #tpu.memory_space<hbm>>
    %dma_start3A_333 = tpu.memref_slice %arg2[%add3A_331] : memref<33554432xf32, #tpu.memory_space<hbm>> -> memref<16384xf32, #tpu.memory_space<hbm>>
    tpu.enqueue_dma source(%dma_start3A_333 : memref<16384xf32, #tpu.memory_space<hbm>>) target(%arg6 : memref<16384xf32, #tpu.memory_space<vmem>>) target_semaphore(%arg12 : memref<!tpu.dma_semaphore, #tpu.memory_space<semaphore_mem>>)
    %add3A_334 = arith.constant 311296 : i32
    %add3A_335 = arith.addi %rem3A_3, %add3A_334 : i32
    %dma_start3A_336 = tpu.memref_slice %arg3[%add3A_335] : memref<8388608xf32, #tpu.memory_space<hbm>> -> memref<16384xf32, #tpu.memory_space<hbm>>
    %dma_start3A_337 = tpu.memref_slice %arg3[%add3A_335] : memref<8388608xf32, #tpu.memory_space<hbm>> -> memref<16384xf32, #tpu.memory_space<hbm>>
    tpu.enqueue_dma source(%dma_start3A_337 : memref<16384xf32, #tpu.memory_space<hbm>>) target(%arg8 : memref<16384xf32, #tpu.memory_space<vmem>>) target_semaphore(%arg14 : memref<!tpu.dma_semaphore, #tpu.memory_space<semaphore_mem>>)
    %dma_wait3A_338 = tpu.memref_slice %arg2[%add3A_313] : memref<33554432xf32, #tpu.memory_space<hbm>> -> memref<16384xf32, #tpu.memory_space<hbm>>
    %dma_wait3A_339 = tpu.memref_slice %arg2[%add3A_313] : memref<33554432xf32, #tpu.memory_space<hbm>> -> memref<16384xf32, #tpu.memory_space<hbm>>
    tpu.wait_dma2 semaphore(%arg11 : memref<!tpu.dma_semaphore, #tpu.memory_space<semaphore_mem>>) src(%dma_wait3A_339 : memref<16384xf32, #tpu.memory_space<hbm>>) dst(%arg5 : memref<16384xf32, #tpu.memory_space<vmem>>)
    %dma_wait3A_340 = tpu.memref_slice %arg3[%add3A_317] : memref<8388608xf32, #tpu.memory_space<hbm>> -> memref<16384xf32, #tpu.memory_space<hbm>>
    %dma_wait3A_341 = tpu.memref_slice %arg3[%add3A_317] : memref<8388608xf32, #tpu.memory_space<hbm>> -> memref<16384xf32, #tpu.memory_space<hbm>>
    tpu.wait_dma2 semaphore(%arg13 : memref<!tpu.dma_semaphore, #tpu.memory_space<semaphore_mem>>) src(%dma_wait3A_341 : memref<16384xf32, #tpu.memory_space<hbm>>) dst(%arg7 : memref<16384xf32, #tpu.memory_space<vmem>>)
    %dma_wait3A_342 = tpu.memref_slice %arg4[%add3A_309] : memref<33554432xf32, #tpu.memory_space<hbm>> -> memref<16384xf32, #tpu.memory_space<hbm>>
    %dma_wait3A_343 = tpu.memref_slice %arg4[%add3A_309] : memref<33554432xf32, #tpu.memory_space<hbm>> -> memref<16384xf32, #tpu.memory_space<hbm>>
    tpu.wait_dma2 semaphore(%arg15 : memref<!tpu.dma_semaphore, #tpu.memory_space<semaphore_mem>>) src(%arg5 : memref<16384xf32, #tpu.memory_space<vmem>>) dst(%dma_wait3A_343 : memref<16384xf32, #tpu.memory_space<hbm>>)
    %add3A_344 = arith.constant 294912 : i32
    %add3A_345 = arith.addi %mul3A_2, %add3A_344 : i32
    %dma_start3A_346 = tpu.memref_slice %arg4[%add3A_345] : memref<33554432xf32, #tpu.memory_space<hbm>> -> memref<16384xf32, #tpu.memory_space<hbm>>
    %dma_start3A_347 = tpu.memref_slice %arg4[%add3A_345] : memref<33554432xf32, #tpu.memory_space<hbm>> -> memref<16384xf32, #tpu.memory_space<hbm>>
    tpu.enqueue_dma source(%arg5 : memref<16384xf32, #tpu.memory_space<vmem>>) target(%dma_start3A_347 : memref<16384xf32, #tpu.memory_space<hbm>>) target_semaphore(%arg15 : memref<!tpu.dma_semaphore, #tpu.memory_space<semaphore_mem>>)
    %add3A_348 = arith.constant 327680 : i32
    %add3A_349 = arith.addi %mul3A_2, %add3A_348 : i32
    %dma_start3A_350 = tpu.memref_slice %arg2[%add3A_349] : memref<33554432xf32, #tpu.memory_space<hbm>> -> memref<16384xf32, #tpu.memory_space<hbm>>
    %dma_start3A_351 = tpu.memref_slice %arg2[%add3A_349] : memref<33554432xf32, #tpu.memory_space<hbm>> -> memref<16384xf32, #tpu.memory_space<hbm>>
    tpu.enqueue_dma source(%dma_start3A_351 : memref<16384xf32, #tpu.memory_space<hbm>>) target(%arg5 : memref<16384xf32, #tpu.memory_space<vmem>>) target_semaphore(%arg11 : memref<!tpu.dma_semaphore, #tpu.memory_space<semaphore_mem>>)
    %add3A_352 = arith.constant 327680 : i32
    %add3A_353 = arith.addi %rem3A_3, %add3A_352 : i32
    %dma_start3A_354 = tpu.memref_slice %arg3[%add3A_353] : memref<8388608xf32, #tpu.memory_space<hbm>> -> memref<16384xf32, #tpu.memory_space<hbm>>
    %dma_start3A_355 = tpu.memref_slice %arg3[%add3A_353] : memref<8388608xf32, #tpu.memory_space<hbm>> -> memref<16384xf32, #tpu.memory_space<hbm>>
    tpu.enqueue_dma source(%dma_start3A_355 : memref<16384xf32, #tpu.memory_space<hbm>>) target(%arg7 : memref<16384xf32, #tpu.memory_space<vmem>>) target_semaphore(%arg13 : memref<!tpu.dma_semaphore, #tpu.memory_space<semaphore_mem>>)
    %dma_wait3A_356 = tpu.memref_slice %arg2[%add3A_331] : memref<33554432xf32, #tpu.memory_space<hbm>> -> memref<16384xf32, #tpu.memory_space<hbm>>
    %dma_wait3A_357 = tpu.memref_slice %arg2[%add3A_331] : memref<33554432xf32, #tpu.memory_space<hbm>> -> memref<16384xf32, #tpu.memory_space<hbm>>
    tpu.wait_dma2 semaphore(%arg12 : memref<!tpu.dma_semaphore, #tpu.memory_space<semaphore_mem>>) src(%dma_wait3A_357 : memref<16384xf32, #tpu.memory_space<hbm>>) dst(%arg6 : memref<16384xf32, #tpu.memory_space<vmem>>)
    %dma_wait3A_358 = tpu.memref_slice %arg3[%add3A_335] : memref<8388608xf32, #tpu.memory_space<hbm>> -> memref<16384xf32, #tpu.memory_space<hbm>>
    %dma_wait3A_359 = tpu.memref_slice %arg3[%add3A_335] : memref<8388608xf32, #tpu.memory_space<hbm>> -> memref<16384xf32, #tpu.memory_space<hbm>>
    tpu.wait_dma2 semaphore(%arg14 : memref<!tpu.dma_semaphore, #tpu.memory_space<semaphore_mem>>) src(%dma_wait3A_359 : memref<16384xf32, #tpu.memory_space<hbm>>) dst(%arg8 : memref<16384xf32, #tpu.memory_space<vmem>>)
    %dma_wait3A_360 = tpu.memref_slice %arg4[%add3A_327] : memref<33554432xf32, #tpu.memory_space<hbm>> -> memref<16384xf32, #tpu.memory_space<hbm>>
    %dma_wait3A_361 = tpu.memref_slice %arg4[%add3A_327] : memref<33554432xf32, #tpu.memory_space<hbm>> -> memref<16384xf32, #tpu.memory_space<hbm>>
    tpu.wait_dma2 semaphore(%arg16 : memref<!tpu.dma_semaphore, #tpu.memory_space<semaphore_mem>>) src(%arg6 : memref<16384xf32, #tpu.memory_space<vmem>>) dst(%dma_wait3A_361 : memref<16384xf32, #tpu.memory_space<hbm>>)
    %add3A_362 = arith.constant 311296 : i32
    %add3A_363 = arith.addi %mul3A_2, %add3A_362 : i32
    %dma_start3A_364 = tpu.memref_slice %arg4[%add3A_363] : memref<33554432xf32, #tpu.memory_space<hbm>> -> memref<16384xf32, #tpu.memory_space<hbm>>
    %dma_start3A_365 = tpu.memref_slice %arg4[%add3A_363] : memref<33554432xf32, #tpu.memory_space<hbm>> -> memref<16384xf32, #tpu.memory_space<hbm>>
    tpu.enqueue_dma source(%arg6 : memref<16384xf32, #tpu.memory_space<vmem>>) target(%dma_start3A_365 : memref<16384xf32, #tpu.memory_space<hbm>>) target_semaphore(%arg16 : memref<!tpu.dma_semaphore, #tpu.memory_space<semaphore_mem>>)
    %add3A_366 = arith.constant 344064 : i32
    %add3A_367 = arith.addi %mul3A_2, %add3A_366 : i32
    %dma_start3A_368 = tpu.memref_slice %arg2[%add3A_367] : memref<33554432xf32, #tpu.memory_space<hbm>> -> memref<16384xf32, #tpu.memory_space<hbm>>
    %dma_start3A_369 = tpu.memref_slice %arg2[%add3A_367] : memref<33554432xf32, #tpu.memory_space<hbm>> -> memref<16384xf32, #tpu.memory_space<hbm>>
    tpu.enqueue_dma source(%dma_start3A_369 : memref<16384xf32, #tpu.memory_space<hbm>>) target(%arg6 : memref<16384xf32, #tpu.memory_space<vmem>>) target_semaphore(%arg12 : memref<!tpu.dma_semaphore, #tpu.memory_space<semaphore_mem>>)
    %add3A_370 = arith.constant 344064 : i32
    %add3A_371 = arith.addi %rem3A_3, %add3A_370 : i32
    %dma_start3A_372 = tpu.memref_slice %arg3[%add3A_371] : memref<8388608xf32, #tpu.memory_space<hbm>> -> memref<16384xf32, #tpu.memory_space<hbm>>
    %dma_start3A_373 = tpu.memref_slice %arg3[%add3A_371] : memref<8388608xf32, #tpu.memory_space<hbm>> -> memref<16384xf32, #tpu.memory_space<hbm>>
    tpu.enqueue_dma source(%dma_start3A_373 : memref<16384xf32, #tpu.memory_space<hbm>>) target(%arg8 : memref<16384xf32, #tpu.memory_space<vmem>>) target_semaphore(%arg14 : memref<!tpu.dma_semaphore, #tpu.memory_space<semaphore_mem>>)
    %dma_wait3A_374 = tpu.memref_slice %arg2[%add3A_349] : memref<33554432xf32, #tpu.memory_space<hbm>> -> memref<16384xf32, #tpu.memory_space<hbm>>
    %dma_wait3A_375 = tpu.memref_slice %arg2[%add3A_349] : memref<33554432xf32, #tpu.memory_space<hbm>> -> memref<16384xf32, #tpu.memory_space<hbm>>
    tpu.wait_dma2 semaphore(%arg11 : memref<!tpu.dma_semaphore, #tpu.memory_space<semaphore_mem>>) src(%dma_wait3A_375 : memref<16384xf32, #tpu.memory_space<hbm>>) dst(%arg5 : memref<16384xf32, #tpu.memory_space<vmem>>)
    %dma_wait3A_376 = tpu.memref_slice %arg3[%add3A_353] : memref<8388608xf32, #tpu.memory_space<hbm>> -> memref<16384xf32, #tpu.memory_space<hbm>>
    %dma_wait3A_377 = tpu.memref_slice %arg3[%add3A_353] : memref<8388608xf32, #tpu.memory_space<hbm>> -> memref<16384xf32, #tpu.memory_space<hbm>>
    tpu.wait_dma2 semaphore(%arg13 : memref<!tpu.dma_semaphore, #tpu.memory_space<semaphore_mem>>) src(%dma_wait3A_377 : memref<16384xf32, #tpu.memory_space<hbm>>) dst(%arg7 : memref<16384xf32, #tpu.memory_space<vmem>>)
    %dma_wait3A_378 = tpu.memref_slice %arg4[%add3A_345] : memref<33554432xf32, #tpu.memory_space<hbm>> -> memref<16384xf32, #tpu.memory_space<hbm>>
    %dma_wait3A_379 = tpu.memref_slice %arg4[%add3A_345] : memref<33554432xf32, #tpu.memory_space<hbm>> -> memref<16384xf32, #tpu.memory_space<hbm>>
    tpu.wait_dma2 semaphore(%arg15 : memref<!tpu.dma_semaphore, #tpu.memory_space<semaphore_mem>>) src(%arg5 : memref<16384xf32, #tpu.memory_space<vmem>>) dst(%dma_wait3A_379 : memref<16384xf32, #tpu.memory_space<hbm>>)
    %add3A_380 = arith.constant 327680 : i32
    %add3A_381 = arith.addi %mul3A_2, %add3A_380 : i32
    %dma_start3A_382 = tpu.memref_slice %arg4[%add3A_381] : memref<33554432xf32, #tpu.memory_space<hbm>> -> memref<16384xf32, #tpu.memory_space<hbm>>
    %dma_start3A_383 = tpu.memref_slice %arg4[%add3A_381] : memref<33554432xf32, #tpu.memory_space<hbm>> -> memref<16384xf32, #tpu.memory_space<hbm>>
    tpu.enqueue_dma source(%arg5 : memref<16384xf32, #tpu.memory_space<vmem>>) target(%dma_start3A_383 : memref<16384xf32, #tpu.memory_space<hbm>>) target_semaphore(%arg15 : memref<!tpu.dma_semaphore, #tpu.memory_space<semaphore_mem>>)
    %add3A_384 = arith.constant 360448 : i32
    %add3A_385 = arith.addi %mul3A_2, %add3A_384 : i32
    %dma_start3A_386 = tpu.memref_slice %arg2[%add3A_385] : memref<33554432xf32, #tpu.memory_space<hbm>> -> memref<16384xf32, #tpu.memory_space<hbm>>
    %dma_start3A_387 = tpu.memref_slice %arg2[%add3A_385] : memref<33554432xf32, #tpu.memory_space<hbm>> -> memref<16384xf32, #tpu.memory_space<hbm>>
    tpu.enqueue_dma source(%dma_start3A_387 : memref<16384xf32, #tpu.memory_space<hbm>>) target(%arg5 : memref<16384xf32, #tpu.memory_space<vmem>>) target_semaphore(%arg11 : memref<!tpu.dma_semaphore, #tpu.memory_space<semaphore_mem>>)
    %add3A_388 = arith.constant 360448 : i32
    %add3A_389 = arith.addi %rem3A_3, %add3A_388 : i32
    %dma_start3A_390 = tpu.memref_slice %arg3[%add3A_389] : memref<8388608xf32, #tpu.memory_space<hbm>> -> memref<16384xf32, #tpu.memory_space<hbm>>
    %dma_start3A_391 = tpu.memref_slice %arg3[%add3A_389] : memref<8388608xf32, #tpu.memory_space<hbm>> -> memref<16384xf32, #tpu.memory_space<hbm>>
    tpu.enqueue_dma source(%dma_start3A_391 : memref<16384xf32, #tpu.memory_space<hbm>>) target(%arg7 : memref<16384xf32, #tpu.memory_space<vmem>>) target_semaphore(%arg13 : memref<!tpu.dma_semaphore, #tpu.memory_space<semaphore_mem>>)
    %dma_wait3A_392 = tpu.memref_slice %arg2[%add3A_367] : memref<33554432xf32, #tpu.memory_space<hbm>> -> memref<16384xf32, #tpu.memory_space<hbm>>
    %dma_wait3A_393 = tpu.memref_slice %arg2[%add3A_367] : memref<33554432xf32, #tpu.memory_space<hbm>> -> memref<16384xf32, #tpu.memory_space<hbm>>
    tpu.wait_dma2 semaphore(%arg12 : memref<!tpu.dma_semaphore, #tpu.memory_space<semaphore_mem>>) src(%dma_wait3A_393 : memref<16384xf32, #tpu.memory_space<hbm>>) dst(%arg6 : memref<16384xf32, #tpu.memory_space<vmem>>)
    %dma_wait3A_394 = tpu.memref_slice %arg3[%add3A_371] : memref<8388608xf32, #tpu.memory_space<hbm>> -> memref<16384xf32, #tpu.memory_space<hbm>>
    %dma_wait3A_395 = tpu.memref_slice %arg3[%add3A_371] : memref<8388608xf32, #tpu.memory_space<hbm>> -> memref<16384xf32, #tpu.memory_space<hbm>>
    tpu.wait_dma2 semaphore(%arg14 : memref<!tpu.dma_semaphore, #tpu.memory_space<semaphore_mem>>) src(%dma_wait3A_395 : memref<16384xf32, #tpu.memory_space<hbm>>) dst(%arg8 : memref<16384xf32, #tpu.memory_space<vmem>>)
    %dma_wait3A_396 = tpu.memref_slice %arg4[%add3A_363] : memref<33554432xf32, #tpu.memory_space<hbm>> -> memref<16384xf32, #tpu.memory_space<hbm>>
    %dma_wait3A_397 = tpu.memref_slice %arg4[%add3A_363] : memref<33554432xf32, #tpu.memory_space<hbm>> -> memref<16384xf32, #tpu.memory_space<hbm>>
    tpu.wait_dma2 semaphore(%arg16 : memref<!tpu.dma_semaphore, #tpu.memory_space<semaphore_mem>>) src(%arg6 : memref<16384xf32, #tpu.memory_space<vmem>>) dst(%dma_wait3A_397 : memref<16384xf32, #tpu.memory_space<hbm>>)
    %add3A_398 = arith.constant 344064 : i32
    %add3A_399 = arith.addi %mul3A_2, %add3A_398 : i32
    %dma_start3A_400 = tpu.memref_slice %arg4[%add3A_399] : memref<33554432xf32, #tpu.memory_space<hbm>> -> memref<16384xf32, #tpu.memory_space<hbm>>
    %dma_start3A_401 = tpu.memref_slice %arg4[%add3A_399] : memref<33554432xf32, #tpu.memory_space<hbm>> -> memref<16384xf32, #tpu.memory_space<hbm>>
    tpu.enqueue_dma source(%arg6 : memref<16384xf32, #tpu.memory_space<vmem>>) target(%dma_start3A_401 : memref<16384xf32, #tpu.memory_space<hbm>>) target_semaphore(%arg16 : memref<!tpu.dma_semaphore, #tpu.memory_space<semaphore_mem>>)
    %add3A_402 = arith.constant 376832 : i32
    %add3A_403 = arith.addi %mul3A_2, %add3A_402 : i32
    %dma_start3A_404 = tpu.memref_slice %arg2[%add3A_403] : memref<33554432xf32, #tpu.memory_space<hbm>> -> memref<16384xf32, #tpu.memory_space<hbm>>
    %dma_start3A_405 = tpu.memref_slice %arg2[%add3A_403] : memref<33554432xf32, #tpu.memory_space<hbm>> -> memref<16384xf32, #tpu.memory_space<hbm>>
    tpu.enqueue_dma source(%dma_start3A_405 : memref<16384xf32, #tpu.memory_space<hbm>>) target(%arg6 : memref<16384xf32, #tpu.memory_space<vmem>>) target_semaphore(%arg12 : memref<!tpu.dma_semaphore, #tpu.memory_space<semaphore_mem>>)
    %add3A_406 = arith.constant 376832 : i32
    %add3A_407 = arith.addi %rem3A_3, %add3A_406 : i32
    %dma_start3A_408 = tpu.memref_slice %arg3[%add3A_407] : memref<8388608xf32, #tpu.memory_space<hbm>> -> memref<16384xf32, #tpu.memory_space<hbm>>
    %dma_start3A_409 = tpu.memref_slice %arg3[%add3A_407] : memref<8388608xf32, #tpu.memory_space<hbm>> -> memref<16384xf32, #tpu.memory_space<hbm>>
    tpu.enqueue_dma source(%dma_start3A_409 : memref<16384xf32, #tpu.memory_space<hbm>>) target(%arg8 : memref<16384xf32, #tpu.memory_space<vmem>>) target_semaphore(%arg14 : memref<!tpu.dma_semaphore, #tpu.memory_space<semaphore_mem>>)
    %dma_wait3A_410 = tpu.memref_slice %arg2[%add3A_385] : memref<33554432xf32, #tpu.memory_space<hbm>> -> memref<16384xf32, #tpu.memory_space<hbm>>
    %dma_wait3A_411 = tpu.memref_slice %arg2[%add3A_385] : memref<33554432xf32, #tpu.memory_space<hbm>> -> memref<16384xf32, #tpu.memory_space<hbm>>
    tpu.wait_dma2 semaphore(%arg11 : memref<!tpu.dma_semaphore, #tpu.memory_space<semaphore_mem>>) src(%dma_wait3A_411 : memref<16384xf32, #tpu.memory_space<hbm>>) dst(%arg5 : memref<16384xf32, #tpu.memory_space<vmem>>)
    %dma_wait3A_412 = tpu.memref_slice %arg3[%add3A_389] : memref<8388608xf32, #tpu.memory_space<hbm>> -> memref<16384xf32, #tpu.memory_space<hbm>>
    %dma_wait3A_413 = tpu.memref_slice %arg3[%add3A_389] : memref<8388608xf32, #tpu.memory_space<hbm>> -> memref<16384xf32, #tpu.memory_space<hbm>>
    tpu.wait_dma2 semaphore(%arg13 : memref<!tpu.dma_semaphore, #tpu.memory_space<semaphore_mem>>) src(%dma_wait3A_413 : memref<16384xf32, #tpu.memory_space<hbm>>) dst(%arg7 : memref<16384xf32, #tpu.memory_space<vmem>>)
    %dma_wait3A_414 = tpu.memref_slice %arg4[%add3A_381] : memref<33554432xf32, #tpu.memory_space<hbm>> -> memref<16384xf32, #tpu.memory_space<hbm>>
    %dma_wait3A_415 = tpu.memref_slice %arg4[%add3A_381] : memref<33554432xf32, #tpu.memory_space<hbm>> -> memref<16384xf32, #tpu.memory_space<hbm>>
    tpu.wait_dma2 semaphore(%arg15 : memref<!tpu.dma_semaphore, #tpu.memory_space<semaphore_mem>>) src(%arg5 : memref<16384xf32, #tpu.memory_space<vmem>>) dst(%dma_wait3A_415 : memref<16384xf32, #tpu.memory_space<hbm>>)
    %add3A_416 = arith.constant 360448 : i32
    %add3A_417 = arith.addi %mul3A_2, %add3A_416 : i32
    %dma_start3A_418 = tpu.memref_slice %arg4[%add3A_417] : memref<33554432xf32, #tpu.memory_space<hbm>> -> memref<16384xf32, #tpu.memory_space<hbm>>
    %dma_start3A_419 = tpu.memref_slice %arg4[%add3A_417] : memref<33554432xf32, #tpu.memory_space<hbm>> -> memref<16384xf32, #tpu.memory_space<hbm>>
    tpu.enqueue_dma source(%arg5 : memref<16384xf32, #tpu.memory_space<vmem>>) target(%dma_start3A_419 : memref<16384xf32, #tpu.memory_space<hbm>>) target_semaphore(%arg15 : memref<!tpu.dma_semaphore, #tpu.memory_space<semaphore_mem>>)
    %add3A_420 = arith.constant 393216 : i32
    %add3A_421 = arith.addi %mul3A_2, %add3A_420 : i32
    %dma_start3A_422 = tpu.memref_slice %arg2[%add3A_421] : memref<33554432xf32, #tpu.memory_space<hbm>> -> memref<16384xf32, #tpu.memory_space<hbm>>
    %dma_start3A_423 = tpu.memref_slice %arg2[%add3A_421] : memref<33554432xf32, #tpu.memory_space<hbm>> -> memref<16384xf32, #tpu.memory_space<hbm>>
    tpu.enqueue_dma source(%dma_start3A_423 : memref<16384xf32, #tpu.memory_space<hbm>>) target(%arg5 : memref<16384xf32, #tpu.memory_space<vmem>>) target_semaphore(%arg11 : memref<!tpu.dma_semaphore, #tpu.memory_space<semaphore_mem>>)
    %add3A_424 = arith.constant 393216 : i32
    %add3A_425 = arith.addi %rem3A_3, %add3A_424 : i32
    %dma_start3A_426 = tpu.memref_slice %arg3[%add3A_425] : memref<8388608xf32, #tpu.memory_space<hbm>> -> memref<16384xf32, #tpu.memory_space<hbm>>
    %dma_start3A_427 = tpu.memref_slice %arg3[%add3A_425] : memref<8388608xf32, #tpu.memory_space<hbm>> -> memref<16384xf32, #tpu.memory_space<hbm>>
    tpu.enqueue_dma source(%dma_start3A_427 : memref<16384xf32, #tpu.memory_space<hbm>>) target(%arg7 : memref<16384xf32, #tpu.memory_space<vmem>>) target_semaphore(%arg13 : memref<!tpu.dma_semaphore, #tpu.memory_space<semaphore_mem>>)
    %dma_wait3A_428 = tpu.memref_slice %arg2[%add3A_403] : memref<33554432xf32, #tpu.memory_space<hbm>> -> memref<16384xf32, #tpu.memory_space<hbm>>
    %dma_wait3A_429 = tpu.memref_slice %arg2[%add3A_403] : memref<33554432xf32, #tpu.memory_space<hbm>> -> memref<16384xf32, #tpu.memory_space<hbm>>
    tpu.wait_dma2 semaphore(%arg12 : memref<!tpu.dma_semaphore, #tpu.memory_space<semaphore_mem>>) src(%dma_wait3A_429 : memref<16384xf32, #tpu.memory_space<hbm>>) dst(%arg6 : memref<16384xf32, #tpu.memory_space<vmem>>)
    %dma_wait3A_430 = tpu.memref_slice %arg3[%add3A_407] : memref<8388608xf32, #tpu.memory_space<hbm>> -> memref<16384xf32, #tpu.memory_space<hbm>>
    %dma_wait3A_431 = tpu.memref_slice %arg3[%add3A_407] : memref<8388608xf32, #tpu.memory_space<hbm>> -> memref<16384xf32, #tpu.memory_space<hbm>>
    tpu.wait_dma2 semaphore(%arg14 : memref<!tpu.dma_semaphore, #tpu.memory_space<semaphore_mem>>) src(%dma_wait3A_431 : memref<16384xf32, #tpu.memory_space<hbm>>) dst(%arg8 : memref<16384xf32, #tpu.memory_space<vmem>>)
    %dma_wait3A_432 = tpu.memref_slice %arg4[%add3A_399] : memref<33554432xf32, #tpu.memory_space<hbm>> -> memref<16384xf32, #tpu.memory_space<hbm>>
    %dma_wait3A_433 = tpu.memref_slice %arg4[%add3A_399] : memref<33554432xf32, #tpu.memory_space<hbm>> -> memref<16384xf32, #tpu.memory_space<hbm>>
    tpu.wait_dma2 semaphore(%arg16 : memref<!tpu.dma_semaphore, #tpu.memory_space<semaphore_mem>>) src(%arg6 : memref<16384xf32, #tpu.memory_space<vmem>>) dst(%dma_wait3A_433 : memref<16384xf32, #tpu.memory_space<hbm>>)
    %add3A_434 = arith.constant 376832 : i32
    %add3A_435 = arith.addi %mul3A_2, %add3A_434 : i32
    %dma_start3A_436 = tpu.memref_slice %arg4[%add3A_435] : memref<33554432xf32, #tpu.memory_space<hbm>> -> memref<16384xf32, #tpu.memory_space<hbm>>
    %dma_start3A_437 = tpu.memref_slice %arg4[%add3A_435] : memref<33554432xf32, #tpu.memory_space<hbm>> -> memref<16384xf32, #tpu.memory_space<hbm>>
    tpu.enqueue_dma source(%arg6 : memref<16384xf32, #tpu.memory_space<vmem>>) target(%dma_start3A_437 : memref<16384xf32, #tpu.memory_space<hbm>>) target_semaphore(%arg16 : memref<!tpu.dma_semaphore, #tpu.memory_space<semaphore_mem>>)
    %add3A_438 = arith.constant 409600 : i32
    %add3A_439 = arith.addi %mul3A_2, %add3A_438 : i32
    %dma_start3A_440 = tpu.memref_slice %arg2[%add3A_439] : memref<33554432xf32, #tpu.memory_space<hbm>> -> memref<16384xf32, #tpu.memory_space<hbm>>
    %dma_start3A_441 = tpu.memref_slice %arg2[%add3A_439] : memref<33554432xf32, #tpu.memory_space<hbm>> -> memref<16384xf32, #tpu.memory_space<hbm>>
    tpu.enqueue_dma source(%dma_start3A_441 : memref<16384xf32, #tpu.memory_space<hbm>>) target(%arg6 : memref<16384xf32, #tpu.memory_space<vmem>>) target_semaphore(%arg12 : memref<!tpu.dma_semaphore, #tpu.memory_space<semaphore_mem>>)
    %add3A_442 = arith.constant 409600 : i32
    %add3A_443 = arith.addi %rem3A_3, %add3A_442 : i32
    %dma_start3A_444 = tpu.memref_slice %arg3[%add3A_443] : memref<8388608xf32, #tpu.memory_space<hbm>> -> memref<16384xf32, #tpu.memory_space<hbm>>
    %dma_start3A_445 = tpu.memref_slice %arg3[%add3A_443] : memref<8388608xf32, #tpu.memory_space<hbm>> -> memref<16384xf32, #tpu.memory_space<hbm>>
    tpu.enqueue_dma source(%dma_start3A_445 : memref<16384xf32, #tpu.memory_space<hbm>>) target(%arg8 : memref<16384xf32, #tpu.memory_space<vmem>>) target_semaphore(%arg14 : memref<!tpu.dma_semaphore, #tpu.memory_space<semaphore_mem>>)
    %dma_wait3A_446 = tpu.memref_slice %arg2[%add3A_421] : memref<33554432xf32, #tpu.memory_space<hbm>> -> memref<16384xf32, #tpu.memory_space<hbm>>
    %dma_wait3A_447 = tpu.memref_slice %arg2[%add3A_421] : memref<33554432xf32, #tpu.memory_space<hbm>> -> memref<16384xf32, #tpu.memory_space<hbm>>
    tpu.wait_dma2 semaphore(%arg11 : memref<!tpu.dma_semaphore, #tpu.memory_space<semaphore_mem>>) src(%dma_wait3A_447 : memref<16384xf32, #tpu.memory_space<hbm>>) dst(%arg5 : memref<16384xf32, #tpu.memory_space<vmem>>)
    %dma_wait3A_448 = tpu.memref_slice %arg3[%add3A_425] : memref<8388608xf32, #tpu.memory_space<hbm>> -> memref<16384xf32, #tpu.memory_space<hbm>>
    %dma_wait3A_449 = tpu.memref_slice %arg3[%add3A_425] : memref<8388608xf32, #tpu.memory_space<hbm>> -> memref<16384xf32, #tpu.memory_space<hbm>>
    tpu.wait_dma2 semaphore(%arg13 : memref<!tpu.dma_semaphore, #tpu.memory_space<semaphore_mem>>) src(%dma_wait3A_449 : memref<16384xf32, #tpu.memory_space<hbm>>) dst(%arg7 : memref<16384xf32, #tpu.memory_space<vmem>>)
    %dma_wait3A_450 = tpu.memref_slice %arg4[%add3A_417] : memref<33554432xf32, #tpu.memory_space<hbm>> -> memref<16384xf32, #tpu.memory_space<hbm>>
    %dma_wait3A_451 = tpu.memref_slice %arg4[%add3A_417] : memref<33554432xf32, #tpu.memory_space<hbm>> -> memref<16384xf32, #tpu.memory_space<hbm>>
    tpu.wait_dma2 semaphore(%arg15 : memref<!tpu.dma_semaphore, #tpu.memory_space<semaphore_mem>>) src(%arg5 : memref<16384xf32, #tpu.memory_space<vmem>>) dst(%dma_wait3A_451 : memref<16384xf32, #tpu.memory_space<hbm>>)
    %add3A_452 = arith.constant 393216 : i32
    %add3A_453 = arith.addi %mul3A_2, %add3A_452 : i32
    %dma_start3A_454 = tpu.memref_slice %arg4[%add3A_453] : memref<33554432xf32, #tpu.memory_space<hbm>> -> memref<16384xf32, #tpu.memory_space<hbm>>
    %dma_start3A_455 = tpu.memref_slice %arg4[%add3A_453] : memref<33554432xf32, #tpu.memory_space<hbm>> -> memref<16384xf32, #tpu.memory_space<hbm>>
    tpu.enqueue_dma source(%arg5 : memref<16384xf32, #tpu.memory_space<vmem>>) target(%dma_start3A_455 : memref<16384xf32, #tpu.memory_space<hbm>>) target_semaphore(%arg15 : memref<!tpu.dma_semaphore, #tpu.memory_space<semaphore_mem>>)
    %add3A_456 = arith.constant 425984 : i32
    %add3A_457 = arith.addi %mul3A_2, %add3A_456 : i32
    %dma_start3A_458 = tpu.memref_slice %arg2[%add3A_457] : memref<33554432xf32, #tpu.memory_space<hbm>> -> memref<16384xf32, #tpu.memory_space<hbm>>
    %dma_start3A_459 = tpu.memref_slice %arg2[%add3A_457] : memref<33554432xf32, #tpu.memory_space<hbm>> -> memref<16384xf32, #tpu.memory_space<hbm>>
    tpu.enqueue_dma source(%dma_start3A_459 : memref<16384xf32, #tpu.memory_space<hbm>>) target(%arg5 : memref<16384xf32, #tpu.memory_space<vmem>>) target_semaphore(%arg11 : memref<!tpu.dma_semaphore, #tpu.memory_space<semaphore_mem>>)
    %add3A_460 = arith.constant 425984 : i32
    %add3A_461 = arith.addi %rem3A_3, %add3A_460 : i32
    %dma_start3A_462 = tpu.memref_slice %arg3[%add3A_461] : memref<8388608xf32, #tpu.memory_space<hbm>> -> memref<16384xf32, #tpu.memory_space<hbm>>
    %dma_start3A_463 = tpu.memref_slice %arg3[%add3A_461] : memref<8388608xf32, #tpu.memory_space<hbm>> -> memref<16384xf32, #tpu.memory_space<hbm>>
    tpu.enqueue_dma source(%dma_start3A_463 : memref<16384xf32, #tpu.memory_space<hbm>>) target(%arg7 : memref<16384xf32, #tpu.memory_space<vmem>>) target_semaphore(%arg13 : memref<!tpu.dma_semaphore, #tpu.memory_space<semaphore_mem>>)
    %dma_wait3A_464 = tpu.memref_slice %arg2[%add3A_439] : memref<33554432xf32, #tpu.memory_space<hbm>> -> memref<16384xf32, #tpu.memory_space<hbm>>
    %dma_wait3A_465 = tpu.memref_slice %arg2[%add3A_439] : memref<33554432xf32, #tpu.memory_space<hbm>> -> memref<16384xf32, #tpu.memory_space<hbm>>
    tpu.wait_dma2 semaphore(%arg12 : memref<!tpu.dma_semaphore, #tpu.memory_space<semaphore_mem>>) src(%dma_wait3A_465 : memref<16384xf32, #tpu.memory_space<hbm>>) dst(%arg6 : memref<16384xf32, #tpu.memory_space<vmem>>)
    %dma_wait3A_466 = tpu.memref_slice %arg3[%add3A_443] : memref<8388608xf32, #tpu.memory_space<hbm>> -> memref<16384xf32, #tpu.memory_space<hbm>>
    %dma_wait3A_467 = tpu.memref_slice %arg3[%add3A_443] : memref<8388608xf32, #tpu.memory_space<hbm>> -> memref<16384xf32, #tpu.memory_space<hbm>>
    tpu.wait_dma2 semaphore(%arg14 : memref<!tpu.dma_semaphore, #tpu.memory_space<semaphore_mem>>) src(%dma_wait3A_467 : memref<16384xf32, #tpu.memory_space<hbm>>) dst(%arg8 : memref<16384xf32, #tpu.memory_space<vmem>>)
    %dma_wait3A_468 = tpu.memref_slice %arg4[%add3A_435] : memref<33554432xf32, #tpu.memory_space<hbm>> -> memref<16384xf32, #tpu.memory_space<hbm>>
    %dma_wait3A_469 = tpu.memref_slice %arg4[%add3A_435] : memref<33554432xf32, #tpu.memory_space<hbm>> -> memref<16384xf32, #tpu.memory_space<hbm>>
    tpu.wait_dma2 semaphore(%arg16 : memref<!tpu.dma_semaphore, #tpu.memory_space<semaphore_mem>>) src(%arg6 : memref<16384xf32, #tpu.memory_space<vmem>>) dst(%dma_wait3A_469 : memref<16384xf32, #tpu.memory_space<hbm>>)
    %add3A_470 = arith.constant 409600 : i32
    %add3A_471 = arith.addi %mul3A_2, %add3A_470 : i32
    %dma_start3A_472 = tpu.memref_slice %arg4[%add3A_471] : memref<33554432xf32, #tpu.memory_space<hbm>> -> memref<16384xf32, #tpu.memory_space<hbm>>
    %dma_start3A_473 = tpu.memref_slice %arg4[%add3A_471] : memref<33554432xf32, #tpu.memory_space<hbm>> -> memref<16384xf32, #tpu.memory_space<hbm>>
    tpu.enqueue_dma source(%arg6 : memref<16384xf32, #tpu.memory_space<vmem>>) target(%dma_start3A_473 : memref<16384xf32, #tpu.memory_space<hbm>>) target_semaphore(%arg16 : memref<!tpu.dma_semaphore, #tpu.memory_space<semaphore_mem>>)
    %add3A_474 = arith.constant 442368 : i32
    %add3A_475 = arith.addi %mul3A_2, %add3A_474 : i32
    %dma_start3A_476 = tpu.memref_slice %arg2[%add3A_475] : memref<33554432xf32, #tpu.memory_space<hbm>> -> memref<16384xf32, #tpu.memory_space<hbm>>
    %dma_start3A_477 = tpu.memref_slice %arg2[%add3A_475] : memref<33554432xf32, #tpu.memory_space<hbm>> -> memref<16384xf32, #tpu.memory_space<hbm>>
    tpu.enqueue_dma source(%dma_start3A_477 : memref<16384xf32, #tpu.memory_space<hbm>>) target(%arg6 : memref<16384xf32, #tpu.memory_space<vmem>>) target_semaphore(%arg12 : memref<!tpu.dma_semaphore, #tpu.memory_space<semaphore_mem>>)
    %add3A_478 = arith.constant 442368 : i32
    %add3A_479 = arith.addi %rem3A_3, %add3A_478 : i32
    %dma_start3A_480 = tpu.memref_slice %arg3[%add3A_479] : memref<8388608xf32, #tpu.memory_space<hbm>> -> memref<16384xf32, #tpu.memory_space<hbm>>
    %dma_start3A_481 = tpu.memref_slice %arg3[%add3A_479] : memref<8388608xf32, #tpu.memory_space<hbm>> -> memref<16384xf32, #tpu.memory_space<hbm>>
    tpu.enqueue_dma source(%dma_start3A_481 : memref<16384xf32, #tpu.memory_space<hbm>>) target(%arg8 : memref<16384xf32, #tpu.memory_space<vmem>>) target_semaphore(%arg14 : memref<!tpu.dma_semaphore, #tpu.memory_space<semaphore_mem>>)
    %dma_wait3A_482 = tpu.memref_slice %arg2[%add3A_457] : memref<33554432xf32, #tpu.memory_space<hbm>> -> memref<16384xf32, #tpu.memory_space<hbm>>
    %dma_wait3A_483 = tpu.memref_slice %arg2[%add3A_457] : memref<33554432xf32, #tpu.memory_space<hbm>> -> memref<16384xf32, #tpu.memory_space<hbm>>
    tpu.wait_dma2 semaphore(%arg11 : memref<!tpu.dma_semaphore, #tpu.memory_space<semaphore_mem>>) src(%dma_wait3A_483 : memref<16384xf32, #tpu.memory_space<hbm>>) dst(%arg5 : memref<16384xf32, #tpu.memory_space<vmem>>)
    %dma_wait3A_484 = tpu.memref_slice %arg3[%add3A_461] : memref<8388608xf32, #tpu.memory_space<hbm>> -> memref<16384xf32, #tpu.memory_space<hbm>>
    %dma_wait3A_485 = tpu.memref_slice %arg3[%add3A_461] : memref<8388608xf32, #tpu.memory_space<hbm>> -> memref<16384xf32, #tpu.memory_space<hbm>>
    tpu.wait_dma2 semaphore(%arg13 : memref<!tpu.dma_semaphore, #tpu.memory_space<semaphore_mem>>) src(%dma_wait3A_485 : memref<16384xf32, #tpu.memory_space<hbm>>) dst(%arg7 : memref<16384xf32, #tpu.memory_space<vmem>>)
    %dma_wait3A_486 = tpu.memref_slice %arg4[%add3A_453] : memref<33554432xf32, #tpu.memory_space<hbm>> -> memref<16384xf32, #tpu.memory_space<hbm>>
    %dma_wait3A_487 = tpu.memref_slice %arg4[%add3A_453] : memref<33554432xf32, #tpu.memory_space<hbm>> -> memref<16384xf32, #tpu.memory_space<hbm>>
    tpu.wait_dma2 semaphore(%arg15 : memref<!tpu.dma_semaphore, #tpu.memory_space<semaphore_mem>>) src(%arg5 : memref<16384xf32, #tpu.memory_space<vmem>>) dst(%dma_wait3A_487 : memref<16384xf32, #tpu.memory_space<hbm>>)
    %add3A_488 = arith.constant 425984 : i32
    %add3A_489 = arith.addi %mul3A_2, %add3A_488 : i32
    %dma_start3A_490 = tpu.memref_slice %arg4[%add3A_489] : memref<33554432xf32, #tpu.memory_space<hbm>> -> memref<16384xf32, #tpu.memory_space<hbm>>
    %dma_start3A_491 = tpu.memref_slice %arg4[%add3A_489] : memref<33554432xf32, #tpu.memory_space<hbm>> -> memref<16384xf32, #tpu.memory_space<hbm>>
    tpu.enqueue_dma source(%arg5 : memref<16384xf32, #tpu.memory_space<vmem>>) target(%dma_start3A_491 : memref<16384xf32, #tpu.memory_space<hbm>>) target_semaphore(%arg15 : memref<!tpu.dma_semaphore, #tpu.memory_space<semaphore_mem>>)
    %add3A_492 = arith.constant 458752 : i32
    %add3A_493 = arith.addi %mul3A_2, %add3A_492 : i32
    %dma_start3A_494 = tpu.memref_slice %arg2[%add3A_493] : memref<33554432xf32, #tpu.memory_space<hbm>> -> memref<16384xf32, #tpu.memory_space<hbm>>
    %dma_start3A_495 = tpu.memref_slice %arg2[%add3A_493] : memref<33554432xf32, #tpu.memory_space<hbm>> -> memref<16384xf32, #tpu.memory_space<hbm>>
    tpu.enqueue_dma source(%dma_start3A_495 : memref<16384xf32, #tpu.memory_space<hbm>>) target(%arg5 : memref<16384xf32, #tpu.memory_space<vmem>>) target_semaphore(%arg11 : memref<!tpu.dma_semaphore, #tpu.memory_space<semaphore_mem>>)
    %add3A_496 = arith.constant 458752 : i32
    %add3A_497 = arith.addi %rem3A_3, %add3A_496 : i32
    %dma_start3A_498 = tpu.memref_slice %arg3[%add3A_497] : memref<8388608xf32, #tpu.memory_space<hbm>> -> memref<16384xf32, #tpu.memory_space<hbm>>
    %dma_start3A_499 = tpu.memref_slice %arg3[%add3A_497] : memref<8388608xf32, #tpu.memory_space<hbm>> -> memref<16384xf32, #tpu.memory_space<hbm>>
    tpu.enqueue_dma source(%dma_start3A_499 : memref<16384xf32, #tpu.memory_space<hbm>>) target(%arg7 : memref<16384xf32, #tpu.memory_space<vmem>>) target_semaphore(%arg13 : memref<!tpu.dma_semaphore, #tpu.memory_space<semaphore_mem>>)
    %dma_wait3A_500 = tpu.memref_slice %arg2[%add3A_475] : memref<33554432xf32, #tpu.memory_space<hbm>> -> memref<16384xf32, #tpu.memory_space<hbm>>
    %dma_wait3A_501 = tpu.memref_slice %arg2[%add3A_475] : memref<33554432xf32, #tpu.memory_space<hbm>> -> memref<16384xf32, #tpu.memory_space<hbm>>
    tpu.wait_dma2 semaphore(%arg12 : memref<!tpu.dma_semaphore, #tpu.memory_space<semaphore_mem>>) src(%dma_wait3A_501 : memref<16384xf32, #tpu.memory_space<hbm>>) dst(%arg6 : memref<16384xf32, #tpu.memory_space<vmem>>)
    %dma_wait3A_502 = tpu.memref_slice %arg3[%add3A_479] : memref<8388608xf32, #tpu.memory_space<hbm>> -> memref<16384xf32, #tpu.memory_space<hbm>>
    %dma_wait3A_503 = tpu.memref_slice %arg3[%add3A_479] : memref<8388608xf32, #tpu.memory_space<hbm>> -> memref<16384xf32, #tpu.memory_space<hbm>>
    tpu.wait_dma2 semaphore(%arg14 : memref<!tpu.dma_semaphore, #tpu.memory_space<semaphore_mem>>) src(%dma_wait3A_503 : memref<16384xf32, #tpu.memory_space<hbm>>) dst(%arg8 : memref<16384xf32, #tpu.memory_space<vmem>>)
    %dma_wait3A_504 = tpu.memref_slice %arg4[%add3A_471] : memref<33554432xf32, #tpu.memory_space<hbm>> -> memref<16384xf32, #tpu.memory_space<hbm>>
    %dma_wait3A_505 = tpu.memref_slice %arg4[%add3A_471] : memref<33554432xf32, #tpu.memory_space<hbm>> -> memref<16384xf32, #tpu.memory_space<hbm>>
    tpu.wait_dma2 semaphore(%arg16 : memref<!tpu.dma_semaphore, #tpu.memory_space<semaphore_mem>>) src(%arg6 : memref<16384xf32, #tpu.memory_space<vmem>>) dst(%dma_wait3A_505 : memref<16384xf32, #tpu.memory_space<hbm>>)
    %add3A_506 = arith.constant 442368 : i32
    %add3A_507 = arith.addi %mul3A_2, %add3A_506 : i32
    %dma_start3A_508 = tpu.memref_slice %arg4[%add3A_507] : memref<33554432xf32, #tpu.memory_space<hbm>> -> memref<16384xf32, #tpu.memory_space<hbm>>
    %dma_start3A_509 = tpu.memref_slice %arg4[%add3A_507] : memref<33554432xf32, #tpu.memory_space<hbm>> -> memref<16384xf32, #tpu.memory_space<hbm>>
    tpu.enqueue_dma source(%arg6 : memref<16384xf32, #tpu.memory_space<vmem>>) target(%dma_start3A_509 : memref<16384xf32, #tpu.memory_space<hbm>>) target_semaphore(%arg16 : memref<!tpu.dma_semaphore, #tpu.memory_space<semaphore_mem>>)
    %add3A_510 = arith.constant 475136 : i32
    %add3A_511 = arith.addi %mul3A_2, %add3A_510 : i32
    %dma_start3A_512 = tpu.memref_slice %arg2[%add3A_511] : memref<33554432xf32, #tpu.memory_space<hbm>> -> memref<16384xf32, #tpu.memory_space<hbm>>
    %dma_start3A_513 = tpu.memref_slice %arg2[%add3A_511] : memref<33554432xf32, #tpu.memory_space<hbm>> -> memref<16384xf32, #tpu.memory_space<hbm>>
    tpu.enqueue_dma source(%dma_start3A_513 : memref<16384xf32, #tpu.memory_space<hbm>>) target(%arg6 : memref<16384xf32, #tpu.memory_space<vmem>>) target_semaphore(%arg12 : memref<!tpu.dma_semaphore, #tpu.memory_space<semaphore_mem>>)
    %add3A_514 = arith.constant 475136 : i32
    %add3A_515 = arith.addi %rem3A_3, %add3A_514 : i32
    %dma_start3A_516 = tpu.memref_slice %arg3[%add3A_515] : memref<8388608xf32, #tpu.memory_space<hbm>> -> memref<16384xf32, #tpu.memory_space<hbm>>
    %dma_start3A_517 = tpu.memref_slice %arg3[%add3A_515] : memref<8388608xf32, #tpu.memory_space<hbm>> -> memref<16384xf32, #tpu.memory_space<hbm>>
    tpu.enqueue_dma source(%dma_start3A_517 : memref<16384xf32, #tpu.memory_space<hbm>>) target(%arg8 : memref<16384xf32, #tpu.memory_space<vmem>>) target_semaphore(%arg14 : memref<!tpu.dma_semaphore, #tpu.memory_space<semaphore_mem>>)
    %dma_wait3A_518 = tpu.memref_slice %arg2[%add3A_493] : memref<33554432xf32, #tpu.memory_space<hbm>> -> memref<16384xf32, #tpu.memory_space<hbm>>
    %dma_wait3A_519 = tpu.memref_slice %arg2[%add3A_493] : memref<33554432xf32, #tpu.memory_space<hbm>> -> memref<16384xf32, #tpu.memory_space<hbm>>
    tpu.wait_dma2 semaphore(%arg11 : memref<!tpu.dma_semaphore, #tpu.memory_space<semaphore_mem>>) src(%dma_wait3A_519 : memref<16384xf32, #tpu.memory_space<hbm>>) dst(%arg5 : memref<16384xf32, #tpu.memory_space<vmem>>)
    %dma_wait3A_520 = tpu.memref_slice %arg3[%add3A_497] : memref<8388608xf32, #tpu.memory_space<hbm>> -> memref<16384xf32, #tpu.memory_space<hbm>>
    %dma_wait3A_521 = tpu.memref_slice %arg3[%add3A_497] : memref<8388608xf32, #tpu.memory_space<hbm>> -> memref<16384xf32, #tpu.memory_space<hbm>>
    tpu.wait_dma2 semaphore(%arg13 : memref<!tpu.dma_semaphore, #tpu.memory_space<semaphore_mem>>) src(%dma_wait3A_521 : memref<16384xf32, #tpu.memory_space<hbm>>) dst(%arg7 : memref<16384xf32, #tpu.memory_space<vmem>>)
    %dma_wait3A_522 = tpu.memref_slice %arg4[%add3A_489] : memref<33554432xf32, #tpu.memory_space<hbm>> -> memref<16384xf32, #tpu.memory_space<hbm>>
    %dma_wait3A_523 = tpu.memref_slice %arg4[%add3A_489] : memref<33554432xf32, #tpu.memory_space<hbm>> -> memref<16384xf32, #tpu.memory_space<hbm>>
    tpu.wait_dma2 semaphore(%arg15 : memref<!tpu.dma_semaphore, #tpu.memory_space<semaphore_mem>>) src(%arg5 : memref<16384xf32, #tpu.memory_space<vmem>>) dst(%dma_wait3A_523 : memref<16384xf32, #tpu.memory_space<hbm>>)
    %add3A_524 = arith.constant 458752 : i32
    %add3A_525 = arith.addi %mul3A_2, %add3A_524 : i32
    %dma_start3A_526 = tpu.memref_slice %arg4[%add3A_525] : memref<33554432xf32, #tpu.memory_space<hbm>> -> memref<16384xf32, #tpu.memory_space<hbm>>
    %dma_start3A_527 = tpu.memref_slice %arg4[%add3A_525] : memref<33554432xf32, #tpu.memory_space<hbm>> -> memref<16384xf32, #tpu.memory_space<hbm>>
    tpu.enqueue_dma source(%arg5 : memref<16384xf32, #tpu.memory_space<vmem>>) target(%dma_start3A_527 : memref<16384xf32, #tpu.memory_space<hbm>>) target_semaphore(%arg15 : memref<!tpu.dma_semaphore, #tpu.memory_space<semaphore_mem>>)
    %add3A_528 = arith.constant 491520 : i32
    %add3A_529 = arith.addi %mul3A_2, %add3A_528 : i32
    %dma_start3A_530 = tpu.memref_slice %arg2[%add3A_529] : memref<33554432xf32, #tpu.memory_space<hbm>> -> memref<16384xf32, #tpu.memory_space<hbm>>
    %dma_start3A_531 = tpu.memref_slice %arg2[%add3A_529] : memref<33554432xf32, #tpu.memory_space<hbm>> -> memref<16384xf32, #tpu.memory_space<hbm>>
    tpu.enqueue_dma source(%dma_start3A_531 : memref<16384xf32, #tpu.memory_space<hbm>>) target(%arg5 : memref<16384xf32, #tpu.memory_space<vmem>>) target_semaphore(%arg11 : memref<!tpu.dma_semaphore, #tpu.memory_space<semaphore_mem>>)
    %add3A_532 = arith.constant 491520 : i32
    %add3A_533 = arith.addi %rem3A_3, %add3A_532 : i32
    %dma_start3A_534 = tpu.memref_slice %arg3[%add3A_533] : memref<8388608xf32, #tpu.memory_space<hbm>> -> memref<16384xf32, #tpu.memory_space<hbm>>
    %dma_start3A_535 = tpu.memref_slice %arg3[%add3A_533] : memref<8388608xf32, #tpu.memory_space<hbm>> -> memref<16384xf32, #tpu.memory_space<hbm>>
    tpu.enqueue_dma source(%dma_start3A_535 : memref<16384xf32, #tpu.memory_space<hbm>>) target(%arg7 : memref<16384xf32, #tpu.memory_space<vmem>>) target_semaphore(%arg13 : memref<!tpu.dma_semaphore, #tpu.memory_space<semaphore_mem>>)
    %dma_wait3A_536 = tpu.memref_slice %arg2[%add3A_511] : memref<33554432xf32, #tpu.memory_space<hbm>> -> memref<16384xf32, #tpu.memory_space<hbm>>
    %dma_wait3A_537 = tpu.memref_slice %arg2[%add3A_511] : memref<33554432xf32, #tpu.memory_space<hbm>> -> memref<16384xf32, #tpu.memory_space<hbm>>
    tpu.wait_dma2 semaphore(%arg12 : memref<!tpu.dma_semaphore, #tpu.memory_space<semaphore_mem>>) src(%dma_wait3A_537 : memref<16384xf32, #tpu.memory_space<hbm>>) dst(%arg6 : memref<16384xf32, #tpu.memory_space<vmem>>)
    %dma_wait3A_538 = tpu.memref_slice %arg3[%add3A_515] : memref<8388608xf32, #tpu.memory_space<hbm>> -> memref<16384xf32, #tpu.memory_space<hbm>>
    %dma_wait3A_539 = tpu.memref_slice %arg3[%add3A_515] : memref<8388608xf32, #tpu.memory_space<hbm>> -> memref<16384xf32, #tpu.memory_space<hbm>>
    tpu.wait_dma2 semaphore(%arg14 : memref<!tpu.dma_semaphore, #tpu.memory_space<semaphore_mem>>) src(%dma_wait3A_539 : memref<16384xf32, #tpu.memory_space<hbm>>) dst(%arg8 : memref<16384xf32, #tpu.memory_space<vmem>>)
    %dma_wait3A_540 = tpu.memref_slice %arg4[%add3A_507] : memref<33554432xf32, #tpu.memory_space<hbm>> -> memref<16384xf32, #tpu.memory_space<hbm>>
    %dma_wait3A_541 = tpu.memref_slice %arg4[%add3A_507] : memref<33554432xf32, #tpu.memory_space<hbm>> -> memref<16384xf32, #tpu.memory_space<hbm>>
    tpu.wait_dma2 semaphore(%arg16 : memref<!tpu.dma_semaphore, #tpu.memory_space<semaphore_mem>>) src(%arg6 : memref<16384xf32, #tpu.memory_space<vmem>>) dst(%dma_wait3A_541 : memref<16384xf32, #tpu.memory_space<hbm>>)
    %add3A_542 = arith.constant 475136 : i32
    %add3A_543 = arith.addi %mul3A_2, %add3A_542 : i32
    %dma_start3A_544 = tpu.memref_slice %arg4[%add3A_543] : memref<33554432xf32, #tpu.memory_space<hbm>> -> memref<16384xf32, #tpu.memory_space<hbm>>
    %dma_start3A_545 = tpu.memref_slice %arg4[%add3A_543] : memref<33554432xf32, #tpu.memory_space<hbm>> -> memref<16384xf32, #tpu.memory_space<hbm>>
    tpu.enqueue_dma source(%arg6 : memref<16384xf32, #tpu.memory_space<vmem>>) target(%dma_start3A_545 : memref<16384xf32, #tpu.memory_space<hbm>>) target_semaphore(%arg16 : memref<!tpu.dma_semaphore, #tpu.memory_space<semaphore_mem>>)
    %add3A_546 = arith.constant 507904 : i32
    %add3A_547 = arith.addi %mul3A_2, %add3A_546 : i32
    %dma_start3A_548 = tpu.memref_slice %arg2[%add3A_547] : memref<33554432xf32, #tpu.memory_space<hbm>> -> memref<16384xf32, #tpu.memory_space<hbm>>
    %dma_start3A_549 = tpu.memref_slice %arg2[%add3A_547] : memref<33554432xf32, #tpu.memory_space<hbm>> -> memref<16384xf32, #tpu.memory_space<hbm>>
    tpu.enqueue_dma source(%dma_start3A_549 : memref<16384xf32, #tpu.memory_space<hbm>>) target(%arg6 : memref<16384xf32, #tpu.memory_space<vmem>>) target_semaphore(%arg12 : memref<!tpu.dma_semaphore, #tpu.memory_space<semaphore_mem>>)
    %add3A_550 = arith.constant 507904 : i32
    %add3A_551 = arith.addi %rem3A_3, %add3A_550 : i32
    %dma_start3A_552 = tpu.memref_slice %arg3[%add3A_551] : memref<8388608xf32, #tpu.memory_space<hbm>> -> memref<16384xf32, #tpu.memory_space<hbm>>
    %dma_start3A_553 = tpu.memref_slice %arg3[%add3A_551] : memref<8388608xf32, #tpu.memory_space<hbm>> -> memref<16384xf32, #tpu.memory_space<hbm>>
    tpu.enqueue_dma source(%dma_start3A_553 : memref<16384xf32, #tpu.memory_space<hbm>>) target(%arg8 : memref<16384xf32, #tpu.memory_space<vmem>>) target_semaphore(%arg14 : memref<!tpu.dma_semaphore, #tpu.memory_space<semaphore_mem>>)
    %dma_wait3A_554 = tpu.memref_slice %arg2[%add3A_529] : memref<33554432xf32, #tpu.memory_space<hbm>> -> memref<16384xf32, #tpu.memory_space<hbm>>
    %dma_wait3A_555 = tpu.memref_slice %arg2[%add3A_529] : memref<33554432xf32, #tpu.memory_space<hbm>> -> memref<16384xf32, #tpu.memory_space<hbm>>
    tpu.wait_dma2 semaphore(%arg11 : memref<!tpu.dma_semaphore, #tpu.memory_space<semaphore_mem>>) src(%dma_wait3A_555 : memref<16384xf32, #tpu.memory_space<hbm>>) dst(%arg5 : memref<16384xf32, #tpu.memory_space<vmem>>)
    %dma_wait3A_556 = tpu.memref_slice %arg3[%add3A_533] : memref<8388608xf32, #tpu.memory_space<hbm>> -> memref<16384xf32, #tpu.memory_space<hbm>>
    %dma_wait3A_557 = tpu.memref_slice %arg3[%add3A_533] : memref<8388608xf32, #tpu.memory_space<hbm>> -> memref<16384xf32, #tpu.memory_space<hbm>>
    tpu.wait_dma2 semaphore(%arg13 : memref<!tpu.dma_semaphore, #tpu.memory_space<semaphore_mem>>) src(%dma_wait3A_557 : memref<16384xf32, #tpu.memory_space<hbm>>) dst(%arg7 : memref<16384xf32, #tpu.memory_space<vmem>>)
    %dma_wait3A_558 = tpu.memref_slice %arg4[%add3A_525] : memref<33554432xf32, #tpu.memory_space<hbm>> -> memref<16384xf32, #tpu.memory_space<hbm>>
    %dma_wait3A_559 = tpu.memref_slice %arg4[%add3A_525] : memref<33554432xf32, #tpu.memory_space<hbm>> -> memref<16384xf32, #tpu.memory_space<hbm>>
    tpu.wait_dma2 semaphore(%arg15 : memref<!tpu.dma_semaphore, #tpu.memory_space<semaphore_mem>>) src(%arg5 : memref<16384xf32, #tpu.memory_space<vmem>>) dst(%dma_wait3A_559 : memref<16384xf32, #tpu.memory_space<hbm>>)
    %add3A_560 = arith.constant 491520 : i32
    %add3A_561 = arith.addi %mul3A_2, %add3A_560 : i32
    %dma_start3A_562 = tpu.memref_slice %arg4[%add3A_561] : memref<33554432xf32, #tpu.memory_space<hbm>> -> memref<16384xf32, #tpu.memory_space<hbm>>
    %dma_start3A_563 = tpu.memref_slice %arg4[%add3A_561] : memref<33554432xf32, #tpu.memory_space<hbm>> -> memref<16384xf32, #tpu.memory_space<hbm>>
    tpu.enqueue_dma source(%arg5 : memref<16384xf32, #tpu.memory_space<vmem>>) target(%dma_start3A_563 : memref<16384xf32, #tpu.memory_space<hbm>>) target_semaphore(%arg15 : memref<!tpu.dma_semaphore, #tpu.memory_space<semaphore_mem>>)
    %add3A_564 = arith.constant 524288 : i32
    %add3A_565 = arith.addi %mul3A_2, %add3A_564 : i32
    %dma_start3A_566 = tpu.memref_slice %arg2[%add3A_565] : memref<33554432xf32, #tpu.memory_space<hbm>> -> memref<16384xf32, #tpu.memory_space<hbm>>
    %dma_start3A_567 = tpu.memref_slice %arg2[%add3A_565] : memref<33554432xf32, #tpu.memory_space<hbm>> -> memref<16384xf32, #tpu.memory_space<hbm>>
    tpu.enqueue_dma source(%dma_start3A_567 : memref<16384xf32, #tpu.memory_space<hbm>>) target(%arg5 : memref<16384xf32, #tpu.memory_space<vmem>>) target_semaphore(%arg11 : memref<!tpu.dma_semaphore, #tpu.memory_space<semaphore_mem>>)
    %add3A_568 = arith.constant 524288 : i32
    %add3A_569 = arith.addi %rem3A_3, %add3A_568 : i32
    %dma_start3A_570 = tpu.memref_slice %arg3[%add3A_569] : memref<8388608xf32, #tpu.memory_space<hbm>> -> memref<16384xf32, #tpu.memory_space<hbm>>
    %dma_start3A_571 = tpu.memref_slice %arg3[%add3A_569] : memref<8388608xf32, #tpu.memory_space<hbm>> -> memref<16384xf32, #tpu.memory_space<hbm>>
    tpu.enqueue_dma source(%dma_start3A_571 : memref<16384xf32, #tpu.memory_space<hbm>>) target(%arg7 : memref<16384xf32, #tpu.memory_space<vmem>>) target_semaphore(%arg13 : memref<!tpu.dma_semaphore, #tpu.memory_space<semaphore_mem>>)
    %dma_wait3A_572 = tpu.memref_slice %arg2[%add3A_547] : memref<33554432xf32, #tpu.memory_space<hbm>> -> memref<16384xf32, #tpu.memory_space<hbm>>
    %dma_wait3A_573 = tpu.memref_slice %arg2[%add3A_547] : memref<33554432xf32, #tpu.memory_space<hbm>> -> memref<16384xf32, #tpu.memory_space<hbm>>
    tpu.wait_dma2 semaphore(%arg12 : memref<!tpu.dma_semaphore, #tpu.memory_space<semaphore_mem>>) src(%dma_wait3A_573 : memref<16384xf32, #tpu.memory_space<hbm>>) dst(%arg6 : memref<16384xf32, #tpu.memory_space<vmem>>)
    %dma_wait3A_574 = tpu.memref_slice %arg3[%add3A_551] : memref<8388608xf32, #tpu.memory_space<hbm>> -> memref<16384xf32, #tpu.memory_space<hbm>>
    %dma_wait3A_575 = tpu.memref_slice %arg3[%add3A_551] : memref<8388608xf32, #tpu.memory_space<hbm>> -> memref<16384xf32, #tpu.memory_space<hbm>>
    tpu.wait_dma2 semaphore(%arg14 : memref<!tpu.dma_semaphore, #tpu.memory_space<semaphore_mem>>) src(%dma_wait3A_575 : memref<16384xf32, #tpu.memory_space<hbm>>) dst(%arg8 : memref<16384xf32, #tpu.memory_space<vmem>>)
    %dma_wait3A_576 = tpu.memref_slice %arg4[%add3A_543] : memref<33554432xf32, #tpu.memory_space<hbm>> -> memref<16384xf32, #tpu.memory_space<hbm>>
    %dma_wait3A_577 = tpu.memref_slice %arg4[%add3A_543] : memref<33554432xf32, #tpu.memory_space<hbm>> -> memref<16384xf32, #tpu.memory_space<hbm>>
    tpu.wait_dma2 semaphore(%arg16 : memref<!tpu.dma_semaphore, #tpu.memory_space<semaphore_mem>>) src(%arg6 : memref<16384xf32, #tpu.memory_space<vmem>>) dst(%dma_wait3A_577 : memref<16384xf32, #tpu.memory_space<hbm>>)
    %add3A_578 = arith.constant 507904 : i32
    %add3A_579 = arith.addi %mul3A_2, %add3A_578 : i32
    %dma_start3A_580 = tpu.memref_slice %arg4[%add3A_579] : memref<33554432xf32, #tpu.memory_space<hbm>> -> memref<16384xf32, #tpu.memory_space<hbm>>
    %dma_start3A_581 = tpu.memref_slice %arg4[%add3A_579] : memref<33554432xf32, #tpu.memory_space<hbm>> -> memref<16384xf32, #tpu.memory_space<hbm>>
    tpu.enqueue_dma source(%arg6 : memref<16384xf32, #tpu.memory_space<vmem>>) target(%dma_start3A_581 : memref<16384xf32, #tpu.memory_space<hbm>>) target_semaphore(%arg16 : memref<!tpu.dma_semaphore, #tpu.memory_space<semaphore_mem>>)
    %add3A_582 = arith.constant 540672 : i32
    %add3A_583 = arith.addi %mul3A_2, %add3A_582 : i32
    %dma_start3A_584 = tpu.memref_slice %arg2[%add3A_583] : memref<33554432xf32, #tpu.memory_space<hbm>> -> memref<16384xf32, #tpu.memory_space<hbm>>
    %dma_start3A_585 = tpu.memref_slice %arg2[%add3A_583] : memref<33554432xf32, #tpu.memory_space<hbm>> -> memref<16384xf32, #tpu.memory_space<hbm>>
    tpu.enqueue_dma source(%dma_start3A_585 : memref<16384xf32, #tpu.memory_space<hbm>>) target(%arg6 : memref<16384xf32, #tpu.memory_space<vmem>>) target_semaphore(%arg12 : memref<!tpu.dma_semaphore, #tpu.memory_space<semaphore_mem>>)
    %add3A_586 = arith.constant 540672 : i32
    %add3A_587 = arith.addi %rem3A_3, %add3A_586 : i32
    %dma_start3A_588 = tpu.memref_slice %arg3[%add3A_587] : memref<8388608xf32, #tpu.memory_space<hbm>> -> memref<16384xf32, #tpu.memory_space<hbm>>
    %dma_start3A_589 = tpu.memref_slice %arg3[%add3A_587] : memref<8388608xf32, #tpu.memory_space<hbm>> -> memref<16384xf32, #tpu.memory_space<hbm>>
    tpu.enqueue_dma source(%dma_start3A_589 : memref<16384xf32, #tpu.memory_space<hbm>>) target(%arg8 : memref<16384xf32, #tpu.memory_space<vmem>>) target_semaphore(%arg14 : memref<!tpu.dma_semaphore, #tpu.memory_space<semaphore_mem>>)
    %dma_wait3A_590 = tpu.memref_slice %arg2[%add3A_565] : memref<33554432xf32, #tpu.memory_space<hbm>> -> memref<16384xf32, #tpu.memory_space<hbm>>
    %dma_wait3A_591 = tpu.memref_slice %arg2[%add3A_565] : memref<33554432xf32, #tpu.memory_space<hbm>> -> memref<16384xf32, #tpu.memory_space<hbm>>
    tpu.wait_dma2 semaphore(%arg11 : memref<!tpu.dma_semaphore, #tpu.memory_space<semaphore_mem>>) src(%dma_wait3A_591 : memref<16384xf32, #tpu.memory_space<hbm>>) dst(%arg5 : memref<16384xf32, #tpu.memory_space<vmem>>)
    %dma_wait3A_592 = tpu.memref_slice %arg3[%add3A_569] : memref<8388608xf32, #tpu.memory_space<hbm>> -> memref<16384xf32, #tpu.memory_space<hbm>>
    %dma_wait3A_593 = tpu.memref_slice %arg3[%add3A_569] : memref<8388608xf32, #tpu.memory_space<hbm>> -> memref<16384xf32, #tpu.memory_space<hbm>>
    tpu.wait_dma2 semaphore(%arg13 : memref<!tpu.dma_semaphore, #tpu.memory_space<semaphore_mem>>) src(%dma_wait3A_593 : memref<16384xf32, #tpu.memory_space<hbm>>) dst(%arg7 : memref<16384xf32, #tpu.memory_space<vmem>>)
    %dma_wait3A_594 = tpu.memref_slice %arg4[%add3A_561] : memref<33554432xf32, #tpu.memory_space<hbm>> -> memref<16384xf32, #tpu.memory_space<hbm>>
    %dma_wait3A_595 = tpu.memref_slice %arg4[%add3A_561] : memref<33554432xf32, #tpu.memory_space<hbm>> -> memref<16384xf32, #tpu.memory_space<hbm>>
    tpu.wait_dma2 semaphore(%arg15 : memref<!tpu.dma_semaphore, #tpu.memory_space<semaphore_mem>>) src(%arg5 : memref<16384xf32, #tpu.memory_space<vmem>>) dst(%dma_wait3A_595 : memref<16384xf32, #tpu.memory_space<hbm>>)
    %add3A_596 = arith.constant 524288 : i32
    %add3A_597 = arith.addi %mul3A_2, %add3A_596 : i32
    %dma_start3A_598 = tpu.memref_slice %arg4[%add3A_597] : memref<33554432xf32, #tpu.memory_space<hbm>> -> memref<16384xf32, #tpu.memory_space<hbm>>
    %dma_start3A_599 = tpu.memref_slice %arg4[%add3A_597] : memref<33554432xf32, #tpu.memory_space<hbm>> -> memref<16384xf32, #tpu.memory_space<hbm>>
    tpu.enqueue_dma source(%arg5 : memref<16384xf32, #tpu.memory_space<vmem>>) target(%dma_start3A_599 : memref<16384xf32, #tpu.memory_space<hbm>>) target_semaphore(%arg15 : memref<!tpu.dma_semaphore, #tpu.memory_space<semaphore_mem>>)
    %add3A_600 = arith.constant 557056 : i32
    %add3A_601 = arith.addi %mul3A_2, %add3A_600 : i32
    %dma_start3A_602 = tpu.memref_slice %arg2[%add3A_601] : memref<33554432xf32, #tpu.memory_space<hbm>> -> memref<16384xf32, #tpu.memory_space<hbm>>
    %dma_start3A_603 = tpu.memref_slice %arg2[%add3A_601] : memref<33554432xf32, #tpu.memory_space<hbm>> -> memref<16384xf32, #tpu.memory_space<hbm>>
    tpu.enqueue_dma source(%dma_start3A_603 : memref<16384xf32, #tpu.memory_space<hbm>>) target(%arg5 : memref<16384xf32, #tpu.memory_space<vmem>>) target_semaphore(%arg11 : memref<!tpu.dma_semaphore, #tpu.memory_space<semaphore_mem>>)
    %add3A_604 = arith.constant 557056 : i32
    %add3A_605 = arith.addi %rem3A_3, %add3A_604 : i32
    %dma_start3A_606 = tpu.memref_slice %arg3[%add3A_605] : memref<8388608xf32, #tpu.memory_space<hbm>> -> memref<16384xf32, #tpu.memory_space<hbm>>
    %dma_start3A_607 = tpu.memref_slice %arg3[%add3A_605] : memref<8388608xf32, #tpu.memory_space<hbm>> -> memref<16384xf32, #tpu.memory_space<hbm>>
    tpu.enqueue_dma source(%dma_start3A_607 : memref<16384xf32, #tpu.memory_space<hbm>>) target(%arg7 : memref<16384xf32, #tpu.memory_space<vmem>>) target_semaphore(%arg13 : memref<!tpu.dma_semaphore, #tpu.memory_space<semaphore_mem>>)
    %dma_wait3A_608 = tpu.memref_slice %arg2[%add3A_583] : memref<33554432xf32, #tpu.memory_space<hbm>> -> memref<16384xf32, #tpu.memory_space<hbm>>
    %dma_wait3A_609 = tpu.memref_slice %arg2[%add3A_583] : memref<33554432xf32, #tpu.memory_space<hbm>> -> memref<16384xf32, #tpu.memory_space<hbm>>
    tpu.wait_dma2 semaphore(%arg12 : memref<!tpu.dma_semaphore, #tpu.memory_space<semaphore_mem>>) src(%dma_wait3A_609 : memref<16384xf32, #tpu.memory_space<hbm>>) dst(%arg6 : memref<16384xf32, #tpu.memory_space<vmem>>)
    %dma_wait3A_610 = tpu.memref_slice %arg3[%add3A_587] : memref<8388608xf32, #tpu.memory_space<hbm>> -> memref<16384xf32, #tpu.memory_space<hbm>>
    %dma_wait3A_611 = tpu.memref_slice %arg3[%add3A_587] : memref<8388608xf32, #tpu.memory_space<hbm>> -> memref<16384xf32, #tpu.memory_space<hbm>>
    tpu.wait_dma2 semaphore(%arg14 : memref<!tpu.dma_semaphore, #tpu.memory_space<semaphore_mem>>) src(%dma_wait3A_611 : memref<16384xf32, #tpu.memory_space<hbm>>) dst(%arg8 : memref<16384xf32, #tpu.memory_space<vmem>>)
    %dma_wait3A_612 = tpu.memref_slice %arg4[%add3A_579] : memref<33554432xf32, #tpu.memory_space<hbm>> -> memref<16384xf32, #tpu.memory_space<hbm>>
    %dma_wait3A_613 = tpu.memref_slice %arg4[%add3A_579] : memref<33554432xf32, #tpu.memory_space<hbm>> -> memref<16384xf32, #tpu.memory_space<hbm>>
    tpu.wait_dma2 semaphore(%arg16 : memref<!tpu.dma_semaphore, #tpu.memory_space<semaphore_mem>>) src(%arg6 : memref<16384xf32, #tpu.memory_space<vmem>>) dst(%dma_wait3A_613 : memref<16384xf32, #tpu.memory_space<hbm>>)
    %add3A_614 = arith.constant 540672 : i32
    %add3A_615 = arith.addi %mul3A_2, %add3A_614 : i32
    %dma_start3A_616 = tpu.memref_slice %arg4[%add3A_615] : memref<33554432xf32, #tpu.memory_space<hbm>> -> memref<16384xf32, #tpu.memory_space<hbm>>
    %dma_start3A_617 = tpu.memref_slice %arg4[%add3A_615] : memref<33554432xf32, #tpu.memory_space<hbm>> -> memref<16384xf32, #tpu.memory_space<hbm>>
    tpu.enqueue_dma source(%arg6 : memref<16384xf32, #tpu.memory_space<vmem>>) target(%dma_start3A_617 : memref<16384xf32, #tpu.memory_space<hbm>>) target_semaphore(%arg16 : memref<!tpu.dma_semaphore, #tpu.memory_space<semaphore_mem>>)
    %add3A_618 = arith.constant 573440 : i32
    %add3A_619 = arith.addi %mul3A_2, %add3A_618 : i32
    %dma_start3A_620 = tpu.memref_slice %arg2[%add3A_619] : memref<33554432xf32, #tpu.memory_space<hbm>> -> memref<16384xf32, #tpu.memory_space<hbm>>
    %dma_start3A_621 = tpu.memref_slice %arg2[%add3A_619] : memref<33554432xf32, #tpu.memory_space<hbm>> -> memref<16384xf32, #tpu.memory_space<hbm>>
    tpu.enqueue_dma source(%dma_start3A_621 : memref<16384xf32, #tpu.memory_space<hbm>>) target(%arg6 : memref<16384xf32, #tpu.memory_space<vmem>>) target_semaphore(%arg12 : memref<!tpu.dma_semaphore, #tpu.memory_space<semaphore_mem>>)
    %add3A_622 = arith.constant 573440 : i32
    %add3A_623 = arith.addi %rem3A_3, %add3A_622 : i32
    %dma_start3A_624 = tpu.memref_slice %arg3[%add3A_623] : memref<8388608xf32, #tpu.memory_space<hbm>> -> memref<16384xf32, #tpu.memory_space<hbm>>
    %dma_start3A_625 = tpu.memref_slice %arg3[%add3A_623] : memref<8388608xf32, #tpu.memory_space<hbm>> -> memref<16384xf32, #tpu.memory_space<hbm>>
    tpu.enqueue_dma source(%dma_start3A_625 : memref<16384xf32, #tpu.memory_space<hbm>>) target(%arg8 : memref<16384xf32, #tpu.memory_space<vmem>>) target_semaphore(%arg14 : memref<!tpu.dma_semaphore, #tpu.memory_space<semaphore_mem>>)
    %dma_wait3A_626 = tpu.memref_slice %arg2[%add3A_601] : memref<33554432xf32, #tpu.memory_space<hbm>> -> memref<16384xf32, #tpu.memory_space<hbm>>
    %dma_wait3A_627 = tpu.memref_slice %arg2[%add3A_601] : memref<33554432xf32, #tpu.memory_space<hbm>> -> memref<16384xf32, #tpu.memory_space<hbm>>
    tpu.wait_dma2 semaphore(%arg11 : memref<!tpu.dma_semaphore, #tpu.memory_space<semaphore_mem>>) src(%dma_wait3A_627 : memref<16384xf32, #tpu.memory_space<hbm>>) dst(%arg5 : memref<16384xf32, #tpu.memory_space<vmem>>)
    %dma_wait3A_628 = tpu.memref_slice %arg3[%add3A_605] : memref<8388608xf32, #tpu.memory_space<hbm>> -> memref<16384xf32, #tpu.memory_space<hbm>>
    %dma_wait3A_629 = tpu.memref_slice %arg3[%add3A_605] : memref<8388608xf32, #tpu.memory_space<hbm>> -> memref<16384xf32, #tpu.memory_space<hbm>>
    tpu.wait_dma2 semaphore(%arg13 : memref<!tpu.dma_semaphore, #tpu.memory_space<semaphore_mem>>) src(%dma_wait3A_629 : memref<16384xf32, #tpu.memory_space<hbm>>) dst(%arg7 : memref<16384xf32, #tpu.memory_space<vmem>>)
    %dma_wait3A_630 = tpu.memref_slice %arg4[%add3A_597] : memref<33554432xf32, #tpu.memory_space<hbm>> -> memref<16384xf32, #tpu.memory_space<hbm>>
    %dma_wait3A_631 = tpu.memref_slice %arg4[%add3A_597] : memref<33554432xf32, #tpu.memory_space<hbm>> -> memref<16384xf32, #tpu.memory_space<hbm>>
    tpu.wait_dma2 semaphore(%arg15 : memref<!tpu.dma_semaphore, #tpu.memory_space<semaphore_mem>>) src(%arg5 : memref<16384xf32, #tpu.memory_space<vmem>>) dst(%dma_wait3A_631 : memref<16384xf32, #tpu.memory_space<hbm>>)
    %add3A_632 = arith.constant 557056 : i32
    %add3A_633 = arith.addi %mul3A_2, %add3A_632 : i32
    %dma_start3A_634 = tpu.memref_slice %arg4[%add3A_633] : memref<33554432xf32, #tpu.memory_space<hbm>> -> memref<16384xf32, #tpu.memory_space<hbm>>
    %dma_start3A_635 = tpu.memref_slice %arg4[%add3A_633] : memref<33554432xf32, #tpu.memory_space<hbm>> -> memref<16384xf32, #tpu.memory_space<hbm>>
    tpu.enqueue_dma source(%arg5 : memref<16384xf32, #tpu.memory_space<vmem>>) target(%dma_start3A_635 : memref<16384xf32, #tpu.memory_space<hbm>>) target_semaphore(%arg15 : memref<!tpu.dma_semaphore, #tpu.memory_space<semaphore_mem>>)
    %add3A_636 = arith.constant 589824 : i32
    %add3A_637 = arith.addi %mul3A_2, %add3A_636 : i32
    %dma_start3A_638 = tpu.memref_slice %arg2[%add3A_637] : memref<33554432xf32, #tpu.memory_space<hbm>> -> memref<16384xf32, #tpu.memory_space<hbm>>
    %dma_start3A_639 = tpu.memref_slice %arg2[%add3A_637] : memref<33554432xf32, #tpu.memory_space<hbm>> -> memref<16384xf32, #tpu.memory_space<hbm>>
    tpu.enqueue_dma source(%dma_start3A_639 : memref<16384xf32, #tpu.memory_space<hbm>>) target(%arg5 : memref<16384xf32, #tpu.memory_space<vmem>>) target_semaphore(%arg11 : memref<!tpu.dma_semaphore, #tpu.memory_space<semaphore_mem>>)
    %add3A_640 = arith.constant 589824 : i32
    %add3A_641 = arith.addi %rem3A_3, %add3A_640 : i32
    %dma_start3A_642 = tpu.memref_slice %arg3[%add3A_641] : memref<8388608xf32, #tpu.memory_space<hbm>> -> memref<16384xf32, #tpu.memory_space<hbm>>
    %dma_start3A_643 = tpu.memref_slice %arg3[%add3A_641] : memref<8388608xf32, #tpu.memory_space<hbm>> -> memref<16384xf32, #tpu.memory_space<hbm>>
    tpu.enqueue_dma source(%dma_start3A_643 : memref<16384xf32, #tpu.memory_space<hbm>>) target(%arg7 : memref<16384xf32, #tpu.memory_space<vmem>>) target_semaphore(%arg13 : memref<!tpu.dma_semaphore, #tpu.memory_space<semaphore_mem>>)
    %dma_wait3A_644 = tpu.memref_slice %arg2[%add3A_619] : memref<33554432xf32, #tpu.memory_space<hbm>> -> memref<16384xf32, #tpu.memory_space<hbm>>
    %dma_wait3A_645 = tpu.memref_slice %arg2[%add3A_619] : memref<33554432xf32, #tpu.memory_space<hbm>> -> memref<16384xf32, #tpu.memory_space<hbm>>
    tpu.wait_dma2 semaphore(%arg12 : memref<!tpu.dma_semaphore, #tpu.memory_space<semaphore_mem>>) src(%dma_wait3A_645 : memref<16384xf32, #tpu.memory_space<hbm>>) dst(%arg6 : memref<16384xf32, #tpu.memory_space<vmem>>)
    %dma_wait3A_646 = tpu.memref_slice %arg3[%add3A_623] : memref<8388608xf32, #tpu.memory_space<hbm>> -> memref<16384xf32, #tpu.memory_space<hbm>>
    %dma_wait3A_647 = tpu.memref_slice %arg3[%add3A_623] : memref<8388608xf32, #tpu.memory_space<hbm>> -> memref<16384xf32, #tpu.memory_space<hbm>>
    tpu.wait_dma2 semaphore(%arg14 : memref<!tpu.dma_semaphore, #tpu.memory_space<semaphore_mem>>) src(%dma_wait3A_647 : memref<16384xf32, #tpu.memory_space<hbm>>) dst(%arg8 : memref<16384xf32, #tpu.memory_space<vmem>>)
    %dma_wait3A_648 = tpu.memref_slice %arg4[%add3A_615] : memref<33554432xf32, #tpu.memory_space<hbm>> -> memref<16384xf32, #tpu.memory_space<hbm>>
    %dma_wait3A_649 = tpu.memref_slice %arg4[%add3A_615] : memref<33554432xf32, #tpu.memory_space<hbm>> -> memref<16384xf32, #tpu.memory_space<hbm>>
    tpu.wait_dma2 semaphore(%arg16 : memref<!tpu.dma_semaphore, #tpu.memory_space<semaphore_mem>>) src(%arg6 : memref<16384xf32, #tpu.memory_space<vmem>>) dst(%dma_wait3A_649 : memref<16384xf32, #tpu.memory_space<hbm>>)
    %add3A_650 = arith.constant 573440 : i32
    %add3A_651 = arith.addi %mul3A_2, %add3A_650 : i32
    %dma_start3A_652 = tpu.memref_slice %arg4[%add3A_651] : memref<33554432xf32, #tpu.memory_space<hbm>> -> memref<16384xf32, #tpu.memory_space<hbm>>
    %dma_start3A_653 = tpu.memref_slice %arg4[%add3A_651] : memref<33554432xf32, #tpu.memory_space<hbm>> -> memref<16384xf32, #tpu.memory_space<hbm>>
    tpu.enqueue_dma source(%arg6 : memref<16384xf32, #tpu.memory_space<vmem>>) target(%dma_start3A_653 : memref<16384xf32, #tpu.memory_space<hbm>>) target_semaphore(%arg16 : memref<!tpu.dma_semaphore, #tpu.memory_space<semaphore_mem>>)
    %add3A_654 = arith.constant 606208 : i32
    %add3A_655 = arith.addi %mul3A_2, %add3A_654 : i32
    %dma_start3A_656 = tpu.memref_slice %arg2[%add3A_655] : memref<33554432xf32, #tpu.memory_space<hbm>> -> memref<16384xf32, #tpu.memory_space<hbm>>
    %dma_start3A_657 = tpu.memref_slice %arg2[%add3A_655] : memref<33554432xf32, #tpu.memory_space<hbm>> -> memref<16384xf32, #tpu.memory_space<hbm>>
    tpu.enqueue_dma source(%dma_start3A_657 : memref<16384xf32, #tpu.memory_space<hbm>>) target(%arg6 : memref<16384xf32, #tpu.memory_space<vmem>>) target_semaphore(%arg12 : memref<!tpu.dma_semaphore, #tpu.memory_space<semaphore_mem>>)
    %add3A_658 = arith.constant 606208 : i32
    %add3A_659 = arith.addi %rem3A_3, %add3A_658 : i32
    %dma_start3A_660 = tpu.memref_slice %arg3[%add3A_659] : memref<8388608xf32, #tpu.memory_space<hbm>> -> memref<16384xf32, #tpu.memory_space<hbm>>
    %dma_start3A_661 = tpu.memref_slice %arg3[%add3A_659] : memref<8388608xf32, #tpu.memory_space<hbm>> -> memref<16384xf32, #tpu.memory_space<hbm>>
    tpu.enqueue_dma source(%dma_start3A_661 : memref<16384xf32, #tpu.memory_space<hbm>>) target(%arg8 : memref<16384xf32, #tpu.memory_space<vmem>>) target_semaphore(%arg14 : memref<!tpu.dma_semaphore, #tpu.memory_space<semaphore_mem>>)
    %dma_wait3A_662 = tpu.memref_slice %arg2[%add3A_637] : memref<33554432xf32, #tpu.memory_space<hbm>> -> memref<16384xf32, #tpu.memory_space<hbm>>
    %dma_wait3A_663 = tpu.memref_slice %arg2[%add3A_637] : memref<33554432xf32, #tpu.memory_space<hbm>> -> memref<16384xf32, #tpu.memory_space<hbm>>
    tpu.wait_dma2 semaphore(%arg11 : memref<!tpu.dma_semaphore, #tpu.memory_space<semaphore_mem>>) src(%dma_wait3A_663 : memref<16384xf32, #tpu.memory_space<hbm>>) dst(%arg5 : memref<16384xf32, #tpu.memory_space<vmem>>)
    %dma_wait3A_664 = tpu.memref_slice %arg3[%add3A_641] : memref<8388608xf32, #tpu.memory_space<hbm>> -> memref<16384xf32, #tpu.memory_space<hbm>>
    %dma_wait3A_665 = tpu.memref_slice %arg3[%add3A_641] : memref<8388608xf32, #tpu.memory_space<hbm>> -> memref<16384xf32, #tpu.memory_space<hbm>>
    tpu.wait_dma2 semaphore(%arg13 : memref<!tpu.dma_semaphore, #tpu.memory_space<semaphore_mem>>) src(%dma_wait3A_665 : memref<16384xf32, #tpu.memory_space<hbm>>) dst(%arg7 : memref<16384xf32, #tpu.memory_space<vmem>>)
    %dma_wait3A_666 = tpu.memref_slice %arg4[%add3A_633] : memref<33554432xf32, #tpu.memory_space<hbm>> -> memref<16384xf32, #tpu.memory_space<hbm>>
    %dma_wait3A_667 = tpu.memref_slice %arg4[%add3A_633] : memref<33554432xf32, #tpu.memory_space<hbm>> -> memref<16384xf32, #tpu.memory_space<hbm>>
    tpu.wait_dma2 semaphore(%arg15 : memref<!tpu.dma_semaphore, #tpu.memory_space<semaphore_mem>>) src(%arg5 : memref<16384xf32, #tpu.memory_space<vmem>>) dst(%dma_wait3A_667 : memref<16384xf32, #tpu.memory_space<hbm>>)
    %add3A_668 = arith.constant 589824 : i32
    %add3A_669 = arith.addi %mul3A_2, %add3A_668 : i32
    %dma_start3A_670 = tpu.memref_slice %arg4[%add3A_669] : memref<33554432xf32, #tpu.memory_space<hbm>> -> memref<16384xf32, #tpu.memory_space<hbm>>
    %dma_start3A_671 = tpu.memref_slice %arg4[%add3A_669] : memref<33554432xf32, #tpu.memory_space<hbm>> -> memref<16384xf32, #tpu.memory_space<hbm>>
    tpu.enqueue_dma source(%arg5 : memref<16384xf32, #tpu.memory_space<vmem>>) target(%dma_start3A_671 : memref<16384xf32, #tpu.memory_space<hbm>>) target_semaphore(%arg15 : memref<!tpu.dma_semaphore, #tpu.memory_space<semaphore_mem>>)
    %add3A_672 = arith.constant 622592 : i32
    %add3A_673 = arith.addi %mul3A_2, %add3A_672 : i32
    %dma_start3A_674 = tpu.memref_slice %arg2[%add3A_673] : memref<33554432xf32, #tpu.memory_space<hbm>> -> memref<16384xf32, #tpu.memory_space<hbm>>
    %dma_start3A_675 = tpu.memref_slice %arg2[%add3A_673] : memref<33554432xf32, #tpu.memory_space<hbm>> -> memref<16384xf32, #tpu.memory_space<hbm>>
    tpu.enqueue_dma source(%dma_start3A_675 : memref<16384xf32, #tpu.memory_space<hbm>>) target(%arg5 : memref<16384xf32, #tpu.memory_space<vmem>>) target_semaphore(%arg11 : memref<!tpu.dma_semaphore, #tpu.memory_space<semaphore_mem>>)
    %add3A_676 = arith.constant 622592 : i32
    %add3A_677 = arith.addi %rem3A_3, %add3A_676 : i32
    %dma_start3A_678 = tpu.memref_slice %arg3[%add3A_677] : memref<8388608xf32, #tpu.memory_space<hbm>> -> memref<16384xf32, #tpu.memory_space<hbm>>
    %dma_start3A_679 = tpu.memref_slice %arg3[%add3A_677] : memref<8388608xf32, #tpu.memory_space<hbm>> -> memref<16384xf32, #tpu.memory_space<hbm>>
    tpu.enqueue_dma source(%dma_start3A_679 : memref<16384xf32, #tpu.memory_space<hbm>>) target(%arg7 : memref<16384xf32, #tpu.memory_space<vmem>>) target_semaphore(%arg13 : memref<!tpu.dma_semaphore, #tpu.memory_space<semaphore_mem>>)
    %dma_wait3A_680 = tpu.memref_slice %arg2[%add3A_655] : memref<33554432xf32, #tpu.memory_space<hbm>> -> memref<16384xf32, #tpu.memory_space<hbm>>
    %dma_wait3A_681 = tpu.memref_slice %arg2[%add3A_655] : memref<33554432xf32, #tpu.memory_space<hbm>> -> memref<16384xf32, #tpu.memory_space<hbm>>
    tpu.wait_dma2 semaphore(%arg12 : memref<!tpu.dma_semaphore, #tpu.memory_space<semaphore_mem>>) src(%dma_wait3A_681 : memref<16384xf32, #tpu.memory_space<hbm>>) dst(%arg6 : memref<16384xf32, #tpu.memory_space<vmem>>)
    %dma_wait3A_682 = tpu.memref_slice %arg3[%add3A_659] : memref<8388608xf32, #tpu.memory_space<hbm>> -> memref<16384xf32, #tpu.memory_space<hbm>>
    %dma_wait3A_683 = tpu.memref_slice %arg3[%add3A_659] : memref<8388608xf32, #tpu.memory_space<hbm>> -> memref<16384xf32, #tpu.memory_space<hbm>>
    tpu.wait_dma2 semaphore(%arg14 : memref<!tpu.dma_semaphore, #tpu.memory_space<semaphore_mem>>) src(%dma_wait3A_683 : memref<16384xf32, #tpu.memory_space<hbm>>) dst(%arg8 : memref<16384xf32, #tpu.memory_space<vmem>>)
    %dma_wait3A_684 = tpu.memref_slice %arg4[%add3A_651] : memref<33554432xf32, #tpu.memory_space<hbm>> -> memref<16384xf32, #tpu.memory_space<hbm>>
    %dma_wait3A_685 = tpu.memref_slice %arg4[%add3A_651] : memref<33554432xf32, #tpu.memory_space<hbm>> -> memref<16384xf32, #tpu.memory_space<hbm>>
    tpu.wait_dma2 semaphore(%arg16 : memref<!tpu.dma_semaphore, #tpu.memory_space<semaphore_mem>>) src(%arg6 : memref<16384xf32, #tpu.memory_space<vmem>>) dst(%dma_wait3A_685 : memref<16384xf32, #tpu.memory_space<hbm>>)
    %add3A_686 = arith.constant 606208 : i32
    %add3A_687 = arith.addi %mul3A_2, %add3A_686 : i32
    %dma_start3A_688 = tpu.memref_slice %arg4[%add3A_687] : memref<33554432xf32, #tpu.memory_space<hbm>> -> memref<16384xf32, #tpu.memory_space<hbm>>
    %dma_start3A_689 = tpu.memref_slice %arg4[%add3A_687] : memref<33554432xf32, #tpu.memory_space<hbm>> -> memref<16384xf32, #tpu.memory_space<hbm>>
    tpu.enqueue_dma source(%arg6 : memref<16384xf32, #tpu.memory_space<vmem>>) target(%dma_start3A_689 : memref<16384xf32, #tpu.memory_space<hbm>>) target_semaphore(%arg16 : memref<!tpu.dma_semaphore, #tpu.memory_space<semaphore_mem>>)
    %add3A_690 = arith.constant 638976 : i32
    %add3A_691 = arith.addi %mul3A_2, %add3A_690 : i32
    %dma_start3A_692 = tpu.memref_slice %arg2[%add3A_691] : memref<33554432xf32, #tpu.memory_space<hbm>> -> memref<16384xf32, #tpu.memory_space<hbm>>
    %dma_start3A_693 = tpu.memref_slice %arg2[%add3A_691] : memref<33554432xf32, #tpu.memory_space<hbm>> -> memref<16384xf32, #tpu.memory_space<hbm>>
    tpu.enqueue_dma source(%dma_start3A_693 : memref<16384xf32, #tpu.memory_space<hbm>>) target(%arg6 : memref<16384xf32, #tpu.memory_space<vmem>>) target_semaphore(%arg12 : memref<!tpu.dma_semaphore, #tpu.memory_space<semaphore_mem>>)
    %add3A_694 = arith.constant 638976 : i32
    %add3A_695 = arith.addi %rem3A_3, %add3A_694 : i32
    %dma_start3A_696 = tpu.memref_slice %arg3[%add3A_695] : memref<8388608xf32, #tpu.memory_space<hbm>> -> memref<16384xf32, #tpu.memory_space<hbm>>
    %dma_start3A_697 = tpu.memref_slice %arg3[%add3A_695] : memref<8388608xf32, #tpu.memory_space<hbm>> -> memref<16384xf32, #tpu.memory_space<hbm>>
    tpu.enqueue_dma source(%dma_start3A_697 : memref<16384xf32, #tpu.memory_space<hbm>>) target(%arg8 : memref<16384xf32, #tpu.memory_space<vmem>>) target_semaphore(%arg14 : memref<!tpu.dma_semaphore, #tpu.memory_space<semaphore_mem>>)
    %dma_wait3A_698 = tpu.memref_slice %arg2[%add3A_673] : memref<33554432xf32, #tpu.memory_space<hbm>> -> memref<16384xf32, #tpu.memory_space<hbm>>
    %dma_wait3A_699 = tpu.memref_slice %arg2[%add3A_673] : memref<33554432xf32, #tpu.memory_space<hbm>> -> memref<16384xf32, #tpu.memory_space<hbm>>
    tpu.wait_dma2 semaphore(%arg11 : memref<!tpu.dma_semaphore, #tpu.memory_space<semaphore_mem>>) src(%dma_wait3A_699 : memref<16384xf32, #tpu.memory_space<hbm>>) dst(%arg5 : memref<16384xf32, #tpu.memory_space<vmem>>)
    %dma_wait3A_700 = tpu.memref_slice %arg3[%add3A_677] : memref<8388608xf32, #tpu.memory_space<hbm>> -> memref<16384xf32, #tpu.memory_space<hbm>>
    %dma_wait3A_701 = tpu.memref_slice %arg3[%add3A_677] : memref<8388608xf32, #tpu.memory_space<hbm>> -> memref<16384xf32, #tpu.memory_space<hbm>>
    tpu.wait_dma2 semaphore(%arg13 : memref<!tpu.dma_semaphore, #tpu.memory_space<semaphore_mem>>) src(%dma_wait3A_701 : memref<16384xf32, #tpu.memory_space<hbm>>) dst(%arg7 : memref<16384xf32, #tpu.memory_space<vmem>>)
    %dma_wait3A_702 = tpu.memref_slice %arg4[%add3A_669] : memref<33554432xf32, #tpu.memory_space<hbm>> -> memref<16384xf32, #tpu.memory_space<hbm>>
    %dma_wait3A_703 = tpu.memref_slice %arg4[%add3A_669] : memref<33554432xf32, #tpu.memory_space<hbm>> -> memref<16384xf32, #tpu.memory_space<hbm>>
    tpu.wait_dma2 semaphore(%arg15 : memref<!tpu.dma_semaphore, #tpu.memory_space<semaphore_mem>>) src(%arg5 : memref<16384xf32, #tpu.memory_space<vmem>>) dst(%dma_wait3A_703 : memref<16384xf32, #tpu.memory_space<hbm>>)
    %add3A_704 = arith.constant 622592 : i32
    %add3A_705 = arith.addi %mul3A_2, %add3A_704 : i32
    %dma_start3A_706 = tpu.memref_slice %arg4[%add3A_705] : memref<33554432xf32, #tpu.memory_space<hbm>> -> memref<16384xf32, #tpu.memory_space<hbm>>
    %dma_start3A_707 = tpu.memref_slice %arg4[%add3A_705] : memref<33554432xf32, #tpu.memory_space<hbm>> -> memref<16384xf32, #tpu.memory_space<hbm>>
    tpu.enqueue_dma source(%arg5 : memref<16384xf32, #tpu.memory_space<vmem>>) target(%dma_start3A_707 : memref<16384xf32, #tpu.memory_space<hbm>>) target_semaphore(%arg15 : memref<!tpu.dma_semaphore, #tpu.memory_space<semaphore_mem>>)
    %add3A_708 = arith.constant 655360 : i32
    %add3A_709 = arith.addi %mul3A_2, %add3A_708 : i32
    %dma_start3A_710 = tpu.memref_slice %arg2[%add3A_709] : memref<33554432xf32, #tpu.memory_space<hbm>> -> memref<16384xf32, #tpu.memory_space<hbm>>
    %dma_start3A_711 = tpu.memref_slice %arg2[%add3A_709] : memref<33554432xf32, #tpu.memory_space<hbm>> -> memref<16384xf32, #tpu.memory_space<hbm>>
    tpu.enqueue_dma source(%dma_start3A_711 : memref<16384xf32, #tpu.memory_space<hbm>>) target(%arg5 : memref<16384xf32, #tpu.memory_space<vmem>>) target_semaphore(%arg11 : memref<!tpu.dma_semaphore, #tpu.memory_space<semaphore_mem>>)
    %add3A_712 = arith.constant 655360 : i32
    %add3A_713 = arith.addi %rem3A_3, %add3A_712 : i32
    %dma_start3A_714 = tpu.memref_slice %arg3[%add3A_713] : memref<8388608xf32, #tpu.memory_space<hbm>> -> memref<16384xf32, #tpu.memory_space<hbm>>
    %dma_start3A_715 = tpu.memref_slice %arg3[%add3A_713] : memref<8388608xf32, #tpu.memory_space<hbm>> -> memref<16384xf32, #tpu.memory_space<hbm>>
    tpu.enqueue_dma source(%dma_start3A_715 : memref<16384xf32, #tpu.memory_space<hbm>>) target(%arg7 : memref<16384xf32, #tpu.memory_space<vmem>>) target_semaphore(%arg13 : memref<!tpu.dma_semaphore, #tpu.memory_space<semaphore_mem>>)
    %dma_wait3A_716 = tpu.memref_slice %arg2[%add3A_691] : memref<33554432xf32, #tpu.memory_space<hbm>> -> memref<16384xf32, #tpu.memory_space<hbm>>
    %dma_wait3A_717 = tpu.memref_slice %arg2[%add3A_691] : memref<33554432xf32, #tpu.memory_space<hbm>> -> memref<16384xf32, #tpu.memory_space<hbm>>
    tpu.wait_dma2 semaphore(%arg12 : memref<!tpu.dma_semaphore, #tpu.memory_space<semaphore_mem>>) src(%dma_wait3A_717 : memref<16384xf32, #tpu.memory_space<hbm>>) dst(%arg6 : memref<16384xf32, #tpu.memory_space<vmem>>)
    %dma_wait3A_718 = tpu.memref_slice %arg3[%add3A_695] : memref<8388608xf32, #tpu.memory_space<hbm>> -> memref<16384xf32, #tpu.memory_space<hbm>>
    %dma_wait3A_719 = tpu.memref_slice %arg3[%add3A_695] : memref<8388608xf32, #tpu.memory_space<hbm>> -> memref<16384xf32, #tpu.memory_space<hbm>>
    tpu.wait_dma2 semaphore(%arg14 : memref<!tpu.dma_semaphore, #tpu.memory_space<semaphore_mem>>) src(%dma_wait3A_719 : memref<16384xf32, #tpu.memory_space<hbm>>) dst(%arg8 : memref<16384xf32, #tpu.memory_space<vmem>>)
    %dma_wait3A_720 = tpu.memref_slice %arg4[%add3A_687] : memref<33554432xf32, #tpu.memory_space<hbm>> -> memref<16384xf32, #tpu.memory_space<hbm>>
    %dma_wait3A_721 = tpu.memref_slice %arg4[%add3A_687] : memref<33554432xf32, #tpu.memory_space<hbm>> -> memref<16384xf32, #tpu.memory_space<hbm>>
    tpu.wait_dma2 semaphore(%arg16 : memref<!tpu.dma_semaphore, #tpu.memory_space<semaphore_mem>>) src(%arg6 : memref<16384xf32, #tpu.memory_space<vmem>>) dst(%dma_wait3A_721 : memref<16384xf32, #tpu.memory_space<hbm>>)
    %add3A_722 = arith.constant 638976 : i32
    %add3A_723 = arith.addi %mul3A_2, %add3A_722 : i32
    %dma_start3A_724 = tpu.memref_slice %arg4[%add3A_723] : memref<33554432xf32, #tpu.memory_space<hbm>> -> memref<16384xf32, #tpu.memory_space<hbm>>
    %dma_start3A_725 = tpu.memref_slice %arg4[%add3A_723] : memref<33554432xf32, #tpu.memory_space<hbm>> -> memref<16384xf32, #tpu.memory_space<hbm>>
    tpu.enqueue_dma source(%arg6 : memref<16384xf32, #tpu.memory_space<vmem>>) target(%dma_start3A_725 : memref<16384xf32, #tpu.memory_space<hbm>>) target_semaphore(%arg16 : memref<!tpu.dma_semaphore, #tpu.memory_space<semaphore_mem>>)
    %add3A_726 = arith.constant 671744 : i32
    %add3A_727 = arith.addi %mul3A_2, %add3A_726 : i32
    %dma_start3A_728 = tpu.memref_slice %arg2[%add3A_727] : memref<33554432xf32, #tpu.memory_space<hbm>> -> memref<16384xf32, #tpu.memory_space<hbm>>
    %dma_start3A_729 = tpu.memref_slice %arg2[%add3A_727] : memref<33554432xf32, #tpu.memory_space<hbm>> -> memref<16384xf32, #tpu.memory_space<hbm>>
    tpu.enqueue_dma source(%dma_start3A_729 : memref<16384xf32, #tpu.memory_space<hbm>>) target(%arg6 : memref<16384xf32, #tpu.memory_space<vmem>>) target_semaphore(%arg12 : memref<!tpu.dma_semaphore, #tpu.memory_space<semaphore_mem>>)
    %add3A_730 = arith.constant 671744 : i32
    %add3A_731 = arith.addi %rem3A_3, %add3A_730 : i32
    %dma_start3A_732 = tpu.memref_slice %arg3[%add3A_731] : memref<8388608xf32, #tpu.memory_space<hbm>> -> memref<16384xf32, #tpu.memory_space<hbm>>
    %dma_start3A_733 = tpu.memref_slice %arg3[%add3A_731] : memref<8388608xf32, #tpu.memory_space<hbm>> -> memref<16384xf32, #tpu.memory_space<hbm>>
    tpu.enqueue_dma source(%dma_start3A_733 : memref<16384xf32, #tpu.memory_space<hbm>>) target(%arg8 : memref<16384xf32, #tpu.memory_space<vmem>>) target_semaphore(%arg14 : memref<!tpu.dma_semaphore, #tpu.memory_space<semaphore_mem>>)
    %dma_wait3A_734 = tpu.memref_slice %arg2[%add3A_709] : memref<33554432xf32, #tpu.memory_space<hbm>> -> memref<16384xf32, #tpu.memory_space<hbm>>
    %dma_wait3A_735 = tpu.memref_slice %arg2[%add3A_709] : memref<33554432xf32, #tpu.memory_space<hbm>> -> memref<16384xf32, #tpu.memory_space<hbm>>
    tpu.wait_dma2 semaphore(%arg11 : memref<!tpu.dma_semaphore, #tpu.memory_space<semaphore_mem>>) src(%dma_wait3A_735 : memref<16384xf32, #tpu.memory_space<hbm>>) dst(%arg5 : memref<16384xf32, #tpu.memory_space<vmem>>)
    %dma_wait3A_736 = tpu.memref_slice %arg3[%add3A_713] : memref<8388608xf32, #tpu.memory_space<hbm>> -> memref<16384xf32, #tpu.memory_space<hbm>>
    %dma_wait3A_737 = tpu.memref_slice %arg3[%add3A_713] : memref<8388608xf32, #tpu.memory_space<hbm>> -> memref<16384xf32, #tpu.memory_space<hbm>>
    tpu.wait_dma2 semaphore(%arg13 : memref<!tpu.dma_semaphore, #tpu.memory_space<semaphore_mem>>) src(%dma_wait3A_737 : memref<16384xf32, #tpu.memory_space<hbm>>) dst(%arg7 : memref<16384xf32, #tpu.memory_space<vmem>>)
    %dma_wait3A_738 = tpu.memref_slice %arg4[%add3A_705] : memref<33554432xf32, #tpu.memory_space<hbm>> -> memref<16384xf32, #tpu.memory_space<hbm>>
    %dma_wait3A_739 = tpu.memref_slice %arg4[%add3A_705] : memref<33554432xf32, #tpu.memory_space<hbm>> -> memref<16384xf32, #tpu.memory_space<hbm>>
    tpu.wait_dma2 semaphore(%arg15 : memref<!tpu.dma_semaphore, #tpu.memory_space<semaphore_mem>>) src(%arg5 : memref<16384xf32, #tpu.memory_space<vmem>>) dst(%dma_wait3A_739 : memref<16384xf32, #tpu.memory_space<hbm>>)
    %add3A_740 = arith.constant 655360 : i32
    %add3A_741 = arith.addi %mul3A_2, %add3A_740 : i32
    %dma_start3A_742 = tpu.memref_slice %arg4[%add3A_741] : memref<33554432xf32, #tpu.memory_space<hbm>> -> memref<16384xf32, #tpu.memory_space<hbm>>
    %dma_start3A_743 = tpu.memref_slice %arg4[%add3A_741] : memref<33554432xf32, #tpu.memory_space<hbm>> -> memref<16384xf32, #tpu.memory_space<hbm>>
    tpu.enqueue_dma source(%arg5 : memref<16384xf32, #tpu.memory_space<vmem>>) target(%dma_start3A_743 : memref<16384xf32, #tpu.memory_space<hbm>>) target_semaphore(%arg15 : memref<!tpu.dma_semaphore, #tpu.memory_space<semaphore_mem>>)
    %add3A_744 = arith.constant 688128 : i32
    %add3A_745 = arith.addi %mul3A_2, %add3A_744 : i32
    %dma_start3A_746 = tpu.memref_slice %arg2[%add3A_745] : memref<33554432xf32, #tpu.memory_space<hbm>> -> memref<16384xf32, #tpu.memory_space<hbm>>
    %dma_start3A_747 = tpu.memref_slice %arg2[%add3A_745] : memref<33554432xf32, #tpu.memory_space<hbm>> -> memref<16384xf32, #tpu.memory_space<hbm>>
    tpu.enqueue_dma source(%dma_start3A_747 : memref<16384xf32, #tpu.memory_space<hbm>>) target(%arg5 : memref<16384xf32, #tpu.memory_space<vmem>>) target_semaphore(%arg11 : memref<!tpu.dma_semaphore, #tpu.memory_space<semaphore_mem>>)
    %add3A_748 = arith.constant 688128 : i32
    %add3A_749 = arith.addi %rem3A_3, %add3A_748 : i32
    %dma_start3A_750 = tpu.memref_slice %arg3[%add3A_749] : memref<8388608xf32, #tpu.memory_space<hbm>> -> memref<16384xf32, #tpu.memory_space<hbm>>
    %dma_start3A_751 = tpu.memref_slice %arg3[%add3A_749] : memref<8388608xf32, #tpu.memory_space<hbm>> -> memref<16384xf32, #tpu.memory_space<hbm>>
    tpu.enqueue_dma source(%dma_start3A_751 : memref<16384xf32, #tpu.memory_space<hbm>>) target(%arg7 : memref<16384xf32, #tpu.memory_space<vmem>>) target_semaphore(%arg13 : memref<!tpu.dma_semaphore, #tpu.memory_space<semaphore_mem>>)
    %dma_wait3A_752 = tpu.memref_slice %arg2[%add3A_727] : memref<33554432xf32, #tpu.memory_space<hbm>> -> memref<16384xf32, #tpu.memory_space<hbm>>
    %dma_wait3A_753 = tpu.memref_slice %arg2[%add3A_727] : memref<33554432xf32, #tpu.memory_space<hbm>> -> memref<16384xf32, #tpu.memory_space<hbm>>
    tpu.wait_dma2 semaphore(%arg12 : memref<!tpu.dma_semaphore, #tpu.memory_space<semaphore_mem>>) src(%dma_wait3A_753 : memref<16384xf32, #tpu.memory_space<hbm>>) dst(%arg6 : memref<16384xf32, #tpu.memory_space<vmem>>)
    %dma_wait3A_754 = tpu.memref_slice %arg3[%add3A_731] : memref<8388608xf32, #tpu.memory_space<hbm>> -> memref<16384xf32, #tpu.memory_space<hbm>>
    %dma_wait3A_755 = tpu.memref_slice %arg3[%add3A_731] : memref<8388608xf32, #tpu.memory_space<hbm>> -> memref<16384xf32, #tpu.memory_space<hbm>>
    tpu.wait_dma2 semaphore(%arg14 : memref<!tpu.dma_semaphore, #tpu.memory_space<semaphore_mem>>) src(%dma_wait3A_755 : memref<16384xf32, #tpu.memory_space<hbm>>) dst(%arg8 : memref<16384xf32, #tpu.memory_space<vmem>>)
    %dma_wait3A_756 = tpu.memref_slice %arg4[%add3A_723] : memref<33554432xf32, #tpu.memory_space<hbm>> -> memref<16384xf32, #tpu.memory_space<hbm>>
    %dma_wait3A_757 = tpu.memref_slice %arg4[%add3A_723] : memref<33554432xf32, #tpu.memory_space<hbm>> -> memref<16384xf32, #tpu.memory_space<hbm>>
    tpu.wait_dma2 semaphore(%arg16 : memref<!tpu.dma_semaphore, #tpu.memory_space<semaphore_mem>>) src(%arg6 : memref<16384xf32, #tpu.memory_space<vmem>>) dst(%dma_wait3A_757 : memref<16384xf32, #tpu.memory_space<hbm>>)
    %add3A_758 = arith.constant 671744 : i32
    %add3A_759 = arith.addi %mul3A_2, %add3A_758 : i32
    %dma_start3A_760 = tpu.memref_slice %arg4[%add3A_759] : memref<33554432xf32, #tpu.memory_space<hbm>> -> memref<16384xf32, #tpu.memory_space<hbm>>
    %dma_start3A_761 = tpu.memref_slice %arg4[%add3A_759] : memref<33554432xf32, #tpu.memory_space<hbm>> -> memref<16384xf32, #tpu.memory_space<hbm>>
    tpu.enqueue_dma source(%arg6 : memref<16384xf32, #tpu.memory_space<vmem>>) target(%dma_start3A_761 : memref<16384xf32, #tpu.memory_space<hbm>>) target_semaphore(%arg16 : memref<!tpu.dma_semaphore, #tpu.memory_space<semaphore_mem>>)
    %add3A_762 = arith.constant 704512 : i32
    %add3A_763 = arith.addi %mul3A_2, %add3A_762 : i32
    %dma_start3A_764 = tpu.memref_slice %arg2[%add3A_763] : memref<33554432xf32, #tpu.memory_space<hbm>> -> memref<16384xf32, #tpu.memory_space<hbm>>
    %dma_start3A_765 = tpu.memref_slice %arg2[%add3A_763] : memref<33554432xf32, #tpu.memory_space<hbm>> -> memref<16384xf32, #tpu.memory_space<hbm>>
    tpu.enqueue_dma source(%dma_start3A_765 : memref<16384xf32, #tpu.memory_space<hbm>>) target(%arg6 : memref<16384xf32, #tpu.memory_space<vmem>>) target_semaphore(%arg12 : memref<!tpu.dma_semaphore, #tpu.memory_space<semaphore_mem>>)
    %add3A_766 = arith.constant 704512 : i32
    %add3A_767 = arith.addi %rem3A_3, %add3A_766 : i32
    %dma_start3A_768 = tpu.memref_slice %arg3[%add3A_767] : memref<8388608xf32, #tpu.memory_space<hbm>> -> memref<16384xf32, #tpu.memory_space<hbm>>
    %dma_start3A_769 = tpu.memref_slice %arg3[%add3A_767] : memref<8388608xf32, #tpu.memory_space<hbm>> -> memref<16384xf32, #tpu.memory_space<hbm>>
    tpu.enqueue_dma source(%dma_start3A_769 : memref<16384xf32, #tpu.memory_space<hbm>>) target(%arg8 : memref<16384xf32, #tpu.memory_space<vmem>>) target_semaphore(%arg14 : memref<!tpu.dma_semaphore, #tpu.memory_space<semaphore_mem>>)
    %dma_wait3A_770 = tpu.memref_slice %arg2[%add3A_745] : memref<33554432xf32, #tpu.memory_space<hbm>> -> memref<16384xf32, #tpu.memory_space<hbm>>
    %dma_wait3A_771 = tpu.memref_slice %arg2[%add3A_745] : memref<33554432xf32, #tpu.memory_space<hbm>> -> memref<16384xf32, #tpu.memory_space<hbm>>
    tpu.wait_dma2 semaphore(%arg11 : memref<!tpu.dma_semaphore, #tpu.memory_space<semaphore_mem>>) src(%dma_wait3A_771 : memref<16384xf32, #tpu.memory_space<hbm>>) dst(%arg5 : memref<16384xf32, #tpu.memory_space<vmem>>)
    %dma_wait3A_772 = tpu.memref_slice %arg3[%add3A_749] : memref<8388608xf32, #tpu.memory_space<hbm>> -> memref<16384xf32, #tpu.memory_space<hbm>>
    %dma_wait3A_773 = tpu.memref_slice %arg3[%add3A_749] : memref<8388608xf32, #tpu.memory_space<hbm>> -> memref<16384xf32, #tpu.memory_space<hbm>>
    tpu.wait_dma2 semaphore(%arg13 : memref<!tpu.dma_semaphore, #tpu.memory_space<semaphore_mem>>) src(%dma_wait3A_773 : memref<16384xf32, #tpu.memory_space<hbm>>) dst(%arg7 : memref<16384xf32, #tpu.memory_space<vmem>>)
    %dma_wait3A_774 = tpu.memref_slice %arg4[%add3A_741] : memref<33554432xf32, #tpu.memory_space<hbm>> -> memref<16384xf32, #tpu.memory_space<hbm>>
    %dma_wait3A_775 = tpu.memref_slice %arg4[%add3A_741] : memref<33554432xf32, #tpu.memory_space<hbm>> -> memref<16384xf32, #tpu.memory_space<hbm>>
    tpu.wait_dma2 semaphore(%arg15 : memref<!tpu.dma_semaphore, #tpu.memory_space<semaphore_mem>>) src(%arg5 : memref<16384xf32, #tpu.memory_space<vmem>>) dst(%dma_wait3A_775 : memref<16384xf32, #tpu.memory_space<hbm>>)
    %add3A_776 = arith.constant 688128 : i32
    %add3A_777 = arith.addi %mul3A_2, %add3A_776 : i32
    %dma_start3A_778 = tpu.memref_slice %arg4[%add3A_777] : memref<33554432xf32, #tpu.memory_space<hbm>> -> memref<16384xf32, #tpu.memory_space<hbm>>
    %dma_start3A_779 = tpu.memref_slice %arg4[%add3A_777] : memref<33554432xf32, #tpu.memory_space<hbm>> -> memref<16384xf32, #tpu.memory_space<hbm>>
    tpu.enqueue_dma source(%arg5 : memref<16384xf32, #tpu.memory_space<vmem>>) target(%dma_start3A_779 : memref<16384xf32, #tpu.memory_space<hbm>>) target_semaphore(%arg15 : memref<!tpu.dma_semaphore, #tpu.memory_space<semaphore_mem>>)
    %add3A_780 = arith.constant 720896 : i32
    %add3A_781 = arith.addi %mul3A_2, %add3A_780 : i32
    %dma_start3A_782 = tpu.memref_slice %arg2[%add3A_781] : memref<33554432xf32, #tpu.memory_space<hbm>> -> memref<16384xf32, #tpu.memory_space<hbm>>
    %dma_start3A_783 = tpu.memref_slice %arg2[%add3A_781] : memref<33554432xf32, #tpu.memory_space<hbm>> -> memref<16384xf32, #tpu.memory_space<hbm>>
    tpu.enqueue_dma source(%dma_start3A_783 : memref<16384xf32, #tpu.memory_space<hbm>>) target(%arg5 : memref<16384xf32, #tpu.memory_space<vmem>>) target_semaphore(%arg11 : memref<!tpu.dma_semaphore, #tpu.memory_space<semaphore_mem>>)
    %add3A_784 = arith.constant 720896 : i32
    %add3A_785 = arith.addi %rem3A_3, %add3A_784 : i32
    %dma_start3A_786 = tpu.memref_slice %arg3[%add3A_785] : memref<8388608xf32, #tpu.memory_space<hbm>> -> memref<16384xf32, #tpu.memory_space<hbm>>
    %dma_start3A_787 = tpu.memref_slice %arg3[%add3A_785] : memref<8388608xf32, #tpu.memory_space<hbm>> -> memref<16384xf32, #tpu.memory_space<hbm>>
    tpu.enqueue_dma source(%dma_start3A_787 : memref<16384xf32, #tpu.memory_space<hbm>>) target(%arg7 : memref<16384xf32, #tpu.memory_space<vmem>>) target_semaphore(%arg13 : memref<!tpu.dma_semaphore, #tpu.memory_space<semaphore_mem>>)
    %dma_wait3A_788 = tpu.memref_slice %arg2[%add3A_763] : memref<33554432xf32, #tpu.memory_space<hbm>> -> memref<16384xf32, #tpu.memory_space<hbm>>
    %dma_wait3A_789 = tpu.memref_slice %arg2[%add3A_763] : memref<33554432xf32, #tpu.memory_space<hbm>> -> memref<16384xf32, #tpu.memory_space<hbm>>
    tpu.wait_dma2 semaphore(%arg12 : memref<!tpu.dma_semaphore, #tpu.memory_space<semaphore_mem>>) src(%dma_wait3A_789 : memref<16384xf32, #tpu.memory_space<hbm>>) dst(%arg6 : memref<16384xf32, #tpu.memory_space<vmem>>)
    %dma_wait3A_790 = tpu.memref_slice %arg3[%add3A_767] : memref<8388608xf32, #tpu.memory_space<hbm>> -> memref<16384xf32, #tpu.memory_space<hbm>>
    %dma_wait3A_791 = tpu.memref_slice %arg3[%add3A_767] : memref<8388608xf32, #tpu.memory_space<hbm>> -> memref<16384xf32, #tpu.memory_space<hbm>>
    tpu.wait_dma2 semaphore(%arg14 : memref<!tpu.dma_semaphore, #tpu.memory_space<semaphore_mem>>) src(%dma_wait3A_791 : memref<16384xf32, #tpu.memory_space<hbm>>) dst(%arg8 : memref<16384xf32, #tpu.memory_space<vmem>>)
    %dma_wait3A_792 = tpu.memref_slice %arg4[%add3A_759] : memref<33554432xf32, #tpu.memory_space<hbm>> -> memref<16384xf32, #tpu.memory_space<hbm>>
    %dma_wait3A_793 = tpu.memref_slice %arg4[%add3A_759] : memref<33554432xf32, #tpu.memory_space<hbm>> -> memref<16384xf32, #tpu.memory_space<hbm>>
    tpu.wait_dma2 semaphore(%arg16 : memref<!tpu.dma_semaphore, #tpu.memory_space<semaphore_mem>>) src(%arg6 : memref<16384xf32, #tpu.memory_space<vmem>>) dst(%dma_wait3A_793 : memref<16384xf32, #tpu.memory_space<hbm>>)
    %add3A_794 = arith.constant 704512 : i32
    %add3A_795 = arith.addi %mul3A_2, %add3A_794 : i32
    %dma_start3A_796 = tpu.memref_slice %arg4[%add3A_795] : memref<33554432xf32, #tpu.memory_space<hbm>> -> memref<16384xf32, #tpu.memory_space<hbm>>
    %dma_start3A_797 = tpu.memref_slice %arg4[%add3A_795] : memref<33554432xf32, #tpu.memory_space<hbm>> -> memref<16384xf32, #tpu.memory_space<hbm>>
    tpu.enqueue_dma source(%arg6 : memref<16384xf32, #tpu.memory_space<vmem>>) target(%dma_start3A_797 : memref<16384xf32, #tpu.memory_space<hbm>>) target_semaphore(%arg16 : memref<!tpu.dma_semaphore, #tpu.memory_space<semaphore_mem>>)
    %add3A_798 = arith.constant 737280 : i32
    %add3A_799 = arith.addi %mul3A_2, %add3A_798 : i32
    %dma_start3A_800 = tpu.memref_slice %arg2[%add3A_799] : memref<33554432xf32, #tpu.memory_space<hbm>> -> memref<16384xf32, #tpu.memory_space<hbm>>
    %dma_start3A_801 = tpu.memref_slice %arg2[%add3A_799] : memref<33554432xf32, #tpu.memory_space<hbm>> -> memref<16384xf32, #tpu.memory_space<hbm>>
    tpu.enqueue_dma source(%dma_start3A_801 : memref<16384xf32, #tpu.memory_space<hbm>>) target(%arg6 : memref<16384xf32, #tpu.memory_space<vmem>>) target_semaphore(%arg12 : memref<!tpu.dma_semaphore, #tpu.memory_space<semaphore_mem>>)
    %add3A_802 = arith.constant 737280 : i32
    %add3A_803 = arith.addi %rem3A_3, %add3A_802 : i32
    %dma_start3A_804 = tpu.memref_slice %arg3[%add3A_803] : memref<8388608xf32, #tpu.memory_space<hbm>> -> memref<16384xf32, #tpu.memory_space<hbm>>
    %dma_start3A_805 = tpu.memref_slice %arg3[%add3A_803] : memref<8388608xf32, #tpu.memory_space<hbm>> -> memref<16384xf32, #tpu.memory_space<hbm>>
    tpu.enqueue_dma source(%dma_start3A_805 : memref<16384xf32, #tpu.memory_space<hbm>>) target(%arg8 : memref<16384xf32, #tpu.memory_space<vmem>>) target_semaphore(%arg14 : memref<!tpu.dma_semaphore, #tpu.memory_space<semaphore_mem>>)
    %dma_wait3A_806 = tpu.memref_slice %arg2[%add3A_781] : memref<33554432xf32, #tpu.memory_space<hbm>> -> memref<16384xf32, #tpu.memory_space<hbm>>
    %dma_wait3A_807 = tpu.memref_slice %arg2[%add3A_781] : memref<33554432xf32, #tpu.memory_space<hbm>> -> memref<16384xf32, #tpu.memory_space<hbm>>
    tpu.wait_dma2 semaphore(%arg11 : memref<!tpu.dma_semaphore, #tpu.memory_space<semaphore_mem>>) src(%dma_wait3A_807 : memref<16384xf32, #tpu.memory_space<hbm>>) dst(%arg5 : memref<16384xf32, #tpu.memory_space<vmem>>)
    %dma_wait3A_808 = tpu.memref_slice %arg3[%add3A_785] : memref<8388608xf32, #tpu.memory_space<hbm>> -> memref<16384xf32, #tpu.memory_space<hbm>>
    %dma_wait3A_809 = tpu.memref_slice %arg3[%add3A_785] : memref<8388608xf32, #tpu.memory_space<hbm>> -> memref<16384xf32, #tpu.memory_space<hbm>>
    tpu.wait_dma2 semaphore(%arg13 : memref<!tpu.dma_semaphore, #tpu.memory_space<semaphore_mem>>) src(%dma_wait3A_809 : memref<16384xf32, #tpu.memory_space<hbm>>) dst(%arg7 : memref<16384xf32, #tpu.memory_space<vmem>>)
    %dma_wait3A_810 = tpu.memref_slice %arg4[%add3A_777] : memref<33554432xf32, #tpu.memory_space<hbm>> -> memref<16384xf32, #tpu.memory_space<hbm>>
    %dma_wait3A_811 = tpu.memref_slice %arg4[%add3A_777] : memref<33554432xf32, #tpu.memory_space<hbm>> -> memref<16384xf32, #tpu.memory_space<hbm>>
    tpu.wait_dma2 semaphore(%arg15 : memref<!tpu.dma_semaphore, #tpu.memory_space<semaphore_mem>>) src(%arg5 : memref<16384xf32, #tpu.memory_space<vmem>>) dst(%dma_wait3A_811 : memref<16384xf32, #tpu.memory_space<hbm>>)
    %add3A_812 = arith.constant 720896 : i32
    %add3A_813 = arith.addi %mul3A_2, %add3A_812 : i32
    %dma_start3A_814 = tpu.memref_slice %arg4[%add3A_813] : memref<33554432xf32, #tpu.memory_space<hbm>> -> memref<16384xf32, #tpu.memory_space<hbm>>
    %dma_start3A_815 = tpu.memref_slice %arg4[%add3A_813] : memref<33554432xf32, #tpu.memory_space<hbm>> -> memref<16384xf32, #tpu.memory_space<hbm>>
    tpu.enqueue_dma source(%arg5 : memref<16384xf32, #tpu.memory_space<vmem>>) target(%dma_start3A_815 : memref<16384xf32, #tpu.memory_space<hbm>>) target_semaphore(%arg15 : memref<!tpu.dma_semaphore, #tpu.memory_space<semaphore_mem>>)
    %add3A_816 = arith.constant 753664 : i32
    %add3A_817 = arith.addi %mul3A_2, %add3A_816 : i32
    %dma_start3A_818 = tpu.memref_slice %arg2[%add3A_817] : memref<33554432xf32, #tpu.memory_space<hbm>> -> memref<16384xf32, #tpu.memory_space<hbm>>
    %dma_start3A_819 = tpu.memref_slice %arg2[%add3A_817] : memref<33554432xf32, #tpu.memory_space<hbm>> -> memref<16384xf32, #tpu.memory_space<hbm>>
    tpu.enqueue_dma source(%dma_start3A_819 : memref<16384xf32, #tpu.memory_space<hbm>>) target(%arg5 : memref<16384xf32, #tpu.memory_space<vmem>>) target_semaphore(%arg11 : memref<!tpu.dma_semaphore, #tpu.memory_space<semaphore_mem>>)
    %add3A_820 = arith.constant 753664 : i32
    %add3A_821 = arith.addi %rem3A_3, %add3A_820 : i32
    %dma_start3A_822 = tpu.memref_slice %arg3[%add3A_821] : memref<8388608xf32, #tpu.memory_space<hbm>> -> memref<16384xf32, #tpu.memory_space<hbm>>
    %dma_start3A_823 = tpu.memref_slice %arg3[%add3A_821] : memref<8388608xf32, #tpu.memory_space<hbm>> -> memref<16384xf32, #tpu.memory_space<hbm>>
    tpu.enqueue_dma source(%dma_start3A_823 : memref<16384xf32, #tpu.memory_space<hbm>>) target(%arg7 : memref<16384xf32, #tpu.memory_space<vmem>>) target_semaphore(%arg13 : memref<!tpu.dma_semaphore, #tpu.memory_space<semaphore_mem>>)
    %dma_wait3A_824 = tpu.memref_slice %arg2[%add3A_799] : memref<33554432xf32, #tpu.memory_space<hbm>> -> memref<16384xf32, #tpu.memory_space<hbm>>
    %dma_wait3A_825 = tpu.memref_slice %arg2[%add3A_799] : memref<33554432xf32, #tpu.memory_space<hbm>> -> memref<16384xf32, #tpu.memory_space<hbm>>
    tpu.wait_dma2 semaphore(%arg12 : memref<!tpu.dma_semaphore, #tpu.memory_space<semaphore_mem>>) src(%dma_wait3A_825 : memref<16384xf32, #tpu.memory_space<hbm>>) dst(%arg6 : memref<16384xf32, #tpu.memory_space<vmem>>)
    %dma_wait3A_826 = tpu.memref_slice %arg3[%add3A_803] : memref<8388608xf32, #tpu.memory_space<hbm>> -> memref<16384xf32, #tpu.memory_space<hbm>>
    %dma_wait3A_827 = tpu.memref_slice %arg3[%add3A_803] : memref<8388608xf32, #tpu.memory_space<hbm>> -> memref<16384xf32, #tpu.memory_space<hbm>>
    tpu.wait_dma2 semaphore(%arg14 : memref<!tpu.dma_semaphore, #tpu.memory_space<semaphore_mem>>) src(%dma_wait3A_827 : memref<16384xf32, #tpu.memory_space<hbm>>) dst(%arg8 : memref<16384xf32, #tpu.memory_space<vmem>>)
    %dma_wait3A_828 = tpu.memref_slice %arg4[%add3A_795] : memref<33554432xf32, #tpu.memory_space<hbm>> -> memref<16384xf32, #tpu.memory_space<hbm>>
    %dma_wait3A_829 = tpu.memref_slice %arg4[%add3A_795] : memref<33554432xf32, #tpu.memory_space<hbm>> -> memref<16384xf32, #tpu.memory_space<hbm>>
    tpu.wait_dma2 semaphore(%arg16 : memref<!tpu.dma_semaphore, #tpu.memory_space<semaphore_mem>>) src(%arg6 : memref<16384xf32, #tpu.memory_space<vmem>>) dst(%dma_wait3A_829 : memref<16384xf32, #tpu.memory_space<hbm>>)
    %add3A_830 = arith.constant 737280 : i32
    %add3A_831 = arith.addi %mul3A_2, %add3A_830 : i32
    %dma_start3A_832 = tpu.memref_slice %arg4[%add3A_831] : memref<33554432xf32, #tpu.memory_space<hbm>> -> memref<16384xf32, #tpu.memory_space<hbm>>
    %dma_start3A_833 = tpu.memref_slice %arg4[%add3A_831] : memref<33554432xf32, #tpu.memory_space<hbm>> -> memref<16384xf32, #tpu.memory_space<hbm>>
    tpu.enqueue_dma source(%arg6 : memref<16384xf32, #tpu.memory_space<vmem>>) target(%dma_start3A_833 : memref<16384xf32, #tpu.memory_space<hbm>>) target_semaphore(%arg16 : memref<!tpu.dma_semaphore, #tpu.memory_space<semaphore_mem>>)
    %add3A_834 = arith.constant 770048 : i32
    %add3A_835 = arith.addi %mul3A_2, %add3A_834 : i32
    %dma_start3A_836 = tpu.memref_slice %arg2[%add3A_835] : memref<33554432xf32, #tpu.memory_space<hbm>> -> memref<16384xf32, #tpu.memory_space<hbm>>
    %dma_start3A_837 = tpu.memref_slice %arg2[%add3A_835] : memref<33554432xf32, #tpu.memory_space<hbm>> -> memref<16384xf32, #tpu.memory_space<hbm>>
    tpu.enqueue_dma source(%dma_start3A_837 : memref<16384xf32, #tpu.memory_space<hbm>>) target(%arg6 : memref<16384xf32, #tpu.memory_space<vmem>>) target_semaphore(%arg12 : memref<!tpu.dma_semaphore, #tpu.memory_space<semaphore_mem>>)
    %add3A_838 = arith.constant 770048 : i32
    %add3A_839 = arith.addi %rem3A_3, %add3A_838 : i32
    %dma_start3A_840 = tpu.memref_slice %arg3[%add3A_839] : memref<8388608xf32, #tpu.memory_space<hbm>> -> memref<16384xf32, #tpu.memory_space<hbm>>
    %dma_start3A_841 = tpu.memref_slice %arg3[%add3A_839] : memref<8388608xf32, #tpu.memory_space<hbm>> -> memref<16384xf32, #tpu.memory_space<hbm>>
    tpu.enqueue_dma source(%dma_start3A_841 : memref<16384xf32, #tpu.memory_space<hbm>>) target(%arg8 : memref<16384xf32, #tpu.memory_space<vmem>>) target_semaphore(%arg14 : memref<!tpu.dma_semaphore, #tpu.memory_space<semaphore_mem>>)
    %dma_wait3A_842 = tpu.memref_slice %arg2[%add3A_817] : memref<33554432xf32, #tpu.memory_space<hbm>> -> memref<16384xf32, #tpu.memory_space<hbm>>
    %dma_wait3A_843 = tpu.memref_slice %arg2[%add3A_817] : memref<33554432xf32, #tpu.memory_space<hbm>> -> memref<16384xf32, #tpu.memory_space<hbm>>
    tpu.wait_dma2 semaphore(%arg11 : memref<!tpu.dma_semaphore, #tpu.memory_space<semaphore_mem>>) src(%dma_wait3A_843 : memref<16384xf32, #tpu.memory_space<hbm>>) dst(%arg5 : memref<16384xf32, #tpu.memory_space<vmem>>)
    %dma_wait3A_844 = tpu.memref_slice %arg3[%add3A_821] : memref<8388608xf32, #tpu.memory_space<hbm>> -> memref<16384xf32, #tpu.memory_space<hbm>>
    %dma_wait3A_845 = tpu.memref_slice %arg3[%add3A_821] : memref<8388608xf32, #tpu.memory_space<hbm>> -> memref<16384xf32, #tpu.memory_space<hbm>>
    tpu.wait_dma2 semaphore(%arg13 : memref<!tpu.dma_semaphore, #tpu.memory_space<semaphore_mem>>) src(%dma_wait3A_845 : memref<16384xf32, #tpu.memory_space<hbm>>) dst(%arg7 : memref<16384xf32, #tpu.memory_space<vmem>>)
    %dma_wait3A_846 = tpu.memref_slice %arg4[%add3A_813] : memref<33554432xf32, #tpu.memory_space<hbm>> -> memref<16384xf32, #tpu.memory_space<hbm>>
    %dma_wait3A_847 = tpu.memref_slice %arg4[%add3A_813] : memref<33554432xf32, #tpu.memory_space<hbm>> -> memref<16384xf32, #tpu.memory_space<hbm>>
    tpu.wait_dma2 semaphore(%arg15 : memref<!tpu.dma_semaphore, #tpu.memory_space<semaphore_mem>>) src(%arg5 : memref<16384xf32, #tpu.memory_space<vmem>>) dst(%dma_wait3A_847 : memref<16384xf32, #tpu.memory_space<hbm>>)
    %add3A_848 = arith.constant 753664 : i32
    %add3A_849 = arith.addi %mul3A_2, %add3A_848 : i32
    %dma_start3A_850 = tpu.memref_slice %arg4[%add3A_849] : memref<33554432xf32, #tpu.memory_space<hbm>> -> memref<16384xf32, #tpu.memory_space<hbm>>
    %dma_start3A_851 = tpu.memref_slice %arg4[%add3A_849] : memref<33554432xf32, #tpu.memory_space<hbm>> -> memref<16384xf32, #tpu.memory_space<hbm>>
    tpu.enqueue_dma source(%arg5 : memref<16384xf32, #tpu.memory_space<vmem>>) target(%dma_start3A_851 : memref<16384xf32, #tpu.memory_space<hbm>>) target_semaphore(%arg15 : memref<!tpu.dma_semaphore, #tpu.memory_space<semaphore_mem>>)
    %add3A_852 = arith.constant 786432 : i32
    %add3A_853 = arith.addi %mul3A_2, %add3A_852 : i32
    %dma_start3A_854 = tpu.memref_slice %arg2[%add3A_853] : memref<33554432xf32, #tpu.memory_space<hbm>> -> memref<16384xf32, #tpu.memory_space<hbm>>
    %dma_start3A_855 = tpu.memref_slice %arg2[%add3A_853] : memref<33554432xf32, #tpu.memory_space<hbm>> -> memref<16384xf32, #tpu.memory_space<hbm>>
    tpu.enqueue_dma source(%dma_start3A_855 : memref<16384xf32, #tpu.memory_space<hbm>>) target(%arg5 : memref<16384xf32, #tpu.memory_space<vmem>>) target_semaphore(%arg11 : memref<!tpu.dma_semaphore, #tpu.memory_space<semaphore_mem>>)
    %add3A_856 = arith.constant 786432 : i32
    %add3A_857 = arith.addi %rem3A_3, %add3A_856 : i32
    %dma_start3A_858 = tpu.memref_slice %arg3[%add3A_857] : memref<8388608xf32, #tpu.memory_space<hbm>> -> memref<16384xf32, #tpu.memory_space<hbm>>
    %dma_start3A_859 = tpu.memref_slice %arg3[%add3A_857] : memref<8388608xf32, #tpu.memory_space<hbm>> -> memref<16384xf32, #tpu.memory_space<hbm>>
    tpu.enqueue_dma source(%dma_start3A_859 : memref<16384xf32, #tpu.memory_space<hbm>>) target(%arg7 : memref<16384xf32, #tpu.memory_space<vmem>>) target_semaphore(%arg13 : memref<!tpu.dma_semaphore, #tpu.memory_space<semaphore_mem>>)
    %dma_wait3A_860 = tpu.memref_slice %arg2[%add3A_835] : memref<33554432xf32, #tpu.memory_space<hbm>> -> memref<16384xf32, #tpu.memory_space<hbm>>
    %dma_wait3A_861 = tpu.memref_slice %arg2[%add3A_835] : memref<33554432xf32, #tpu.memory_space<hbm>> -> memref<16384xf32, #tpu.memory_space<hbm>>
    tpu.wait_dma2 semaphore(%arg12 : memref<!tpu.dma_semaphore, #tpu.memory_space<semaphore_mem>>) src(%dma_wait3A_861 : memref<16384xf32, #tpu.memory_space<hbm>>) dst(%arg6 : memref<16384xf32, #tpu.memory_space<vmem>>)
    %dma_wait3A_862 = tpu.memref_slice %arg3[%add3A_839] : memref<8388608xf32, #tpu.memory_space<hbm>> -> memref<16384xf32, #tpu.memory_space<hbm>>
    %dma_wait3A_863 = tpu.memref_slice %arg3[%add3A_839] : memref<8388608xf32, #tpu.memory_space<hbm>> -> memref<16384xf32, #tpu.memory_space<hbm>>
    tpu.wait_dma2 semaphore(%arg14 : memref<!tpu.dma_semaphore, #tpu.memory_space<semaphore_mem>>) src(%dma_wait3A_863 : memref<16384xf32, #tpu.memory_space<hbm>>) dst(%arg8 : memref<16384xf32, #tpu.memory_space<vmem>>)
    %dma_wait3A_864 = tpu.memref_slice %arg4[%add3A_831] : memref<33554432xf32, #tpu.memory_space<hbm>> -> memref<16384xf32, #tpu.memory_space<hbm>>
    %dma_wait3A_865 = tpu.memref_slice %arg4[%add3A_831] : memref<33554432xf32, #tpu.memory_space<hbm>> -> memref<16384xf32, #tpu.memory_space<hbm>>
    tpu.wait_dma2 semaphore(%arg16 : memref<!tpu.dma_semaphore, #tpu.memory_space<semaphore_mem>>) src(%arg6 : memref<16384xf32, #tpu.memory_space<vmem>>) dst(%dma_wait3A_865 : memref<16384xf32, #tpu.memory_space<hbm>>)
    %add3A_866 = arith.constant 770048 : i32
    %add3A_867 = arith.addi %mul3A_2, %add3A_866 : i32
    %dma_start3A_868 = tpu.memref_slice %arg4[%add3A_867] : memref<33554432xf32, #tpu.memory_space<hbm>> -> memref<16384xf32, #tpu.memory_space<hbm>>
    %dma_start3A_869 = tpu.memref_slice %arg4[%add3A_867] : memref<33554432xf32, #tpu.memory_space<hbm>> -> memref<16384xf32, #tpu.memory_space<hbm>>
    tpu.enqueue_dma source(%arg6 : memref<16384xf32, #tpu.memory_space<vmem>>) target(%dma_start3A_869 : memref<16384xf32, #tpu.memory_space<hbm>>) target_semaphore(%arg16 : memref<!tpu.dma_semaphore, #tpu.memory_space<semaphore_mem>>)
    %add3A_870 = arith.constant 802816 : i32
    %add3A_871 = arith.addi %mul3A_2, %add3A_870 : i32
    %dma_start3A_872 = tpu.memref_slice %arg2[%add3A_871] : memref<33554432xf32, #tpu.memory_space<hbm>> -> memref<16384xf32, #tpu.memory_space<hbm>>
    %dma_start3A_873 = tpu.memref_slice %arg2[%add3A_871] : memref<33554432xf32, #tpu.memory_space<hbm>> -> memref<16384xf32, #tpu.memory_space<hbm>>
    tpu.enqueue_dma source(%dma_start3A_873 : memref<16384xf32, #tpu.memory_space<hbm>>) target(%arg6 : memref<16384xf32, #tpu.memory_space<vmem>>) target_semaphore(%arg12 : memref<!tpu.dma_semaphore, #tpu.memory_space<semaphore_mem>>)
    %add3A_874 = arith.constant 802816 : i32
    %add3A_875 = arith.addi %rem3A_3, %add3A_874 : i32
    %dma_start3A_876 = tpu.memref_slice %arg3[%add3A_875] : memref<8388608xf32, #tpu.memory_space<hbm>> -> memref<16384xf32, #tpu.memory_space<hbm>>
    %dma_start3A_877 = tpu.memref_slice %arg3[%add3A_875] : memref<8388608xf32, #tpu.memory_space<hbm>> -> memref<16384xf32, #tpu.memory_space<hbm>>
    tpu.enqueue_dma source(%dma_start3A_877 : memref<16384xf32, #tpu.memory_space<hbm>>) target(%arg8 : memref<16384xf32, #tpu.memory_space<vmem>>) target_semaphore(%arg14 : memref<!tpu.dma_semaphore, #tpu.memory_space<semaphore_mem>>)
    %dma_wait3A_878 = tpu.memref_slice %arg2[%add3A_853] : memref<33554432xf32, #tpu.memory_space<hbm>> -> memref<16384xf32, #tpu.memory_space<hbm>>
    %dma_wait3A_879 = tpu.memref_slice %arg2[%add3A_853] : memref<33554432xf32, #tpu.memory_space<hbm>> -> memref<16384xf32, #tpu.memory_space<hbm>>
    tpu.wait_dma2 semaphore(%arg11 : memref<!tpu.dma_semaphore, #tpu.memory_space<semaphore_mem>>) src(%dma_wait3A_879 : memref<16384xf32, #tpu.memory_space<hbm>>) dst(%arg5 : memref<16384xf32, #tpu.memory_space<vmem>>)
    %dma_wait3A_880 = tpu.memref_slice %arg3[%add3A_857] : memref<8388608xf32, #tpu.memory_space<hbm>> -> memref<16384xf32, #tpu.memory_space<hbm>>
    %dma_wait3A_881 = tpu.memref_slice %arg3[%add3A_857] : memref<8388608xf32, #tpu.memory_space<hbm>> -> memref<16384xf32, #tpu.memory_space<hbm>>
    tpu.wait_dma2 semaphore(%arg13 : memref<!tpu.dma_semaphore, #tpu.memory_space<semaphore_mem>>) src(%dma_wait3A_881 : memref<16384xf32, #tpu.memory_space<hbm>>) dst(%arg7 : memref<16384xf32, #tpu.memory_space<vmem>>)
    %dma_wait3A_882 = tpu.memref_slice %arg4[%add3A_849] : memref<33554432xf32, #tpu.memory_space<hbm>> -> memref<16384xf32, #tpu.memory_space<hbm>>
    %dma_wait3A_883 = tpu.memref_slice %arg4[%add3A_849] : memref<33554432xf32, #tpu.memory_space<hbm>> -> memref<16384xf32, #tpu.memory_space<hbm>>
    tpu.wait_dma2 semaphore(%arg15 : memref<!tpu.dma_semaphore, #tpu.memory_space<semaphore_mem>>) src(%arg5 : memref<16384xf32, #tpu.memory_space<vmem>>) dst(%dma_wait3A_883 : memref<16384xf32, #tpu.memory_space<hbm>>)
    %add3A_884 = arith.constant 786432 : i32
    %add3A_885 = arith.addi %mul3A_2, %add3A_884 : i32
    %dma_start3A_886 = tpu.memref_slice %arg4[%add3A_885] : memref<33554432xf32, #tpu.memory_space<hbm>> -> memref<16384xf32, #tpu.memory_space<hbm>>
    %dma_start3A_887 = tpu.memref_slice %arg4[%add3A_885] : memref<33554432xf32, #tpu.memory_space<hbm>> -> memref<16384xf32, #tpu.memory_space<hbm>>
    tpu.enqueue_dma source(%arg5 : memref<16384xf32, #tpu.memory_space<vmem>>) target(%dma_start3A_887 : memref<16384xf32, #tpu.memory_space<hbm>>) target_semaphore(%arg15 : memref<!tpu.dma_semaphore, #tpu.memory_space<semaphore_mem>>)
    %add3A_888 = arith.constant 819200 : i32
    %add3A_889 = arith.addi %mul3A_2, %add3A_888 : i32
    %dma_start3A_890 = tpu.memref_slice %arg2[%add3A_889] : memref<33554432xf32, #tpu.memory_space<hbm>> -> memref<16384xf32, #tpu.memory_space<hbm>>
    %dma_start3A_891 = tpu.memref_slice %arg2[%add3A_889] : memref<33554432xf32, #tpu.memory_space<hbm>> -> memref<16384xf32, #tpu.memory_space<hbm>>
    tpu.enqueue_dma source(%dma_start3A_891 : memref<16384xf32, #tpu.memory_space<hbm>>) target(%arg5 : memref<16384xf32, #tpu.memory_space<vmem>>) target_semaphore(%arg11 : memref<!tpu.dma_semaphore, #tpu.memory_space<semaphore_mem>>)
    %add3A_892 = arith.constant 819200 : i32
    %add3A_893 = arith.addi %rem3A_3, %add3A_892 : i32
    %dma_start3A_894 = tpu.memref_slice %arg3[%add3A_893] : memref<8388608xf32, #tpu.memory_space<hbm>> -> memref<16384xf32, #tpu.memory_space<hbm>>
    %dma_start3A_895 = tpu.memref_slice %arg3[%add3A_893] : memref<8388608xf32, #tpu.memory_space<hbm>> -> memref<16384xf32, #tpu.memory_space<hbm>>
    tpu.enqueue_dma source(%dma_start3A_895 : memref<16384xf32, #tpu.memory_space<hbm>>) target(%arg7 : memref<16384xf32, #tpu.memory_space<vmem>>) target_semaphore(%arg13 : memref<!tpu.dma_semaphore, #tpu.memory_space<semaphore_mem>>)
    %dma_wait3A_896 = tpu.memref_slice %arg2[%add3A_871] : memref<33554432xf32, #tpu.memory_space<hbm>> -> memref<16384xf32, #tpu.memory_space<hbm>>
    %dma_wait3A_897 = tpu.memref_slice %arg2[%add3A_871] : memref<33554432xf32, #tpu.memory_space<hbm>> -> memref<16384xf32, #tpu.memory_space<hbm>>
    tpu.wait_dma2 semaphore(%arg12 : memref<!tpu.dma_semaphore, #tpu.memory_space<semaphore_mem>>) src(%dma_wait3A_897 : memref<16384xf32, #tpu.memory_space<hbm>>) dst(%arg6 : memref<16384xf32, #tpu.memory_space<vmem>>)
    %dma_wait3A_898 = tpu.memref_slice %arg3[%add3A_875] : memref<8388608xf32, #tpu.memory_space<hbm>> -> memref<16384xf32, #tpu.memory_space<hbm>>
    %dma_wait3A_899 = tpu.memref_slice %arg3[%add3A_875] : memref<8388608xf32, #tpu.memory_space<hbm>> -> memref<16384xf32, #tpu.memory_space<hbm>>
    tpu.wait_dma2 semaphore(%arg14 : memref<!tpu.dma_semaphore, #tpu.memory_space<semaphore_mem>>) src(%dma_wait3A_899 : memref<16384xf32, #tpu.memory_space<hbm>>) dst(%arg8 : memref<16384xf32, #tpu.memory_space<vmem>>)
    %dma_wait3A_900 = tpu.memref_slice %arg4[%add3A_867] : memref<33554432xf32, #tpu.memory_space<hbm>> -> memref<16384xf32, #tpu.memory_space<hbm>>
    %dma_wait3A_901 = tpu.memref_slice %arg4[%add3A_867] : memref<33554432xf32, #tpu.memory_space<hbm>> -> memref<16384xf32, #tpu.memory_space<hbm>>
    tpu.wait_dma2 semaphore(%arg16 : memref<!tpu.dma_semaphore, #tpu.memory_space<semaphore_mem>>) src(%arg6 : memref<16384xf32, #tpu.memory_space<vmem>>) dst(%dma_wait3A_901 : memref<16384xf32, #tpu.memory_space<hbm>>)
    %add3A_902 = arith.constant 802816 : i32
    %add3A_903 = arith.addi %mul3A_2, %add3A_902 : i32
    %dma_start3A_904 = tpu.memref_slice %arg4[%add3A_903] : memref<33554432xf32, #tpu.memory_space<hbm>> -> memref<16384xf32, #tpu.memory_space<hbm>>
    %dma_start3A_905 = tpu.memref_slice %arg4[%add3A_903] : memref<33554432xf32, #tpu.memory_space<hbm>> -> memref<16384xf32, #tpu.memory_space<hbm>>
    tpu.enqueue_dma source(%arg6 : memref<16384xf32, #tpu.memory_space<vmem>>) target(%dma_start3A_905 : memref<16384xf32, #tpu.memory_space<hbm>>) target_semaphore(%arg16 : memref<!tpu.dma_semaphore, #tpu.memory_space<semaphore_mem>>)
    %add3A_906 = arith.constant 835584 : i32
    %add3A_907 = arith.addi %mul3A_2, %add3A_906 : i32
    %dma_start3A_908 = tpu.memref_slice %arg2[%add3A_907] : memref<33554432xf32, #tpu.memory_space<hbm>> -> memref<16384xf32, #tpu.memory_space<hbm>>
    %dma_start3A_909 = tpu.memref_slice %arg2[%add3A_907] : memref<33554432xf32, #tpu.memory_space<hbm>> -> memref<16384xf32, #tpu.memory_space<hbm>>
    tpu.enqueue_dma source(%dma_start3A_909 : memref<16384xf32, #tpu.memory_space<hbm>>) target(%arg6 : memref<16384xf32, #tpu.memory_space<vmem>>) target_semaphore(%arg12 : memref<!tpu.dma_semaphore, #tpu.memory_space<semaphore_mem>>)
    %add3A_910 = arith.constant 835584 : i32
    %add3A_911 = arith.addi %rem3A_3, %add3A_910 : i32
    %dma_start3A_912 = tpu.memref_slice %arg3[%add3A_911] : memref<8388608xf32, #tpu.memory_space<hbm>> -> memref<16384xf32, #tpu.memory_space<hbm>>
    %dma_start3A_913 = tpu.memref_slice %arg3[%add3A_911] : memref<8388608xf32, #tpu.memory_space<hbm>> -> memref<16384xf32, #tpu.memory_space<hbm>>
    tpu.enqueue_dma source(%dma_start3A_913 : memref<16384xf32, #tpu.memory_space<hbm>>) target(%arg8 : memref<16384xf32, #tpu.memory_space<vmem>>) target_semaphore(%arg14 : memref<!tpu.dma_semaphore, #tpu.memory_space<semaphore_mem>>)
    %dma_wait3A_914 = tpu.memref_slice %arg2[%add3A_889] : memref<33554432xf32, #tpu.memory_space<hbm>> -> memref<16384xf32, #tpu.memory_space<hbm>>
    %dma_wait3A_915 = tpu.memref_slice %arg2[%add3A_889] : memref<33554432xf32, #tpu.memory_space<hbm>> -> memref<16384xf32, #tpu.memory_space<hbm>>
    tpu.wait_dma2 semaphore(%arg11 : memref<!tpu.dma_semaphore, #tpu.memory_space<semaphore_mem>>) src(%dma_wait3A_915 : memref<16384xf32, #tpu.memory_space<hbm>>) dst(%arg5 : memref<16384xf32, #tpu.memory_space<vmem>>)
    %dma_wait3A_916 = tpu.memref_slice %arg3[%add3A_893] : memref<8388608xf32, #tpu.memory_space<hbm>> -> memref<16384xf32, #tpu.memory_space<hbm>>
    %dma_wait3A_917 = tpu.memref_slice %arg3[%add3A_893] : memref<8388608xf32, #tpu.memory_space<hbm>> -> memref<16384xf32, #tpu.memory_space<hbm>>
    tpu.wait_dma2 semaphore(%arg13 : memref<!tpu.dma_semaphore, #tpu.memory_space<semaphore_mem>>) src(%dma_wait3A_917 : memref<16384xf32, #tpu.memory_space<hbm>>) dst(%arg7 : memref<16384xf32, #tpu.memory_space<vmem>>)
    %dma_wait3A_918 = tpu.memref_slice %arg4[%add3A_885] : memref<33554432xf32, #tpu.memory_space<hbm>> -> memref<16384xf32, #tpu.memory_space<hbm>>
    %dma_wait3A_919 = tpu.memref_slice %arg4[%add3A_885] : memref<33554432xf32, #tpu.memory_space<hbm>> -> memref<16384xf32, #tpu.memory_space<hbm>>
    tpu.wait_dma2 semaphore(%arg15 : memref<!tpu.dma_semaphore, #tpu.memory_space<semaphore_mem>>) src(%arg5 : memref<16384xf32, #tpu.memory_space<vmem>>) dst(%dma_wait3A_919 : memref<16384xf32, #tpu.memory_space<hbm>>)
    %add3A_920 = arith.constant 819200 : i32
    %add3A_921 = arith.addi %mul3A_2, %add3A_920 : i32
    %dma_start3A_922 = tpu.memref_slice %arg4[%add3A_921] : memref<33554432xf32, #tpu.memory_space<hbm>> -> memref<16384xf32, #tpu.memory_space<hbm>>
    %dma_start3A_923 = tpu.memref_slice %arg4[%add3A_921] : memref<33554432xf32, #tpu.memory_space<hbm>> -> memref<16384xf32, #tpu.memory_space<hbm>>
    tpu.enqueue_dma source(%arg5 : memref<16384xf32, #tpu.memory_space<vmem>>) target(%dma_start3A_923 : memref<16384xf32, #tpu.memory_space<hbm>>) target_semaphore(%arg15 : memref<!tpu.dma_semaphore, #tpu.memory_space<semaphore_mem>>)
    %add3A_924 = arith.constant 851968 : i32
    %add3A_925 = arith.addi %mul3A_2, %add3A_924 : i32
    %dma_start3A_926 = tpu.memref_slice %arg2[%add3A_925] : memref<33554432xf32, #tpu.memory_space<hbm>> -> memref<16384xf32, #tpu.memory_space<hbm>>
    %dma_start3A_927 = tpu.memref_slice %arg2[%add3A_925] : memref<33554432xf32, #tpu.memory_space<hbm>> -> memref<16384xf32, #tpu.memory_space<hbm>>
    tpu.enqueue_dma source(%dma_start3A_927 : memref<16384xf32, #tpu.memory_space<hbm>>) target(%arg5 : memref<16384xf32, #tpu.memory_space<vmem>>) target_semaphore(%arg11 : memref<!tpu.dma_semaphore, #tpu.memory_space<semaphore_mem>>)
    %add3A_928 = arith.constant 851968 : i32
    %add3A_929 = arith.addi %rem3A_3, %add3A_928 : i32
    %dma_start3A_930 = tpu.memref_slice %arg3[%add3A_929] : memref<8388608xf32, #tpu.memory_space<hbm>> -> memref<16384xf32, #tpu.memory_space<hbm>>
    %dma_start3A_931 = tpu.memref_slice %arg3[%add3A_929] : memref<8388608xf32, #tpu.memory_space<hbm>> -> memref<16384xf32, #tpu.memory_space<hbm>>
    tpu.enqueue_dma source(%dma_start3A_931 : memref<16384xf32, #tpu.memory_space<hbm>>) target(%arg7 : memref<16384xf32, #tpu.memory_space<vmem>>) target_semaphore(%arg13 : memref<!tpu.dma_semaphore, #tpu.memory_space<semaphore_mem>>)
    %dma_wait3A_932 = tpu.memref_slice %arg2[%add3A_907] : memref<33554432xf32, #tpu.memory_space<hbm>> -> memref<16384xf32, #tpu.memory_space<hbm>>
    %dma_wait3A_933 = tpu.memref_slice %arg2[%add3A_907] : memref<33554432xf32, #tpu.memory_space<hbm>> -> memref<16384xf32, #tpu.memory_space<hbm>>
    tpu.wait_dma2 semaphore(%arg12 : memref<!tpu.dma_semaphore, #tpu.memory_space<semaphore_mem>>) src(%dma_wait3A_933 : memref<16384xf32, #tpu.memory_space<hbm>>) dst(%arg6 : memref<16384xf32, #tpu.memory_space<vmem>>)
    %dma_wait3A_934 = tpu.memref_slice %arg3[%add3A_911] : memref<8388608xf32, #tpu.memory_space<hbm>> -> memref<16384xf32, #tpu.memory_space<hbm>>
    %dma_wait3A_935 = tpu.memref_slice %arg3[%add3A_911] : memref<8388608xf32, #tpu.memory_space<hbm>> -> memref<16384xf32, #tpu.memory_space<hbm>>
    tpu.wait_dma2 semaphore(%arg14 : memref<!tpu.dma_semaphore, #tpu.memory_space<semaphore_mem>>) src(%dma_wait3A_935 : memref<16384xf32, #tpu.memory_space<hbm>>) dst(%arg8 : memref<16384xf32, #tpu.memory_space<vmem>>)
    %dma_wait3A_936 = tpu.memref_slice %arg4[%add3A_903] : memref<33554432xf32, #tpu.memory_space<hbm>> -> memref<16384xf32, #tpu.memory_space<hbm>>
    %dma_wait3A_937 = tpu.memref_slice %arg4[%add3A_903] : memref<33554432xf32, #tpu.memory_space<hbm>> -> memref<16384xf32, #tpu.memory_space<hbm>>
    tpu.wait_dma2 semaphore(%arg16 : memref<!tpu.dma_semaphore, #tpu.memory_space<semaphore_mem>>) src(%arg6 : memref<16384xf32, #tpu.memory_space<vmem>>) dst(%dma_wait3A_937 : memref<16384xf32, #tpu.memory_space<hbm>>)
    %add3A_938 = arith.constant 835584 : i32
    %add3A_939 = arith.addi %mul3A_2, %add3A_938 : i32
    %dma_start3A_940 = tpu.memref_slice %arg4[%add3A_939] : memref<33554432xf32, #tpu.memory_space<hbm>> -> memref<16384xf32, #tpu.memory_space<hbm>>
    %dma_start3A_941 = tpu.memref_slice %arg4[%add3A_939] : memref<33554432xf32, #tpu.memory_space<hbm>> -> memref<16384xf32, #tpu.memory_space<hbm>>
    tpu.enqueue_dma source(%arg6 : memref<16384xf32, #tpu.memory_space<vmem>>) target(%dma_start3A_941 : memref<16384xf32, #tpu.memory_space<hbm>>) target_semaphore(%arg16 : memref<!tpu.dma_semaphore, #tpu.memory_space<semaphore_mem>>)
    %add3A_942 = arith.constant 868352 : i32
    %add3A_943 = arith.addi %mul3A_2, %add3A_942 : i32
    %dma_start3A_944 = tpu.memref_slice %arg2[%add3A_943] : memref<33554432xf32, #tpu.memory_space<hbm>> -> memref<16384xf32, #tpu.memory_space<hbm>>
    %dma_start3A_945 = tpu.memref_slice %arg2[%add3A_943] : memref<33554432xf32, #tpu.memory_space<hbm>> -> memref<16384xf32, #tpu.memory_space<hbm>>
    tpu.enqueue_dma source(%dma_start3A_945 : memref<16384xf32, #tpu.memory_space<hbm>>) target(%arg6 : memref<16384xf32, #tpu.memory_space<vmem>>) target_semaphore(%arg12 : memref<!tpu.dma_semaphore, #tpu.memory_space<semaphore_mem>>)
    %add3A_946 = arith.constant 868352 : i32
    %add3A_947 = arith.addi %rem3A_3, %add3A_946 : i32
    %dma_start3A_948 = tpu.memref_slice %arg3[%add3A_947] : memref<8388608xf32, #tpu.memory_space<hbm>> -> memref<16384xf32, #tpu.memory_space<hbm>>
    %dma_start3A_949 = tpu.memref_slice %arg3[%add3A_947] : memref<8388608xf32, #tpu.memory_space<hbm>> -> memref<16384xf32, #tpu.memory_space<hbm>>
    tpu.enqueue_dma source(%dma_start3A_949 : memref<16384xf32, #tpu.memory_space<hbm>>) target(%arg8 : memref<16384xf32, #tpu.memory_space<vmem>>) target_semaphore(%arg14 : memref<!tpu.dma_semaphore, #tpu.memory_space<semaphore_mem>>)
    %dma_wait3A_950 = tpu.memref_slice %arg2[%add3A_925] : memref<33554432xf32, #tpu.memory_space<hbm>> -> memref<16384xf32, #tpu.memory_space<hbm>>
    %dma_wait3A_951 = tpu.memref_slice %arg2[%add3A_925] : memref<33554432xf32, #tpu.memory_space<hbm>> -> memref<16384xf32, #tpu.memory_space<hbm>>
    tpu.wait_dma2 semaphore(%arg11 : memref<!tpu.dma_semaphore, #tpu.memory_space<semaphore_mem>>) src(%dma_wait3A_951 : memref<16384xf32, #tpu.memory_space<hbm>>) dst(%arg5 : memref<16384xf32, #tpu.memory_space<vmem>>)
    %dma_wait3A_952 = tpu.memref_slice %arg3[%add3A_929] : memref<8388608xf32, #tpu.memory_space<hbm>> -> memref<16384xf32, #tpu.memory_space<hbm>>
    %dma_wait3A_953 = tpu.memref_slice %arg3[%add3A_929] : memref<8388608xf32, #tpu.memory_space<hbm>> -> memref<16384xf32, #tpu.memory_space<hbm>>
    tpu.wait_dma2 semaphore(%arg13 : memref<!tpu.dma_semaphore, #tpu.memory_space<semaphore_mem>>) src(%dma_wait3A_953 : memref<16384xf32, #tpu.memory_space<hbm>>) dst(%arg7 : memref<16384xf32, #tpu.memory_space<vmem>>)
    %dma_wait3A_954 = tpu.memref_slice %arg4[%add3A_921] : memref<33554432xf32, #tpu.memory_space<hbm>> -> memref<16384xf32, #tpu.memory_space<hbm>>
    %dma_wait3A_955 = tpu.memref_slice %arg4[%add3A_921] : memref<33554432xf32, #tpu.memory_space<hbm>> -> memref<16384xf32, #tpu.memory_space<hbm>>
    tpu.wait_dma2 semaphore(%arg15 : memref<!tpu.dma_semaphore, #tpu.memory_space<semaphore_mem>>) src(%arg5 : memref<16384xf32, #tpu.memory_space<vmem>>) dst(%dma_wait3A_955 : memref<16384xf32, #tpu.memory_space<hbm>>)
    %add3A_956 = arith.constant 851968 : i32
    %add3A_957 = arith.addi %mul3A_2, %add3A_956 : i32
    %dma_start3A_958 = tpu.memref_slice %arg4[%add3A_957] : memref<33554432xf32, #tpu.memory_space<hbm>> -> memref<16384xf32, #tpu.memory_space<hbm>>
    %dma_start3A_959 = tpu.memref_slice %arg4[%add3A_957] : memref<33554432xf32, #tpu.memory_space<hbm>> -> memref<16384xf32, #tpu.memory_space<hbm>>
    tpu.enqueue_dma source(%arg5 : memref<16384xf32, #tpu.memory_space<vmem>>) target(%dma_start3A_959 : memref<16384xf32, #tpu.memory_space<hbm>>) target_semaphore(%arg15 : memref<!tpu.dma_semaphore, #tpu.memory_space<semaphore_mem>>)
    %add3A_960 = arith.constant 884736 : i32
    %add3A_961 = arith.addi %mul3A_2, %add3A_960 : i32
    %dma_start3A_962 = tpu.memref_slice %arg2[%add3A_961] : memref<33554432xf32, #tpu.memory_space<hbm>> -> memref<16384xf32, #tpu.memory_space<hbm>>
    %dma_start3A_963 = tpu.memref_slice %arg2[%add3A_961] : memref<33554432xf32, #tpu.memory_space<hbm>> -> memref<16384xf32, #tpu.memory_space<hbm>>
    tpu.enqueue_dma source(%dma_start3A_963 : memref<16384xf32, #tpu.memory_space<hbm>>) target(%arg5 : memref<16384xf32, #tpu.memory_space<vmem>>) target_semaphore(%arg11 : memref<!tpu.dma_semaphore, #tpu.memory_space<semaphore_mem>>)
    %add3A_964 = arith.constant 884736 : i32
    %add3A_965 = arith.addi %rem3A_3, %add3A_964 : i32
    %dma_start3A_966 = tpu.memref_slice %arg3[%add3A_965] : memref<8388608xf32, #tpu.memory_space<hbm>> -> memref<16384xf32, #tpu.memory_space<hbm>>
    %dma_start3A_967 = tpu.memref_slice %arg3[%add3A_965] : memref<8388608xf32, #tpu.memory_space<hbm>> -> memref<16384xf32, #tpu.memory_space<hbm>>
    tpu.enqueue_dma source(%dma_start3A_967 : memref<16384xf32, #tpu.memory_space<hbm>>) target(%arg7 : memref<16384xf32, #tpu.memory_space<vmem>>) target_semaphore(%arg13 : memref<!tpu.dma_semaphore, #tpu.memory_space<semaphore_mem>>)
    %dma_wait3A_968 = tpu.memref_slice %arg2[%add3A_943] : memref<33554432xf32, #tpu.memory_space<hbm>> -> memref<16384xf32, #tpu.memory_space<hbm>>
    %dma_wait3A_969 = tpu.memref_slice %arg2[%add3A_943] : memref<33554432xf32, #tpu.memory_space<hbm>> -> memref<16384xf32, #tpu.memory_space<hbm>>
    tpu.wait_dma2 semaphore(%arg12 : memref<!tpu.dma_semaphore, #tpu.memory_space<semaphore_mem>>) src(%dma_wait3A_969 : memref<16384xf32, #tpu.memory_space<hbm>>) dst(%arg6 : memref<16384xf32, #tpu.memory_space<vmem>>)
    %dma_wait3A_970 = tpu.memref_slice %arg3[%add3A_947] : memref<8388608xf32, #tpu.memory_space<hbm>> -> memref<16384xf32, #tpu.memory_space<hbm>>
    %dma_wait3A_971 = tpu.memref_slice %arg3[%add3A_947] : memref<8388608xf32, #tpu.memory_space<hbm>> -> memref<16384xf32, #tpu.memory_space<hbm>>
    tpu.wait_dma2 semaphore(%arg14 : memref<!tpu.dma_semaphore, #tpu.memory_space<semaphore_mem>>) src(%dma_wait3A_971 : memref<16384xf32, #tpu.memory_space<hbm>>) dst(%arg8 : memref<16384xf32, #tpu.memory_space<vmem>>)
    %dma_wait3A_972 = tpu.memref_slice %arg4[%add3A_939] : memref<33554432xf32, #tpu.memory_space<hbm>> -> memref<16384xf32, #tpu.memory_space<hbm>>
    %dma_wait3A_973 = tpu.memref_slice %arg4[%add3A_939] : memref<33554432xf32, #tpu.memory_space<hbm>> -> memref<16384xf32, #tpu.memory_space<hbm>>
    tpu.wait_dma2 semaphore(%arg16 : memref<!tpu.dma_semaphore, #tpu.memory_space<semaphore_mem>>) src(%arg6 : memref<16384xf32, #tpu.memory_space<vmem>>) dst(%dma_wait3A_973 : memref<16384xf32, #tpu.memory_space<hbm>>)
    %add3A_974 = arith.constant 868352 : i32
    %add3A_975 = arith.addi %mul3A_2, %add3A_974 : i32
    %dma_start3A_976 = tpu.memref_slice %arg4[%add3A_975] : memref<33554432xf32, #tpu.memory_space<hbm>> -> memref<16384xf32, #tpu.memory_space<hbm>>
    %dma_start3A_977 = tpu.memref_slice %arg4[%add3A_975] : memref<33554432xf32, #tpu.memory_space<hbm>> -> memref<16384xf32, #tpu.memory_space<hbm>>
    tpu.enqueue_dma source(%arg6 : memref<16384xf32, #tpu.memory_space<vmem>>) target(%dma_start3A_977 : memref<16384xf32, #tpu.memory_space<hbm>>) target_semaphore(%arg16 : memref<!tpu.dma_semaphore, #tpu.memory_space<semaphore_mem>>)
    %add3A_978 = arith.constant 901120 : i32
    %add3A_979 = arith.addi %mul3A_2, %add3A_978 : i32
    %dma_start3A_980 = tpu.memref_slice %arg2[%add3A_979] : memref<33554432xf32, #tpu.memory_space<hbm>> -> memref<16384xf32, #tpu.memory_space<hbm>>
    %dma_start3A_981 = tpu.memref_slice %arg2[%add3A_979] : memref<33554432xf32, #tpu.memory_space<hbm>> -> memref<16384xf32, #tpu.memory_space<hbm>>
    tpu.enqueue_dma source(%dma_start3A_981 : memref<16384xf32, #tpu.memory_space<hbm>>) target(%arg6 : memref<16384xf32, #tpu.memory_space<vmem>>) target_semaphore(%arg12 : memref<!tpu.dma_semaphore, #tpu.memory_space<semaphore_mem>>)
    %add3A_982 = arith.constant 901120 : i32
    %add3A_983 = arith.addi %rem3A_3, %add3A_982 : i32
    %dma_start3A_984 = tpu.memref_slice %arg3[%add3A_983] : memref<8388608xf32, #tpu.memory_space<hbm>> -> memref<16384xf32, #tpu.memory_space<hbm>>
    %dma_start3A_985 = tpu.memref_slice %arg3[%add3A_983] : memref<8388608xf32, #tpu.memory_space<hbm>> -> memref<16384xf32, #tpu.memory_space<hbm>>
    tpu.enqueue_dma source(%dma_start3A_985 : memref<16384xf32, #tpu.memory_space<hbm>>) target(%arg8 : memref<16384xf32, #tpu.memory_space<vmem>>) target_semaphore(%arg14 : memref<!tpu.dma_semaphore, #tpu.memory_space<semaphore_mem>>)
    %dma_wait3A_986 = tpu.memref_slice %arg2[%add3A_961] : memref<33554432xf32, #tpu.memory_space<hbm>> -> memref<16384xf32, #tpu.memory_space<hbm>>
    %dma_wait3A_987 = tpu.memref_slice %arg2[%add3A_961] : memref<33554432xf32, #tpu.memory_space<hbm>> -> memref<16384xf32, #tpu.memory_space<hbm>>
    tpu.wait_dma2 semaphore(%arg11 : memref<!tpu.dma_semaphore, #tpu.memory_space<semaphore_mem>>) src(%dma_wait3A_987 : memref<16384xf32, #tpu.memory_space<hbm>>) dst(%arg5 : memref<16384xf32, #tpu.memory_space<vmem>>)
    %dma_wait3A_988 = tpu.memref_slice %arg3[%add3A_965] : memref<8388608xf32, #tpu.memory_space<hbm>> -> memref<16384xf32, #tpu.memory_space<hbm>>
    %dma_wait3A_989 = tpu.memref_slice %arg3[%add3A_965] : memref<8388608xf32, #tpu.memory_space<hbm>> -> memref<16384xf32, #tpu.memory_space<hbm>>
    tpu.wait_dma2 semaphore(%arg13 : memref<!tpu.dma_semaphore, #tpu.memory_space<semaphore_mem>>) src(%dma_wait3A_989 : memref<16384xf32, #tpu.memory_space<hbm>>) dst(%arg7 : memref<16384xf32, #tpu.memory_space<vmem>>)
    %dma_wait3A_990 = tpu.memref_slice %arg4[%add3A_957] : memref<33554432xf32, #tpu.memory_space<hbm>> -> memref<16384xf32, #tpu.memory_space<hbm>>
    %dma_wait3A_991 = tpu.memref_slice %arg4[%add3A_957] : memref<33554432xf32, #tpu.memory_space<hbm>> -> memref<16384xf32, #tpu.memory_space<hbm>>
    tpu.wait_dma2 semaphore(%arg15 : memref<!tpu.dma_semaphore, #tpu.memory_space<semaphore_mem>>) src(%arg5 : memref<16384xf32, #tpu.memory_space<vmem>>) dst(%dma_wait3A_991 : memref<16384xf32, #tpu.memory_space<hbm>>)
    %add3A_992 = arith.constant 884736 : i32
    %add3A_993 = arith.addi %mul3A_2, %add3A_992 : i32
    %dma_start3A_994 = tpu.memref_slice %arg4[%add3A_993] : memref<33554432xf32, #tpu.memory_space<hbm>> -> memref<16384xf32, #tpu.memory_space<hbm>>
    %dma_start3A_995 = tpu.memref_slice %arg4[%add3A_993] : memref<33554432xf32, #tpu.memory_space<hbm>> -> memref<16384xf32, #tpu.memory_space<hbm>>
    tpu.enqueue_dma source(%arg5 : memref<16384xf32, #tpu.memory_space<vmem>>) target(%dma_start3A_995 : memref<16384xf32, #tpu.memory_space<hbm>>) target_semaphore(%arg15 : memref<!tpu.dma_semaphore, #tpu.memory_space<semaphore_mem>>)
    %add3A_996 = arith.constant 917504 : i32
    %add3A_997 = arith.addi %mul3A_2, %add3A_996 : i32
    %dma_start3A_998 = tpu.memref_slice %arg2[%add3A_997] : memref<33554432xf32, #tpu.memory_space<hbm>> -> memref<16384xf32, #tpu.memory_space<hbm>>
    %dma_start3A_999 = tpu.memref_slice %arg2[%add3A_997] : memref<33554432xf32, #tpu.memory_space<hbm>> -> memref<16384xf32, #tpu.memory_space<hbm>>
    tpu.enqueue_dma source(%dma_start3A_999 : memref<16384xf32, #tpu.memory_space<hbm>>) target(%arg5 : memref<16384xf32, #tpu.memory_space<vmem>>) target_semaphore(%arg11 : memref<!tpu.dma_semaphore, #tpu.memory_space<semaphore_mem>>)
    %add3A_1000 = arith.constant 917504 : i32
    %add3A_1001 = arith.addi %rem3A_3, %add3A_1000 : i32
    %dma_start3A_1002 = tpu.memref_slice %arg3[%add3A_1001] : memref<8388608xf32, #tpu.memory_space<hbm>> -> memref<16384xf32, #tpu.memory_space<hbm>>
    %dma_start3A_1003 = tpu.memref_slice %arg3[%add3A_1001] : memref<8388608xf32, #tpu.memory_space<hbm>> -> memref<16384xf32, #tpu.memory_space<hbm>>
    tpu.enqueue_dma source(%dma_start3A_1003 : memref<16384xf32, #tpu.memory_space<hbm>>) target(%arg7 : memref<16384xf32, #tpu.memory_space<vmem>>) target_semaphore(%arg13 : memref<!tpu.dma_semaphore, #tpu.memory_space<semaphore_mem>>)
    %dma_wait3A_1004 = tpu.memref_slice %arg2[%add3A_979] : memref<33554432xf32, #tpu.memory_space<hbm>> -> memref<16384xf32, #tpu.memory_space<hbm>>
    %dma_wait3A_1005 = tpu.memref_slice %arg2[%add3A_979] : memref<33554432xf32, #tpu.memory_space<hbm>> -> memref<16384xf32, #tpu.memory_space<hbm>>
    tpu.wait_dma2 semaphore(%arg12 : memref<!tpu.dma_semaphore, #tpu.memory_space<semaphore_mem>>) src(%dma_wait3A_1005 : memref<16384xf32, #tpu.memory_space<hbm>>) dst(%arg6 : memref<16384xf32, #tpu.memory_space<vmem>>)
    %dma_wait3A_1006 = tpu.memref_slice %arg3[%add3A_983] : memref<8388608xf32, #tpu.memory_space<hbm>> -> memref<16384xf32, #tpu.memory_space<hbm>>
    %dma_wait3A_1007 = tpu.memref_slice %arg3[%add3A_983] : memref<8388608xf32, #tpu.memory_space<hbm>> -> memref<16384xf32, #tpu.memory_space<hbm>>
    tpu.wait_dma2 semaphore(%arg14 : memref<!tpu.dma_semaphore, #tpu.memory_space<semaphore_mem>>) src(%dma_wait3A_1007 : memref<16384xf32, #tpu.memory_space<hbm>>) dst(%arg8 : memref<16384xf32, #tpu.memory_space<vmem>>)
    %dma_wait3A_1008 = tpu.memref_slice %arg4[%add3A_975] : memref<33554432xf32, #tpu.memory_space<hbm>> -> memref<16384xf32, #tpu.memory_space<hbm>>
    %dma_wait3A_1009 = tpu.memref_slice %arg4[%add3A_975] : memref<33554432xf32, #tpu.memory_space<hbm>> -> memref<16384xf32, #tpu.memory_space<hbm>>
    tpu.wait_dma2 semaphore(%arg16 : memref<!tpu.dma_semaphore, #tpu.memory_space<semaphore_mem>>) src(%arg6 : memref<16384xf32, #tpu.memory_space<vmem>>) dst(%dma_wait3A_1009 : memref<16384xf32, #tpu.memory_space<hbm>>)
    %add3A_1010 = arith.constant 901120 : i32
    %add3A_1011 = arith.addi %mul3A_2, %add3A_1010 : i32
    %dma_start3A_1012 = tpu.memref_slice %arg4[%add3A_1011] : memref<33554432xf32, #tpu.memory_space<hbm>> -> memref<16384xf32, #tpu.memory_space<hbm>>
    %dma_start3A_1013 = tpu.memref_slice %arg4[%add3A_1011] : memref<33554432xf32, #tpu.memory_space<hbm>> -> memref<16384xf32, #tpu.memory_space<hbm>>
    tpu.enqueue_dma source(%arg6 : memref<16384xf32, #tpu.memory_space<vmem>>) target(%dma_start3A_1013 : memref<16384xf32, #tpu.memory_space<hbm>>) target_semaphore(%arg16 : memref<!tpu.dma_semaphore, #tpu.memory_space<semaphore_mem>>)
    %add3A_1014 = arith.constant 933888 : i32
    %add3A_1015 = arith.addi %mul3A_2, %add3A_1014 : i32
    %dma_start3A_1016 = tpu.memref_slice %arg2[%add3A_1015] : memref<33554432xf32, #tpu.memory_space<hbm>> -> memref<16384xf32, #tpu.memory_space<hbm>>
    %dma_start3A_1017 = tpu.memref_slice %arg2[%add3A_1015] : memref<33554432xf32, #tpu.memory_space<hbm>> -> memref<16384xf32, #tpu.memory_space<hbm>>
    tpu.enqueue_dma source(%dma_start3A_1017 : memref<16384xf32, #tpu.memory_space<hbm>>) target(%arg6 : memref<16384xf32, #tpu.memory_space<vmem>>) target_semaphore(%arg12 : memref<!tpu.dma_semaphore, #tpu.memory_space<semaphore_mem>>)
    %add3A_1018 = arith.constant 933888 : i32
    %add3A_1019 = arith.addi %rem3A_3, %add3A_1018 : i32
    %dma_start3A_1020 = tpu.memref_slice %arg3[%add3A_1019] : memref<8388608xf32, #tpu.memory_space<hbm>> -> memref<16384xf32, #tpu.memory_space<hbm>>
    %dma_start3A_1021 = tpu.memref_slice %arg3[%add3A_1019] : memref<8388608xf32, #tpu.memory_space<hbm>> -> memref<16384xf32, #tpu.memory_space<hbm>>
    tpu.enqueue_dma source(%dma_start3A_1021 : memref<16384xf32, #tpu.memory_space<hbm>>) target(%arg8 : memref<16384xf32, #tpu.memory_space<vmem>>) target_semaphore(%arg14 : memref<!tpu.dma_semaphore, #tpu.memory_space<semaphore_mem>>)
    %dma_wait3A_1022 = tpu.memref_slice %arg2[%add3A_997] : memref<33554432xf32, #tpu.memory_space<hbm>> -> memref<16384xf32, #tpu.memory_space<hbm>>
    %dma_wait3A_1023 = tpu.memref_slice %arg2[%add3A_997] : memref<33554432xf32, #tpu.memory_space<hbm>> -> memref<16384xf32, #tpu.memory_space<hbm>>
    tpu.wait_dma2 semaphore(%arg11 : memref<!tpu.dma_semaphore, #tpu.memory_space<semaphore_mem>>) src(%dma_wait3A_1023 : memref<16384xf32, #tpu.memory_space<hbm>>) dst(%arg5 : memref<16384xf32, #tpu.memory_space<vmem>>)
    %dma_wait3A_1024 = tpu.memref_slice %arg3[%add3A_1001] : memref<8388608xf32, #tpu.memory_space<hbm>> -> memref<16384xf32, #tpu.memory_space<hbm>>
    %dma_wait3A_1025 = tpu.memref_slice %arg3[%add3A_1001] : memref<8388608xf32, #tpu.memory_space<hbm>> -> memref<16384xf32, #tpu.memory_space<hbm>>
    tpu.wait_dma2 semaphore(%arg13 : memref<!tpu.dma_semaphore, #tpu.memory_space<semaphore_mem>>) src(%dma_wait3A_1025 : memref<16384xf32, #tpu.memory_space<hbm>>) dst(%arg7 : memref<16384xf32, #tpu.memory_space<vmem>>)
    %dma_wait3A_1026 = tpu.memref_slice %arg4[%add3A_993] : memref<33554432xf32, #tpu.memory_space<hbm>> -> memref<16384xf32, #tpu.memory_space<hbm>>
    %dma_wait3A_1027 = tpu.memref_slice %arg4[%add3A_993] : memref<33554432xf32, #tpu.memory_space<hbm>> -> memref<16384xf32, #tpu.memory_space<hbm>>
    tpu.wait_dma2 semaphore(%arg15 : memref<!tpu.dma_semaphore, #tpu.memory_space<semaphore_mem>>) src(%arg5 : memref<16384xf32, #tpu.memory_space<vmem>>) dst(%dma_wait3A_1027 : memref<16384xf32, #tpu.memory_space<hbm>>)
    %add3A_1028 = arith.constant 917504 : i32
    %add3A_1029 = arith.addi %mul3A_2, %add3A_1028 : i32
    %dma_start3A_1030 = tpu.memref_slice %arg4[%add3A_1029] : memref<33554432xf32, #tpu.memory_space<hbm>> -> memref<16384xf32, #tpu.memory_space<hbm>>
    %dma_start3A_1031 = tpu.memref_slice %arg4[%add3A_1029] : memref<33554432xf32, #tpu.memory_space<hbm>> -> memref<16384xf32, #tpu.memory_space<hbm>>
    tpu.enqueue_dma source(%arg5 : memref<16384xf32, #tpu.memory_space<vmem>>) target(%dma_start3A_1031 : memref<16384xf32, #tpu.memory_space<hbm>>) target_semaphore(%arg15 : memref<!tpu.dma_semaphore, #tpu.memory_space<semaphore_mem>>)
    %add3A_1032 = arith.constant 950272 : i32
    %add3A_1033 = arith.addi %mul3A_2, %add3A_1032 : i32
    %dma_start3A_1034 = tpu.memref_slice %arg2[%add3A_1033] : memref<33554432xf32, #tpu.memory_space<hbm>> -> memref<16384xf32, #tpu.memory_space<hbm>>
    %dma_start3A_1035 = tpu.memref_slice %arg2[%add3A_1033] : memref<33554432xf32, #tpu.memory_space<hbm>> -> memref<16384xf32, #tpu.memory_space<hbm>>
    tpu.enqueue_dma source(%dma_start3A_1035 : memref<16384xf32, #tpu.memory_space<hbm>>) target(%arg5 : memref<16384xf32, #tpu.memory_space<vmem>>) target_semaphore(%arg11 : memref<!tpu.dma_semaphore, #tpu.memory_space<semaphore_mem>>)
    %add3A_1036 = arith.constant 950272 : i32
    %add3A_1037 = arith.addi %rem3A_3, %add3A_1036 : i32
    %dma_start3A_1038 = tpu.memref_slice %arg3[%add3A_1037] : memref<8388608xf32, #tpu.memory_space<hbm>> -> memref<16384xf32, #tpu.memory_space<hbm>>
    %dma_start3A_1039 = tpu.memref_slice %arg3[%add3A_1037] : memref<8388608xf32, #tpu.memory_space<hbm>> -> memref<16384xf32, #tpu.memory_space<hbm>>
    tpu.enqueue_dma source(%dma_start3A_1039 : memref<16384xf32, #tpu.memory_space<hbm>>) target(%arg7 : memref<16384xf32, #tpu.memory_space<vmem>>) target_semaphore(%arg13 : memref<!tpu.dma_semaphore, #tpu.memory_space<semaphore_mem>>)
    %dma_wait3A_1040 = tpu.memref_slice %arg2[%add3A_1015] : memref<33554432xf32, #tpu.memory_space<hbm>> -> memref<16384xf32, #tpu.memory_space<hbm>>
    %dma_wait3A_1041 = tpu.memref_slice %arg2[%add3A_1015] : memref<33554432xf32, #tpu.memory_space<hbm>> -> memref<16384xf32, #tpu.memory_space<hbm>>
    tpu.wait_dma2 semaphore(%arg12 : memref<!tpu.dma_semaphore, #tpu.memory_space<semaphore_mem>>) src(%dma_wait3A_1041 : memref<16384xf32, #tpu.memory_space<hbm>>) dst(%arg6 : memref<16384xf32, #tpu.memory_space<vmem>>)
    %dma_wait3A_1042 = tpu.memref_slice %arg3[%add3A_1019] : memref<8388608xf32, #tpu.memory_space<hbm>> -> memref<16384xf32, #tpu.memory_space<hbm>>
    %dma_wait3A_1043 = tpu.memref_slice %arg3[%add3A_1019] : memref<8388608xf32, #tpu.memory_space<hbm>> -> memref<16384xf32, #tpu.memory_space<hbm>>
    tpu.wait_dma2 semaphore(%arg14 : memref<!tpu.dma_semaphore, #tpu.memory_space<semaphore_mem>>) src(%dma_wait3A_1043 : memref<16384xf32, #tpu.memory_space<hbm>>) dst(%arg8 : memref<16384xf32, #tpu.memory_space<vmem>>)
    %dma_wait3A_1044 = tpu.memref_slice %arg4[%add3A_1011] : memref<33554432xf32, #tpu.memory_space<hbm>> -> memref<16384xf32, #tpu.memory_space<hbm>>
    %dma_wait3A_1045 = tpu.memref_slice %arg4[%add3A_1011] : memref<33554432xf32, #tpu.memory_space<hbm>> -> memref<16384xf32, #tpu.memory_space<hbm>>
    tpu.wait_dma2 semaphore(%arg16 : memref<!tpu.dma_semaphore, #tpu.memory_space<semaphore_mem>>) src(%arg6 : memref<16384xf32, #tpu.memory_space<vmem>>) dst(%dma_wait3A_1045 : memref<16384xf32, #tpu.memory_space<hbm>>)
    %add3A_1046 = arith.constant 933888 : i32
    %add3A_1047 = arith.addi %mul3A_2, %add3A_1046 : i32
    %dma_start3A_1048 = tpu.memref_slice %arg4[%add3A_1047] : memref<33554432xf32, #tpu.memory_space<hbm>> -> memref<16384xf32, #tpu.memory_space<hbm>>
    %dma_start3A_1049 = tpu.memref_slice %arg4[%add3A_1047] : memref<33554432xf32, #tpu.memory_space<hbm>> -> memref<16384xf32, #tpu.memory_space<hbm>>
    tpu.enqueue_dma source(%arg6 : memref<16384xf32, #tpu.memory_space<vmem>>) target(%dma_start3A_1049 : memref<16384xf32, #tpu.memory_space<hbm>>) target_semaphore(%arg16 : memref<!tpu.dma_semaphore, #tpu.memory_space<semaphore_mem>>)
    %add3A_1050 = arith.constant 966656 : i32
    %add3A_1051 = arith.addi %mul3A_2, %add3A_1050 : i32
    %dma_start3A_1052 = tpu.memref_slice %arg2[%add3A_1051] : memref<33554432xf32, #tpu.memory_space<hbm>> -> memref<16384xf32, #tpu.memory_space<hbm>>
    %dma_start3A_1053 = tpu.memref_slice %arg2[%add3A_1051] : memref<33554432xf32, #tpu.memory_space<hbm>> -> memref<16384xf32, #tpu.memory_space<hbm>>
    tpu.enqueue_dma source(%dma_start3A_1053 : memref<16384xf32, #tpu.memory_space<hbm>>) target(%arg6 : memref<16384xf32, #tpu.memory_space<vmem>>) target_semaphore(%arg12 : memref<!tpu.dma_semaphore, #tpu.memory_space<semaphore_mem>>)
    %add3A_1054 = arith.constant 966656 : i32
    %add3A_1055 = arith.addi %rem3A_3, %add3A_1054 : i32
    %dma_start3A_1056 = tpu.memref_slice %arg3[%add3A_1055] : memref<8388608xf32, #tpu.memory_space<hbm>> -> memref<16384xf32, #tpu.memory_space<hbm>>
    %dma_start3A_1057 = tpu.memref_slice %arg3[%add3A_1055] : memref<8388608xf32, #tpu.memory_space<hbm>> -> memref<16384xf32, #tpu.memory_space<hbm>>
    tpu.enqueue_dma source(%dma_start3A_1057 : memref<16384xf32, #tpu.memory_space<hbm>>) target(%arg8 : memref<16384xf32, #tpu.memory_space<vmem>>) target_semaphore(%arg14 : memref<!tpu.dma_semaphore, #tpu.memory_space<semaphore_mem>>)
    %dma_wait3A_1058 = tpu.memref_slice %arg2[%add3A_1033] : memref<33554432xf32, #tpu.memory_space<hbm>> -> memref<16384xf32, #tpu.memory_space<hbm>>
    %dma_wait3A_1059 = tpu.memref_slice %arg2[%add3A_1033] : memref<33554432xf32, #tpu.memory_space<hbm>> -> memref<16384xf32, #tpu.memory_space<hbm>>
    tpu.wait_dma2 semaphore(%arg11 : memref<!tpu.dma_semaphore, #tpu.memory_space<semaphore_mem>>) src(%dma_wait3A_1059 : memref<16384xf32, #tpu.memory_space<hbm>>) dst(%arg5 : memref<16384xf32, #tpu.memory_space<vmem>>)
    %dma_wait3A_1060 = tpu.memref_slice %arg3[%add3A_1037] : memref<8388608xf32, #tpu.memory_space<hbm>> -> memref<16384xf32, #tpu.memory_space<hbm>>
    %dma_wait3A_1061 = tpu.memref_slice %arg3[%add3A_1037] : memref<8388608xf32, #tpu.memory_space<hbm>> -> memref<16384xf32, #tpu.memory_space<hbm>>
    tpu.wait_dma2 semaphore(%arg13 : memref<!tpu.dma_semaphore, #tpu.memory_space<semaphore_mem>>) src(%dma_wait3A_1061 : memref<16384xf32, #tpu.memory_space<hbm>>) dst(%arg7 : memref<16384xf32, #tpu.memory_space<vmem>>)
    %dma_wait3A_1062 = tpu.memref_slice %arg4[%add3A_1029] : memref<33554432xf32, #tpu.memory_space<hbm>> -> memref<16384xf32, #tpu.memory_space<hbm>>
    %dma_wait3A_1063 = tpu.memref_slice %arg4[%add3A_1029] : memref<33554432xf32, #tpu.memory_space<hbm>> -> memref<16384xf32, #tpu.memory_space<hbm>>
    tpu.wait_dma2 semaphore(%arg15 : memref<!tpu.dma_semaphore, #tpu.memory_space<semaphore_mem>>) src(%arg5 : memref<16384xf32, #tpu.memory_space<vmem>>) dst(%dma_wait3A_1063 : memref<16384xf32, #tpu.memory_space<hbm>>)
    %add3A_1064 = arith.constant 950272 : i32
    %add3A_1065 = arith.addi %mul3A_2, %add3A_1064 : i32
    %dma_start3A_1066 = tpu.memref_slice %arg4[%add3A_1065] : memref<33554432xf32, #tpu.memory_space<hbm>> -> memref<16384xf32, #tpu.memory_space<hbm>>
    %dma_start3A_1067 = tpu.memref_slice %arg4[%add3A_1065] : memref<33554432xf32, #tpu.memory_space<hbm>> -> memref<16384xf32, #tpu.memory_space<hbm>>
    tpu.enqueue_dma source(%arg5 : memref<16384xf32, #tpu.memory_space<vmem>>) target(%dma_start3A_1067 : memref<16384xf32, #tpu.memory_space<hbm>>) target_semaphore(%arg15 : memref<!tpu.dma_semaphore, #tpu.memory_space<semaphore_mem>>)
    %add3A_1068 = arith.constant 983040 : i32
    %add3A_1069 = arith.addi %mul3A_2, %add3A_1068 : i32
    %dma_start3A_1070 = tpu.memref_slice %arg2[%add3A_1069] : memref<33554432xf32, #tpu.memory_space<hbm>> -> memref<16384xf32, #tpu.memory_space<hbm>>
    %dma_start3A_1071 = tpu.memref_slice %arg2[%add3A_1069] : memref<33554432xf32, #tpu.memory_space<hbm>> -> memref<16384xf32, #tpu.memory_space<hbm>>
    tpu.enqueue_dma source(%dma_start3A_1071 : memref<16384xf32, #tpu.memory_space<hbm>>) target(%arg5 : memref<16384xf32, #tpu.memory_space<vmem>>) target_semaphore(%arg11 : memref<!tpu.dma_semaphore, #tpu.memory_space<semaphore_mem>>)
    %add3A_1072 = arith.constant 983040 : i32
    %add3A_1073 = arith.addi %rem3A_3, %add3A_1072 : i32
    %dma_start3A_1074 = tpu.memref_slice %arg3[%add3A_1073] : memref<8388608xf32, #tpu.memory_space<hbm>> -> memref<16384xf32, #tpu.memory_space<hbm>>
    %dma_start3A_1075 = tpu.memref_slice %arg3[%add3A_1073] : memref<8388608xf32, #tpu.memory_space<hbm>> -> memref<16384xf32, #tpu.memory_space<hbm>>
    tpu.enqueue_dma source(%dma_start3A_1075 : memref<16384xf32, #tpu.memory_space<hbm>>) target(%arg7 : memref<16384xf32, #tpu.memory_space<vmem>>) target_semaphore(%arg13 : memref<!tpu.dma_semaphore, #tpu.memory_space<semaphore_mem>>)
    %dma_wait3A_1076 = tpu.memref_slice %arg2[%add3A_1051] : memref<33554432xf32, #tpu.memory_space<hbm>> -> memref<16384xf32, #tpu.memory_space<hbm>>
    %dma_wait3A_1077 = tpu.memref_slice %arg2[%add3A_1051] : memref<33554432xf32, #tpu.memory_space<hbm>> -> memref<16384xf32, #tpu.memory_space<hbm>>
    tpu.wait_dma2 semaphore(%arg12 : memref<!tpu.dma_semaphore, #tpu.memory_space<semaphore_mem>>) src(%dma_wait3A_1077 : memref<16384xf32, #tpu.memory_space<hbm>>) dst(%arg6 : memref<16384xf32, #tpu.memory_space<vmem>>)
    %dma_wait3A_1078 = tpu.memref_slice %arg3[%add3A_1055] : memref<8388608xf32, #tpu.memory_space<hbm>> -> memref<16384xf32, #tpu.memory_space<hbm>>
    %dma_wait3A_1079 = tpu.memref_slice %arg3[%add3A_1055] : memref<8388608xf32, #tpu.memory_space<hbm>> -> memref<16384xf32, #tpu.memory_space<hbm>>
    tpu.wait_dma2 semaphore(%arg14 : memref<!tpu.dma_semaphore, #tpu.memory_space<semaphore_mem>>) src(%dma_wait3A_1079 : memref<16384xf32, #tpu.memory_space<hbm>>) dst(%arg8 : memref<16384xf32, #tpu.memory_space<vmem>>)
    %dma_wait3A_1080 = tpu.memref_slice %arg4[%add3A_1047] : memref<33554432xf32, #tpu.memory_space<hbm>> -> memref<16384xf32, #tpu.memory_space<hbm>>
    %dma_wait3A_1081 = tpu.memref_slice %arg4[%add3A_1047] : memref<33554432xf32, #tpu.memory_space<hbm>> -> memref<16384xf32, #tpu.memory_space<hbm>>
    tpu.wait_dma2 semaphore(%arg16 : memref<!tpu.dma_semaphore, #tpu.memory_space<semaphore_mem>>) src(%arg6 : memref<16384xf32, #tpu.memory_space<vmem>>) dst(%dma_wait3A_1081 : memref<16384xf32, #tpu.memory_space<hbm>>)
    %add3A_1082 = arith.constant 966656 : i32
    %add3A_1083 = arith.addi %mul3A_2, %add3A_1082 : i32
    %dma_start3A_1084 = tpu.memref_slice %arg4[%add3A_1083] : memref<33554432xf32, #tpu.memory_space<hbm>> -> memref<16384xf32, #tpu.memory_space<hbm>>
    %dma_start3A_1085 = tpu.memref_slice %arg4[%add3A_1083] : memref<33554432xf32, #tpu.memory_space<hbm>> -> memref<16384xf32, #tpu.memory_space<hbm>>
    tpu.enqueue_dma source(%arg6 : memref<16384xf32, #tpu.memory_space<vmem>>) target(%dma_start3A_1085 : memref<16384xf32, #tpu.memory_space<hbm>>) target_semaphore(%arg16 : memref<!tpu.dma_semaphore, #tpu.memory_space<semaphore_mem>>)
    %add3A_1086 = arith.constant 999424 : i32
    %add3A_1087 = arith.addi %mul3A_2, %add3A_1086 : i32
    %dma_start3A_1088 = tpu.memref_slice %arg2[%add3A_1087] : memref<33554432xf32, #tpu.memory_space<hbm>> -> memref<16384xf32, #tpu.memory_space<hbm>>
    %dma_start3A_1089 = tpu.memref_slice %arg2[%add3A_1087] : memref<33554432xf32, #tpu.memory_space<hbm>> -> memref<16384xf32, #tpu.memory_space<hbm>>
    tpu.enqueue_dma source(%dma_start3A_1089 : memref<16384xf32, #tpu.memory_space<hbm>>) target(%arg6 : memref<16384xf32, #tpu.memory_space<vmem>>) target_semaphore(%arg12 : memref<!tpu.dma_semaphore, #tpu.memory_space<semaphore_mem>>)
    %add3A_1090 = arith.constant 999424 : i32
    %add3A_1091 = arith.addi %rem3A_3, %add3A_1090 : i32
    %dma_start3A_1092 = tpu.memref_slice %arg3[%add3A_1091] : memref<8388608xf32, #tpu.memory_space<hbm>> -> memref<16384xf32, #tpu.memory_space<hbm>>
    %dma_start3A_1093 = tpu.memref_slice %arg3[%add3A_1091] : memref<8388608xf32, #tpu.memory_space<hbm>> -> memref<16384xf32, #tpu.memory_space<hbm>>
    tpu.enqueue_dma source(%dma_start3A_1093 : memref<16384xf32, #tpu.memory_space<hbm>>) target(%arg8 : memref<16384xf32, #tpu.memory_space<vmem>>) target_semaphore(%arg14 : memref<!tpu.dma_semaphore, #tpu.memory_space<semaphore_mem>>)
    %dma_wait3A_1094 = tpu.memref_slice %arg2[%add3A_1069] : memref<33554432xf32, #tpu.memory_space<hbm>> -> memref<16384xf32, #tpu.memory_space<hbm>>
    %dma_wait3A_1095 = tpu.memref_slice %arg2[%add3A_1069] : memref<33554432xf32, #tpu.memory_space<hbm>> -> memref<16384xf32, #tpu.memory_space<hbm>>
    tpu.wait_dma2 semaphore(%arg11 : memref<!tpu.dma_semaphore, #tpu.memory_space<semaphore_mem>>) src(%dma_wait3A_1095 : memref<16384xf32, #tpu.memory_space<hbm>>) dst(%arg5 : memref<16384xf32, #tpu.memory_space<vmem>>)
    %dma_wait3A_1096 = tpu.memref_slice %arg3[%add3A_1073] : memref<8388608xf32, #tpu.memory_space<hbm>> -> memref<16384xf32, #tpu.memory_space<hbm>>
    %dma_wait3A_1097 = tpu.memref_slice %arg3[%add3A_1073] : memref<8388608xf32, #tpu.memory_space<hbm>> -> memref<16384xf32, #tpu.memory_space<hbm>>
    tpu.wait_dma2 semaphore(%arg13 : memref<!tpu.dma_semaphore, #tpu.memory_space<semaphore_mem>>) src(%dma_wait3A_1097 : memref<16384xf32, #tpu.memory_space<hbm>>) dst(%arg7 : memref<16384xf32, #tpu.memory_space<vmem>>)
    %dma_wait3A_1098 = tpu.memref_slice %arg4[%add3A_1065] : memref<33554432xf32, #tpu.memory_space<hbm>> -> memref<16384xf32, #tpu.memory_space<hbm>>
    %dma_wait3A_1099 = tpu.memref_slice %arg4[%add3A_1065] : memref<33554432xf32, #tpu.memory_space<hbm>> -> memref<16384xf32, #tpu.memory_space<hbm>>
    tpu.wait_dma2 semaphore(%arg15 : memref<!tpu.dma_semaphore, #tpu.memory_space<semaphore_mem>>) src(%arg5 : memref<16384xf32, #tpu.memory_space<vmem>>) dst(%dma_wait3A_1099 : memref<16384xf32, #tpu.memory_space<hbm>>)
    %add3A_1100 = arith.constant 983040 : i32
    %add3A_1101 = arith.addi %mul3A_2, %add3A_1100 : i32
    %dma_start3A_1102 = tpu.memref_slice %arg4[%add3A_1101] : memref<33554432xf32, #tpu.memory_space<hbm>> -> memref<16384xf32, #tpu.memory_space<hbm>>
    %dma_start3A_1103 = tpu.memref_slice %arg4[%add3A_1101] : memref<33554432xf32, #tpu.memory_space<hbm>> -> memref<16384xf32, #tpu.memory_space<hbm>>
    tpu.enqueue_dma source(%arg5 : memref<16384xf32, #tpu.memory_space<vmem>>) target(%dma_start3A_1103 : memref<16384xf32, #tpu.memory_space<hbm>>) target_semaphore(%arg15 : memref<!tpu.dma_semaphore, #tpu.memory_space<semaphore_mem>>)
    %add3A_1104 = arith.constant 1015808 : i32
    %add3A_1105 = arith.addi %mul3A_2, %add3A_1104 : i32
    %dma_start3A_1106 = tpu.memref_slice %arg2[%add3A_1105] : memref<33554432xf32, #tpu.memory_space<hbm>> -> memref<16384xf32, #tpu.memory_space<hbm>>
    %dma_start3A_1107 = tpu.memref_slice %arg2[%add3A_1105] : memref<33554432xf32, #tpu.memory_space<hbm>> -> memref<16384xf32, #tpu.memory_space<hbm>>
    tpu.enqueue_dma source(%dma_start3A_1107 : memref<16384xf32, #tpu.memory_space<hbm>>) target(%arg5 : memref<16384xf32, #tpu.memory_space<vmem>>) target_semaphore(%arg11 : memref<!tpu.dma_semaphore, #tpu.memory_space<semaphore_mem>>)
    %add3A_1108 = arith.constant 1015808 : i32
    %add3A_1109 = arith.addi %rem3A_3, %add3A_1108 : i32
    %dma_start3A_1110 = tpu.memref_slice %arg3[%add3A_1109] : memref<8388608xf32, #tpu.memory_space<hbm>> -> memref<16384xf32, #tpu.memory_space<hbm>>
    %dma_start3A_1111 = tpu.memref_slice %arg3[%add3A_1109] : memref<8388608xf32, #tpu.memory_space<hbm>> -> memref<16384xf32, #tpu.memory_space<hbm>>
    tpu.enqueue_dma source(%dma_start3A_1111 : memref<16384xf32, #tpu.memory_space<hbm>>) target(%arg7 : memref<16384xf32, #tpu.memory_space<vmem>>) target_semaphore(%arg13 : memref<!tpu.dma_semaphore, #tpu.memory_space<semaphore_mem>>)
    %dma_wait3A_1112 = tpu.memref_slice %arg2[%add3A_1087] : memref<33554432xf32, #tpu.memory_space<hbm>> -> memref<16384xf32, #tpu.memory_space<hbm>>
    %dma_wait3A_1113 = tpu.memref_slice %arg2[%add3A_1087] : memref<33554432xf32, #tpu.memory_space<hbm>> -> memref<16384xf32, #tpu.memory_space<hbm>>
    tpu.wait_dma2 semaphore(%arg12 : memref<!tpu.dma_semaphore, #tpu.memory_space<semaphore_mem>>) src(%dma_wait3A_1113 : memref<16384xf32, #tpu.memory_space<hbm>>) dst(%arg6 : memref<16384xf32, #tpu.memory_space<vmem>>)
    %dma_wait3A_1114 = tpu.memref_slice %arg3[%add3A_1091] : memref<8388608xf32, #tpu.memory_space<hbm>> -> memref<16384xf32, #tpu.memory_space<hbm>>
    %dma_wait3A_1115 = tpu.memref_slice %arg3[%add3A_1091] : memref<8388608xf32, #tpu.memory_space<hbm>> -> memref<16384xf32, #tpu.memory_space<hbm>>
    tpu.wait_dma2 semaphore(%arg14 : memref<!tpu.dma_semaphore, #tpu.memory_space<semaphore_mem>>) src(%dma_wait3A_1115 : memref<16384xf32, #tpu.memory_space<hbm>>) dst(%arg8 : memref<16384xf32, #tpu.memory_space<vmem>>)
    %dma_wait3A_1116 = tpu.memref_slice %arg4[%add3A_1083] : memref<33554432xf32, #tpu.memory_space<hbm>> -> memref<16384xf32, #tpu.memory_space<hbm>>
    %dma_wait3A_1117 = tpu.memref_slice %arg4[%add3A_1083] : memref<33554432xf32, #tpu.memory_space<hbm>> -> memref<16384xf32, #tpu.memory_space<hbm>>
    tpu.wait_dma2 semaphore(%arg16 : memref<!tpu.dma_semaphore, #tpu.memory_space<semaphore_mem>>) src(%arg6 : memref<16384xf32, #tpu.memory_space<vmem>>) dst(%dma_wait3A_1117 : memref<16384xf32, #tpu.memory_space<hbm>>)
    %add3A_1118 = arith.constant 999424 : i32
    %add3A_1119 = arith.addi %mul3A_2, %add3A_1118 : i32
    %dma_start3A_1120 = tpu.memref_slice %arg4[%add3A_1119] : memref<33554432xf32, #tpu.memory_space<hbm>> -> memref<16384xf32, #tpu.memory_space<hbm>>
    %dma_start3A_1121 = tpu.memref_slice %arg4[%add3A_1119] : memref<33554432xf32, #tpu.memory_space<hbm>> -> memref<16384xf32, #tpu.memory_space<hbm>>
    tpu.enqueue_dma source(%arg6 : memref<16384xf32, #tpu.memory_space<vmem>>) target(%dma_start3A_1121 : memref<16384xf32, #tpu.memory_space<hbm>>) target_semaphore(%arg16 : memref<!tpu.dma_semaphore, #tpu.memory_space<semaphore_mem>>)
    %add3A_1122 = arith.constant 1032192 : i32
    %add3A_1123 = arith.addi %mul3A_2, %add3A_1122 : i32
    %dma_start3A_1124 = tpu.memref_slice %arg2[%add3A_1123] : memref<33554432xf32, #tpu.memory_space<hbm>> -> memref<16384xf32, #tpu.memory_space<hbm>>
    %dma_start3A_1125 = tpu.memref_slice %arg2[%add3A_1123] : memref<33554432xf32, #tpu.memory_space<hbm>> -> memref<16384xf32, #tpu.memory_space<hbm>>
    tpu.enqueue_dma source(%dma_start3A_1125 : memref<16384xf32, #tpu.memory_space<hbm>>) target(%arg6 : memref<16384xf32, #tpu.memory_space<vmem>>) target_semaphore(%arg12 : memref<!tpu.dma_semaphore, #tpu.memory_space<semaphore_mem>>)
    %add3A_1126 = arith.constant 1032192 : i32
    %add3A_1127 = arith.addi %rem3A_3, %add3A_1126 : i32
    %dma_start3A_1128 = tpu.memref_slice %arg3[%add3A_1127] : memref<8388608xf32, #tpu.memory_space<hbm>> -> memref<16384xf32, #tpu.memory_space<hbm>>
    %dma_start3A_1129 = tpu.memref_slice %arg3[%add3A_1127] : memref<8388608xf32, #tpu.memory_space<hbm>> -> memref<16384xf32, #tpu.memory_space<hbm>>
    tpu.enqueue_dma source(%dma_start3A_1129 : memref<16384xf32, #tpu.memory_space<hbm>>) target(%arg8 : memref<16384xf32, #tpu.memory_space<vmem>>) target_semaphore(%arg14 : memref<!tpu.dma_semaphore, #tpu.memory_space<semaphore_mem>>)
    %dma_wait3A_1130 = tpu.memref_slice %arg2[%add3A_1105] : memref<33554432xf32, #tpu.memory_space<hbm>> -> memref<16384xf32, #tpu.memory_space<hbm>>
    %dma_wait3A_1131 = tpu.memref_slice %arg2[%add3A_1105] : memref<33554432xf32, #tpu.memory_space<hbm>> -> memref<16384xf32, #tpu.memory_space<hbm>>
    tpu.wait_dma2 semaphore(%arg11 : memref<!tpu.dma_semaphore, #tpu.memory_space<semaphore_mem>>) src(%dma_wait3A_1131 : memref<16384xf32, #tpu.memory_space<hbm>>) dst(%arg5 : memref<16384xf32, #tpu.memory_space<vmem>>)
    %dma_wait3A_1132 = tpu.memref_slice %arg3[%add3A_1109] : memref<8388608xf32, #tpu.memory_space<hbm>> -> memref<16384xf32, #tpu.memory_space<hbm>>
    %dma_wait3A_1133 = tpu.memref_slice %arg3[%add3A_1109] : memref<8388608xf32, #tpu.memory_space<hbm>> -> memref<16384xf32, #tpu.memory_space<hbm>>
    tpu.wait_dma2 semaphore(%arg13 : memref<!tpu.dma_semaphore, #tpu.memory_space<semaphore_mem>>) src(%dma_wait3A_1133 : memref<16384xf32, #tpu.memory_space<hbm>>) dst(%arg7 : memref<16384xf32, #tpu.memory_space<vmem>>)
    %dma_wait3A_1134 = tpu.memref_slice %arg4[%add3A_1101] : memref<33554432xf32, #tpu.memory_space<hbm>> -> memref<16384xf32, #tpu.memory_space<hbm>>
    %dma_wait3A_1135 = tpu.memref_slice %arg4[%add3A_1101] : memref<33554432xf32, #tpu.memory_space<hbm>> -> memref<16384xf32, #tpu.memory_space<hbm>>
    tpu.wait_dma2 semaphore(%arg15 : memref<!tpu.dma_semaphore, #tpu.memory_space<semaphore_mem>>) src(%arg5 : memref<16384xf32, #tpu.memory_space<vmem>>) dst(%dma_wait3A_1135 : memref<16384xf32, #tpu.memory_space<hbm>>)
    %add3A_1136 = arith.constant 1015808 : i32
    %add3A_1137 = arith.addi %mul3A_2, %add3A_1136 : i32
    %dma_start3A_1138 = tpu.memref_slice %arg4[%add3A_1137] : memref<33554432xf32, #tpu.memory_space<hbm>> -> memref<16384xf32, #tpu.memory_space<hbm>>
    %dma_start3A_1139 = tpu.memref_slice %arg4[%add3A_1137] : memref<33554432xf32, #tpu.memory_space<hbm>> -> memref<16384xf32, #tpu.memory_space<hbm>>
    tpu.enqueue_dma source(%arg5 : memref<16384xf32, #tpu.memory_space<vmem>>) target(%dma_start3A_1139 : memref<16384xf32, #tpu.memory_space<hbm>>) target_semaphore(%arg15 : memref<!tpu.dma_semaphore, #tpu.memory_space<semaphore_mem>>)
    %dma_wait3A_1140 = tpu.memref_slice %arg2[%add3A_1123] : memref<33554432xf32, #tpu.memory_space<hbm>> -> memref<16384xf32, #tpu.memory_space<hbm>>
    %dma_wait3A_1141 = tpu.memref_slice %arg2[%add3A_1123] : memref<33554432xf32, #tpu.memory_space<hbm>> -> memref<16384xf32, #tpu.memory_space<hbm>>
    tpu.wait_dma2 semaphore(%arg12 : memref<!tpu.dma_semaphore, #tpu.memory_space<semaphore_mem>>) src(%dma_wait3A_1141 : memref<16384xf32, #tpu.memory_space<hbm>>) dst(%arg6 : memref<16384xf32, #tpu.memory_space<vmem>>)
    %dma_wait3A_1142 = tpu.memref_slice %arg3[%add3A_1127] : memref<8388608xf32, #tpu.memory_space<hbm>> -> memref<16384xf32, #tpu.memory_space<hbm>>
    %dma_wait3A_1143 = tpu.memref_slice %arg3[%add3A_1127] : memref<8388608xf32, #tpu.memory_space<hbm>> -> memref<16384xf32, #tpu.memory_space<hbm>>
    tpu.wait_dma2 semaphore(%arg14 : memref<!tpu.dma_semaphore, #tpu.memory_space<semaphore_mem>>) src(%dma_wait3A_1143 : memref<16384xf32, #tpu.memory_space<hbm>>) dst(%arg8 : memref<16384xf32, #tpu.memory_space<vmem>>)
    %dma_wait3A_1144 = tpu.memref_slice %arg4[%add3A_1119] : memref<33554432xf32, #tpu.memory_space<hbm>> -> memref<16384xf32, #tpu.memory_space<hbm>>
    %dma_wait3A_1145 = tpu.memref_slice %arg4[%add3A_1119] : memref<33554432xf32, #tpu.memory_space<hbm>> -> memref<16384xf32, #tpu.memory_space<hbm>>
    tpu.wait_dma2 semaphore(%arg16 : memref<!tpu.dma_semaphore, #tpu.memory_space<semaphore_mem>>) src(%arg6 : memref<16384xf32, #tpu.memory_space<vmem>>) dst(%dma_wait3A_1145 : memref<16384xf32, #tpu.memory_space<hbm>>)
    %add3A_1146 = arith.constant 1032192 : i32
    %add3A_1147 = arith.addi %mul3A_2, %add3A_1146 : i32
    %dma_start3A_1148 = tpu.memref_slice %arg4[%add3A_1147] : memref<33554432xf32, #tpu.memory_space<hbm>> -> memref<16384xf32, #tpu.memory_space<hbm>>
    %dma_start3A_1149 = tpu.memref_slice %arg4[%add3A_1147] : memref<33554432xf32, #tpu.memory_space<hbm>> -> memref<16384xf32, #tpu.memory_space<hbm>>
    tpu.enqueue_dma source(%arg6 : memref<16384xf32, #tpu.memory_space<vmem>>) target(%dma_start3A_1149 : memref<16384xf32, #tpu.memory_space<hbm>>) target_semaphore(%arg16 : memref<!tpu.dma_semaphore, #tpu.memory_space<semaphore_mem>>)
    %dma_wait3A_1150 = tpu.memref_slice %arg4[%add3A_1137] : memref<33554432xf32, #tpu.memory_space<hbm>> -> memref<16384xf32, #tpu.memory_space<hbm>>
    %dma_wait3A_1151 = tpu.memref_slice %arg4[%add3A_1137] : memref<33554432xf32, #tpu.memory_space<hbm>> -> memref<16384xf32, #tpu.memory_space<hbm>>
    tpu.wait_dma2 semaphore(%arg15 : memref<!tpu.dma_semaphore, #tpu.memory_space<semaphore_mem>>) src(%arg5 : memref<16384xf32, #tpu.memory_space<vmem>>) dst(%dma_wait3A_1151 : memref<16384xf32, #tpu.memory_space<hbm>>)
    %dma_wait3A_1152 = tpu.memref_slice %arg4[%add3A_1147] : memref<33554432xf32, #tpu.memory_space<hbm>> -> memref<16384xf32, #tpu.memory_space<hbm>>
    %dma_wait3A_1153 = tpu.memref_slice %arg4[%add3A_1147] : memref<33554432xf32, #tpu.memory_space<hbm>> -> memref<16384xf32, #tpu.memory_space<hbm>>
    tpu.wait_dma2 semaphore(%arg16 : memref<!tpu.dma_semaphore, #tpu.memory_space<semaphore_mem>>) src(%arg6 : memref<16384xf32, #tpu.memory_space<vmem>>) dst(%dma_wait3A_1153 : memref<16384xf32, #tpu.memory_space<hbm>>)
    return
  }
}

</mosaic_0001>

<sc_bundles>
// kernel: kernel.3.cloned.1.call-start
scs
__scs_entry_jumppad:
0x0: {  	(pc) =	sbr.rel $0x88, $3  }
0x1: {  	(tag) =	ssettag $0x0;
	lr =	simm.s32 $0x1  }
0x2: {  	[smem:$0x3F9F] =	sst lr;
	_ =	strace $0xD0000000  }
0x3: {  	_ = 	snop  }
0x4: {  	_ = 	snop  }
0x5: {  	_ = 	snop  }
0x6: {  	_ = 	snop  }
0x7: {  	_ = 	snop  }
__scs_overlays_trampoline_lowered:
0x8: {  	[smem:$0x3FAE] =	sst s0  }
0x9: {  	[smem:$0x3FAF] =	sst s1  }
0xa: {  	[smem:$0x3FB0] =	sst s2  }
0xb: {  	[smem:$0x3FB1] =	sst s3  }
0xc: {  	[smem:$0x3FB2] =	sst s4  }
0xd: {  	[smem:$0x3FB3] =	sst s5  }
0xe: {  	[smem:$0x3FB4] =	sst s6  }
0xf: {  	[smem:$0x3FB5] =	sst s7  }
0x10: {  	[smem:$0x3FB6] =	sst s8  }
0x11: {  	[smem:$0x3FB7] =	sst s9;
	s0 =	simm.s32 @!p0 $0x0  }
0x12: {  	s1 =	sld [smem:$0x3F9D];
	s0 =	simm.s32 @p0 $0x1  }
0x13: {  	[smem:$0x3FB8] =	sst s0;
	s0 =	simm.s32 @!p1 $0x0  }
0x14: {  	s2 =	sld [smem:$0x3F9C];
	s0 =	simm.s32 @p1 $0x1  }
0x15: {  	[smem:$0x3FB9] =	sst s0;
	s0 =	simm.s32 @!p2 $0x0  }
0x16: {  	s3 =	sld [smem:$0x3FDB];
	s0 =	simm.s32 @p2 $0x1  }
0x17: {  	s4 =	simm.s32 $0x1BF5;
	[smem:$0x3FBB] =	sst s0  }
0x18: {  	s0 =	sld [smem:$0x3F9E];
	_ =	swait.ge [sflag:s4], $0x0  }
0x19: {  	s7 =	sld [smem:$0x3F9F]  }
0x1a: {  	s8 =	sadd.s32 $0xFFFFE003, lr  }
0x1b: {  	s9 =	sadd.s32 $0xFFFFFEF7, lr;
	s5 =	simm.s32 $0xFFFFFFFF;
	p2 =	slt.u32 s8, $0xFFFFF086  }
0x1c: {  	p1 =	slt.u32 s9, $0xF7A;
	s5 =	simm.s32 @!p2 $0x0  }
0x1d: {  	s5 =	simm.s32 @p1 $0x1;
	p0 =	seq.s32 s7, s2  }
0x1e: {  	s7 =	smul.u32 @!p0 $0xF7A, s2;
	p2 =	seq.s32 @!p0 s5, $0x0  }
0x1f: {  	s9 =	smul.u32 $0xF7A, s1;
	s8 =	simm.s32 @!p0 $0x1BF5;
	p2 =	por !p2, p0  }
0x20: {  	[sflag:s8] =	ssyncset.s32 @!p0 $0xFFFFF086;
	s6 =	sadd.s32 @!p0 s3, s7;
	s7 =	simm.s32 @!p0 $0x108  }
0x21: {  	s3 =	sadd.s32 s3, s9;
	s6 =	sadd.s32 @!p0 $0x88, s6;
	s7 =	simm.s32 @p2 $0x1082  }
0x22: {  	[simem:s7], [sflag:s8] =	dma.local @!p0 [hbm:s6], $0xF7A  }
0x23: {  	s9 =	sor.u32 $0xD0000000, s2;
	s6 =	simm.s32 $0x108;
	_ =	swait.ge @!p0 [sflag:s8], $0x0  }
0x24: {  	s3 =	sadd.s32 $0x88, s3;
	s6 =	simm.s32 @!p1 $0x1082;
	[sflag:s4] =	ssyncset.s32 $0xFFFFF086  }
0x25: {  	[simem:s6], [sflag:s4] =	dma.local [hbm:s3], $0xF7A  }
0x26: {  	[smem:$0x3F9F] =	sst s1;
	(tag) =	ssettag s2;
	_ =	strace s9  }
0x27: {  	s1 =	sld [smem:$0x3FAF]  }
0x28: {  	s2 =	sld [smem:$0x3FB0]  }
0x29: {  	s4 =	sld [smem:$0x3FB2]  }
0x2a: {  	p0 =	seq.s32 s5, $0x0;
	s5 =	sld [smem:$0x3FB3]  }
0x2b: {  	s6 =	sld [smem:$0x3FB4]  }
0x2c: {  	s7 =	sld [smem:$0x3FB5]  }
0x2d: {  	s3 =	simm.s32 $0x108;
	s8 =	sld [smem:$0x3FB6]  }
0x2e: {  	s3 =	simm.s32 @!p0 $0x1082;
	s9 =	sld [smem:$0x3FB7]  }
0x2f: {  	lr =	sadd.s32 s0, s3;
	s0 =	sld [smem:$0x3FAE]  }
0x30: {  	s3 =	sld [smem:$0x3FB1]  }
0x31: {  	[smem:$0x3FBA] =	sst s10  }
0x32: {  	s10 =	sld [smem:$0x3FB8];
	_ =	sdelay $0x3  }
0x33: {  	p0 =	seq.s32 s10, $0x1;
	s10 =	sld [smem:$0x3FBA];
	_ =	sdelay $0x3  }
0x34: {  	[smem:$0x3FBA] =	sst s10  }
0x35: {  	s10 =	sld [smem:$0x3FB9];
	_ =	sdelay $0x3  }
0x36: {  	p1 =	seq.s32 s10, $0x1;
	s10 =	sld [smem:$0x3FBA];
	_ =	sdelay $0x3  }
0x37: {  	[smem:$0x3FBA] =	sst s10  }
0x38: {  	s10 =	sld [smem:$0x3FBB]  }
0x39: {  	_ = 	snop;
	(pc) =	sbr.ind lr, $3  }
0x3a: {  	_ = 	snop  }
0x3b: {  	_ = 	snop  }
0x3c: {  	p2 =	seq.s32 s10, $0x1;
	s10 =	sld [smem:$0x3FBA]  }
0x3d: {  	_ =	shalt  }
0x3e: {  	_ =	shalt  }
0x3f: {  	_ =	shalt  }
0x40: {  	_ =	shalt  }
0x41: {  	_ =	shalt  }
0x42: {  	_ =	shalt  }
0x43: {  	_ =	shalt  }
0x44: {  	_ =	shalt  }
0x45: {  	_ =	shalt  }
0x46: {  	_ =	shalt  }
0x47: {  	_ =	shalt  }
0x48: {  	_ =	shalt  }
0x49: {  	_ =	shalt  }
0x4a: {  	_ =	shalt  }
0x4b: {  	_ =	shalt  }
0x4c: {  	_ =	shalt  }
0x4d: {  	_ =	shalt  }
0x4e: {  	_ =	shalt  }
0x4f: {  	_ =	shalt  }
0x50: {  	_ =	shalt  }
0x51: {  	_ =	shalt  }
0x52: {  	_ =	shalt  }
0x53: {  	_ =	shalt  }
0x54: {  	_ =	shalt  }
0x55: {  	_ =	shalt  }
0x56: {  	_ =	shalt  }
0x57: {  	_ =	shalt  }
0x58: {  	_ =	shalt  }
0x59: {  	_ =	shalt  }
0x5a: {  	_ =	shalt  }
0x5b: {  	_ =	shalt  }
0x5c: {  	_ =	shalt  }
0x5d: {  	_ =	shalt  }
0x5e: {  	_ =	shalt  }
0x5f: {  	_ =	shalt  }
0x60: {  	_ =	shalt  }
0x61: {  	_ =	shalt  }
0x62: {  	_ =	shalt  }
0x63: {  	_ =	shalt  }
0x64: {  	_ =	shalt  }
0x65: {  	_ =	shalt  }
0x66: {  	_ =	shalt  }
0x67: {  	_ =	shalt  }
0x68: {  	_ =	shalt  }
0x69: {  	_ =	shalt  }
0x6a: {  	_ =	shalt  }
0x6b: {  	_ =	shalt  }
0x6c: {  	_ =	shalt  }
0x6d: {  	_ =	shalt  }
0x6e: {  	_ =	shalt  }
0x6f: {  	_ =	shalt  }
0x70: {  	_ =	shalt  }
0x71: {  	_ =	shalt  }
0x72: {  	_ =	shalt  }
0x73: {  	_ =	shalt  }
0x74: {  	_ =	shalt  }
0x75: {  	_ =	shalt  }
0x76: {  	_ =	shalt  }
0x77: {  	_ =	shalt  }
0x78: {  	_ =	shalt  }
0x79: {  	_ =	shalt  }
0x7a: {  	_ =	shalt  }
0x7b: {  	_ =	shalt  }
0x7c: {  	_ =	shalt  }
0x7d: {  	_ =	shalt  }
0x7e: {  	_ =	shalt  }
0x7f: {  	_ =	shalt  }
0x80: {  	_ =	shalt  }
0x81: {  	_ =	shalt  }
0x82: {  	_ =	shalt  }
0x83: {  	_ =	shalt  }
0x84: {  	_ =	shalt  }
0x85: {  	_ =	shalt  }
0x86: {  	_ =	shalt  }
0x87: {  	_ =	shalt  }
.Lfunc_end0:
.L_simem_size_0:
called_computation.2_lowered:
.L_overlay_start_0:
0x88: {  	s2 =	sld [smem:$0x3FD9]  }
0x89: {  	s3 =	sld [smem:$0x3FFE];
	_ =	sdelay $0x1  }
0x8a: {  	s1 =	srdreg.scid  }
0x8b: {  	s0 =	sand.u32 $0x1, s1  }
0x8c: {  	s17 =	sshll.u32 s0, $0xA;
	s2 =	sadd.s32 s3, s2  }
0x8d: {  	s2 =	sadd.s32 s2, s17  }
0x8e: {  	[smem:$0x3FC6] =	sst s2  }
0x8f: {  	_ = 	snop  }
0x90: {  	s2 =	sld [smem:$0x3FD0];
	(tm) =	ssettm $0x1  }
0x91: {  	s18 =	sld [smem:$0x3FFB];
	_ =	sdelay $0x3  }
0x92: {  	_ =	strace s18  }
0x93: {  	s3 =	sld [smem:$0x3FFC];
	_ =	sdelay $0x3  }
0x94: {  	_ =	strace s3  }
0x95: {  	s3 =	sld [smem:$0x3FFD];
	_ =	sdelay $0x3  }
0x96: {  	_ =	strace s3  }
0x97: {  	_ =	strace $0x8FFFFFFF  }
0x98: {  	s19 =	sld [smem:$0x3FDB];
	_ =	sdelay $0x1  }
0x99: {  	s4 =	simm.s32 $_scs_section_size  }
0x9a: {  	s5 =	simm.s32 $_size__tile_overlayer_lowered;
	s6 =	simm.s32 $_tile_overlayer_lowered  }
0x9b: {  	s22 =	simm.s32 $0x1BFF;
	s21 =	sshll.u32 s6, $0x1;
	s3 =	sadd.s32 s4, s19  }
0x9c: {  	s7 =	simm.s32 $0x0;
	s20 =	sshll.u32 s5, $0x1;
	s5 =	sadd.s32 s21, s3  }
0x9d: {  	[timem:s7], [sflag:s22] =	dma.local [hbm:s5], s20  }
0x9e: {  	_ =	swait.ge [sflag:s22], s20  }
0x9f: {  	s4 =	ssub.s32 $0x0, s20;
	[sflag:s22] =	ssyncset.done $0x0  }
0xa0: {  	[sflag:s22] =	ssyncadd.s32 s4;
	_ =	sdelay $0x1  }
0xa1: {  	s23 =	simm.s32 $0x1B8B  }
0xa2: {  	_ =	swait.ge [sflag:s23], $0x1  }
0xa3: {  	[sflag:s23] =	ssyncset.done $0x0  }
0xa4: {  	s25 =	simm.s32 $0x1B8E;
	s24 =	sld [smem:$0x3FFE];
	[sflag:s23] =	ssyncadd.s32 $0xFFFFFFFF  }
0xa5: {  	s26 =	simm.s32 $execute0_lowered;
	[smem:$0x3FD2] =	sst s25  }
0xa6: {  	s5 =	sshll.u32 s26, $0x1;
	_ =	strace $0x8000004C;
	[dreg:$0x1] =	wrdreg $0xFFFFFFFF  }
0xa7: {  	s28 =	simm.s32 $_size_execute0_lowered;
	s3 =	sadd.s32 s3, s5;
	[dreg:$0x0] =	wrdreg $0x0  }
0xa8: {  	s5 =	sshll.u32 s28, $0x1;
	[dreg:$0x2] =	wrdreg s3  }
0xa9: {  	[dreg:$0x3] =	wrdreg s5  }
0xaa: {  	[dreg:$0x4] =	wrdreg $0xC0  }
0xab: {  	_ =	task [dreg:s7], $0x5FFFF  }
0xac: {  	[dreg:$0x1] =	wrdreg $0xFFFFFFFF  }
0xad: {  	[dreg:$0x0] =	wrdreg $0x60  }
0xae: {  	[dreg:$0x2] =	wrdreg s2  }
0xaf: {  	[dreg:$0x3] =	wrdreg s24  }
0xb0: {  	[dreg:$0x4] =	wrdreg $0x9  }
0xb1: {  	_ =	task.clear_ibuf [dreg:s7], $0x5FFFF;
	_ =	strace $0x9000004C  }
0xb2: {  	s29 =	simm.s32 $0x9;
	_ =	strace $0x8000004E  }
0xb3: {  	_ =	swait.ge [sflag:s29], $0x1  }
0xb4: {  	[sflag:s29] =	ssyncadd.s32 $0xFFFFFFFF  }
0xb5: {  	_ =	strace $0x9000004E  }
0xb6: {  	_ =	sfence  }
0xb7: {  	s30 =	sld [smem:$0x0];
	_ =	sdelay $0x2  }
0xb8: {  	s31 =	sshll.u32 s1, $0xD;
	s1 =	sshrl.u32 s1, $0x2  }
0xb9: {  	s3 =	sand.u32 $0x4000, s31;
	s1 =	sadd.s32 s1, s30  }
0xba: {  	s0 =	sor.u32 s3, s0;
	s1 =	sshll.u32 s1, $0x11  }
0xbb: {  	s0 =	sor.u32 s1, s0  }
0xbc: {  	s0 =	sadd.s32 $0x8F2B, s0  }
0xbd: {  	[sflag:s0] =	ssyncadd.remote.s32 $0x1  }
0xbe: {  	_ =	sfence.sel $0xFFFF  }
0xbf: {  	[dreg:$0x0] =	wrdreg $0xFFFFFFFF;
	(pc) =	sbr.abs _section_cstart, $3  }
0xc0: {  	[dreg:$0x1] =	wrdreg $0xFFFFFFFF  }
0xc1: {  	_ =	task.clear_ibuf [dreg:s7], $0x2FFFF;
	_ =	strace $0x9FFFFFFF  }
0xc2: {  	(tm) =	ssettm $0x7FFFFFFF  }
0xc3: {  	_ =	shalt  }
tec
execute0_lowered:
.L_overlay_start_1:
0x0: {  	(tag) =	ssettag $0x1  }
0x1: {  	s0 =	srdreg.scid;
	s1 =	rddreg [dreg:$0x0]  }
0x2: {  	s2 =	stileid.u32;
	s18 =	rddreg [dreg:$0x1];
	s6 =	sand.u32 $0x1, s0  }
0x3: {  	s3 =	sshll.u32 s2, $0x12;
	s2 =	simm.s32 $0x0;
	s4 =	sshll.u32 s6, $0x11  }
0x4: {  	[smem:$0x7FF] =	sst s2;
	s3 =	sor.u32 s4, s3  }
0x5: {  	_ =	strace $0x8000004D;
	s5 =	sadd.s32 s1, s3;
	s7 =	sor.u32 $0x800, s3  }
0x6: {  	s22 =	sor.u32 $0x1000, s3;
	[dreg:$0x3] =	wrdreg s5;
	s8 =	sadd.s32 s1, s7  }
0x7: {  	s26 =	sor.u32 $0x1800, s3;
	s23 =	sadd.s32 s1, s22;
	[dreg:$0x5] =	wrdreg s8  }
0x8: {  	s12 =	sor.u32 $0x2000, s3;
	s9 =	sadd.s32 s1, s26;
	[dreg:$0x8] =	wrdreg s23  }
0x9: {  	s16 =	sor.u32 $0x2800, s3;
	s13 =	sadd.s32 s1, s12;
	[dreg:$0xb] =	wrdreg s9  }
0xa: {  	s4 =	sand.u32 $0xE0000, s3;
	s17 =	sadd.s32 s1, s16;
	[dreg:$0xe] =	wrdreg s13  }
0xb: {  	s4 =	sadd.s32 s4, s18;
	[dreg:$0x11] =	wrdreg s17  }
0xc: {  	s19 =	sadd.s32 $0xC00, s4;
	s0 =	rddreg [dreg:$0x3]  }
0xd: {  	s5 =	sadd.s32 $0x100C00, s18;
	s20 =	sadd.s32 $0x1400, s4;
	[dreg:$0x4] =	wrdreg s19  }
0xe: {  	s21 =	sadd.s32 s5, s3;
	[dreg:$0x6] =	wrdreg s20  }
0xf: {  	s24 =	sadd.s32 $0x1C00, s4;
	[dreg:$0x7] =	wrdreg s21  }
0x10: {  	s25 =	sadd.s32 s5, s7;
	[dreg:$0x9] =	wrdreg s24  }
0x11: {  	s10 =	sadd.s32 $0x2400, s4;
	[dreg:$0xa] =	wrdreg s25  }
0x12: {  	s11 =	sadd.s32 s5, s22;
	[dreg:$0xc] =	wrdreg s10  }
0x13: {  	s14 =	sadd.s32 $0x2C00, s4;
	[dreg:$0xd] =	wrdreg s11  }
0x14: {  	s15 =	sadd.s32 s5, s26;
	[dreg:$0xf] =	wrdreg s14  }
0x15: {  	s18 =	sadd.s32 $0x3400, s4;
	[dreg:$0x10] =	wrdreg s15  }
0x16: {  	s22 =	sadd.s32 $0x3C00, s4;
	[dreg:$0x12] =	wrdreg s18  }
0x17: {  	s23 =	sadd.s32 s5, s16;
	[dreg:$0x15] =	wrdreg s22  }
0x18: {  	s26 =	sadd.s32 $0x4400, s4;
	[dreg:$0x16] =	wrdreg s23  }
0x19: {  	s16 =	sadd.s32 $0x5400, s4;
	[dreg:$0x18] =	wrdreg s26  }
0x1a: {  	s19 =	sadd.s32 s5, s12;
	[dreg:$0x1e] =	wrdreg s16  }
0x1b: {  	s20 =	sor.u32 $0x3000, s3;
	s12 =	sadd.s32 $0x4C00, s4;
	[dreg:$0x13] =	wrdreg s19  }
0x1c: {  	s24 =	sor.u32 $0x3800, s3;
	s21 =	sadd.s32 s1, s20;
	[dreg:$0x1b] =	wrdreg s12  }
0x1d: {  	s25 =	sadd.s32 s1, s24;
	[dreg:$0x14] =	wrdreg s21  }
0x1e: {  	s10 =	sor.u32 $0x4000, s3;
	s9 =	sadd.s32 s5, s20;
	[dreg:$0x17] =	wrdreg s25  }
0x1f: {  	s11 =	sadd.s32 s1, s10;
	[dreg:$0x19] =	wrdreg s9  }
0x20: {  	s14 =	sor.u32 $0x4800, s3;
	s13 =	sadd.s32 s5, s24;
	[dreg:$0x1a] =	wrdreg s11  }
0x21: {  	s15 =	sadd.s32 s1, s14;
	[dreg:$0x1c] =	wrdreg s13  }
0x22: {  	s18 =	sor.u32 $0x5000, s3;
	s17 =	sadd.s32 s5, s10;
	[dreg:$0x1d] =	wrdreg s15  }
0x23: {  	s19 =	sadd.s32 s1, s18;
	[dreg:$0x1f] =	wrdreg s17  }
0x24: {  	s22 =	sor.u32 $0x5800, s3;
	s20 =	sadd.s32 $0x5C00, s4;
	[smem:$0x76E] =	sst s19  }
0x25: {  	s23 =	sadd.s32 s1, s22;
	[smem:$0x76F] =	sst s20  }
0x26: {  	s24 =	sadd.s32 $0x6400, s4;
	[smem:$0x771] =	sst s23  }
0x27: {  	s10 =	sadd.s32 $0x6C00, s4;
	[smem:$0x772] =	sst s24  }
0x28: {  	s21 =	sadd.s32 s5, s14;
	[smem:$0x775] =	sst s10  }
0x29: {  	s26 =	sor.u32 $0x6000, s3;
	s25 =	sadd.s32 s5, s18;
	[smem:$0x770] =	sst s21  }
0x2a: {  	s9 =	sadd.s32 s1, s26;
	[smem:$0x773] =	sst s25  }
0x2b: {  	s12 =	sor.u32 $0x6800, s3;
	s11 =	sadd.s32 s5, s22;
	[smem:$0x774] =	sst s9  }
0x2c: {  	s13 =	sadd.s32 s1, s12;
	[smem:$0x776] =	sst s11  }
0x2d: {  	s14 =	sadd.s32 $0x7400, s4;
	[smem:$0x777] =	sst s13  }
0x2e: {  	s16 =	sor.u32 $0x7000, s3;
	s15 =	sadd.s32 s5, s26;
	[smem:$0x778] =	sst s14  }
0x2f: {  	s17 =	sadd.s32 s1, s16;
	[smem:$0x779] =	sst s15  }
0x30: {  	s18 =	sadd.s32 $0x7C00, s4;
	[smem:$0x77A] =	sst s17  }
0x31: {  	s19 =	sadd.s32 s5, s12;
	[smem:$0x77B] =	sst s18  }
0x32: {  	s22 =	sadd.s32 $0x8400, s4;
	[smem:$0x77C] =	sst s19  }
0x33: {  	s23 =	sadd.s32 s5, s16;
	[smem:$0x77E] =	sst s22  }
0x34: {  	s26 =	sadd.s32 $0x8C00, s4;
	[smem:$0x77F] =	sst s23  }
0x35: {  	s12 =	sadd.s32 $0x9400, s4;
	[smem:$0x781] =	sst s26  }
0x36: {  	s20 =	sor.u32 $0x7800, s3;
	s16 =	sadd.s32 $0x9C00, s4;
	[smem:$0x784] =	sst s12  }
0x37: {  	s24 =	sor.u32 $0x8000, s3;
	s21 =	sadd.s32 s1, s20;
	[smem:$0x787] =	sst s16  }
0x38: {  	s25 =	sadd.s32 s1, s24;
	[smem:$0x77D] =	sst s21  }
0x39: {  	s10 =	sor.u32 $0x8800, s3;
	s9 =	sadd.s32 s5, s20;
	[smem:$0x780] =	sst s25  }
0x3a: {  	s11 =	sadd.s32 s1, s10;
	[smem:$0x782] =	sst s9  }
0x3b: {  	s13 =	sadd.s32 s5, s24;
	[smem:$0x783] =	sst s11  }
0x3c: {  	s17 =	sadd.s32 s5, s10;
	[smem:$0x785] =	sst s13  }
0x3d: {  	s20 =	sadd.s32 $0xA400, s4;
	[smem:$0x788] =	sst s17  }
0x3e: {  	s24 =	sadd.s32 $0xAC00, s4;
	[smem:$0x78A] =	sst s20  }
0x3f: {  	s14 =	sor.u32 $0x9000, s3;
	s10 =	sadd.s32 $0xB400, s4;
	[smem:$0x78D] =	sst s24  }
0x40: {  	s18 =	sor.u32 $0x9800, s3;
	s15 =	sadd.s32 s1, s14;
	[smem:$0x790] =	sst s10  }
0x41: {  	s19 =	sadd.s32 s1, s18;
	[smem:$0x786] =	sst s15  }
0x42: {  	s22 =	sor.u32 $0xA000, s3;
	s21 =	sadd.s32 s5, s14;
	[smem:$0x789] =	sst s19  }
0x43: {  	s23 =	sadd.s32 s1, s22;
	[smem:$0x78B] =	sst s21  }
0x44: {  	s26 =	sor.u32 $0xA800, s3;
	s25 =	sadd.s32 s5, s18;
	[smem:$0x78C] =	sst s23  }
0x45: {  	s9 =	sadd.s32 s1, s26;
	[smem:$0x78E] =	sst s25  }
0x46: {  	s12 =	sor.u32 $0xB000, s3;
	s11 =	sadd.s32 s5, s22;
	[smem:$0x78F] =	sst s9  }
0x47: {  	s13 =	sadd.s32 s1, s12;
	[smem:$0x791] =	sst s11  }
0x48: {  	s16 =	sor.u32 $0xB800, s3;
	s14 =	sadd.s32 $0xBC00, s4;
	[smem:$0x792] =	sst s13  }
0x49: {  	s17 =	sadd.s32 s1, s16;
	[smem:$0x793] =	sst s14  }
0x4a: {  	s18 =	sadd.s32 $0xC400, s4;
	[smem:$0x795] =	sst s17  }
0x4b: {  	s22 =	sadd.s32 $0xCC00, s4;
	[smem:$0x796] =	sst s18  }
0x4c: {  	s15 =	sadd.s32 s5, s26;
	[smem:$0x799] =	sst s22  }
0x4d: {  	s20 =	sor.u32 $0xC000, s3;
	s19 =	sadd.s32 s5, s12;
	[smem:$0x794] =	sst s15  }
0x4e: {  	s21 =	sadd.s32 s1, s20;
	[smem:$0x797] =	sst s19  }
0x4f: {  	s24 =	sor.u32 $0xC800, s3;
	s23 =	sadd.s32 s5, s16;
	[smem:$0x798] =	sst s21  }
0x50: {  	s25 =	sadd.s32 s1, s24;
	[smem:$0x79A] =	sst s23  }
0x51: {  	s26 =	sadd.s32 $0xD400, s4;
	[smem:$0x79B] =	sst s25  }
0x52: {  	s10 =	sor.u32 $0xD000, s3;
	s9 =	sadd.s32 s5, s20;
	[smem:$0x79C] =	sst s26  }
0x53: {  	s11 =	sadd.s32 s1, s10;
	[smem:$0x79D] =	sst s9  }
0x54: {  	s12 =	sadd.s32 $0xDC00, s4;
	[smem:$0x79E] =	sst s11  }
0x55: {  	s13 =	sadd.s32 s5, s24;
	[smem:$0x79F] =	sst s12  }
0x56: {  	s16 =	sadd.s32 $0xE400, s4;
	[smem:$0x7A0] =	sst s13  }
0x57: {  	s17 =	sadd.s32 s5, s10;
	[smem:$0x7A2] =	sst s16  }
0x58: {  	s20 =	sadd.s32 $0xEC00, s4;
	[smem:$0x7A3] =	sst s17  }
0x59: {  	s24 =	sadd.s32 $0xF400, s4;
	[smem:$0x7A5] =	sst s20  }
0x5a: {  	s14 =	sor.u32 $0xD800, s3;
	s10 =	sadd.s32 $0xFC00, s4;
	[smem:$0x7A8] =	sst s24  }
0x5b: {  	s18 =	sor.u32 $0xE000, s3;
	s15 =	sadd.s32 s1, s14;
	[smem:$0x7AB] =	sst s10  }
0x5c: {  	s19 =	sadd.s32 s1, s18;
	[smem:$0x7A1] =	sst s15  }
0x5d: {  	s22 =	sor.u32 $0xE800, s3;
	s21 =	sadd.s32 s5, s14;
	[smem:$0x7A4] =	sst s19  }
0x5e: {  	s23 =	sadd.s32 s1, s22;
	[smem:$0x7A6] =	sst s21  }
0x5f: {  	s25 =	sadd.s32 s5, s18;
	[smem:$0x7A7] =	sst s23  }
0x60: {  	s11 =	sadd.s32 s5, s22;
	[smem:$0x7A9] =	sst s25  }
0x61: {  	s14 =	sadd.s32 $0x10400, s4;
	[smem:$0x7AC] =	sst s11  }
0x62: {  	s18 =	sadd.s32 $0x10C00, s4;
	[smem:$0x7AE] =	sst s14  }
0x63: {  	s26 =	sor.u32 $0xF000, s3;
	s22 =	sadd.s32 $0x11400, s4;
	[smem:$0x7B1] =	sst s18  }
0x64: {  	s12 =	sor.u32 $0xF800, s3;
	s9 =	sadd.s32 s1, s26;
	[smem:$0x7B4] =	sst s22  }
0x65: {  	s13 =	sadd.s32 s1, s12;
	[smem:$0x7AA] =	sst s9  }
0x66: {  	s16 =	sor.u32 $0x10000, s3;
	s15 =	sadd.s32 s5, s26;
	[smem:$0x7AD] =	sst s13  }
0x67: {  	s17 =	sadd.s32 s1, s16;
	[smem:$0x7AF] =	sst s15  }
0x68: {  	s20 =	sor.u32 $0x10800, s3;
	s19 =	sadd.s32 s5, s12;
	[smem:$0x7B0] =	sst s17  }
0x69: {  	s21 =	sadd.s32 s1, s20;
	[smem:$0x7B2] =	sst s19  }
0x6a: {  	s24 =	sor.u32 $0x11000, s3;
	s23 =	sadd.s32 s5, s16;
	[smem:$0x7B3] =	sst s21  }
0x6b: {  	s25 =	sadd.s32 s1, s24;
	[smem:$0x7B5] =	sst s23  }
0x6c: {  	s10 =	sor.u32 $0x11800, s3;
	s26 =	sadd.s32 $0x11C00, s4;
	[smem:$0x7B6] =	sst s25  }
0x6d: {  	s11 =	sadd.s32 s1, s10;
	[smem:$0x7B7] =	sst s26  }
0x6e: {  	s12 =	sadd.s32 $0x12400, s4;
	[smem:$0x7B9] =	sst s11  }
0x6f: {  	s16 =	sadd.s32 $0x12C00, s4;
	[smem:$0x7BA] =	sst s12  }
0x70: {  	s9 =	sadd.s32 s5, s20;
	[smem:$0x7BD] =	sst s16  }
0x71: {  	s14 =	sor.u32 $0x12000, s3;
	s13 =	sadd.s32 s5, s24;
	[smem:$0x7B8] =	sst s9  }
0x72: {  	s15 =	sadd.s32 s1, s14;
	[smem:$0x7BB] =	sst s13  }
0x73: {  	s18 =	sor.u32 $0x12800, s3;
	s17 =	sadd.s32 s5, s10;
	[smem:$0x7BC] =	sst s15  }
0x74: {  	s19 =	sadd.s32 s1, s18;
	[smem:$0x7BE] =	sst s17  }
0x75: {  	s20 =	sadd.s32 $0x13400, s4;
	[smem:$0x7BF] =	sst s19  }
0x76: {  	s22 =	sor.u32 $0x13000, s3;
	s21 =	sadd.s32 s5, s14;
	[smem:$0x7C0] =	sst s20  }
0x77: {  	s23 =	sadd.s32 s1, s22;
	[smem:$0x7C1] =	sst s21  }
0x78: {  	s24 =	sadd.s32 $0x13C00, s4;
	[smem:$0x7C2] =	sst s23  }
0x79: {  	s25 =	sadd.s32 s5, s18;
	[smem:$0x7C3] =	sst s24  }
0x7a: {  	s10 =	sadd.s32 $0x14400, s4;
	[smem:$0x7C4] =	sst s25  }
0x7b: {  	s11 =	sadd.s32 s5, s22;
	[smem:$0x7C6] =	sst s10  }
0x7c: {  	s14 =	sadd.s32 $0x14C00, s4;
	[smem:$0x7C7] =	sst s11  }
0x7d: {  	s18 =	sadd.s32 $0x15400, s4;
	[smem:$0x7C9] =	sst s14  }
0x7e: {  	s26 =	sor.u32 $0x13800, s3;
	s22 =	sadd.s32 $0x15C00, s4;
	[smem:$0x7CC] =	sst s18  }
0x7f: {  	s12 =	sor.u32 $0x14000, s3;
	s9 =	sadd.s32 s1, s26;
	[smem:$0x7CF] =	sst s22  }
0x80: {  	s13 =	sadd.s32 s1, s12;
	[smem:$0x7C5] =	sst s9  }
0x81: {  	s16 =	sor.u32 $0x14800, s3;
	s15 =	sadd.s32 s5, s26;
	[smem:$0x7C8] =	sst s13  }
0x82: {  	s17 =	sadd.s32 s1, s16;
	[smem:$0x7CA] =	sst s15  }
0x83: {  	s19 =	sadd.s32 s5, s12;
	[smem:$0x7CB] =	sst s17  }
0x84: {  	s23 =	sadd.s32 s5, s16;
	[smem:$0x7CD] =	sst s19  }
0x85: {  	s26 =	sadd.s32 $0x16400, s4;
	[smem:$0x7D0] =	sst s23  }
0x86: {  	s12 =	sadd.s32 $0x16C00, s4;
	[smem:$0x7D2] =	sst s26  }
0x87: {  	s20 =	sor.u32 $0x15000, s3;
	s16 =	sadd.s32 $0x17400, s4;
	[smem:$0x7D5] =	sst s12  }
0x88: {  	s24 =	sor.u32 $0x15800, s3;
	s21 =	sadd.s32 s1, s20;
	[smem:$0x7D8] =	sst s16  }
0x89: {  	s25 =	sadd.s32 s1, s24;
	[smem:$0x7CE] =	sst s21  }
0x8a: {  	s10 =	sor.u32 $0x16000, s3;
	s9 =	sadd.s32 s5, s20;
	[smem:$0x7D1] =	sst s25  }
0x8b: {  	s11 =	sadd.s32 s1, s10;
	[smem:$0x7D3] =	sst s9  }
0x8c: {  	s14 =	sor.u32 $0x16800, s3;
	s13 =	sadd.s32 s5, s24;
	[smem:$0x7D4] =	sst s11  }
0x8d: {  	s15 =	sadd.s32 s1, s14;
	[smem:$0x7D6] =	sst s13  }
0x8e: {  	s18 =	sor.u32 $0x17000, s3;
	s17 =	sadd.s32 s5, s10;
	[smem:$0x7D7] =	sst s15  }
0x8f: {  	s19 =	sadd.s32 s1, s18;
	[smem:$0x7D9] =	sst s17  }
0x90: {  	s22 =	sor.u32 $0x17800, s3;
	s20 =	sadd.s32 $0x17C00, s4;
	[smem:$0x7DA] =	sst s19  }
0x91: {  	s23 =	sadd.s32 s1, s22;
	[smem:$0x7DB] =	sst s20  }
0x92: {  	s24 =	sadd.s32 $0x18400, s4;
	[smem:$0x7DD] =	sst s23  }
0x93: {  	s10 =	sadd.s32 $0x18C00, s4;
	[smem:$0x7DE] =	sst s24  }
0x94: {  	s21 =	sadd.s32 s5, s14;
	[smem:$0x7E1] =	sst s10  }
0x95: {  	s26 =	sor.u32 $0x18000, s3;
	s25 =	sadd.s32 s5, s18;
	[smem:$0x7DC] =	sst s21  }
0x96: {  	s9 =	sadd.s32 s1, s26;
	[smem:$0x7DF] =	sst s25  }
0x97: {  	s12 =	sor.u32 $0x18800, s3;
	s11 =	sadd.s32 s5, s22;
	[smem:$0x7E0] =	sst s9  }
0x98: {  	s13 =	sadd.s32 s1, s12;
	[smem:$0x7E2] =	sst s11  }
0x99: {  	s14 =	sadd.s32 $0x19400, s4;
	[smem:$0x7E3] =	sst s13  }
0x9a: {  	s16 =	sor.u32 $0x19000, s3;
	s15 =	sadd.s32 s5, s26;
	[smem:$0x7E4] =	sst s14  }
0x9b: {  	s17 =	sadd.s32 s1, s16;
	[smem:$0x7E5] =	sst s15  }
0x9c: {  	s18 =	sadd.s32 $0x19C00, s4;
	[smem:$0x7E6] =	sst s17  }
0x9d: {  	s19 =	sadd.s32 s5, s12;
	[smem:$0x7E7] =	sst s18  }
0x9e: {  	s22 =	sadd.s32 $0x1A400, s4;
	[smem:$0x7E8] =	sst s19  }
0x9f: {  	p0 =	por $0x0, $0x0;
	s23 =	sadd.s32 s5, s16;
	[smem:$0x7EA] =	sst s22  }
0xa0: {  	s20 =	sor.u32 $0x19800, s3;
	s26 =	sadd.s32 $0x1AC00, s4;
	[smem:$0x7EB] =	sst s23  }
0xa1: {  	s24 =	sor.u32 $0x1A000, s3;
	s21 =	sadd.s32 s1, s20;
	[smem:$0x7ED] =	sst s26  }
0xa2: {  	s6 =	ssub.s32 $0x2, s6;
	s25 =	sadd.s32 s1, s24;
	[smem:$0x7E9] =	sst s21  }
0xa3: {  	s31 =	sadd.s32 $0x1DC00, s4;
	s7 =	sadd.s32 s5, s20;
	[smem:$0x7EC] =	sst s25  }
0xa4: {  	s29 =	sadd.s32 $0x1E400, s4;
	s11 =	sadd.s32 $0x1B400, s4;
	[smem:$0x7EE] =	sst s7  }
0xa5: {  	s9 =	sor.u32 $0x1A800, s3;
	s12 =	sadd.s32 s5, s24;
	[smem:$0x7F0] =	sst s11  }
0xa6: {  	s13 =	sor.u32 $0x1B000, s3;
	s15 =	sadd.s32 $0x1BC00, s4;
	[smem:$0x7F1] =	sst s12  }
0xa7: {  	s17 =	sor.u32 $0x1B800, s3;
	s19 =	sadd.s32 $0x1C400, s4;
	[smem:$0x7F3] =	sst s15  }
0xa8: {  	s23 =	sadd.s32 $0x1CC00, s4;
	s10 =	sadd.s32 s1, s9;
	[smem:$0x7F6] =	sst s19  }
0xa9: {  	s14 =	sadd.s32 s1, s13;
	s16 =	sadd.s32 s5, s9;
	[smem:$0x7F9] =	sst s23  }
0xaa: {  	s18 =	sadd.s32 s1, s17;
	s20 =	sadd.s32 s5, s13;
	[smem:$0x7EF] =	sst s10  }
0xab: {  	s21 =	sor.u32 $0x1C000, s3;
	s24 =	sadd.s32 s5, s17;
	[smem:$0x7F2] =	sst s14  }
0xac: {  	s25 =	sor.u32 $0x1C800, s3;
	s9 =	sshrl.u32 s6, $0x1;
	[smem:$0x7F4] =	sst s16  }
0xad: {  	s11 =	sor.u32 $0x1D800, s3;
	s12 =	sor.u32 $0x1E000, s3;
	[smem:$0x7F5] =	sst s18  }
0xae: {  	s13 =	sor.u32 $0x1E800, s3;
	s7 =	simm.s32 $0x5;
	[smem:$0x7F7] =	sst s20  }
0xaf: {  	s22 =	sadd.s32 s1, s21;
	[smem:$0x7FA] =	sst s24;
	s26 =	sadd.s32 s1, s25  }
0xb0: {  	s10 =	ssub.s32 s6, s9;
	s6 =	sadd.s32 $0x1D400, s4;
	s8 =	sadd.s32 s5, s21  }
0xb1: {  	s9 =	sor.u32 $0x1D000, s3;
	s28 =	sadd.s32 s1, s11;
	s24 =	sadd.s32 s1, s12  }
0xb2: {  	s19 =	sadd.s32 s5, s11;
	s20 =	sadd.s32 s1, s13;
	[smem:$0x7F8] =	sst s22  }
0xb3: {  	s14 =	sor.u32 $0x1F000, s3;
	s16 =	sadd.s32 s5, s12;
	[smem:$0x7FB] =	sst s26  }
0xb4: {  	s18 =	sadd.s32 $0x1FC00, s4;
	s3 =	sor.u32 $0x1F800, s3;
	[smem:$0x7FC] =	sst s6  }
0xb5: {  	s12 =	sadd.s32 $0x20400, s4;
	s21 =	simm.s32 $0x8000;
	[smem:$0x7FD] =	sst s8  }
0xb6: {  	s30 =	sadd.s32 s1, s9;
	s26 =	sadd.s32 s5, s25;
	s15 =	smax.u32 s10, $0x1  }
0xb7: {  	s23 =	sadd.s32 s5, s9;
	s25 =	sadd.s32 $0x1EC00, s4;
	p1 =	sne.s32 s15, $0x1  }
.Ltmp0:
0xb8: {  	s22 =	sadd.s32 $0x1F400, s4;
	s17 =	sadd.s32 s1, s14;
	(pc) =	sbr.rel @!p1 .LBB2_3-.Ltmp0, $4  }
0xb9: {  	s9 =	sadd.s32 s5, s13;
	s11 =	sadd.s32 s1, s3;
	s6 =	sadd.s32 s5, s14  }
0xba: {  	s3 =	sadd.s32 s5, s3;
	s4 =	simm.s32 $0x4000;
	s14 =	simm.s32 $0xC000  }
0xbb: {  	s13 =	simm.s32 $0x3;
	s10 =	simm.s32 $0x2;
	s8 =	simm.s32 $0x4  }
0xbc: {  	s5 =	simm.s32 $0x6;
	s1 =	sadd.s32 $0xFFFFFFFF, s15;
	s15 =	simm.s32 $0x1  }
0xbd: {  	[smem:$0x76C] =	sst s1  }
0xbe: {  	[tilespmem:s2], [sflag:$0x1] =	stream.linear.gather [hbm4b:s0+s2], $0x4000, $0x38;
	[tilespmem:$0x10000] =	vst v63  }
0xbf: {  	s1 =	rddreg [dreg:$0x4]  }
0xc0: {  	[tilespmem:s21], [sflag:$0x3] =	stream.linear.gather [hbm4b:s1+s2], $0x4000, $0x38;
	[tilespmem:$0x10000] =	vst v63  }
0xc1: {  	s0 =	rddreg [dreg:$0x5]  }
0xc2: {  	[tilespmem:s4], [sflag:$0x2] =	stream.linear.gather [hbm4b:s0+s2], $0x4000, $0x38;
	[tilespmem:$0x10000] =	vst v63  }
0xc3: {  	s1 =	rddreg [dreg:$0x6]  }
0xc4: {  	[tilespmem:s14], [sflag:$0x4] =	stream.linear.gather [hbm4b:s1+s2], $0x4000, $0x38;
	[tilespmem:$0x10000] =	vst v63  }
0xc5: {  	_ =	swait.ge [sflag:s15], $0x4000  }
0xc6: {  	[sflag:s15] =	ssyncset.done $0x0  }
0xc7: {  	[sflag:s15] =	ssyncadd.s32 $0xFFFFC000  }
0xc8: {  	_ =	swait.ge [sflag:s13], $0x4000  }
0xc9: {  	[sflag:s13] =	ssyncset.done $0x0  }
0xca: {  	s0 =	rddreg [dreg:$0x7];
	[sflag:s13] =	ssyncadd.s32 $0xFFFFC000  }
0xcb: {  	[hbm4b:s0+s2] =	stream.linear.scatter [tilespmem:s2], [sflag:$0x5], $0x4000, $0x38;
	[tilespmem:$0x10000] =	vst v63  }
0xcc: {  	s1 =	rddreg [dreg:$0x8]  }
0xcd: {  	[tilespmem:s2], [sflag:$0x1] =	stream.linear.gather [hbm4b:s1+s2], $0x4000, $0x38;
	[tilespmem:$0x10000] =	vst v63  }
0xce: {  	s0 =	rddreg [dreg:$0x9]  }
0xcf: {  	[tilespmem:s21], [sflag:$0x3] =	stream.linear.gather [hbm4b:s0+s2], $0x4000, $0x38;
	[tilespmem:$0x10000] =	vst v63  }
0xd0: {  	_ =	swait.ge [sflag:s10], $0x4000  }
0xd1: {  	[sflag:s10] =	ssyncset.done $0x0  }
0xd2: {  	[sflag:s10] =	ssyncadd.s32 $0xFFFFC000  }
0xd3: {  	_ =	swait.ge [sflag:s8], $0x4000  }
0xd4: {  	[sflag:s8] =	ssyncset.done $0x0  }
0xd5: {  	s0 =	rddreg [dreg:$0xa];
	[sflag:s8] =	ssyncadd.s32 $0xFFFFC000  }
0xd6: {  	[hbm4b:s0+s2] =	stream.linear.scatter [tilespmem:s4], [sflag:$0x6], $0x4000, $0x38;
	[tilespmem:$0x10000] =	vst v63  }
0xd7: {  	s1 =	rddreg [dreg:$0xb]  }
0xd8: {  	[tilespmem:s4], [sflag:$0x2] =	stream.linear.gather [hbm4b:s1+s2], $0x4000, $0x38;
	[tilespmem:$0x10000] =	vst v63  }
0xd9: {  	s0 =	rddreg [dreg:$0xc]  }
0xda: {  	[tilespmem:s14], [sflag:$0x4] =	stream.linear.gather [hbm4b:s0+s2], $0x4000, $0x38;
	[tilespmem:$0x10000] =	vst v63  }
0xdb: {  	_ =	swait.ge [sflag:s15], $0x4000  }
0xdc: {  	[sflag:s15] =	ssyncset.done $0x0  }
0xdd: {  	[sflag:s15] =	ssyncadd.s32 $0xFFFFC000  }
0xde: {  	_ =	swait.ge [sflag:s13], $0x4000  }
0xdf: {  	[sflag:s13] =	ssyncset.done $0x0  }
0xe0: {  	[sflag:s13] =	ssyncadd.s32 $0xFFFFC000  }
0xe1: {  	_ =	swait.ge [sflag:s7], $0x4000  }
0xe2: {  	[sflag:s7] =	ssyncset.done $0x0  }
0xe3: {  	s0 =	rddreg [dreg:$0xd];
	[sflag:s7] =	ssyncadd.s32 $0xFFFFC000  }
0xe4: {  	[hbm4b:s0+s2] =	stream.linear.scatter [tilespmem:s2], [sflag:$0x5], $0x4000, $0x38;
	[tilespmem:$0x10000] =	vst v63  }
0xe5: {  	s1 =	rddreg [dreg:$0xe]  }
0xe6: {  	[tilespmem:s2], [sflag:$0x1] =	stream.linear.gather [hbm4b:s1+s2], $0x4000, $0x38;
	[tilespmem:$0x10000] =	vst v63  }
0xe7: {  	s0 =	rddreg [dreg:$0xf]  }
0xe8: {  	[tilespmem:s21], [sflag:$0x3] =	stream.linear.gather [hbm4b:s0+s2], $0x4000, $0x38;
	[tilespmem:$0x10000] =	vst v63  }
0xe9: {  	_ =	swait.ge [sflag:s10], $0x4000  }
0xea: {  	[sflag:s10] =	ssyncset.done $0x0  }
0xeb: {  	[sflag:s10] =	ssyncadd.s32 $0xFFFFC000  }
0xec: {  	_ =	swait.ge [sflag:s8], $0x4000  }
0xed: {  	[sflag:s8] =	ssyncset.done $0x0  }
0xee: {  	[sflag:s8] =	ssyncadd.s32 $0xFFFFC000  }
0xef: {  	_ =	swait.ge [sflag:s5], $0x4000  }
0xf0: {  	[sflag:s5] =	ssyncset.done $0x0  }
0xf1: {  	s0 =	rddreg [dreg:$0x10];
	[sflag:s5] =	ssyncadd.s32 $0xFFFFC000  }
0xf2: {  	[hbm4b:s0+s2] =	stream.linear.scatter [tilespmem:s4], [sflag:$0x6], $0x4000, $0x38;
	[tilespmem:$0x10000] =	vst v63  }
0xf3: {  	s1 =	rddreg [dreg:$0x11]  }
0xf4: {  	[tilespmem:s4], [sflag:$0x2] =	stream.linear.gather [hbm4b:s1+s2], $0x4000, $0x38;
	[tilespmem:$0x10000] =	vst v63  }
0xf5: {  	s0 =	rddreg [dreg:$0x12]  }
0xf6: {  	[tilespmem:s14], [sflag:$0x4] =	stream.linear.gather [hbm4b:s0+s2], $0x4000, $0x38;
	[tilespmem:$0x10000] =	vst v63  }
0xf7: {  	_ =	swait.ge [sflag:s15], $0x4000  }
0xf8: {  	[sflag:s15] =	ssyncset.done $0x0  }
0xf9: {  	[sflag:s15] =	ssyncadd.s32 $0xFFFFC000  }
0xfa: {  	_ =	swait.ge [sflag:s13], $0x4000  }
0xfb: {  	[sflag:s13] =	ssyncset.done $0x0  }
0xfc: {  	[sflag:s13] =	ssyncadd.s32 $0xFFFFC000  }
0xfd: {  	_ =	swait.ge [sflag:s7], $0x4000  }
0xfe: {  	[sflag:s7] =	ssyncset.done $0x0  }
0xff: {  	s0 =	rddreg [dreg:$0x13];
	[sflag:s7] =	ssyncadd.s32 $0xFFFFC000  }
0x100: {  	[hbm4b:s0+s2] =	stream.linear.scatter [tilespmem:s2], [sflag:$0x5], $0x4000, $0x38;
	[tilespmem:$0x10000] =	vst v63  }
0x101: {  	s1 =	rddreg [dreg:$0x14]  }
0x102: {  	[tilespmem:s2], [sflag:$0x1] =	stream.linear.gather [hbm4b:s1+s2], $0x4000, $0x38;
	[tilespmem:$0x10000] =	vst v63  }
0x103: {  	s0 =	rddreg [dreg:$0x15]  }
0x104: {  	[tilespmem:s21], [sflag:$0x3] =	stream.linear.gather [hbm4b:s0+s2], $0x4000, $0x38;
	[tilespmem:$0x10000] =	vst v63  }
0x105: {  	_ =	swait.ge [sflag:s10], $0x4000  }
0x106: {  	[sflag:s10] =	ssyncset.done $0x0  }
0x107: {  	[sflag:s10] =	ssyncadd.s32 $0xFFFFC000  }
0x108: {  	_ =	swait.ge [sflag:s8], $0x4000  }
0x109: {  	[sflag:s8] =	ssyncset.done $0x0  }
0x10a: {  	[sflag:s8] =	ssyncadd.s32 $0xFFFFC000  }
0x10b: {  	_ =	swait.ge [sflag:s5], $0x4000  }
0x10c: {  	[sflag:s5] =	ssyncset.done $0x0  }
0x10d: {  	s0 =	rddreg [dreg:$0x16];
	[sflag:s5] =	ssyncadd.s32 $0xFFFFC000  }
0x10e: {  	[hbm4b:s0+s2] =	stream.linear.scatter [tilespmem:s4], [sflag:$0x6], $0x4000, $0x38;
	[tilespmem:$0x10000] =	vst v63  }
0x10f: {  	s1 =	rddreg [dreg:$0x17]  }
0x110: {  	[tilespmem:s4], [sflag:$0x2] =	stream.linear.gather [hbm4b:s1+s2], $0x4000, $0x38;
	[tilespmem:$0x10000] =	vst v63  }
0x111: {  	s0 =	rddreg [dreg:$0x18]  }
0x112: {  	[tilespmem:s14], [sflag:$0x4] =	stream.linear.gather [hbm4b:s0+s2], $0x4000, $0x38;
	[tilespmem:$0x10000] =	vst v63  }
0x113: {  	_ =	swait.ge [sflag:s15], $0x4000  }
0x114: {  	[sflag:s15] =	ssyncset.done $0x0  }
0x115: {  	[sflag:s15] =	ssyncadd.s32 $0xFFFFC000  }
0x116: {  	_ =	swait.ge [sflag:s13], $0x4000  }
0x117: {  	[sflag:s13] =	ssyncset.done $0x0  }
0x118: {  	[sflag:s13] =	ssyncadd.s32 $0xFFFFC000  }
0x119: {  	_ =	swait.ge [sflag:s7], $0x4000  }
0x11a: {  	[sflag:s7] =	ssyncset.done $0x0  }
0x11b: {  	s0 =	rddreg [dreg:$0x19];
	[sflag:s7] =	ssyncadd.s32 $0xFFFFC000  }
0x11c: {  	[hbm4b:s0+s2] =	stream.linear.scatter [tilespmem:s2], [sflag:$0x5], $0x4000, $0x38;
	[tilespmem:$0x10000] =	vst v63  }
0x11d: {  	s1 =	rddreg [dreg:$0x1a]  }
0x11e: {  	[tilespmem:s2], [sflag:$0x1] =	stream.linear.gather [hbm4b:s1+s2], $0x4000, $0x38;
	[tilespmem:$0x10000] =	vst v63  }
0x11f: {  	s0 =	rddreg [dreg:$0x1b]  }
0x120: {  	[tilespmem:s21], [sflag:$0x3] =	stream.linear.gather [hbm4b:s0+s2], $0x4000, $0x38;
	[tilespmem:$0x10000] =	vst v63  }
0x121: {  	_ =	swait.ge [sflag:s10], $0x4000  }
0x122: {  	[sflag:s10] =	ssyncset.done $0x0  }
0x123: {  	[sflag:s10] =	ssyncadd.s32 $0xFFFFC000  }
0x124: {  	_ =	swait.ge [sflag:s8], $0x4000  }
0x125: {  	[sflag:s8] =	ssyncset.done $0x0  }
0x126: {  	[sflag:s8] =	ssyncadd.s32 $0xFFFFC000  }
0x127: {  	_ =	swait.ge [sflag:s5], $0x4000  }
0x128: {  	[sflag:s5] =	ssyncset.done $0x0  }
0x129: {  	s0 =	rddreg [dreg:$0x1c];
	[sflag:s5] =	ssyncadd.s32 $0xFFFFC000  }
0x12a: {  	[hbm4b:s0+s2] =	stream.linear.scatter [tilespmem:s4], [sflag:$0x6], $0x4000, $0x38;
	[tilespmem:$0x10000] =	vst v63  }
0x12b: {  	s1 =	rddreg [dreg:$0x1d]  }
0x12c: {  	[tilespmem:s4], [sflag:$0x2] =	stream.linear.gather [hbm4b:s1+s2], $0x4000, $0x38;
	[tilespmem:$0x10000] =	vst v63  }
0x12d: {  	s0 =	rddreg [dreg:$0x1e]  }
0x12e: {  	[tilespmem:s14], [sflag:$0x4] =	stream.linear.gather [hbm4b:s0+s2], $0x4000, $0x38;
	[tilespmem:$0x10000] =	vst v63  }
0x12f: {  	_ =	swait.ge [sflag:s15], $0x4000  }
0x130: {  	[sflag:s15] =	ssyncset.done $0x0  }
0x131: {  	[sflag:s15] =	ssyncadd.s32 $0xFFFFC000  }
0x132: {  	_ =	swait.ge [sflag:s13], $0x4000  }
0x133: {  	[sflag:s13] =	ssyncset.done $0x0  }
0x134: {  	[sflag:s13] =	ssyncadd.s32 $0xFFFFC000  }
0x135: {  	_ =	swait.ge [sflag:s7], $0x4000  }
0x136: {  	s0 =	rddreg [dreg:$0x1f];
	[sflag:s7] =	ssyncset.done $0x0  }
0x137: {  	s1 =	sld [smem:$0x76E];
	[sflag:s7] =	ssyncadd.s32 $0xFFFFC000  }
0x138: {  	[hbm4b:s0+s2] =	stream.linear.scatter [tilespmem:s2], [sflag:$0x5], $0x4000, $0x38;
	[tilespmem:$0x10000] =	vst v63  }
0x139: {  	s0 =	sld [smem:$0x76F]  }
0x13a: {  	[tilespmem:s2], [sflag:$0x1] =	stream.linear.gather [hbm4b:s1+s2], $0x4000, $0x38;
	[tilespmem:$0x10000] =	vst v63  }
0x13b: {  	_ = 	snop  }
0x13c: {  	[tilespmem:s21], [sflag:$0x3] =	stream.linear.gather [hbm4b:s0+s2], $0x4000, $0x38;
	[tilespmem:$0x10000] =	vst v63  }
0x13d: {  	_ =	swait.ge [sflag:s10], $0x4000  }
0x13e: {  	[sflag:s10] =	ssyncset.done $0x0  }
0x13f: {  	[sflag:s10] =	ssyncadd.s32 $0xFFFFC000  }
0x140: {  	_ =	swait.ge [sflag:s8], $0x4000  }
0x141: {  	[sflag:s8] =	ssyncset.done $0x0  }
0x142: {  	[sflag:s8] =	ssyncadd.s32 $0xFFFFC000  }
0x143: {  	_ =	swait.ge [sflag:s5], $0x4000  }
0x144: {  	s0 =	sld [smem:$0x770]  }
0x145: {  	[sflag:s5] =	ssyncset.done $0x0  }
0x146: {  	s1 =	sld [smem:$0x771];
	[sflag:s5] =	ssyncadd.s32 $0xFFFFC000  }
0x147: {  	[hbm4b:s0+s2] =	stream.linear.scatter [tilespmem:s4], [sflag:$0x6], $0x4000, $0x38;
	[tilespmem:$0x10000] =	vst v63  }
0x148: {  	s0 =	sld [smem:$0x772]  }
0x149: {  	[tilespmem:s4], [sflag:$0x2] =	stream.linear.gather [hbm4b:s1+s2], $0x4000, $0x38;
	[tilespmem:$0x10000] =	vst v63  }
0x14a: {  	_ = 	snop  }
0x14b: {  	[tilespmem:s14], [sflag:$0x4] =	stream.linear.gather [hbm4b:s0+s2], $0x4000, $0x38;
	[tilespmem:$0x10000] =	vst v63  }
0x14c: {  	_ =	swait.ge [sflag:s15], $0x4000  }
0x14d: {  	[sflag:s15] =	ssyncset.done $0x0  }
0x14e: {  	[sflag:s15] =	ssyncadd.s32 $0xFFFFC000  }
0x14f: {  	_ =	swait.ge [sflag:s13], $0x4000  }
0x150: {  	[sflag:s13] =	ssyncset.done $0x0  }
0x151: {  	[sflag:s13] =	ssyncadd.s32 $0xFFFFC000  }
0x152: {  	_ =	swait.ge [sflag:s7], $0x4000  }
0x153: {  	s0 =	sld [smem:$0x773]  }
0x154: {  	[sflag:s7] =	ssyncset.done $0x0  }
0x155: {  	s1 =	sld [smem:$0x774];
	[sflag:s7] =	ssyncadd.s32 $0xFFFFC000  }
0x156: {  	[hbm4b:s0+s2] =	stream.linear.scatter [tilespmem:s2], [sflag:$0x5], $0x4000, $0x38;
	[tilespmem:$0x10000] =	vst v63  }
0x157: {  	s0 =	sld [smem:$0x775]  }
0x158: {  	[tilespmem:s2], [sflag:$0x1] =	stream.linear.gather [hbm4b:s1+s2], $0x4000, $0x38;
	[tilespmem:$0x10000] =	vst v63  }
0x159: {  	_ = 	snop  }
0x15a: {  	[tilespmem:s21], [sflag:$0x3] =	stream.linear.gather [hbm4b:s0+s2], $0x4000, $0x38;
	[tilespmem:$0x10000] =	vst v63  }
0x15b: {  	_ =	swait.ge [sflag:s10], $0x4000  }
0x15c: {  	[sflag:s10] =	ssyncset.done $0x0  }
0x15d: {  	[sflag:s10] =	ssyncadd.s32 $0xFFFFC000  }
0x15e: {  	_ =	swait.ge [sflag:s8], $0x4000  }
0x15f: {  	[sflag:s8] =	ssyncset.done $0x0  }
0x160: {  	[sflag:s8] =	ssyncadd.s32 $0xFFFFC000  }
0x161: {  	_ =	swait.ge [sflag:s5], $0x4000  }
0x162: {  	s0 =	sld [smem:$0x776]  }
0x163: {  	[sflag:s5] =	ssyncset.done $0x0  }
0x164: {  	s1 =	sld [smem:$0x777];
	[sflag:s5] =	ssyncadd.s32 $0xFFFFC000  }
0x165: {  	[hbm4b:s0+s2] =	stream.linear.scatter [tilespmem:s4], [sflag:$0x6], $0x4000, $0x38;
	[tilespmem:$0x10000] =	vst v63  }
0x166: {  	s0 =	sld [smem:$0x778]  }
0x167: {  	[tilespmem:s4], [sflag:$0x2] =	stream.linear.gather [hbm4b:s1+s2], $0x4000, $0x38;
	[tilespmem:$0x10000] =	vst v63  }
0x168: {  	_ = 	snop  }
0x169: {  	[tilespmem:s14], [sflag:$0x4] =	stream.linear.gather [hbm4b:s0+s2], $0x4000, $0x38;
	[tilespmem:$0x10000] =	vst v63  }
0x16a: {  	_ =	swait.ge [sflag:s15], $0x4000  }
0x16b: {  	[sflag:s15] =	ssyncset.done $0x0  }
0x16c: {  	[sflag:s15] =	ssyncadd.s32 $0xFFFFC000  }
0x16d: {  	_ =	swait.ge [sflag:s13], $0x4000  }
0x16e: {  	[sflag:s13] =	ssyncset.done $0x0  }
0x16f: {  	[sflag:s13] =	ssyncadd.s32 $0xFFFFC000  }
0x170: {  	_ =	swait.ge [sflag:s7], $0x4000  }
0x171: {  	s0 =	sld [smem:$0x779]  }
0x172: {  	[sflag:s7] =	ssyncset.done $0x0  }
0x173: {  	s1 =	sld [smem:$0x77A];
	[sflag:s7] =	ssyncadd.s32 $0xFFFFC000  }
0x174: {  	[hbm4b:s0+s2] =	stream.linear.scatter [tilespmem:s2], [sflag:$0x5], $0x4000, $0x38;
	[tilespmem:$0x10000] =	vst v63  }
0x175: {  	s0 =	sld [smem:$0x77B]  }
0x176: {  	[tilespmem:s2], [sflag:$0x1] =	stream.linear.gather [hbm4b:s1+s2], $0x4000, $0x38;
	[tilespmem:$0x10000] =	vst v63  }
0x177: {  	_ = 	snop  }
0x178: {  	[tilespmem:s21], [sflag:$0x3] =	stream.linear.gather [hbm4b:s0+s2], $0x4000, $0x38;
	[tilespmem:$0x10000] =	vst v63  }
0x179: {  	_ =	swait.ge [sflag:s10], $0x4000  }
0x17a: {  	[sflag:s10] =	ssyncset.done $0x0  }
0x17b: {  	[sflag:s10] =	ssyncadd.s32 $0xFFFFC000  }
0x17c: {  	_ =	swait.ge [sflag:s8], $0x4000  }
0x17d: {  	[sflag:s8] =	ssyncset.done $0x0  }
0x17e: {  	[sflag:s8] =	ssyncadd.s32 $0xFFFFC000  }
0x17f: {  	_ =	swait.ge [sflag:s5], $0x4000  }
0x180: {  	s0 =	sld [smem:$0x77C]  }
0x181: {  	[sflag:s5] =	ssyncset.done $0x0  }
0x182: {  	s1 =	sld [smem:$0x77D];
	[sflag:s5] =	ssyncadd.s32 $0xFFFFC000  }
0x183: {  	[hbm4b:s0+s2] =	stream.linear.scatter [tilespmem:s4], [sflag:$0x6], $0x4000, $0x38;
	[tilespmem:$0x10000] =	vst v63  }
0x184: {  	s0 =	sld [smem:$0x77E]  }
0x185: {  	[tilespmem:s4], [sflag:$0x2] =	stream.linear.gather [hbm4b:s1+s2], $0x4000, $0x38;
	[tilespmem:$0x10000] =	vst v63  }
0x186: {  	_ = 	snop  }
0x187: {  	[tilespmem:s14], [sflag:$0x4] =	stream.linear.gather [hbm4b:s0+s2], $0x4000, $0x38;
	[tilespmem:$0x10000] =	vst v63  }
0x188: {  	_ =	swait.ge [sflag:s15], $0x4000  }
0x189: {  	[sflag:s15] =	ssyncset.done $0x0  }
0x18a: {  	[sflag:s15] =	ssyncadd.s32 $0xFFFFC000  }
0x18b: {  	_ =	swait.ge [sflag:s13], $0x4000  }
0x18c: {  	[sflag:s13] =	ssyncset.done $0x0  }
0x18d: {  	[sflag:s13] =	ssyncadd.s32 $0xFFFFC000  }
0x18e: {  	_ =	swait.ge [sflag:s7], $0x4000  }
0x18f: {  	s0 =	sld [smem:$0x77F]  }
0x190: {  	[sflag:s7] =	ssyncset.done $0x0  }
0x191: {  	s1 =	sld [smem:$0x780];
	[sflag:s7] =	ssyncadd.s32 $0xFFFFC000  }
0x192: {  	[hbm4b:s0+s2] =	stream.linear.scatter [tilespmem:s2], [sflag:$0x5], $0x4000, $0x38;
	[tilespmem:$0x10000] =	vst v63  }
0x193: {  	s0 =	sld [smem:$0x781]  }
0x194: {  	[tilespmem:s2], [sflag:$0x1] =	stream.linear.gather [hbm4b:s1+s2], $0x4000, $0x38;
	[tilespmem:$0x10000] =	vst v63  }
0x195: {  	_ = 	snop  }
0x196: {  	[tilespmem:s21], [sflag:$0x3] =	stream.linear.gather [hbm4b:s0+s2], $0x4000, $0x38;
	[tilespmem:$0x10000] =	vst v63  }
0x197: {  	_ =	swait.ge [sflag:s10], $0x4000  }
0x198: {  	[sflag:s10] =	ssyncset.done $0x0  }
0x199: {  	[sflag:s10] =	ssyncadd.s32 $0xFFFFC000  }
0x19a: {  	_ =	swait.ge [sflag:s8], $0x4000  }
0x19b: {  	[sflag:s8] =	ssyncset.done $0x0  }
0x19c: {  	[sflag:s8] =	ssyncadd.s32 $0xFFFFC000  }
0x19d: {  	_ =	swait.ge [sflag:s5], $0x4000  }
0x19e: {  	s0 =	sld [smem:$0x782]  }
0x19f: {  	[sflag:s5] =	ssyncset.done $0x0  }
0x1a0: {  	s1 =	sld [smem:$0x783];
	[sflag:s5] =	ssyncadd.s32 $0xFFFFC000  }
0x1a1: {  	[hbm4b:s0+s2] =	stream.linear.scatter [tilespmem:s4], [sflag:$0x6], $0x4000, $0x38;
	[tilespmem:$0x10000] =	vst v63  }
0x1a2: {  	s0 =	sld [smem:$0x784]  }
0x1a3: {  	[tilespmem:s4], [sflag:$0x2] =	stream.linear.gather [hbm4b:s1+s2], $0x4000, $0x38;
	[tilespmem:$0x10000] =	vst v63  }
0x1a4: {  	_ = 	snop  }
0x1a5: {  	[tilespmem:s14], [sflag:$0x4] =	stream.linear.gather [hbm4b:s0+s2], $0x4000, $0x38;
	[tilespmem:$0x10000] =	vst v63  }
0x1a6: {  	_ =	swait.ge [sflag:s15], $0x4000  }
0x1a7: {  	[sflag:s15] =	ssyncset.done $0x0  }
0x1a8: {  	[sflag:s15] =	ssyncadd.s32 $0xFFFFC000  }
0x1a9: {  	_ =	swait.ge [sflag:s13], $0x4000  }
0x1aa: {  	[sflag:s13] =	ssyncset.done $0x0  }
0x1ab: {  	[sflag:s13] =	ssyncadd.s32 $0xFFFFC000  }
0x1ac: {  	_ =	swait.ge [sflag:s7], $0x4000  }
0x1ad: {  	s0 =	sld [smem:$0x785]  }
0x1ae: {  	[sflag:s7] =	ssyncset.done $0x0  }
0x1af: {  	s1 =	sld [smem:$0x786];
	[sflag:s7] =	ssyncadd.s32 $0xFFFFC000  }
0x1b0: {  	[hbm4b:s0+s2] =	stream.linear.scatter [tilespmem:s2], [sflag:$0x5], $0x4000, $0x38;
	[tilespmem:$0x10000] =	vst v63  }
0x1b1: {  	s0 =	sld [smem:$0x787]  }
0x1b2: {  	[tilespmem:s2], [sflag:$0x1] =	stream.linear.gather [hbm4b:s1+s2], $0x4000, $0x38;
	[tilespmem:$0x10000] =	vst v63  }
0x1b3: {  	_ = 	snop  }
0x1b4: {  	[tilespmem:s21], [sflag:$0x3] =	stream.linear.gather [hbm4b:s0+s2], $0x4000, $0x38;
	[tilespmem:$0x10000] =	vst v63  }
0x1b5: {  	_ =	swait.ge [sflag:s10], $0x4000  }
0x1b6: {  	[sflag:s10] =	ssyncset.done $0x0  }
0x1b7: {  	[sflag:s10] =	ssyncadd.s32 $0xFFFFC000  }
0x1b8: {  	_ =	swait.ge [sflag:s8], $0x4000  }
0x1b9: {  	[sflag:s8] =	ssyncset.done $0x0  }
0x1ba: {  	[sflag:s8] =	ssyncadd.s32 $0xFFFFC000  }
0x1bb: {  	_ =	swait.ge [sflag:s5], $0x4000  }
0x1bc: {  	s0 =	sld [smem:$0x788]  }
0x1bd: {  	[sflag:s5] =	ssyncset.done $0x0  }
0x1be: {  	s1 =	sld [smem:$0x789];
	[sflag:s5] =	ssyncadd.s32 $0xFFFFC000  }
0x1bf: {  	[hbm4b:s0+s2] =	stream.linear.scatter [tilespmem:s4], [sflag:$0x6], $0x4000, $0x38;
	[tilespmem:$0x10000] =	vst v63  }
0x1c0: {  	s0 =	sld [smem:$0x78A]  }
0x1c1: {  	[tilespmem:s4], [sflag:$0x2] =	stream.linear.gather [hbm4b:s1+s2], $0x4000, $0x38;
	[tilespmem:$0x10000] =	vst v63  }
0x1c2: {  	_ = 	snop  }
0x1c3: {  	[tilespmem:s14], [sflag:$0x4] =	stream.linear.gather [hbm4b:s0+s2], $0x4000, $0x38;
	[tilespmem:$0x10000] =	vst v63  }
0x1c4: {  	_ =	swait.ge [sflag:s15], $0x4000  }
0x1c5: {  	[sflag:s15] =	ssyncset.done $0x0  }
0x1c6: {  	[sflag:s15] =	ssyncadd.s32 $0xFFFFC000  }
0x1c7: {  	_ =	swait.ge [sflag:s13], $0x4000  }
0x1c8: {  	[sflag:s13] =	ssyncset.done $0x0  }
0x1c9: {  	[sflag:s13] =	ssyncadd.s32 $0xFFFFC000  }
0x1ca: {  	_ =	swait.ge [sflag:s7], $0x4000  }
0x1cb: {  	s0 =	sld [smem:$0x78B]  }
0x1cc: {  	[sflag:s7] =	ssyncset.done $0x0  }
0x1cd: {  	s1 =	sld [smem:$0x78C];
	[sflag:s7] =	ssyncadd.s32 $0xFFFFC000  }
0x1ce: {  	[hbm4b:s0+s2] =	stream.linear.scatter [tilespmem:s2], [sflag:$0x5], $0x4000, $0x38;
	[tilespmem:$0x10000] =	vst v63  }
0x1cf: {  	s0 =	sld [smem:$0x78D]  }
0x1d0: {  	[tilespmem:s2], [sflag:$0x1] =	stream.linear.gather [hbm4b:s1+s2], $0x4000, $0x38;
	[tilespmem:$0x10000] =	vst v63  }
0x1d1: {  	_ = 	snop  }
0x1d2: {  	[tilespmem:s21], [sflag:$0x3] =	stream.linear.gather [hbm4b:s0+s2], $0x4000, $0x38;
	[tilespmem:$0x10000] =	vst v63  }
0x1d3: {  	_ =	swait.ge [sflag:s10], $0x4000  }
0x1d4: {  	[sflag:s10] =	ssyncset.done $0x0  }
0x1d5: {  	[sflag:s10] =	ssyncadd.s32 $0xFFFFC000  }
0x1d6: {  	_ =	swait.ge [sflag:s8], $0x4000  }
0x1d7: {  	[sflag:s8] =	ssyncset.done $0x0  }
0x1d8: {  	[sflag:s8] =	ssyncadd.s32 $0xFFFFC000  }
0x1d9: {  	_ =	swait.ge [sflag:s5], $0x4000  }
0x1da: {  	s0 =	sld [smem:$0x78E]  }
0x1db: {  	[sflag:s5] =	ssyncset.done $0x0  }
0x1dc: {  	s1 =	sld [smem:$0x78F];
	[sflag:s5] =	ssyncadd.s32 $0xFFFFC000  }
0x1dd: {  	[hbm4b:s0+s2] =	stream.linear.scatter [tilespmem:s4], [sflag:$0x6], $0x4000, $0x38;
	[tilespmem:$0x10000] =	vst v63  }
0x1de: {  	s0 =	sld [smem:$0x790]  }
0x1df: {  	[tilespmem:s4], [sflag:$0x2] =	stream.linear.gather [hbm4b:s1+s2], $0x4000, $0x38;
	[tilespmem:$0x10000] =	vst v63  }
0x1e0: {  	_ = 	snop  }
0x1e1: {  	[tilespmem:s14], [sflag:$0x4] =	stream.linear.gather [hbm4b:s0+s2], $0x4000, $0x38;
	[tilespmem:$0x10000] =	vst v63  }
0x1e2: {  	_ =	swait.ge [sflag:s15], $0x4000  }
0x1e3: {  	[sflag:s15] =	ssyncset.done $0x0  }
0x1e4: {  	[sflag:s15] =	ssyncadd.s32 $0xFFFFC000  }
0x1e5: {  	_ =	swait.ge [sflag:s13], $0x4000  }
0x1e6: {  	[sflag:s13] =	ssyncset.done $0x0  }
0x1e7: {  	[sflag:s13] =	ssyncadd.s32 $0xFFFFC000  }
0x1e8: {  	_ =	swait.ge [sflag:s7], $0x4000  }
0x1e9: {  	[sflag:s7] =	ssyncset.done $0x0;
	s0 =	sld [smem:$0x791]  }
0x1ea: {  	[sflag:s7] =	ssyncadd.s32 $0xFFFFC000  }
0x1eb: {  	s1 =	sld [smem:$0x792]  }
0x1ec: {  	[hbm4b:s0+s2] =	stream.linear.scatter [tilespmem:s2], [sflag:$0x5], $0x4000, $0x38;
	[tilespmem:$0x10000] =	vst v63  }
0x1ed: {  	s0 =	sld [smem:$0x793]  }
0x1ee: {  	[tilespmem:s2], [sflag:$0x1] =	stream.linear.gather [hbm4b:s1+s2], $0x4000, $0x38;
	[tilespmem:$0x10000] =	vst v63  }
0x1ef: {  	_ = 	snop  }
0x1f0: {  	[tilespmem:s21], [sflag:$0x3] =	stream.linear.gather [hbm4b:s0+s2], $0x4000, $0x38;
	[tilespmem:$0x10000] =	vst v63  }
0x1f1: {  	_ =	swait.ge [sflag:s10], $0x4000  }
0x1f2: {  	[sflag:s10] =	ssyncset.done $0x0  }
0x1f3: {  	[sflag:s10] =	ssyncadd.s32 $0xFFFFC000  }
0x1f4: {  	_ =	swait.ge [sflag:s8], $0x4000  }
0x1f5: {  	[sflag:s8] =	ssyncset.done $0x0  }
0x1f6: {  	[sflag:s8] =	ssyncadd.s32 $0xFFFFC000  }
0x1f7: {  	_ =	swait.ge [sflag:s5], $0x4000  }
0x1f8: {  	s0 =	sld [smem:$0x794]  }
0x1f9: {  	[sflag:s5] =	ssyncset.done $0x0  }
0x1fa: {  	s1 =	sld [smem:$0x795];
	[sflag:s5] =	ssyncadd.s32 $0xFFFFC000  }
0x1fb: {  	[hbm4b:s0+s2] =	stream.linear.scatter [tilespmem:s4], [sflag:$0x6], $0x4000, $0x38;
	[tilespmem:$0x10000] =	vst v63  }
0x1fc: {  	s0 =	sld [smem:$0x796]  }
0x1fd: {  	[tilespmem:s4], [sflag:$0x2] =	stream.linear.gather [hbm4b:s1+s2], $0x4000, $0x38;
	[tilespmem:$0x10000] =	vst v63  }
0x1fe: {  	_ = 	snop  }
0x1ff: {  	[tilespmem:s14], [sflag:$0x4] =	stream.linear.gather [hbm4b:s0+s2], $0x4000, $0x38;
	[tilespmem:$0x10000] =	vst v63  }
0x200: {  	_ =	swait.ge [sflag:s15], $0x4000  }
0x201: {  	[sflag:s15] =	ssyncset.done $0x0  }
0x202: {  	[sflag:s15] =	ssyncadd.s32 $0xFFFFC000  }
0x203: {  	_ =	swait.ge [sflag:s13], $0x4000  }
0x204: {  	[sflag:s13] =	ssyncset.done $0x0  }
0x205: {  	[sflag:s13] =	ssyncadd.s32 $0xFFFFC000  }
0x206: {  	_ =	swait.ge [sflag:s7], $0x4000  }
0x207: {  	s0 =	sld [smem:$0x797]  }
0x208: {  	[sflag:s7] =	ssyncset.done $0x0  }
0x209: {  	s1 =	sld [smem:$0x798];
	[sflag:s7] =	ssyncadd.s32 $0xFFFFC000  }
0x20a: {  	[hbm4b:s0+s2] =	stream.linear.scatter [tilespmem:s2], [sflag:$0x5], $0x4000, $0x38;
	[tilespmem:$0x10000] =	vst v63  }
0x20b: {  	s0 =	sld [smem:$0x799]  }
0x20c: {  	[tilespmem:s2], [sflag:$0x1] =	stream.linear.gather [hbm4b:s1+s2], $0x4000, $0x38;
	[tilespmem:$0x10000] =	vst v63  }
0x20d: {  	_ = 	snop  }
0x20e: {  	[tilespmem:s21], [sflag:$0x3] =	stream.linear.gather [hbm4b:s0+s2], $0x4000, $0x38;
	[tilespmem:$0x10000] =	vst v63  }
0x20f: {  	_ =	swait.ge [sflag:s10], $0x4000  }
0x210: {  	[sflag:s10] =	ssyncset.done $0x0  }
0x211: {  	[sflag:s10] =	ssyncadd.s32 $0xFFFFC000  }
0x212: {  	_ =	swait.ge [sflag:s8], $0x4000  }
0x213: {  	[sflag:s8] =	ssyncset.done $0x0  }
0x214: {  	[sflag:s8] =	ssyncadd.s32 $0xFFFFC000  }
0x215: {  	_ =	swait.ge [sflag:s5], $0x4000  }
0x216: {  	s0 =	sld [smem:$0x79A]  }
0x217: {  	[sflag:s5] =	ssyncset.done $0x0  }
0x218: {  	s1 =	sld [smem:$0x79B];
	[sflag:s5] =	ssyncadd.s32 $0xFFFFC000  }
0x219: {  	[hbm4b:s0+s2] =	stream.linear.scatter [tilespmem:s4], [sflag:$0x6], $0x4000, $0x38;
	[tilespmem:$0x10000] =	vst v63  }
0x21a: {  	s0 =	sld [smem:$0x79C]  }
0x21b: {  	[tilespmem:s4], [sflag:$0x2] =	stream.linear.gather [hbm4b:s1+s2], $0x4000, $0x38;
	[tilespmem:$0x10000] =	vst v63  }
0x21c: {  	_ = 	snop  }
0x21d: {  	[tilespmem:s14], [sflag:$0x4] =	stream.linear.gather [hbm4b:s0+s2], $0x4000, $0x38;
	[tilespmem:$0x10000] =	vst v63  }
0x21e: {  	_ =	swait.ge [sflag:s15], $0x4000  }
0x21f: {  	[sflag:s15] =	ssyncset.done $0x0  }
0x220: {  	[sflag:s15] =	ssyncadd.s32 $0xFFFFC000  }
0x221: {  	_ =	swait.ge [sflag:s13], $0x4000  }
0x222: {  	[sflag:s13] =	ssyncset.done $0x0  }
0x223: {  	[sflag:s13] =	ssyncadd.s32 $0xFFFFC000  }
0x224: {  	_ =	swait.ge [sflag:s7], $0x4000  }
0x225: {  	s0 =	sld [smem:$0x79D]  }
0x226: {  	[sflag:s7] =	ssyncset.done $0x0  }
0x227: {  	s1 =	sld [smem:$0x79E];
	[sflag:s7] =	ssyncadd.s32 $0xFFFFC000  }
0x228: {  	[hbm4b:s0+s2] =	stream.linear.scatter [tilespmem:s2], [sflag:$0x5], $0x4000, $0x38;
	[tilespmem:$0x10000] =	vst v63  }
0x229: {  	s0 =	sld [smem:$0x79F]  }
0x22a: {  	[tilespmem:s2], [sflag:$0x1] =	stream.linear.gather [hbm4b:s1+s2], $0x4000, $0x38;
	[tilespmem:$0x10000] =	vst v63  }
0x22b: {  	_ = 	snop  }
0x22c: {  	[tilespmem:s21], [sflag:$0x3] =	stream.linear.gather [hbm4b:s0+s2], $0x4000, $0x38;
	[tilespmem:$0x10000] =	vst v63  }
0x22d: {  	_ =	swait.ge [sflag:s10], $0x4000  }
0x22e: {  	[sflag:s10] =	ssyncset.done $0x0  }
0x22f: {  	[sflag:s10] =	ssyncadd.s32 $0xFFFFC000  }
0x230: {  	_ =	swait.ge [sflag:s8], $0x4000  }
0x231: {  	[sflag:s8] =	ssyncset.done $0x0  }
0x232: {  	[sflag:s8] =	ssyncadd.s32 $0xFFFFC000  }
0x233: {  	_ =	swait.ge [sflag:s5], $0x4000  }
0x234: {  	s0 =	sld [smem:$0x7A0]  }
0x235: {  	[sflag:s5] =	ssyncset.done $0x0  }
0x236: {  	s1 =	sld [smem:$0x7A1];
	[sflag:s5] =	ssyncadd.s32 $0xFFFFC000  }
0x237: {  	[hbm4b:s0+s2] =	stream.linear.scatter [tilespmem:s4], [sflag:$0x6], $0x4000, $0x38;
	[tilespmem:$0x10000] =	vst v63  }
0x238: {  	s0 =	sld [smem:$0x7A2]  }
0x239: {  	[tilespmem:s4], [sflag:$0x2] =	stream.linear.gather [hbm4b:s1+s2], $0x4000, $0x38;
	[tilespmem:$0x10000] =	vst v63  }
0x23a: {  	_ = 	snop  }
0x23b: {  	[tilespmem:s14], [sflag:$0x4] =	stream.linear.gather [hbm4b:s0+s2], $0x4000, $0x38;
	[tilespmem:$0x10000] =	vst v63  }
0x23c: {  	_ =	swait.ge [sflag:s15], $0x4000  }
0x23d: {  	[sflag:s15] =	ssyncset.done $0x0  }
0x23e: {  	[sflag:s15] =	ssyncadd.s32 $0xFFFFC000  }
0x23f: {  	_ =	swait.ge [sflag:s13], $0x4000  }
0x240: {  	[sflag:s13] =	ssyncset.done $0x0  }
0x241: {  	[sflag:s13] =	ssyncadd.s32 $0xFFFFC000  }
0x242: {  	_ =	swait.ge [sflag:s7], $0x4000  }
0x243: {  	s0 =	sld [smem:$0x7A3]  }
0x244: {  	[sflag:s7] =	ssyncset.done $0x0  }
0x245: {  	s1 =	sld [smem:$0x7A4];
	[sflag:s7] =	ssyncadd.s32 $0xFFFFC000  }
0x246: {  	[hbm4b:s0+s2] =	stream.linear.scatter [tilespmem:s2], [sflag:$0x5], $0x4000, $0x38;
	[tilespmem:$0x10000] =	vst v63  }
0x247: {  	s0 =	sld [smem:$0x7A5]  }
0x248: {  	[tilespmem:s2], [sflag:$0x1] =	stream.linear.gather [hbm4b:s1+s2], $0x4000, $0x38;
	[tilespmem:$0x10000] =	vst v63  }
0x249: {  	_ = 	snop  }
0x24a: {  	[tilespmem:s21], [sflag:$0x3] =	stream.linear.gather [hbm4b:s0+s2], $0x4000, $0x38;
	[tilespmem:$0x10000] =	vst v63  }
0x24b: {  	_ =	swait.ge [sflag:s10], $0x4000  }
0x24c: {  	[sflag:s10] =	ssyncset.done $0x0  }
0x24d: {  	[sflag:s10] =	ssyncadd.s32 $0xFFFFC000  }
0x24e: {  	_ =	swait.ge [sflag:s8], $0x4000  }
0x24f: {  	[sflag:s8] =	ssyncset.done $0x0  }
0x250: {  	[sflag:s8] =	ssyncadd.s32 $0xFFFFC000  }
0x251: {  	_ =	swait.ge [sflag:s5], $0x4000  }
0x252: {  	s0 =	sld [smem:$0x7A6]  }
0x253: {  	[sflag:s5] =	ssyncset.done $0x0  }
0x254: {  	s1 =	sld [smem:$0x7A7];
	[sflag:s5] =	ssyncadd.s32 $0xFFFFC000  }
0x255: {  	[hbm4b:s0+s2] =	stream.linear.scatter [tilespmem:s4], [sflag:$0x6], $0x4000, $0x38;
	[tilespmem:$0x10000] =	vst v63  }
0x256: {  	s0 =	sld [smem:$0x7A8]  }
0x257: {  	[tilespmem:s4], [sflag:$0x2] =	stream.linear.gather [hbm4b:s1+s2], $0x4000, $0x38;
	[tilespmem:$0x10000] =	vst v63  }
0x258: {  	_ = 	snop  }
0x259: {  	[tilespmem:s14], [sflag:$0x4] =	stream.linear.gather [hbm4b:s0+s2], $0x4000, $0x38;
	[tilespmem:$0x10000] =	vst v63  }
0x25a: {  	_ =	swait.ge [sflag:s15], $0x4000  }
0x25b: {  	[sflag:s15] =	ssyncset.done $0x0  }
0x25c: {  	[sflag:s15] =	ssyncadd.s32 $0xFFFFC000  }
0x25d: {  	_ =	swait.ge [sflag:s13], $0x4000  }
0x25e: {  	[sflag:s13] =	ssyncset.done $0x0  }
0x25f: {  	[sflag:s13] =	ssyncadd.s32 $0xFFFFC000  }
0x260: {  	_ =	swait.ge [sflag:s7], $0x4000  }
0x261: {  	s0 =	sld [smem:$0x7A9]  }
0x262: {  	[sflag:s7] =	ssyncset.done $0x0  }
0x263: {  	s1 =	sld [smem:$0x7AA];
	[sflag:s7] =	ssyncadd.s32 $0xFFFFC000  }
0x264: {  	[hbm4b:s0+s2] =	stream.linear.scatter [tilespmem:s2], [sflag:$0x5], $0x4000, $0x38;
	[tilespmem:$0x10000] =	vst v63  }
0x265: {  	s0 =	sld [smem:$0x7AB]  }
0x266: {  	[tilespmem:s2], [sflag:$0x1] =	stream.linear.gather [hbm4b:s1+s2], $0x4000, $0x38;
	[tilespmem:$0x10000] =	vst v63  }
0x267: {  	_ = 	snop  }
0x268: {  	[tilespmem:s21], [sflag:$0x3] =	stream.linear.gather [hbm4b:s0+s2], $0x4000, $0x38;
	[tilespmem:$0x10000] =	vst v63  }
0x269: {  	_ =	swait.ge [sflag:s10], $0x4000  }
0x26a: {  	[sflag:s10] =	ssyncset.done $0x0  }
0x26b: {  	[sflag:s10] =	ssyncadd.s32 $0xFFFFC000  }
0x26c: {  	_ =	swait.ge [sflag:s8], $0x4000  }
0x26d: {  	[sflag:s8] =	ssyncset.done $0x0  }
0x26e: {  	[sflag:s8] =	ssyncadd.s32 $0xFFFFC000  }
0x26f: {  	_ =	swait.ge [sflag:s5], $0x4000  }
0x270: {  	s0 =	sld [smem:$0x7AC]  }
0x271: {  	[sflag:s5] =	ssyncset.done $0x0  }
0x272: {  	s1 =	sld [smem:$0x7AD];
	[sflag:s5] =	ssyncadd.s32 $0xFFFFC000  }
0x273: {  	[hbm4b:s0+s2] =	stream.linear.scatter [tilespmem:s4], [sflag:$0x6], $0x4000, $0x38;
	[tilespmem:$0x10000] =	vst v63  }
0x274: {  	s0 =	sld [smem:$0x7AE]  }
0x275: {  	[tilespmem:s4], [sflag:$0x2] =	stream.linear.gather [hbm4b:s1+s2], $0x4000, $0x38;
	[tilespmem:$0x10000] =	vst v63  }
0x276: {  	_ = 	snop  }
0x277: {  	[tilespmem:s14], [sflag:$0x4] =	stream.linear.gather [hbm4b:s0+s2], $0x4000, $0x38;
	[tilespmem:$0x10000] =	vst v63  }
0x278: {  	_ =	swait.ge [sflag:s15], $0x4000  }
0x279: {  	[sflag:s15] =	ssyncset.done $0x0  }
0x27a: {  	[sflag:s15] =	ssyncadd.s32 $0xFFFFC000  }
0x27b: {  	_ =	swait.ge [sflag:s13], $0x4000  }
0x27c: {  	[sflag:s13] =	ssyncset.done $0x0  }
0x27d: {  	[sflag:s13] =	ssyncadd.s32 $0xFFFFC000  }
0x27e: {  	_ =	swait.ge [sflag:s7], $0x4000  }
0x27f: {  	s0 =	sld [smem:$0x7AF]  }
0x280: {  	[sflag:s7] =	ssyncset.done $0x0  }
0x281: {  	s1 =	sld [smem:$0x7B0];
	[sflag:s7] =	ssyncadd.s32 $0xFFFFC000  }
0x282: {  	[hbm4b:s0+s2] =	stream.linear.scatter [tilespmem:s2], [sflag:$0x5], $0x4000, $0x38;
	[tilespmem:$0x10000] =	vst v63  }
0x283: {  	s0 =	sld [smem:$0x7B1]  }
0x284: {  	[tilespmem:s2], [sflag:$0x1] =	stream.linear.gather [hbm4b:s1+s2], $0x4000, $0x38;
	[tilespmem:$0x10000] =	vst v63  }
0x285: {  	_ = 	snop  }
0x286: {  	[tilespmem:s21], [sflag:$0x3] =	stream.linear.gather [hbm4b:s0+s2], $0x4000, $0x38;
	[tilespmem:$0x10000] =	vst v63  }
0x287: {  	_ =	swait.ge [sflag:s10], $0x4000  }
0x288: {  	[sflag:s10] =	ssyncset.done $0x0  }
0x289: {  	[sflag:s10] =	ssyncadd.s32 $0xFFFFC000  }
0x28a: {  	_ =	swait.ge [sflag:s8], $0x4000  }
0x28b: {  	[sflag:s8] =	ssyncset.done $0x0  }
0x28c: {  	[sflag:s8] =	ssyncadd.s32 $0xFFFFC000  }
0x28d: {  	_ =	swait.ge [sflag:s5], $0x4000  }
0x28e: {  	s0 =	sld [smem:$0x7B2]  }
0x28f: {  	[sflag:s5] =	ssyncset.done $0x0  }
0x290: {  	s1 =	sld [smem:$0x7B3];
	[sflag:s5] =	ssyncadd.s32 $0xFFFFC000  }
0x291: {  	[hbm4b:s0+s2] =	stream.linear.scatter [tilespmem:s4], [sflag:$0x6], $0x4000, $0x38;
	[tilespmem:$0x10000] =	vst v63  }
0x292: {  	s0 =	sld [smem:$0x7B4]  }
0x293: {  	[tilespmem:s4], [sflag:$0x2] =	stream.linear.gather [hbm4b:s1+s2], $0x4000, $0x38;
	[tilespmem:$0x10000] =	vst v63  }
0x294: {  	_ = 	snop  }
0x295: {  	[tilespmem:s14], [sflag:$0x4] =	stream.linear.gather [hbm4b:s0+s2], $0x4000, $0x38;
	[tilespmem:$0x10000] =	vst v63  }
0x296: {  	_ =	swait.ge [sflag:s15], $0x4000  }
0x297: {  	[sflag:s15] =	ssyncset.done $0x0  }
0x298: {  	[sflag:s15] =	ssyncadd.s32 $0xFFFFC000  }
0x299: {  	_ =	swait.ge [sflag:s13], $0x4000  }
0x29a: {  	[sflag:s13] =	ssyncset.done $0x0  }
0x29b: {  	[sflag:s13] =	ssyncadd.s32 $0xFFFFC000  }
0x29c: {  	_ =	swait.ge [sflag:s7], $0x4000  }
0x29d: {  	s0 =	sld [smem:$0x7B5]  }
0x29e: {  	[sflag:s7] =	ssyncset.done $0x0  }
0x29f: {  	s1 =	sld [smem:$0x7B6];
	[sflag:s7] =	ssyncadd.s32 $0xFFFFC000  }
0x2a0: {  	[hbm4b:s0+s2] =	stream.linear.scatter [tilespmem:s2], [sflag:$0x5], $0x4000, $0x38;
	[tilespmem:$0x10000] =	vst v63  }
0x2a1: {  	s0 =	sld [smem:$0x7B7]  }
0x2a2: {  	[tilespmem:s2], [sflag:$0x1] =	stream.linear.gather [hbm4b:s1+s2], $0x4000, $0x38;
	[tilespmem:$0x10000] =	vst v63  }
0x2a3: {  	_ = 	snop  }
0x2a4: {  	[tilespmem:s21], [sflag:$0x3] =	stream.linear.gather [hbm4b:s0+s2], $0x4000, $0x38;
	[tilespmem:$0x10000] =	vst v63  }
0x2a5: {  	_ =	swait.ge [sflag:s10], $0x4000  }
0x2a6: {  	[sflag:s10] =	ssyncset.done $0x0  }
0x2a7: {  	[sflag:s10] =	ssyncadd.s32 $0xFFFFC000  }
0x2a8: {  	_ =	swait.ge [sflag:s8], $0x4000  }
0x2a9: {  	[sflag:s8] =	ssyncset.done $0x0  }
0x2aa: {  	[sflag:s8] =	ssyncadd.s32 $0xFFFFC000  }
0x2ab: {  	_ =	swait.ge [sflag:s5], $0x4000  }
0x2ac: {  	s0 =	sld [smem:$0x7B8]  }
0x2ad: {  	[sflag:s5] =	ssyncset.done $0x0  }
0x2ae: {  	s1 =	sld [smem:$0x7B9];
	[sflag:s5] =	ssyncadd.s32 $0xFFFFC000  }
0x2af: {  	[hbm4b:s0+s2] =	stream.linear.scatter [tilespmem:s4], [sflag:$0x6], $0x4000, $0x38;
	[tilespmem:$0x10000] =	vst v63  }
0x2b0: {  	s0 =	sld [smem:$0x7BA]  }
0x2b1: {  	[tilespmem:s4], [sflag:$0x2] =	stream.linear.gather [hbm4b:s1+s2], $0x4000, $0x38;
	[tilespmem:$0x10000] =	vst v63  }
0x2b2: {  	_ = 	snop  }
0x2b3: {  	[tilespmem:s14], [sflag:$0x4] =	stream.linear.gather [hbm4b:s0+s2], $0x4000, $0x38;
	[tilespmem:$0x10000] =	vst v63  }
0x2b4: {  	_ =	swait.ge [sflag:s15], $0x4000  }
0x2b5: {  	[sflag:s15] =	ssyncset.done $0x0  }
0x2b6: {  	[sflag:s15] =	ssyncadd.s32 $0xFFFFC000  }
0x2b7: {  	_ =	swait.ge [sflag:s13], $0x4000  }
0x2b8: {  	[sflag:s13] =	ssyncset.done $0x0  }
0x2b9: {  	[sflag:s13] =	ssyncadd.s32 $0xFFFFC000  }
0x2ba: {  	_ =	swait.ge [sflag:s7], $0x4000  }
0x2bb: {  	s0 =	sld [smem:$0x7BB]  }
0x2bc: {  	[sflag:s7] =	ssyncset.done $0x0  }
0x2bd: {  	s1 =	sld [smem:$0x7BC];
	[sflag:s7] =	ssyncadd.s32 $0xFFFFC000  }
0x2be: {  	[hbm4b:s0+s2] =	stream.linear.scatter [tilespmem:s2], [sflag:$0x5], $0x4000, $0x38;
	[tilespmem:$0x10000] =	vst v63  }
0x2bf: {  	s0 =	sld [smem:$0x7BD]  }
0x2c0: {  	[tilespmem:s2], [sflag:$0x1] =	stream.linear.gather [hbm4b:s1+s2], $0x4000, $0x38;
	[tilespmem:$0x10000] =	vst v63  }
0x2c1: {  	_ = 	snop  }
0x2c2: {  	[tilespmem:s21], [sflag:$0x3] =	stream.linear.gather [hbm4b:s0+s2], $0x4000, $0x38;
	[tilespmem:$0x10000] =	vst v63  }
0x2c3: {  	_ =	swait.ge [sflag:s10], $0x4000  }
0x2c4: {  	[sflag:s10] =	ssyncset.done $0x0  }
0x2c5: {  	[sflag:s10] =	ssyncadd.s32 $0xFFFFC000  }
0x2c6: {  	_ =	swait.ge [sflag:s8], $0x4000  }
0x2c7: {  	[sflag:s8] =	ssyncset.done $0x0  }
0x2c8: {  	[sflag:s8] =	ssyncadd.s32 $0xFFFFC000  }
0x2c9: {  	_ =	swait.ge [sflag:s5], $0x4000  }
0x2ca: {  	s0 =	sld [smem:$0x7BE]  }
0x2cb: {  	[sflag:s5] =	ssyncset.done $0x0  }
0x2cc: {  	s1 =	sld [smem:$0x7BF];
	[sflag:s5] =	ssyncadd.s32 $0xFFFFC000  }
0x2cd: {  	[hbm4b:s0+s2] =	stream.linear.scatter [tilespmem:s4], [sflag:$0x6], $0x4000, $0x38;
	[tilespmem:$0x10000] =	vst v63  }
0x2ce: {  	s0 =	sld [smem:$0x7C0]  }
0x2cf: {  	[tilespmem:s4], [sflag:$0x2] =	stream.linear.gather [hbm4b:s1+s2], $0x4000, $0x38;
	[tilespmem:$0x10000] =	vst v63  }
0x2d0: {  	_ = 	snop  }
0x2d1: {  	[tilespmem:s14], [sflag:$0x4] =	stream.linear.gather [hbm4b:s0+s2], $0x4000, $0x38;
	[tilespmem:$0x10000] =	vst v63  }
0x2d2: {  	_ =	swait.ge [sflag:s15], $0x4000  }
0x2d3: {  	[sflag:s15] =	ssyncset.done $0x0  }
0x2d4: {  	[sflag:s15] =	ssyncadd.s32 $0xFFFFC000  }
0x2d5: {  	_ =	swait.ge [sflag:s13], $0x4000  }
0x2d6: {  	[sflag:s13] =	ssyncset.done $0x0  }
0x2d7: {  	[sflag:s13] =	ssyncadd.s32 $0xFFFFC000  }
0x2d8: {  	_ =	swait.ge [sflag:s7], $0x4000  }
0x2d9: {  	s0 =	sld [smem:$0x7C1]  }
0x2da: {  	[sflag:s7] =	ssyncset.done $0x0  }
0x2db: {  	s1 =	sld [smem:$0x7C2];
	[sflag:s7] =	ssyncadd.s32 $0xFFFFC000  }
0x2dc: {  	[hbm4b:s0+s2] =	stream.linear.scatter [tilespmem:s2], [sflag:$0x5], $0x4000, $0x38;
	[tilespmem:$0x10000] =	vst v63  }
0x2dd: {  	s0 =	sld [smem:$0x7C3]  }
0x2de: {  	[tilespmem:s2], [sflag:$0x1] =	stream.linear.gather [hbm4b:s1+s2], $0x4000, $0x38;
	[tilespmem:$0x10000] =	vst v63  }
0x2df: {  	_ = 	snop  }
0x2e0: {  	[tilespmem:s21], [sflag:$0x3] =	stream.linear.gather [hbm4b:s0+s2], $0x4000, $0x38;
	[tilespmem:$0x10000] =	vst v63  }
0x2e1: {  	_ =	swait.ge [sflag:s10], $0x4000  }
0x2e2: {  	[sflag:s10] =	ssyncset.done $0x0  }
0x2e3: {  	[sflag:s10] =	ssyncadd.s32 $0xFFFFC000  }
0x2e4: {  	_ =	swait.ge [sflag:s8], $0x4000  }
0x2e5: {  	[sflag:s8] =	ssyncset.done $0x0  }
0x2e6: {  	[sflag:s8] =	ssyncadd.s32 $0xFFFFC000  }
0x2e7: {  	_ =	swait.ge [sflag:s5], $0x4000  }
0x2e8: {  	s0 =	sld [smem:$0x7C4]  }
0x2e9: {  	[sflag:s5] =	ssyncset.done $0x0  }
0x2ea: {  	s1 =	sld [smem:$0x7C5];
	[sflag:s5] =	ssyncadd.s32 $0xFFFFC000  }
0x2eb: {  	[hbm4b:s0+s2] =	stream.linear.scatter [tilespmem:s4], [sflag:$0x6], $0x4000, $0x38;
	[tilespmem:$0x10000] =	vst v63  }
0x2ec: {  	s0 =	sld [smem:$0x7C6]  }
0x2ed: {  	[tilespmem:s4], [sflag:$0x2] =	stream.linear.gather [hbm4b:s1+s2], $0x4000, $0x38;
	[tilespmem:$0x10000] =	vst v63  }
0x2ee: {  	_ = 	snop  }
0x2ef: {  	[tilespmem:s14], [sflag:$0x4] =	stream.linear.gather [hbm4b:s0+s2], $0x4000, $0x38;
	[tilespmem:$0x10000] =	vst v63  }
0x2f0: {  	_ =	swait.ge [sflag:s15], $0x4000  }
0x2f1: {  	[sflag:s15] =	ssyncset.done $0x0  }
0x2f2: {  	[sflag:s15] =	ssyncadd.s32 $0xFFFFC000  }
0x2f3: {  	_ =	swait.ge [sflag:s13], $0x4000  }
0x2f4: {  	[sflag:s13] =	ssyncset.done $0x0  }
0x2f5: {  	[sflag:s13] =	ssyncadd.s32 $0xFFFFC000  }
0x2f6: {  	_ =	swait.ge [sflag:s7], $0x4000  }
0x2f7: {  	s0 =	sld [smem:$0x7C7]  }
0x2f8: {  	[sflag:s7] =	ssyncset.done $0x0  }
0x2f9: {  	s1 =	sld [smem:$0x7C8];
	[sflag:s7] =	ssyncadd.s32 $0xFFFFC000  }
0x2fa: {  	[hbm4b:s0+s2] =	stream.linear.scatter [tilespmem:s2], [sflag:$0x5], $0x4000, $0x38;
	[tilespmem:$0x10000] =	vst v63  }
0x2fb: {  	s0 =	sld [smem:$0x7C9]  }
0x2fc: {  	[tilespmem:s2], [sflag:$0x1] =	stream.linear.gather [hbm4b:s1+s2], $0x4000, $0x38;
	[tilespmem:$0x10000] =	vst v63  }
0x2fd: {  	_ = 	snop  }
0x2fe: {  	[tilespmem:s21], [sflag:$0x3] =	stream.linear.gather [hbm4b:s0+s2], $0x4000, $0x38;
	[tilespmem:$0x10000] =	vst v63  }
0x2ff: {  	_ =	swait.ge [sflag:s10], $0x4000  }
0x300: {  	[sflag:s10] =	ssyncset.done $0x0  }
0x301: {  	[sflag:s10] =	ssyncadd.s32 $0xFFFFC000  }
0x302: {  	_ =	swait.ge [sflag:s8], $0x4000  }
0x303: {  	[sflag:s8] =	ssyncset.done $0x0  }
0x304: {  	[sflag:s8] =	ssyncadd.s32 $0xFFFFC000  }
0x305: {  	_ =	swait.ge [sflag:s5], $0x4000  }
0x306: {  	s0 =	sld [smem:$0x7CA]  }
0x307: {  	[sflag:s5] =	ssyncset.done $0x0  }
0x308: {  	s1 =	sld [smem:$0x7CB];
	[sflag:s5] =	ssyncadd.s32 $0xFFFFC000  }
0x309: {  	[hbm4b:s0+s2] =	stream.linear.scatter [tilespmem:s4], [sflag:$0x6], $0x4000, $0x38;
	[tilespmem:$0x10000] =	vst v63  }
0x30a: {  	s0 =	sld [smem:$0x7CC]  }
0x30b: {  	[tilespmem:s4], [sflag:$0x2] =	stream.linear.gather [hbm4b:s1+s2], $0x4000, $0x38;
	[tilespmem:$0x10000] =	vst v63  }
0x30c: {  	_ = 	snop  }
0x30d: {  	[tilespmem:s14], [sflag:$0x4] =	stream.linear.gather [hbm4b:s0+s2], $0x4000, $0x38;
	[tilespmem:$0x10000] =	vst v63  }
0x30e: {  	_ =	swait.ge [sflag:s15], $0x4000  }
0x30f: {  	[sflag:s15] =	ssyncset.done $0x0  }
0x310: {  	[sflag:s15] =	ssyncadd.s32 $0xFFFFC000  }
0x311: {  	_ =	swait.ge [sflag:s13], $0x4000  }
0x312: {  	[sflag:s13] =	ssyncset.done $0x0  }
0x313: {  	[sflag:s13] =	ssyncadd.s32 $0xFFFFC000  }
0x314: {  	_ =	swait.ge [sflag:s7], $0x4000  }
0x315: {  	s0 =	sld [smem:$0x7CD]  }
0x316: {  	[sflag:s7] =	ssyncset.done $0x0  }
0x317: {  	s1 =	sld [smem:$0x7CE];
	[sflag:s7] =	ssyncadd.s32 $0xFFFFC000  }
0x318: {  	[hbm4b:s0+s2] =	stream.linear.scatter [tilespmem:s2], [sflag:$0x5], $0x4000, $0x38;
	[tilespmem:$0x10000] =	vst v63  }
0x319: {  	s0 =	sld [smem:$0x7CF]  }
0x31a: {  	[tilespmem:s2], [sflag:$0x1] =	stream.linear.gather [hbm4b:s1+s2], $0x4000, $0x38;
	[tilespmem:$0x10000] =	vst v63  }
0x31b: {  	_ = 	snop  }
0x31c: {  	[tilespmem:s21], [sflag:$0x3] =	stream.linear.gather [hbm4b:s0+s2], $0x4000, $0x38;
	[tilespmem:$0x10000] =	vst v63  }
0x31d: {  	_ =	swait.ge [sflag:s10], $0x4000  }
0x31e: {  	[sflag:s10] =	ssyncset.done $0x0  }
0x31f: {  	[sflag:s10] =	ssyncadd.s32 $0xFFFFC000  }
0x320: {  	_ =	swait.ge [sflag:s8], $0x4000  }
0x321: {  	[sflag:s8] =	ssyncset.done $0x0  }
0x322: {  	[sflag:s8] =	ssyncadd.s32 $0xFFFFC000  }
0x323: {  	_ =	swait.ge [sflag:s5], $0x4000  }
0x324: {  	s0 =	sld [smem:$0x7D0]  }
0x325: {  	[sflag:s5] =	ssyncset.done $0x0  }
0x326: {  	s1 =	sld [smem:$0x7D1];
	[sflag:s5] =	ssyncadd.s32 $0xFFFFC000  }
0x327: {  	[hbm4b:s0+s2] =	stream.linear.scatter [tilespmem:s4], [sflag:$0x6], $0x4000, $0x38;
	[tilespmem:$0x10000] =	vst v63  }
0x328: {  	s0 =	sld [smem:$0x7D2]  }
0x329: {  	[tilespmem:s4], [sflag:$0x2] =	stream.linear.gather [hbm4b:s1+s2], $0x4000, $0x38;
	[tilespmem:$0x10000] =	vst v63  }
0x32a: {  	_ = 	snop  }
0x32b: {  	[tilespmem:s14], [sflag:$0x4] =	stream.linear.gather [hbm4b:s0+s2], $0x4000, $0x38;
	[tilespmem:$0x10000] =	vst v63  }
0x32c: {  	_ =	swait.ge [sflag:s15], $0x4000  }
0x32d: {  	[sflag:s15] =	ssyncset.done $0x0  }
0x32e: {  	[sflag:s15] =	ssyncadd.s32 $0xFFFFC000  }
0x32f: {  	_ =	swait.ge [sflag:s13], $0x4000  }
0x330: {  	[sflag:s13] =	ssyncset.done $0x0  }
0x331: {  	[sflag:s13] =	ssyncadd.s32 $0xFFFFC000  }
0x332: {  	_ =	swait.ge [sflag:s7], $0x4000  }
0x333: {  	s0 =	sld [smem:$0x7D3]  }
0x334: {  	[sflag:s7] =	ssyncset.done $0x0  }
0x335: {  	s1 =	sld [smem:$0x7D4];
	[sflag:s7] =	ssyncadd.s32 $0xFFFFC000  }
0x336: {  	[hbm4b:s0+s2] =	stream.linear.scatter [tilespmem:s2], [sflag:$0x5], $0x4000, $0x38;
	[tilespmem:$0x10000] =	vst v63  }
0x337: {  	s0 =	sld [smem:$0x7D5]  }
0x338: {  	[tilespmem:s2], [sflag:$0x1] =	stream.linear.gather [hbm4b:s1+s2], $0x4000, $0x38;
	[tilespmem:$0x10000] =	vst v63  }
0x339: {  	_ = 	snop  }
0x33a: {  	[tilespmem:s21], [sflag:$0x3] =	stream.linear.gather [hbm4b:s0+s2], $0x4000, $0x38;
	[tilespmem:$0x10000] =	vst v63  }
0x33b: {  	_ =	swait.ge [sflag:s10], $0x4000  }
0x33c: {  	[sflag:s10] =	ssyncset.done $0x0  }
0x33d: {  	[sflag:s10] =	ssyncadd.s32 $0xFFFFC000  }
0x33e: {  	_ =	swait.ge [sflag:s8], $0x4000  }
0x33f: {  	[sflag:s8] =	ssyncset.done $0x0  }
0x340: {  	[sflag:s8] =	ssyncadd.s32 $0xFFFFC000  }
0x341: {  	_ =	swait.ge [sflag:s5], $0x4000  }
0x342: {  	s0 =	sld [smem:$0x7D6]  }
0x343: {  	[sflag:s5] =	ssyncset.done $0x0  }
0x344: {  	s1 =	sld [smem:$0x7D7];
	[sflag:s5] =	ssyncadd.s32 $0xFFFFC000  }
0x345: {  	[hbm4b:s0+s2] =	stream.linear.scatter [tilespmem:s4], [sflag:$0x6], $0x4000, $0x38;
	[tilespmem:$0x10000] =	vst v63  }
0x346: {  	s0 =	sld [smem:$0x7D8]  }
0x347: {  	[tilespmem:s4], [sflag:$0x2] =	stream.linear.gather [hbm4b:s1+s2], $0x4000, $0x38;
	[tilespmem:$0x10000] =	vst v63  }
0x348: {  	_ = 	snop  }
0x349: {  	[tilespmem:s14], [sflag:$0x4] =	stream.linear.gather [hbm4b:s0+s2], $0x4000, $0x38;
	[tilespmem:$0x10000] =	vst v63  }
0x34a: {  	_ =	swait.ge [sflag:s15], $0x4000  }
0x34b: {  	[sflag:s15] =	ssyncset.done $0x0  }
0x34c: {  	[sflag:s15] =	ssyncadd.s32 $0xFFFFC000  }
0x34d: {  	_ =	swait.ge [sflag:s13], $0x4000  }
0x34e: {  	[sflag:s13] =	ssyncset.done $0x0  }
0x34f: {  	[sflag:s13] =	ssyncadd.s32 $0xFFFFC000  }
0x350: {  	_ =	swait.ge [sflag:s7], $0x4000  }
0x351: {  	s0 =	sld [smem:$0x7D9]  }
0x352: {  	[sflag:s7] =	ssyncset.done $0x0  }
0x353: {  	s1 =	sld [smem:$0x7DA];
	[sflag:s7] =	ssyncadd.s32 $0xFFFFC000  }
0x354: {  	[hbm4b:s0+s2] =	stream.linear.scatter [tilespmem:s2], [sflag:$0x5], $0x4000, $0x38;
	[tilespmem:$0x10000] =	vst v63  }
0x355: {  	s0 =	sld [smem:$0x7DB]  }
0x356: {  	[tilespmem:s2], [sflag:$0x1] =	stream.linear.gather [hbm4b:s1+s2], $0x4000, $0x38;
	[tilespmem:$0x10000] =	vst v63  }
0x357: {  	_ = 	snop  }
0x358: {  	[tilespmem:s21], [sflag:$0x3] =	stream.linear.gather [hbm4b:s0+s2], $0x4000, $0x38;
	[tilespmem:$0x10000] =	vst v63  }
0x359: {  	_ =	swait.ge [sflag:s10], $0x4000  }
0x35a: {  	[sflag:s10] =	ssyncset.done $0x0  }
0x35b: {  	[sflag:s10] =	ssyncadd.s32 $0xFFFFC000  }
0x35c: {  	_ =	swait.ge [sflag:s8], $0x4000  }
0x35d: {  	[sflag:s8] =	ssyncset.done $0x0  }
0x35e: {  	[sflag:s8] =	ssyncadd.s32 $0xFFFFC000  }
0x35f: {  	_ =	swait.ge [sflag:s5], $0x4000  }
0x360: {  	s0 =	sld [smem:$0x7DC]  }
0x361: {  	[sflag:s5] =	ssyncset.done $0x0  }
0x362: {  	s1 =	sld [smem:$0x7DD];
	[sflag:s5] =	ssyncadd.s32 $0xFFFFC000  }
0x363: {  	[hbm4b:s0+s2] =	stream.linear.scatter [tilespmem:s4], [sflag:$0x6], $0x4000, $0x38;
	[tilespmem:$0x10000] =	vst v63  }
0x364: {  	s0 =	sld [smem:$0x7DE]  }
0x365: {  	[tilespmem:s4], [sflag:$0x2] =	stream.linear.gather [hbm4b:s1+s2], $0x4000, $0x38;
	[tilespmem:$0x10000] =	vst v63  }
0x366: {  	_ = 	snop  }
0x367: {  	[tilespmem:s14], [sflag:$0x4] =	stream.linear.gather [hbm4b:s0+s2], $0x4000, $0x38;
	[tilespmem:$0x10000] =	vst v63  }
0x368: {  	_ =	swait.ge [sflag:s15], $0x4000  }
0x369: {  	[sflag:s15] =	ssyncset.done $0x0  }
0x36a: {  	[sflag:s15] =	ssyncadd.s32 $0xFFFFC000  }
0x36b: {  	_ =	swait.ge [sflag:s13], $0x4000  }
0x36c: {  	[sflag:s13] =	ssyncset.done $0x0  }
0x36d: {  	[sflag:s13] =	ssyncadd.s32 $0xFFFFC000  }
0x36e: {  	_ =	swait.ge [sflag:s7], $0x4000  }
0x36f: {  	s0 =	sld [smem:$0x7DF]  }
0x370: {  	[sflag:s7] =	ssyncset.done $0x0  }
0x371: {  	s1 =	sld [smem:$0x7E0];
	[sflag:s7] =	ssyncadd.s32 $0xFFFFC000  }
0x372: {  	[hbm4b:s0+s2] =	stream.linear.scatter [tilespmem:s2], [sflag:$0x5], $0x4000, $0x38;
	[tilespmem:$0x10000] =	vst v63  }
0x373: {  	s0 =	sld [smem:$0x7E1]  }
0x374: {  	[tilespmem:s2], [sflag:$0x1] =	stream.linear.gather [hbm4b:s1+s2], $0x4000, $0x38;
	[tilespmem:$0x10000] =	vst v63  }
0x375: {  	_ = 	snop  }
0x376: {  	[tilespmem:s21], [sflag:$0x3] =	stream.linear.gather [hbm4b:s0+s2], $0x4000, $0x38;
	[tilespmem:$0x10000] =	vst v63  }
0x377: {  	_ =	swait.ge [sflag:s10], $0x4000  }
0x378: {  	[sflag:s10] =	ssyncset.done $0x0  }
0x379: {  	[sflag:s10] =	ssyncadd.s32 $0xFFFFC000  }
0x37a: {  	_ =	swait.ge [sflag:s8], $0x4000  }
0x37b: {  	[sflag:s8] =	ssyncset.done $0x0  }
0x37c: {  	[sflag:s8] =	ssyncadd.s32 $0xFFFFC000  }
0x37d: {  	_ =	swait.ge [sflag:s5], $0x4000  }
0x37e: {  	s0 =	sld [smem:$0x7E2]  }
0x37f: {  	[sflag:s5] =	ssyncset.done $0x0  }
0x380: {  	s1 =	sld [smem:$0x7E3];
	[sflag:s5] =	ssyncadd.s32 $0xFFFFC000  }
0x381: {  	[hbm4b:s0+s2] =	stream.linear.scatter [tilespmem:s4], [sflag:$0x6], $0x4000, $0x38;
	[tilespmem:$0x10000] =	vst v63  }
0x382: {  	s0 =	sld [smem:$0x7E4]  }
0x383: {  	[tilespmem:s4], [sflag:$0x2] =	stream.linear.gather [hbm4b:s1+s2], $0x4000, $0x38;
	[tilespmem:$0x10000] =	vst v63  }
0x384: {  	_ = 	snop  }
0x385: {  	[tilespmem:s14], [sflag:$0x4] =	stream.linear.gather [hbm4b:s0+s2], $0x4000, $0x38;
	[tilespmem:$0x10000] =	vst v63  }
0x386: {  	_ =	swait.ge [sflag:s15], $0x4000  }
0x387: {  	[sflag:s15] =	ssyncset.done $0x0  }
0x388: {  	[sflag:s15] =	ssyncadd.s32 $0xFFFFC000  }
0x389: {  	_ =	swait.ge [sflag:s13], $0x4000  }
0x38a: {  	[sflag:s13] =	ssyncset.done $0x0  }
0x38b: {  	[sflag:s13] =	ssyncadd.s32 $0xFFFFC000  }
0x38c: {  	_ =	swait.ge [sflag:s7], $0x4000  }
0x38d: {  	s0 =	sld [smem:$0x7E5]  }
0x38e: {  	[sflag:s7] =	ssyncset.done $0x0  }
0x38f: {  	s1 =	sld [smem:$0x7E6];
	[sflag:s7] =	ssyncadd.s32 $0xFFFFC000  }
0x390: {  	[hbm4b:s0+s2] =	stream.linear.scatter [tilespmem:s2], [sflag:$0x5], $0x4000, $0x38;
	[tilespmem:$0x10000] =	vst v63  }
0x391: {  	s0 =	sld [smem:$0x7E7]  }
0x392: {  	[tilespmem:s2], [sflag:$0x1] =	stream.linear.gather [hbm4b:s1+s2], $0x4000, $0x38;
	[tilespmem:$0x10000] =	vst v63  }
0x393: {  	_ = 	snop  }
0x394: {  	[tilespmem:s21], [sflag:$0x3] =	stream.linear.gather [hbm4b:s0+s2], $0x4000, $0x38;
	[tilespmem:$0x10000] =	vst v63  }
0x395: {  	_ =	swait.ge [sflag:s10], $0x4000  }
0x396: {  	[sflag:s10] =	ssyncset.done $0x0  }
0x397: {  	[sflag:s10] =	ssyncadd.s32 $0xFFFFC000  }
0x398: {  	_ =	swait.ge [sflag:s8], $0x4000  }
0x399: {  	[sflag:s8] =	ssyncset.done $0x0  }
0x39a: {  	[sflag:s8] =	ssyncadd.s32 $0xFFFFC000  }
0x39b: {  	_ =	swait.ge [sflag:s5], $0x4000  }
0x39c: {  	s0 =	sld [smem:$0x7E8]  }
0x39d: {  	[sflag:s5] =	ssyncset.done $0x0  }
0x39e: {  	s1 =	sld [smem:$0x7E9];
	[sflag:s5] =	ssyncadd.s32 $0xFFFFC000  }
0x39f: {  	[hbm4b:s0+s2] =	stream.linear.scatter [tilespmem:s4], [sflag:$0x6], $0x4000, $0x38;
	[tilespmem:$0x10000] =	vst v63  }
0x3a0: {  	s0 =	sld [smem:$0x7EA]  }
0x3a1: {  	[tilespmem:s4], [sflag:$0x2] =	stream.linear.gather [hbm4b:s1+s2], $0x4000, $0x38;
	[tilespmem:$0x10000] =	vst v63  }
0x3a2: {  	_ = 	snop  }
0x3a3: {  	[tilespmem:s14], [sflag:$0x4] =	stream.linear.gather [hbm4b:s0+s2], $0x4000, $0x38;
	[tilespmem:$0x10000] =	vst v63  }
0x3a4: {  	_ =	swait.ge [sflag:s15], $0x4000  }
0x3a5: {  	[sflag:s15] =	ssyncset.done $0x0  }
0x3a6: {  	[sflag:s15] =	ssyncadd.s32 $0xFFFFC000  }
0x3a7: {  	_ =	swait.ge [sflag:s13], $0x4000  }
0x3a8: {  	[sflag:s13] =	ssyncset.done $0x0  }
0x3a9: {  	[sflag:s13] =	ssyncadd.s32 $0xFFFFC000  }
0x3aa: {  	_ =	swait.ge [sflag:s7], $0x4000  }
0x3ab: {  	s0 =	sld [smem:$0x7EB]  }
0x3ac: {  	[sflag:s7] =	ssyncset.done $0x0  }
0x3ad: {  	s1 =	sld [smem:$0x7EC];
	[sflag:s7] =	ssyncadd.s32 $0xFFFFC000  }
0x3ae: {  	[hbm4b:s0+s2] =	stream.linear.scatter [tilespmem:s2], [sflag:$0x5], $0x4000, $0x38;
	[tilespmem:$0x10000] =	vst v63  }
0x3af: {  	s0 =	sld [smem:$0x7ED]  }
0x3b0: {  	[tilespmem:s2], [sflag:$0x1] =	stream.linear.gather [hbm4b:s1+s2], $0x4000, $0x38;
	[tilespmem:$0x10000] =	vst v63  }
0x3b1: {  	_ = 	snop  }
0x3b2: {  	[tilespmem:s21], [sflag:$0x3] =	stream.linear.gather [hbm4b:s0+s2], $0x4000, $0x38;
	[tilespmem:$0x10000] =	vst v63  }
0x3b3: {  	_ =	swait.ge [sflag:s10], $0x4000  }
0x3b4: {  	[sflag:s10] =	ssyncset.done $0x0  }
0x3b5: {  	[sflag:s10] =	ssyncadd.s32 $0xFFFFC000  }
0x3b6: {  	_ =	swait.ge [sflag:s8], $0x4000  }
0x3b7: {  	[sflag:s8] =	ssyncset.done $0x0  }
0x3b8: {  	[sflag:s8] =	ssyncadd.s32 $0xFFFFC000  }
0x3b9: {  	_ =	swait.ge [sflag:s5], $0x4000  }
0x3ba: {  	s0 =	sld [smem:$0x7EE]  }
0x3bb: {  	[sflag:s5] =	ssyncset.done $0x0  }
0x3bc: {  	s1 =	sld [smem:$0x7EF];
	[sflag:s5] =	ssyncadd.s32 $0xFFFFC000  }
0x3bd: {  	[hbm4b:s0+s2] =	stream.linear.scatter [tilespmem:s4], [sflag:$0x6], $0x4000, $0x38;
	[tilespmem:$0x10000] =	vst v63  }
0x3be: {  	s0 =	sld [smem:$0x7F0]  }
0x3bf: {  	[tilespmem:s4], [sflag:$0x2] =	stream.linear.gather [hbm4b:s1+s2], $0x4000, $0x38;
	[tilespmem:$0x10000] =	vst v63  }
0x3c0: {  	_ = 	snop  }
0x3c1: {  	[tilespmem:s14], [sflag:$0x4] =	stream.linear.gather [hbm4b:s0+s2], $0x4000, $0x38;
	[tilespmem:$0x10000] =	vst v63  }
0x3c2: {  	_ =	swait.ge [sflag:s15], $0x4000  }
0x3c3: {  	[sflag:s15] =	ssyncset.done $0x0  }
0x3c4: {  	[sflag:s15] =	ssyncadd.s32 $0xFFFFC000  }
0x3c5: {  	_ =	swait.ge [sflag:s13], $0x4000  }
0x3c6: {  	[sflag:s13] =	ssyncset.done $0x0  }
0x3c7: {  	[sflag:s13] =	ssyncadd.s32 $0xFFFFC000  }
0x3c8: {  	_ =	swait.ge [sflag:s7], $0x4000  }
0x3c9: {  	s0 =	sld [smem:$0x7F1]  }
0x3ca: {  	[sflag:s7] =	ssyncset.done $0x0  }
0x3cb: {  	s1 =	sld [smem:$0x7F2];
	[sflag:s7] =	ssyncadd.s32 $0xFFFFC000  }
0x3cc: {  	[hbm4b:s0+s2] =	stream.linear.scatter [tilespmem:s2], [sflag:$0x5], $0x4000, $0x38;
	[tilespmem:$0x10000] =	vst v63  }
0x3cd: {  	s0 =	sld [smem:$0x7F3]  }
0x3ce: {  	[tilespmem:s2], [sflag:$0x1] =	stream.linear.gather [hbm4b:s1+s2], $0x4000, $0x38;
	[tilespmem:$0x10000] =	vst v63  }
0x3cf: {  	_ = 	snop  }
0x3d0: {  	[tilespmem:s21], [sflag:$0x3] =	stream.linear.gather [hbm4b:s0+s2], $0x4000, $0x38;
	[tilespmem:$0x10000] =	vst v63  }
0x3d1: {  	_ =	swait.ge [sflag:s10], $0x4000  }
0x3d2: {  	[sflag:s10] =	ssyncset.done $0x0  }
0x3d3: {  	[sflag:s10] =	ssyncadd.s32 $0xFFFFC000  }
0x3d4: {  	_ =	swait.ge [sflag:s8], $0x4000  }
0x3d5: {  	[sflag:s8] =	ssyncset.done $0x0  }
0x3d6: {  	[sflag:s8] =	ssyncadd.s32 $0xFFFFC000  }
0x3d7: {  	_ =	swait.ge [sflag:s5], $0x4000  }
0x3d8: {  	s0 =	sld [smem:$0x7F4]  }
0x3d9: {  	[sflag:s5] =	ssyncset.done $0x0  }
0x3da: {  	s1 =	sld [smem:$0x7F5];
	[sflag:s5] =	ssyncadd.s32 $0xFFFFC000  }
0x3db: {  	[hbm4b:s0+s2] =	stream.linear.scatter [tilespmem:s4], [sflag:$0x6], $0x4000, $0x38;
	[tilespmem:$0x10000] =	vst v63  }
0x3dc: {  	s0 =	sld [smem:$0x7F6]  }
0x3dd: {  	[tilespmem:s4], [sflag:$0x2] =	stream.linear.gather [hbm4b:s1+s2], $0x4000, $0x38;
	[tilespmem:$0x10000] =	vst v63  }
0x3de: {  	_ = 	snop  }
0x3df: {  	[tilespmem:s14], [sflag:$0x4] =	stream.linear.gather [hbm4b:s0+s2], $0x4000, $0x38;
	[tilespmem:$0x10000] =	vst v63  }
0x3e0: {  	_ =	swait.ge [sflag:s15], $0x4000  }
0x3e1: {  	[sflag:s15] =	ssyncset.done $0x0  }
0x3e2: {  	[sflag:s15] =	ssyncadd.s32 $0xFFFFC000  }
0x3e3: {  	_ =	swait.ge [sflag:s13], $0x4000  }
0x3e4: {  	[sflag:s13] =	ssyncset.done $0x0  }
0x3e5: {  	[sflag:s13] =	ssyncadd.s32 $0xFFFFC000  }
0x3e6: {  	_ =	swait.ge [sflag:s7], $0x4000  }
0x3e7: {  	s0 =	sld [smem:$0x7F7]  }
0x3e8: {  	[sflag:s7] =	ssyncset.done $0x0  }
0x3e9: {  	s1 =	sld [smem:$0x7F8];
	[sflag:s7] =	ssyncadd.s32 $0xFFFFC000  }
0x3ea: {  	[hbm4b:s0+s2] =	stream.linear.scatter [tilespmem:s2], [sflag:$0x5], $0x4000, $0x38;
	[tilespmem:$0x10000] =	vst v63  }
0x3eb: {  	s0 =	sld [smem:$0x7F9]  }
0x3ec: {  	[tilespmem:s2], [sflag:$0x1] =	stream.linear.gather [hbm4b:s1+s2], $0x4000, $0x38;
	[tilespmem:$0x10000] =	vst v63  }
0x3ed: {  	_ = 	snop  }
0x3ee: {  	[tilespmem:s21], [sflag:$0x3] =	stream.linear.gather [hbm4b:s0+s2], $0x4000, $0x38;
	[tilespmem:$0x10000] =	vst v63  }
0x3ef: {  	_ =	swait.ge [sflag:s10], $0x4000  }
0x3f0: {  	[sflag:s10] =	ssyncset.done $0x0  }
0x3f1: {  	[sflag:s10] =	ssyncadd.s32 $0xFFFFC000  }
0x3f2: {  	_ =	swait.ge [sflag:s8], $0x4000  }
0x3f3: {  	[sflag:s8] =	ssyncset.done $0x0  }
0x3f4: {  	[sflag:s8] =	ssyncadd.s32 $0xFFFFC000  }
0x3f5: {  	_ =	swait.ge [sflag:s5], $0x4000  }
0x3f6: {  	s0 =	sld [smem:$0x7FA]  }
0x3f7: {  	[sflag:s5] =	ssyncset.done $0x0  }
0x3f8: {  	s1 =	sld [smem:$0x7FB];
	[sflag:s5] =	ssyncadd.s32 $0xFFFFC000  }
0x3f9: {  	[hbm4b:s0+s2] =	stream.linear.scatter [tilespmem:s4], [sflag:$0x6], $0x4000, $0x38;
	[tilespmem:$0x10000] =	vst v63  }
0x3fa: {  	s0 =	sld [smem:$0x7FC]  }
0x3fb: {  	[tilespmem:s4], [sflag:$0x2] =	stream.linear.gather [hbm4b:s1+s2], $0x4000, $0x38;
	[tilespmem:$0x10000] =	vst v63  }
0x3fc: {  	_ = 	snop  }
0x3fd: {  	[tilespmem:s14], [sflag:$0x4] =	stream.linear.gather [hbm4b:s0+s2], $0x4000, $0x38;
	[tilespmem:$0x10000] =	vst v63  }
0x3fe: {  	_ =	swait.ge [sflag:s15], $0x4000  }
0x3ff: {  	[sflag:s15] =	ssyncset.done $0x0  }
0x400: {  	[sflag:s15] =	ssyncadd.s32 $0xFFFFC000  }
0x401: {  	_ =	swait.ge [sflag:s13], $0x4000  }
0x402: {  	[sflag:s13] =	ssyncset.done $0x0  }
0x403: {  	[sflag:s13] =	ssyncadd.s32 $0xFFFFC000  }
0x404: {  	_ =	swait.ge [sflag:s7], $0x4000  }
0x405: {  	s1 =	sld [smem:$0x7FD]  }
0x406: {  	[sflag:s7] =	ssyncset.done $0x0  }
0x407: {  	[sflag:s7] =	ssyncadd.s32 $0xFFFFC000  }
0x408: {  	[hbm4b:s1+s2] =	stream.linear.scatter [tilespmem:s2], [sflag:$0x5], $0x4000, $0x38;
	[tilespmem:$0x10000] =	vst v63  }
0x409: {  	_ = 	snop  }
0x40a: {  	[tilespmem:s2], [sflag:$0x1] =	stream.linear.gather [hbm4b:s30+s2], $0x4000, $0x38;
	[tilespmem:$0x10000] =	vst v63  }
0x40b: {  	_ = 	snop  }
0x40c: {  	[tilespmem:s21], [sflag:$0x3] =	stream.linear.gather [hbm4b:s31+s2], $0x4000, $0x38;
	[tilespmem:$0x10000] =	vst v63  }
0x40d: {  	_ =	swait.ge [sflag:s10], $0x4000  }
0x40e: {  	[sflag:s10] =	ssyncset.done $0x0  }
0x40f: {  	[sflag:s10] =	ssyncadd.s32 $0xFFFFC000  }
0x410: {  	_ =	swait.ge [sflag:s8], $0x4000  }
0x411: {  	[sflag:s8] =	ssyncset.done $0x0  }
0x412: {  	[sflag:s8] =	ssyncadd.s32 $0xFFFFC000  }
0x413: {  	_ =	swait.ge [sflag:s5], $0x4000  }
0x414: {  	[sflag:s5] =	ssyncset.done $0x0  }
0x415: {  	[sflag:s5] =	ssyncadd.s32 $0xFFFFC000  }
0x416: {  	[hbm4b:s26+s2] =	stream.linear.scatter [tilespmem:s4], [sflag:$0x6], $0x4000, $0x38;
	[tilespmem:$0x10000] =	vst v63  }
0x417: {  	_ = 	snop  }
0x418: {  	[tilespmem:s4], [sflag:$0x2] =	stream.linear.gather [hbm4b:s28+s2], $0x4000, $0x38;
	[tilespmem:$0x10000] =	vst v63  }
0x419: {  	_ = 	snop  }
0x41a: {  	[tilespmem:s14], [sflag:$0x4] =	stream.linear.gather [hbm4b:s29+s2], $0x4000, $0x38;
	[tilespmem:$0x10000] =	vst v63  }
0x41b: {  	_ =	swait.ge [sflag:s15], $0x4000  }
0x41c: {  	[sflag:s15] =	ssyncset.done $0x0  }
0x41d: {  	[sflag:s15] =	ssyncadd.s32 $0xFFFFC000  }
0x41e: {  	_ =	swait.ge [sflag:s13], $0x4000  }
0x41f: {  	[sflag:s13] =	ssyncset.done $0x0  }
0x420: {  	[sflag:s13] =	ssyncadd.s32 $0xFFFFC000  }
0x421: {  	_ =	swait.ge [sflag:s7], $0x4000  }
0x422: {  	[sflag:s7] =	ssyncset.done $0x0  }
0x423: {  	[sflag:s7] =	ssyncadd.s32 $0xFFFFC000  }
0x424: {  	[hbm4b:s23+s2] =	stream.linear.scatter [tilespmem:s2], [sflag:$0x5], $0x4000, $0x38;
	[tilespmem:$0x10000] =	vst v63  }
0x425: {  	_ = 	snop  }
0x426: {  	[tilespmem:s2], [sflag:$0x1] =	stream.linear.gather [hbm4b:s24+s2], $0x4000, $0x38;
	[tilespmem:$0x10000] =	vst v63  }
0x427: {  	_ = 	snop  }
0x428: {  	[tilespmem:s21], [sflag:$0x3] =	stream.linear.gather [hbm4b:s25+s2], $0x4000, $0x38;
	[tilespmem:$0x10000] =	vst v63  }
0x429: {  	_ =	swait.ge [sflag:s10], $0x4000  }
0x42a: {  	[sflag:s10] =	ssyncset.done $0x0  }
0x42b: {  	[sflag:s10] =	ssyncadd.s32 $0xFFFFC000  }
0x42c: {  	_ =	swait.ge [sflag:s8], $0x4000  }
0x42d: {  	[sflag:s8] =	ssyncset.done $0x0  }
0x42e: {  	[sflag:s8] =	ssyncadd.s32 $0xFFFFC000  }
0x42f: {  	_ =	swait.ge [sflag:s5], $0x4000  }
0x430: {  	[sflag:s5] =	ssyncset.done $0x0  }
0x431: {  	[sflag:s5] =	ssyncadd.s32 $0xFFFFC000  }
0x432: {  	[hbm4b:s19+s2] =	stream.linear.scatter [tilespmem:s4], [sflag:$0x6], $0x4000, $0x38;
	[tilespmem:$0x10000] =	vst v63  }
0x433: {  	_ = 	snop  }
0x434: {  	[tilespmem:s4], [sflag:$0x2] =	stream.linear.gather [hbm4b:s20+s2], $0x4000, $0x38;
	[tilespmem:$0x10000] =	vst v63  }
0x435: {  	_ = 	snop  }
0x436: {  	[tilespmem:s14], [sflag:$0x4] =	stream.linear.gather [hbm4b:s22+s2], $0x4000, $0x38;
	[tilespmem:$0x10000] =	vst v63  }
0x437: {  	_ =	swait.ge [sflag:s15], $0x4000  }
0x438: {  	[sflag:s15] =	ssyncset.done $0x0  }
0x439: {  	[sflag:s15] =	ssyncadd.s32 $0xFFFFC000  }
0x43a: {  	_ =	swait.ge [sflag:s13], $0x4000  }
0x43b: {  	[sflag:s13] =	ssyncset.done $0x0  }
0x43c: {  	[sflag:s13] =	ssyncadd.s32 $0xFFFFC000  }
0x43d: {  	_ =	swait.ge [sflag:s7], $0x4000  }
0x43e: {  	[sflag:s7] =	ssyncset.done $0x0  }
0x43f: {  	[sflag:s7] =	ssyncadd.s32 $0xFFFFC000  }
0x440: {  	[hbm4b:s16+s2] =	stream.linear.scatter [tilespmem:s2], [sflag:$0x5], $0x4000, $0x38;
	[tilespmem:$0x10000] =	vst v63  }
0x441: {  	_ = 	snop  }
0x442: {  	[tilespmem:s2], [sflag:$0x1] =	stream.linear.gather [hbm4b:s17+s2], $0x4000, $0x38;
	[tilespmem:$0x10000] =	vst v63  }
0x443: {  	_ = 	snop  }
0x444: {  	[tilespmem:s21], [sflag:$0x3] =	stream.linear.gather [hbm4b:s18+s2], $0x4000, $0x38;
	[tilespmem:$0x10000] =	vst v63  }
0x445: {  	_ =	swait.ge [sflag:s10], $0x4000  }
0x446: {  	[sflag:s10] =	ssyncset.done $0x0  }
0x447: {  	[sflag:s10] =	ssyncadd.s32 $0xFFFFC000  }
0x448: {  	_ =	swait.ge [sflag:s8], $0x4000  }
0x449: {  	[sflag:s8] =	ssyncset.done $0x0  }
0x44a: {  	[sflag:s8] =	ssyncadd.s32 $0xFFFFC000  }
0x44b: {  	_ =	swait.ge [sflag:s5], $0x4000  }
0x44c: {  	[sflag:s5] =	ssyncset.done $0x0  }
0x44d: {  	[sflag:s5] =	ssyncadd.s32 $0xFFFFC000  }
0x44e: {  	[hbm4b:s9+s2] =	stream.linear.scatter [tilespmem:s4], [sflag:$0x6], $0x4000, $0x38;
	[tilespmem:$0x10000] =	vst v63  }
0x44f: {  	_ = 	snop  }
0x450: {  	[tilespmem:s4], [sflag:$0x2] =	stream.linear.gather [hbm4b:s11+s2], $0x4000, $0x38;
	[tilespmem:$0x10000] =	vst v63  }
0x451: {  	_ = 	snop  }
0x452: {  	[tilespmem:s14], [sflag:$0x4] =	stream.linear.gather [hbm4b:s12+s2], $0x4000, $0x38;
	[tilespmem:$0x10000] =	vst v63  }
0x453: {  	_ =	swait.ge [sflag:s15], $0x4000  }
0x454: {  	[sflag:s15] =	ssyncset.done $0x0  }
0x455: {  	[sflag:s15] =	ssyncadd.s32 $0xFFFFC000  }
0x456: {  	_ =	swait.ge [sflag:s13], $0x4000  }
0x457: {  	[sflag:s13] =	ssyncset.done $0x0  }
0x458: {  	[sflag:s13] =	ssyncadd.s32 $0xFFFFC000  }
0x459: {  	_ =	swait.ge [sflag:s7], $0x4000  }
0x45a: {  	[sflag:s7] =	ssyncset.done $0x0  }
0x45b: {  	[sflag:s7] =	ssyncadd.s32 $0xFFFFC000  }
0x45c: {  	[hbm4b:s6+s2] =	stream.linear.scatter [tilespmem:s2], [sflag:$0x5], $0x4000, $0x38;
	[tilespmem:$0x10000] =	vst v63  }
0x45d: {  	_ =	swait.ge [sflag:s10], $0x4000  }
0x45e: {  	[sflag:s10] =	ssyncset.done $0x0  }
0x45f: {  	[sflag:s10] =	ssyncadd.s32 $0xFFFFC000  }
0x460: {  	_ =	swait.ge [sflag:s8], $0x4000  }
0x461: {  	[sflag:s8] =	ssyncset.done $0x0  }
0x462: {  	[sflag:s8] =	ssyncadd.s32 $0xFFFFC000  }
0x463: {  	_ =	swait.ge [sflag:s5], $0x4000  }
0x464: {  	[sflag:s5] =	ssyncset.done $0x0  }
0x465: {  	[sflag:s5] =	ssyncadd.s32 $0xFFFFC000  }
0x466: {  	[hbm4b:s3+s2] =	stream.linear.scatter [tilespmem:s4], [sflag:$0x6], $0x4000, $0x38;
	[tilespmem:$0x10000] =	vst v63  }
0x467: {  	_ =	swait.ge [sflag:s7], $0x4000  }
0x468: {  	s1 =	sld [smem:$0x76C];
	_ =	sdelay $0x2  }
0x469: {  	p1 =	sne.s32 s1, $0x1  }
.Ltmp1:
0x46a: {  	[sflag:s7] =	ssyncset.done $0x0;
	(pc) =	sbr.rel @!p1 .LBB2_3-.Ltmp1, $4  }
0x46b: {  	[sflag:s7] =	ssyncadd.s32 $0xFFFFC000  }
0x46c: {  	_ =	swait.ge [sflag:s5], $0x4000  }
0x46d: {  	p0 =	por $0x1, $0x1;
	s0 =	rddreg [dreg:$0x3]  }
0x46e: {  	s1 =	sadd.s32 $0xFFFFFFFF, s1;
	[sflag:s5] =	ssyncset.done $0x0;
	[smem:$0x76D] =	sst s31  }
.LBB2_2:
0x46f: {  	[sflag:s5] =	ssyncadd.s32 $0xFFFFC000;
	s31 =	smov.u32 s30  }
0x470: {  	s30 =	smov.u32 s29;
	s29 =	smov.u32 s28;
	s28 =	smov.u32 s26  }
0x471: {  	s26 =	smov.u32 s25;
	s25 =	smov.u32 s24;
	s24 =	smov.u32 s23  }
0x472: {  	s23 =	smov.u32 s22;
	s22 =	smov.u32 s20;
	s20 =	smov.u32 s19  }
0x473: {  	s19 =	smov.u32 s18;
	s18 =	smov.u32 s17;
	s17 =	smov.u32 s16  }
0x474: {  	s16 =	smov.u32 s12;
	s12 =	smov.u32 s11;
	s11 =	smov.u32 s9  }
0x475: {  	[tilespmem:s2], [sflag:$0x1] =	stream.linear.gather [hbm4b:s0+s2], $0x4000, $0x38;
	[tilespmem:$0x10000] =	vst v63  }
0x476: {  	s9 =	smov.u32 s6;
	s6 =	smov.u32 s3;
	s3 =	rddreg [dreg:$0x4]  }
0x477: {  	[tilespmem:s21], [sflag:$0x3] =	stream.linear.gather [hbm4b:s3+s2], $0x4000, $0x38;
	[tilespmem:$0x10000] =	vst v63  }
0x478: {  	s0 =	rddreg [dreg:$0x5]  }
0x479: {  	[tilespmem:s4], [sflag:$0x2] =	stream.linear.gather [hbm4b:s0+s2], $0x4000, $0x38;
	[tilespmem:$0x10000] =	vst v63  }
0x47a: {  	s3 =	rddreg [dreg:$0x6]  }
0x47b: {  	[tilespmem:s14], [sflag:$0x4] =	stream.linear.gather [hbm4b:s3+s2], $0x4000, $0x38;
	[tilespmem:$0x10000] =	vst v63  }
0x47c: {  	_ =	swait.ge [sflag:s15], $0x4000  }
0x47d: {  	[sflag:s15] =	ssyncset.done $0x0  }
0x47e: {  	[sflag:s15] =	ssyncadd.s32 $0xFFFFC000  }
0x47f: {  	_ =	swait.ge [sflag:s13], $0x4000  }
0x480: {  	[sflag:s13] =	ssyncset.done $0x0  }
0x481: {  	s0 =	rddreg [dreg:$0x7];
	[sflag:s13] =	ssyncadd.s32 $0xFFFFC000  }
0x482: {  	[hbm4b:s0+s2] =	stream.linear.scatter [tilespmem:s2], [sflag:$0x5], $0x4000, $0x38;
	[tilespmem:$0x10000] =	vst v63  }
0x483: {  	s3 =	rddreg [dreg:$0x8]  }
0x484: {  	[tilespmem:s2], [sflag:$0x1] =	stream.linear.gather [hbm4b:s3+s2], $0x4000, $0x38;
	[tilespmem:$0x10000] =	vst v63  }
0x485: {  	s0 =	rddreg [dreg:$0x9]  }
0x486: {  	[tilespmem:s21], [sflag:$0x3] =	stream.linear.gather [hbm4b:s0+s2], $0x4000, $0x38;
	[tilespmem:$0x10000] =	vst v63  }
0x487: {  	_ =	swait.ge [sflag:s10], $0x4000  }
0x488: {  	[sflag:s10] =	ssyncset.done $0x0  }
0x489: {  	[sflag:s10] =	ssyncadd.s32 $0xFFFFC000  }
0x48a: {  	_ =	swait.ge [sflag:s8], $0x4000  }
0x48b: {  	[sflag:s8] =	ssyncset.done $0x0  }
0x48c: {  	s0 =	rddreg [dreg:$0xa];
	[sflag:s8] =	ssyncadd.s32 $0xFFFFC000  }
0x48d: {  	[hbm4b:s0+s2] =	stream.linear.scatter [tilespmem:s4], [sflag:$0x6], $0x4000, $0x38;
	[tilespmem:$0x10000] =	vst v63  }
0x48e: {  	s3 =	rddreg [dreg:$0xb]  }
0x48f: {  	[tilespmem:s4], [sflag:$0x2] =	stream.linear.gather [hbm4b:s3+s2], $0x4000, $0x38;
	[tilespmem:$0x10000] =	vst v63  }
0x490: {  	s0 =	rddreg [dreg:$0xc]  }
0x491: {  	[tilespmem:s14], [sflag:$0x4] =	stream.linear.gather [hbm4b:s0+s2], $0x4000, $0x38;
	[tilespmem:$0x10000] =	vst v63  }
0x492: {  	_ =	swait.ge [sflag:s15], $0x4000  }
0x493: {  	[sflag:s15] =	ssyncset.done $0x0  }
0x494: {  	[sflag:s15] =	ssyncadd.s32 $0xFFFFC000  }
0x495: {  	_ =	swait.ge [sflag:s13], $0x4000  }
0x496: {  	[sflag:s13] =	ssyncset.done $0x0  }
0x497: {  	[sflag:s13] =	ssyncadd.s32 $0xFFFFC000  }
0x498: {  	_ =	swait.ge [sflag:s7], $0x4000  }
0x499: {  	[sflag:s7] =	ssyncset.done $0x0  }
0x49a: {  	s0 =	rddreg [dreg:$0xd];
	[sflag:s7] =	ssyncadd.s32 $0xFFFFC000  }
0x49b: {  	[hbm4b:s0+s2] =	stream.linear.scatter [tilespmem:s2], [sflag:$0x5], $0x4000, $0x38;
	[tilespmem:$0x10000] =	vst v63  }
0x49c: {  	s3 =	rddreg [dreg:$0xe]  }
0x49d: {  	[tilespmem:s2], [sflag:$0x1] =	stream.linear.gather [hbm4b:s3+s2], $0x4000, $0x38;
	[tilespmem:$0x10000] =	vst v63  }
0x49e: {  	s0 =	rddreg [dreg:$0xf]  }
0x49f: {  	[tilespmem:s21], [sflag:$0x3] =	stream.linear.gather [hbm4b:s0+s2], $0x4000, $0x38;
	[tilespmem:$0x10000] =	vst v63  }
0x4a0: {  	_ =	swait.ge [sflag:s10], $0x4000  }
0x4a1: {  	[sflag:s10] =	ssyncset.done $0x0  }
0x4a2: {  	[sflag:s10] =	ssyncadd.s32 $0xFFFFC000  }
0x4a3: {  	_ =	swait.ge [sflag:s8], $0x4000  }
0x4a4: {  	[sflag:s8] =	ssyncset.done $0x0  }
0x4a5: {  	[sflag:s8] =	ssyncadd.s32 $0xFFFFC000  }
0x4a6: {  	_ =	swait.ge [sflag:s5], $0x4000  }
0x4a7: {  	[sflag:s5] =	ssyncset.done $0x0  }
0x4a8: {  	s0 =	rddreg [dreg:$0x10];
	[sflag:s5] =	ssyncadd.s32 $0xFFFFC000  }
0x4a9: {  	[hbm4b:s0+s2] =	stream.linear.scatter [tilespmem:s4], [sflag:$0x6], $0x4000, $0x38;
	[tilespmem:$0x10000] =	vst v63  }
0x4aa: {  	s3 =	rddreg [dreg:$0x11]  }
0x4ab: {  	[tilespmem:s4], [sflag:$0x2] =	stream.linear.gather [hbm4b:s3+s2], $0x4000, $0x38;
	[tilespmem:$0x10000] =	vst v63  }
0x4ac: {  	s0 =	rddreg [dreg:$0x12]  }
0x4ad: {  	[tilespmem:s14], [sflag:$0x4] =	stream.linear.gather [hbm4b:s0+s2], $0x4000, $0x38;
	[tilespmem:$0x10000] =	vst v63  }
0x4ae: {  	_ =	swait.ge [sflag:s15], $0x4000  }
0x4af: {  	[sflag:s15] =	ssyncset.done $0x0  }
0x4b0: {  	[sflag:s15] =	ssyncadd.s32 $0xFFFFC000  }
0x4b1: {  	_ =	swait.ge [sflag:s13], $0x4000  }
0x4b2: {  	[sflag:s13] =	ssyncset.done $0x0  }
0x4b3: {  	[sflag:s13] =	ssyncadd.s32 $0xFFFFC000  }
0x4b4: {  	_ =	swait.ge [sflag:s7], $0x4000  }
0x4b5: {  	[sflag:s7] =	ssyncset.done $0x0  }
0x4b6: {  	s0 =	rddreg [dreg:$0x13];
	[sflag:s7] =	ssyncadd.s32 $0xFFFFC000  }
0x4b7: {  	[hbm4b:s0+s2] =	stream.linear.scatter [tilespmem:s2], [sflag:$0x5], $0x4000, $0x38;
	[tilespmem:$0x10000] =	vst v63  }
0x4b8: {  	s3 =	rddreg [dreg:$0x14]  }
0x4b9: {  	[tilespmem:s2], [sflag:$0x1] =	stream.linear.gather [hbm4b:s3+s2], $0x4000, $0x38;
	[tilespmem:$0x10000] =	vst v63  }
0x4ba: {  	s0 =	rddreg [dreg:$0x15]  }
0x4bb: {  	[tilespmem:s21], [sflag:$0x3] =	stream.linear.gather [hbm4b:s0+s2], $0x4000, $0x38;
	[tilespmem:$0x10000] =	vst v63  }
0x4bc: {  	_ =	swait.ge [sflag:s10], $0x4000  }
0x4bd: {  	[sflag:s10] =	ssyncset.done $0x0  }
0x4be: {  	[sflag:s10] =	ssyncadd.s32 $0xFFFFC000  }
0x4bf: {  	_ =	swait.ge [sflag:s8], $0x4000  }
0x4c0: {  	[sflag:s8] =	ssyncset.done $0x0  }
0x4c1: {  	[sflag:s8] =	ssyncadd.s32 $0xFFFFC000  }
0x4c2: {  	_ =	swait.ge [sflag:s5], $0x4000  }
0x4c3: {  	[sflag:s5] =	ssyncset.done $0x0  }
0x4c4: {  	s0 =	rddreg [dreg:$0x16];
	[sflag:s5] =	ssyncadd.s32 $0xFFFFC000  }
0x4c5: {  	[hbm4b:s0+s2] =	stream.linear.scatter [tilespmem:s4], [sflag:$0x6], $0x4000, $0x38;
	[tilespmem:$0x10000] =	vst v63  }
0x4c6: {  	s3 =	rddreg [dreg:$0x17]  }
0x4c7: {  	[tilespmem:s4], [sflag:$0x2] =	stream.linear.gather [hbm4b:s3+s2], $0x4000, $0x38;
	[tilespmem:$0x10000] =	vst v63  }
0x4c8: {  	s0 =	rddreg [dreg:$0x18]  }
0x4c9: {  	[tilespmem:s14], [sflag:$0x4] =	stream.linear.gather [hbm4b:s0+s2], $0x4000, $0x38;
	[tilespmem:$0x10000] =	vst v63  }
0x4ca: {  	_ =	swait.ge [sflag:s15], $0x4000  }
0x4cb: {  	[sflag:s15] =	ssyncset.done $0x0  }
0x4cc: {  	[sflag:s15] =	ssyncadd.s32 $0xFFFFC000  }
0x4cd: {  	_ =	swait.ge [sflag:s13], $0x4000  }
0x4ce: {  	[sflag:s13] =	ssyncset.done $0x0  }
0x4cf: {  	[sflag:s13] =	ssyncadd.s32 $0xFFFFC000  }
0x4d0: {  	_ =	swait.ge [sflag:s7], $0x4000  }
0x4d1: {  	[sflag:s7] =	ssyncset.done $0x0  }
0x4d2: {  	s0 =	rddreg [dreg:$0x19];
	[sflag:s7] =	ssyncadd.s32 $0xFFFFC000  }
0x4d3: {  	[hbm4b:s0+s2] =	stream.linear.scatter [tilespmem:s2], [sflag:$0x5], $0x4000, $0x38;
	[tilespmem:$0x10000] =	vst v63  }
0x4d4: {  	s3 =	rddreg [dreg:$0x1a]  }
0x4d5: {  	[tilespmem:s2], [sflag:$0x1] =	stream.linear.gather [hbm4b:s3+s2], $0x4000, $0x38;
	[tilespmem:$0x10000] =	vst v63  }
0x4d6: {  	s0 =	rddreg [dreg:$0x1b]  }
0x4d7: {  	[tilespmem:s21], [sflag:$0x3] =	stream.linear.gather [hbm4b:s0+s2], $0x4000, $0x38;
	[tilespmem:$0x10000] =	vst v63  }
0x4d8: {  	_ =	swait.ge [sflag:s10], $0x4000  }
0x4d9: {  	[sflag:s10] =	ssyncset.done $0x0  }
0x4da: {  	[sflag:s10] =	ssyncadd.s32 $0xFFFFC000  }
0x4db: {  	_ =	swait.ge [sflag:s8], $0x4000  }
0x4dc: {  	[sflag:s8] =	ssyncset.done $0x0  }
0x4dd: {  	[sflag:s8] =	ssyncadd.s32 $0xFFFFC000  }
0x4de: {  	_ =	swait.ge [sflag:s5], $0x4000  }
0x4df: {  	[sflag:s5] =	ssyncset.done $0x0  }
0x4e0: {  	s0 =	rddreg [dreg:$0x1c];
	[sflag:s5] =	ssyncadd.s32 $0xFFFFC000  }
0x4e1: {  	[hbm4b:s0+s2] =	stream.linear.scatter [tilespmem:s4], [sflag:$0x6], $0x4000, $0x38;
	[tilespmem:$0x10000] =	vst v63  }
0x4e2: {  	s3 =	rddreg [dreg:$0x1d]  }
0x4e3: {  	[tilespmem:s4], [sflag:$0x2] =	stream.linear.gather [hbm4b:s3+s2], $0x4000, $0x38;
	[tilespmem:$0x10000] =	vst v63  }
0x4e4: {  	s0 =	rddreg [dreg:$0x1e]  }
0x4e5: {  	[tilespmem:s14], [sflag:$0x4] =	stream.linear.gather [hbm4b:s0+s2], $0x4000, $0x38;
	[tilespmem:$0x10000] =	vst v63  }
0x4e6: {  	_ =	swait.ge [sflag:s15], $0x4000  }
0x4e7: {  	[sflag:s15] =	ssyncset.done $0x0  }
0x4e8: {  	[sflag:s15] =	ssyncadd.s32 $0xFFFFC000  }
0x4e9: {  	_ =	swait.ge [sflag:s13], $0x4000  }
0x4ea: {  	[sflag:s13] =	ssyncset.done $0x0  }
0x4eb: {  	[sflag:s13] =	ssyncadd.s32 $0xFFFFC000  }
0x4ec: {  	_ =	swait.ge [sflag:s7], $0x4000  }
0x4ed: {  	s0 =	rddreg [dreg:$0x1f];
	[sflag:s7] =	ssyncset.done $0x0  }
0x4ee: {  	s3 =	sld [smem:$0x76E];
	[sflag:s7] =	ssyncadd.s32 $0xFFFFC000  }
0x4ef: {  	[hbm4b:s0+s2] =	stream.linear.scatter [tilespmem:s2], [sflag:$0x5], $0x4000, $0x38;
	[tilespmem:$0x10000] =	vst v63  }
0x4f0: {  	s0 =	sld [smem:$0x76F]  }
0x4f1: {  	[tilespmem:s2], [sflag:$0x1] =	stream.linear.gather [hbm4b:s3+s2], $0x4000, $0x38;
	[tilespmem:$0x10000] =	vst v63  }
0x4f2: {  	_ = 	snop  }
0x4f3: {  	[tilespmem:s21], [sflag:$0x3] =	stream.linear.gather [hbm4b:s0+s2], $0x4000, $0x38;
	[tilespmem:$0x10000] =	vst v63  }
0x4f4: {  	_ =	swait.ge [sflag:s10], $0x4000  }
0x4f5: {  	[sflag:s10] =	ssyncset.done $0x0  }
0x4f6: {  	[sflag:s10] =	ssyncadd.s32 $0xFFFFC000  }
0x4f7: {  	_ =	swait.ge [sflag:s8], $0x4000  }
0x4f8: {  	[sflag:s8] =	ssyncset.done $0x0  }
0x4f9: {  	[sflag:s8] =	ssyncadd.s32 $0xFFFFC000  }
0x4fa: {  	_ =	swait.ge [sflag:s5], $0x4000  }
0x4fb: {  	s0 =	sld [smem:$0x770]  }
0x4fc: {  	[sflag:s5] =	ssyncset.done $0x0  }
0x4fd: {  	s3 =	sld [smem:$0x771];
	[sflag:s5] =	ssyncadd.s32 $0xFFFFC000  }
0x4fe: {  	[hbm4b:s0+s2] =	stream.linear.scatter [tilespmem:s4], [sflag:$0x6], $0x4000, $0x38;
	[tilespmem:$0x10000] =	vst v63  }
0x4ff: {  	s0 =	sld [smem:$0x772]  }
0x500: {  	[tilespmem:s4], [sflag:$0x2] =	stream.linear.gather [hbm4b:s3+s2], $0x4000, $0x38;
	[tilespmem:$0x10000] =	vst v63  }
0x501: {  	_ = 	snop  }
0x502: {  	[tilespmem:s14], [sflag:$0x4] =	stream.linear.gather [hbm4b:s0+s2], $0x4000, $0x38;
	[tilespmem:$0x10000] =	vst v63  }
0x503: {  	_ =	swait.ge [sflag:s15], $0x4000  }
0x504: {  	[sflag:s15] =	ssyncset.done $0x0  }
0x505: {  	[sflag:s15] =	ssyncadd.s32 $0xFFFFC000  }
0x506: {  	_ =	swait.ge [sflag:s13], $0x4000  }
0x507: {  	[sflag:s13] =	ssyncset.done $0x0  }
0x508: {  	[sflag:s13] =	ssyncadd.s32 $0xFFFFC000  }
0x509: {  	_ =	swait.ge [sflag:s7], $0x4000  }
0x50a: {  	s0 =	sld [smem:$0x773]  }
0x50b: {  	[sflag:s7] =	ssyncset.done $0x0  }
0x50c: {  	s3 =	sld [smem:$0x774];
	[sflag:s7] =	ssyncadd.s32 $0xFFFFC000  }
0x50d: {  	[hbm4b:s0+s2] =	stream.linear.scatter [tilespmem:s2], [sflag:$0x5], $0x4000, $0x38;
	[tilespmem:$0x10000] =	vst v63  }
0x50e: {  	s0 =	sld [smem:$0x775]  }
0x50f: {  	[tilespmem:s2], [sflag:$0x1] =	stream.linear.gather [hbm4b:s3+s2], $0x4000, $0x38;
	[tilespmem:$0x10000] =	vst v63  }
0x510: {  	_ = 	snop  }
0x511: {  	[tilespmem:s21], [sflag:$0x3] =	stream.linear.gather [hbm4b:s0+s2], $0x4000, $0x38;
	[tilespmem:$0x10000] =	vst v63  }
0x512: {  	_ =	swait.ge [sflag:s10], $0x4000  }
0x513: {  	[sflag:s10] =	ssyncset.done $0x0  }
0x514: {  	[sflag:s10] =	ssyncadd.s32 $0xFFFFC000  }
0x515: {  	_ =	swait.ge [sflag:s8], $0x4000  }
0x516: {  	[sflag:s8] =	ssyncset.done $0x0  }
0x517: {  	[sflag:s8] =	ssyncadd.s32 $0xFFFFC000  }
0x518: {  	_ =	swait.ge [sflag:s5], $0x4000  }
0x519: {  	s0 =	sld [smem:$0x776]  }
0x51a: {  	[sflag:s5] =	ssyncset.done $0x0  }
0x51b: {  	s3 =	sld [smem:$0x777];
	[sflag:s5] =	ssyncadd.s32 $0xFFFFC000  }
0x51c: {  	[hbm4b:s0+s2] =	stream.linear.scatter [tilespmem:s4], [sflag:$0x6], $0x4000, $0x38;
	[tilespmem:$0x10000] =	vst v63  }
0x51d: {  	s0 =	sld [smem:$0x778]  }
0x51e: {  	[tilespmem:s4], [sflag:$0x2] =	stream.linear.gather [hbm4b:s3+s2], $0x4000, $0x38;
	[tilespmem:$0x10000] =	vst v63  }
0x51f: {  	_ = 	snop  }
0x520: {  	[tilespmem:s14], [sflag:$0x4] =	stream.linear.gather [hbm4b:s0+s2], $0x4000, $0x38;
	[tilespmem:$0x10000] =	vst v63  }
0x521: {  	_ =	swait.ge [sflag:s15], $0x4000  }
0x522: {  	[sflag:s15] =	ssyncset.done $0x0  }
0x523: {  	[sflag:s15] =	ssyncadd.s32 $0xFFFFC000  }
0x524: {  	_ =	swait.ge [sflag:s13], $0x4000  }
0x525: {  	[sflag:s13] =	ssyncset.done $0x0  }
0x526: {  	[sflag:s13] =	ssyncadd.s32 $0xFFFFC000  }
0x527: {  	_ =	swait.ge [sflag:s7], $0x4000  }
0x528: {  	s0 =	sld [smem:$0x779]  }
0x529: {  	[sflag:s7] =	ssyncset.done $0x0  }
0x52a: {  	s3 =	sld [smem:$0x77A];
	[sflag:s7] =	ssyncadd.s32 $0xFFFFC000  }
0x52b: {  	[hbm4b:s0+s2] =	stream.linear.scatter [tilespmem:s2], [sflag:$0x5], $0x4000, $0x38;
	[tilespmem:$0x10000] =	vst v63  }
0x52c: {  	s0 =	sld [smem:$0x77B]  }
0x52d: {  	[tilespmem:s2], [sflag:$0x1] =	stream.linear.gather [hbm4b:s3+s2], $0x4000, $0x38;
	[tilespmem:$0x10000] =	vst v63  }
0x52e: {  	_ = 	snop  }
0x52f: {  	[tilespmem:s21], [sflag:$0x3] =	stream.linear.gather [hbm4b:s0+s2], $0x4000, $0x38;
	[tilespmem:$0x10000] =	vst v63  }
0x530: {  	_ =	swait.ge [sflag:s10], $0x4000  }
0x531: {  	[sflag:s10] =	ssyncset.done $0x0  }
0x532: {  	[sflag:s10] =	ssyncadd.s32 $0xFFFFC000  }
0x533: {  	_ =	swait.ge [sflag:s8], $0x4000  }
0x534: {  	[sflag:s8] =	ssyncset.done $0x0  }
0x535: {  	[sflag:s8] =	ssyncadd.s32 $0xFFFFC000  }
0x536: {  	_ =	swait.ge [sflag:s5], $0x4000  }
0x537: {  	s0 =	sld [smem:$0x77C]  }
0x538: {  	[sflag:s5] =	ssyncset.done $0x0  }
0x539: {  	s3 =	sld [smem:$0x77D];
	[sflag:s5] =	ssyncadd.s32 $0xFFFFC000  }
0x53a: {  	[hbm4b:s0+s2] =	stream.linear.scatter [tilespmem:s4], [sflag:$0x6], $0x4000, $0x38;
	[tilespmem:$0x10000] =	vst v63  }
0x53b: {  	s0 =	sld [smem:$0x77E]  }
0x53c: {  	[tilespmem:s4], [sflag:$0x2] =	stream.linear.gather [hbm4b:s3+s2], $0x4000, $0x38;
	[tilespmem:$0x10000] =	vst v63  }
0x53d: {  	_ = 	snop  }
0x53e: {  	[tilespmem:s14], [sflag:$0x4] =	stream.linear.gather [hbm4b:s0+s2], $0x4000, $0x38;
	[tilespmem:$0x10000] =	vst v63  }
0x53f: {  	_ =	swait.ge [sflag:s15], $0x4000  }
0x540: {  	[sflag:s15] =	ssyncset.done $0x0  }
0x541: {  	[sflag:s15] =	ssyncadd.s32 $0xFFFFC000  }
0x542: {  	_ =	swait.ge [sflag:s13], $0x4000  }
0x543: {  	[sflag:s13] =	ssyncset.done $0x0  }
0x544: {  	[sflag:s13] =	ssyncadd.s32 $0xFFFFC000  }
0x545: {  	_ =	swait.ge [sflag:s7], $0x4000  }
0x546: {  	s0 =	sld [smem:$0x77F]  }
0x547: {  	[sflag:s7] =	ssyncset.done $0x0  }
0x548: {  	s3 =	sld [smem:$0x780];
	[sflag:s7] =	ssyncadd.s32 $0xFFFFC000  }
0x549: {  	[hbm4b:s0+s2] =	stream.linear.scatter [tilespmem:s2], [sflag:$0x5], $0x4000, $0x38;
	[tilespmem:$0x10000] =	vst v63  }
0x54a: {  	s0 =	sld [smem:$0x781]  }
0x54b: {  	[tilespmem:s2], [sflag:$0x1] =	stream.linear.gather [hbm4b:s3+s2], $0x4000, $0x38;
	[tilespmem:$0x10000] =	vst v63  }
0x54c: {  	_ = 	snop  }
0x54d: {  	[tilespmem:s21], [sflag:$0x3] =	stream.linear.gather [hbm4b:s0+s2], $0x4000, $0x38;
	[tilespmem:$0x10000] =	vst v63  }
0x54e: {  	_ =	swait.ge [sflag:s10], $0x4000  }
0x54f: {  	[sflag:s10] =	ssyncset.done $0x0  }
0x550: {  	[sflag:s10] =	ssyncadd.s32 $0xFFFFC000  }
0x551: {  	_ =	swait.ge [sflag:s8], $0x4000  }
0x552: {  	[sflag:s8] =	ssyncset.done $0x0  }
0x553: {  	[sflag:s8] =	ssyncadd.s32 $0xFFFFC000  }
0x554: {  	_ =	swait.ge [sflag:s5], $0x4000  }
0x555: {  	s0 =	sld [smem:$0x782]  }
0x556: {  	[sflag:s5] =	ssyncset.done $0x0  }
0x557: {  	s3 =	sld [smem:$0x783];
	[sflag:s5] =	ssyncadd.s32 $0xFFFFC000  }
0x558: {  	[hbm4b:s0+s2] =	stream.linear.scatter [tilespmem:s4], [sflag:$0x6], $0x4000, $0x38;
	[tilespmem:$0x10000] =	vst v63  }
0x559: {  	s0 =	sld [smem:$0x784]  }
0x55a: {  	[tilespmem:s4], [sflag:$0x2] =	stream.linear.gather [hbm4b:s3+s2], $0x4000, $0x38;
	[tilespmem:$0x10000] =	vst v63  }
0x55b: {  	_ = 	snop  }
0x55c: {  	[tilespmem:s14], [sflag:$0x4] =	stream.linear.gather [hbm4b:s0+s2], $0x4000, $0x38;
	[tilespmem:$0x10000] =	vst v63  }
0x55d: {  	_ =	swait.ge [sflag:s15], $0x4000  }
0x55e: {  	[sflag:s15] =	ssyncset.done $0x0  }
0x55f: {  	[sflag:s15] =	ssyncadd.s32 $0xFFFFC000  }
0x560: {  	_ =	swait.ge [sflag:s13], $0x4000  }
0x561: {  	[sflag:s13] =	ssyncset.done $0x0  }
0x562: {  	[sflag:s13] =	ssyncadd.s32 $0xFFFFC000  }
0x563: {  	_ =	swait.ge [sflag:s7], $0x4000  }
0x564: {  	s0 =	sld [smem:$0x785]  }
0x565: {  	[sflag:s7] =	ssyncset.done $0x0  }
0x566: {  	s3 =	sld [smem:$0x786];
	[sflag:s7] =	ssyncadd.s32 $0xFFFFC000  }
0x567: {  	[hbm4b:s0+s2] =	stream.linear.scatter [tilespmem:s2], [sflag:$0x5], $0x4000, $0x38;
	[tilespmem:$0x10000] =	vst v63  }
0x568: {  	s0 =	sld [smem:$0x787]  }
0x569: {  	[tilespmem:s2], [sflag:$0x1] =	stream.linear.gather [hbm4b:s3+s2], $0x4000, $0x38;
	[tilespmem:$0x10000] =	vst v63  }
0x56a: {  	_ = 	snop  }
0x56b: {  	[tilespmem:s21], [sflag:$0x3] =	stream.linear.gather [hbm4b:s0+s2], $0x4000, $0x38;
	[tilespmem:$0x10000] =	vst v63  }
0x56c: {  	_ =	swait.ge [sflag:s10], $0x4000  }
0x56d: {  	[sflag:s10] =	ssyncset.done $0x0  }
0x56e: {  	[sflag:s10] =	ssyncadd.s32 $0xFFFFC000  }
0x56f: {  	_ =	swait.ge [sflag:s8], $0x4000  }
0x570: {  	[sflag:s8] =	ssyncset.done $0x0  }
0x571: {  	[sflag:s8] =	ssyncadd.s32 $0xFFFFC000  }
0x572: {  	_ =	swait.ge [sflag:s5], $0x4000  }
0x573: {  	s0 =	sld [smem:$0x788]  }
0x574: {  	[sflag:s5] =	ssyncset.done $0x0  }
0x575: {  	s3 =	sld [smem:$0x789];
	[sflag:s5] =	ssyncadd.s32 $0xFFFFC000  }
0x576: {  	[hbm4b:s0+s2] =	stream.linear.scatter [tilespmem:s4], [sflag:$0x6], $0x4000, $0x38;
	[tilespmem:$0x10000] =	vst v63  }
0x577: {  	s0 =	sld [smem:$0x78A]  }
0x578: {  	[tilespmem:s4], [sflag:$0x2] =	stream.linear.gather [hbm4b:s3+s2], $0x4000, $0x38;
	[tilespmem:$0x10000] =	vst v63  }
0x579: {  	_ = 	snop  }
0x57a: {  	[tilespmem:s14], [sflag:$0x4] =	stream.linear.gather [hbm4b:s0+s2], $0x4000, $0x38;
	[tilespmem:$0x10000] =	vst v63  }
0x57b: {  	_ =	swait.ge [sflag:s15], $0x4000  }
0x57c: {  	[sflag:s15] =	ssyncset.done $0x0  }
0x57d: {  	[sflag:s15] =	ssyncadd.s32 $0xFFFFC000  }
0x57e: {  	_ =	swait.ge [sflag:s13], $0x4000  }
0x57f: {  	[sflag:s13] =	ssyncset.done $0x0  }
0x580: {  	[sflag:s13] =	ssyncadd.s32 $0xFFFFC000  }
0x581: {  	_ =	swait.ge [sflag:s7], $0x4000  }
0x582: {  	s0 =	sld [smem:$0x78B]  }
0x583: {  	[sflag:s7] =	ssyncset.done $0x0  }
0x584: {  	s3 =	sld [smem:$0x78C];
	[sflag:s7] =	ssyncadd.s32 $0xFFFFC000  }
0x585: {  	[hbm4b:s0+s2] =	stream.linear.scatter [tilespmem:s2], [sflag:$0x5], $0x4000, $0x38;
	[tilespmem:$0x10000] =	vst v63  }
0x586: {  	s0 =	sld [smem:$0x78D]  }
0x587: {  	[tilespmem:s2], [sflag:$0x1] =	stream.linear.gather [hbm4b:s3+s2], $0x4000, $0x38;
	[tilespmem:$0x10000] =	vst v63  }
0x588: {  	_ = 	snop  }
0x589: {  	[tilespmem:s21], [sflag:$0x3] =	stream.linear.gather [hbm4b:s0+s2], $0x4000, $0x38;
	[tilespmem:$0x10000] =	vst v63  }
0x58a: {  	_ =	swait.ge [sflag:s10], $0x4000  }
0x58b: {  	[sflag:s10] =	ssyncset.done $0x0  }
0x58c: {  	[sflag:s10] =	ssyncadd.s32 $0xFFFFC000  }
0x58d: {  	_ =	swait.ge [sflag:s8], $0x4000  }
0x58e: {  	[sflag:s8] =	ssyncset.done $0x0  }
0x58f: {  	[sflag:s8] =	ssyncadd.s32 $0xFFFFC000  }
0x590: {  	_ =	swait.ge [sflag:s5], $0x4000  }
0x591: {  	s0 =	sld [smem:$0x78E]  }
0x592: {  	[sflag:s5] =	ssyncset.done $0x0  }
0x593: {  	s3 =	sld [smem:$0x78F];
	[sflag:s5] =	ssyncadd.s32 $0xFFFFC000  }
0x594: {  	[hbm4b:s0+s2] =	stream.linear.scatter [tilespmem:s4], [sflag:$0x6], $0x4000, $0x38;
	[tilespmem:$0x10000] =	vst v63  }
0x595: {  	s0 =	sld [smem:$0x790]  }
0x596: {  	[tilespmem:s4], [sflag:$0x2] =	stream.linear.gather [hbm4b:s3+s2], $0x4000, $0x38;
	[tilespmem:$0x10000] =	vst v63  }
0x597: {  	_ = 	snop  }
0x598: {  	[tilespmem:s14], [sflag:$0x4] =	stream.linear.gather [hbm4b:s0+s2], $0x4000, $0x38;
	[tilespmem:$0x10000] =	vst v63  }
0x599: {  	_ =	swait.ge [sflag:s15], $0x4000  }
0x59a: {  	[sflag:s15] =	ssyncset.done $0x0  }
0x59b: {  	[sflag:s15] =	ssyncadd.s32 $0xFFFFC000  }
0x59c: {  	_ =	swait.ge [sflag:s13], $0x4000  }
0x59d: {  	[sflag:s13] =	ssyncset.done $0x0  }
0x59e: {  	[sflag:s13] =	ssyncadd.s32 $0xFFFFC000  }
0x59f: {  	_ =	swait.ge [sflag:s7], $0x4000  }
0x5a0: {  	[sflag:s7] =	ssyncset.done $0x0  }
0x5a1: {  	[sflag:s7] =	ssyncadd.s32 $0xFFFFC000  }
0x5a2: {  	s0 =	sld [smem:$0x791];
	_ =	sdelay $0x1  }
0x5a3: {  	s3 =	sld [smem:$0x792]  }
0x5a4: {  	[hbm4b:s0+s2] =	stream.linear.scatter [tilespmem:s2], [sflag:$0x5], $0x4000, $0x38;
	[tilespmem:$0x10000] =	vst v63  }
0x5a5: {  	s0 =	sld [smem:$0x793]  }
0x5a6: {  	[tilespmem:s2], [sflag:$0x1] =	stream.linear.gather [hbm4b:s3+s2], $0x4000, $0x38;
	[tilespmem:$0x10000] =	vst v63  }
0x5a7: {  	_ = 	snop  }
0x5a8: {  	[tilespmem:s21], [sflag:$0x3] =	stream.linear.gather [hbm4b:s0+s2], $0x4000, $0x38;
	[tilespmem:$0x10000] =	vst v63  }
0x5a9: {  	_ =	swait.ge [sflag:s10], $0x4000  }
0x5aa: {  	[sflag:s10] =	ssyncset.done $0x0  }
0x5ab: {  	[sflag:s10] =	ssyncadd.s32 $0xFFFFC000  }
0x5ac: {  	_ =	swait.ge [sflag:s8], $0x4000  }
0x5ad: {  	[sflag:s8] =	ssyncset.done $0x0  }
0x5ae: {  	[sflag:s8] =	ssyncadd.s32 $0xFFFFC000  }
0x5af: {  	_ =	swait.ge [sflag:s5], $0x4000  }
0x5b0: {  	s0 =	sld [smem:$0x794]  }
0x5b1: {  	[sflag:s5] =	ssyncset.done $0x0  }
0x5b2: {  	s3 =	sld [smem:$0x795];
	[sflag:s5] =	ssyncadd.s32 $0xFFFFC000  }
0x5b3: {  	[hbm4b:s0+s2] =	stream.linear.scatter [tilespmem:s4], [sflag:$0x6], $0x4000, $0x38;
	[tilespmem:$0x10000] =	vst v63  }
0x5b4: {  	s0 =	sld [smem:$0x796]  }
0x5b5: {  	[tilespmem:s4], [sflag:$0x2] =	stream.linear.gather [hbm4b:s3+s2], $0x4000, $0x38;
	[tilespmem:$0x10000] =	vst v63  }
0x5b6: {  	_ = 	snop  }
0x5b7: {  	[tilespmem:s14], [sflag:$0x4] =	stream.linear.gather [hbm4b:s0+s2], $0x4000, $0x38;
	[tilespmem:$0x10000] =	vst v63  }
0x5b8: {  	_ =	swait.ge [sflag:s15], $0x4000  }
0x5b9: {  	[sflag:s15] =	ssyncset.done $0x0  }
0x5ba: {  	[sflag:s15] =	ssyncadd.s32 $0xFFFFC000  }
0x5bb: {  	_ =	swait.ge [sflag:s13], $0x4000  }
0x5bc: {  	[sflag:s13] =	ssyncset.done $0x0  }
0x5bd: {  	[sflag:s13] =	ssyncadd.s32 $0xFFFFC000  }
0x5be: {  	_ =	swait.ge [sflag:s7], $0x4000  }
0x5bf: {  	s0 =	sld [smem:$0x797]  }
0x5c0: {  	[sflag:s7] =	ssyncset.done $0x0  }
0x5c1: {  	s3 =	sld [smem:$0x798];
	[sflag:s7] =	ssyncadd.s32 $0xFFFFC000  }
0x5c2: {  	[hbm4b:s0+s2] =	stream.linear.scatter [tilespmem:s2], [sflag:$0x5], $0x4000, $0x38;
	[tilespmem:$0x10000] =	vst v63  }
0x5c3: {  	s0 =	sld [smem:$0x799]  }
0x5c4: {  	[tilespmem:s2], [sflag:$0x1] =	stream.linear.gather [hbm4b:s3+s2], $0x4000, $0x38;
	[tilespmem:$0x10000] =	vst v63  }
0x5c5: {  	_ = 	snop  }
0x5c6: {  	[tilespmem:s21], [sflag:$0x3] =	stream.linear.gather [hbm4b:s0+s2], $0x4000, $0x38;
	[tilespmem:$0x10000] =	vst v63  }
0x5c7: {  	_ =	swait.ge [sflag:s10], $0x4000  }
0x5c8: {  	[sflag:s10] =	ssyncset.done $0x0  }
0x5c9: {  	[sflag:s10] =	ssyncadd.s32 $0xFFFFC000  }
0x5ca: {  	_ =	swait.ge [sflag:s8], $0x4000  }
0x5cb: {  	[sflag:s8] =	ssyncset.done $0x0  }
0x5cc: {  	[sflag:s8] =	ssyncadd.s32 $0xFFFFC000  }
0x5cd: {  	_ =	swait.ge [sflag:s5], $0x4000  }
0x5ce: {  	s0 =	sld [smem:$0x79A]  }
0x5cf: {  	[sflag:s5] =	ssyncset.done $0x0  }
0x5d0: {  	s3 =	sld [smem:$0x79B];
	[sflag:s5] =	ssyncadd.s32 $0xFFFFC000  }
0x5d1: {  	[hbm4b:s0+s2] =	stream.linear.scatter [tilespmem:s4], [sflag:$0x6], $0x4000, $0x38;
	[tilespmem:$0x10000] =	vst v63  }
0x5d2: {  	s0 =	sld [smem:$0x79C]  }
0x5d3: {  	[tilespmem:s4], [sflag:$0x2] =	stream.linear.gather [hbm4b:s3+s2], $0x4000, $0x38;
	[tilespmem:$0x10000] =	vst v63  }
0x5d4: {  	_ = 	snop  }
0x5d5: {  	[tilespmem:s14], [sflag:$0x4] =	stream.linear.gather [hbm4b:s0+s2], $0x4000, $0x38;
	[tilespmem:$0x10000] =	vst v63  }
0x5d6: {  	_ =	swait.ge [sflag:s15], $0x4000  }
0x5d7: {  	[sflag:s15] =	ssyncset.done $0x0  }
0x5d8: {  	[sflag:s15] =	ssyncadd.s32 $0xFFFFC000  }
0x5d9: {  	_ =	swait.ge [sflag:s13], $0x4000  }
0x5da: {  	[sflag:s13] =	ssyncset.done $0x0  }
0x5db: {  	[sflag:s13] =	ssyncadd.s32 $0xFFFFC000  }
0x5dc: {  	_ =	swait.ge [sflag:s7], $0x4000  }
0x5dd: {  	s0 =	sld [smem:$0x79D]  }
0x5de: {  	[sflag:s7] =	ssyncset.done $0x0  }
0x5df: {  	s3 =	sld [smem:$0x79E];
	[sflag:s7] =	ssyncadd.s32 $0xFFFFC000  }
0x5e0: {  	[hbm4b:s0+s2] =	stream.linear.scatter [tilespmem:s2], [sflag:$0x5], $0x4000, $0x38;
	[tilespmem:$0x10000] =	vst v63  }
0x5e1: {  	s0 =	sld [smem:$0x79F]  }
0x5e2: {  	[tilespmem:s2], [sflag:$0x1] =	stream.linear.gather [hbm4b:s3+s2], $0x4000, $0x38;
	[tilespmem:$0x10000] =	vst v63  }
0x5e3: {  	_ = 	snop  }
0x5e4: {  	[tilespmem:s21], [sflag:$0x3] =	stream.linear.gather [hbm4b:s0+s2], $0x4000, $0x38;
	[tilespmem:$0x10000] =	vst v63  }
0x5e5: {  	_ =	swait.ge [sflag:s10], $0x4000  }
0x5e6: {  	[sflag:s10] =	ssyncset.done $0x0  }
0x5e7: {  	[sflag:s10] =	ssyncadd.s32 $0xFFFFC000  }
0x5e8: {  	_ =	swait.ge [sflag:s8], $0x4000  }
0x5e9: {  	[sflag:s8] =	ssyncset.done $0x0  }
0x5ea: {  	[sflag:s8] =	ssyncadd.s32 $0xFFFFC000  }
0x5eb: {  	_ =	swait.ge [sflag:s5], $0x4000  }
0x5ec: {  	s0 =	sld [smem:$0x7A0]  }
0x5ed: {  	[sflag:s5] =	ssyncset.done $0x0  }
0x5ee: {  	s3 =	sld [smem:$0x7A1];
	[sflag:s5] =	ssyncadd.s32 $0xFFFFC000  }
0x5ef: {  	[hbm4b:s0+s2] =	stream.linear.scatter [tilespmem:s4], [sflag:$0x6], $0x4000, $0x38;
	[tilespmem:$0x10000] =	vst v63  }
0x5f0: {  	s0 =	sld [smem:$0x7A2]  }
0x5f1: {  	[tilespmem:s4], [sflag:$0x2] =	stream.linear.gather [hbm4b:s3+s2], $0x4000, $0x38;
	[tilespmem:$0x10000] =	vst v63  }
0x5f2: {  	_ = 	snop  }
0x5f3: {  	[tilespmem:s14], [sflag:$0x4] =	stream.linear.gather [hbm4b:s0+s2], $0x4000, $0x38;
	[tilespmem:$0x10000] =	vst v63  }
0x5f4: {  	_ =	swait.ge [sflag:s15], $0x4000  }
0x5f5: {  	[sflag:s15] =	ssyncset.done $0x0  }
0x5f6: {  	[sflag:s15] =	ssyncadd.s32 $0xFFFFC000  }
0x5f7: {  	_ =	swait.ge [sflag:s13], $0x4000  }
0x5f8: {  	[sflag:s13] =	ssyncset.done $0x0  }
0x5f9: {  	[sflag:s13] =	ssyncadd.s32 $0xFFFFC000  }
0x5fa: {  	_ =	swait.ge [sflag:s7], $0x4000  }
0x5fb: {  	s0 =	sld [smem:$0x7A3]  }
0x5fc: {  	[sflag:s7] =	ssyncset.done $0x0  }
0x5fd: {  	s3 =	sld [smem:$0x7A4];
	[sflag:s7] =	ssyncadd.s32 $0xFFFFC000  }
0x5fe: {  	[hbm4b:s0+s2] =	stream.linear.scatter [tilespmem:s2], [sflag:$0x5], $0x4000, $0x38;
	[tilespmem:$0x10000] =	vst v63  }
0x5ff: {  	s0 =	sld [smem:$0x7A5]  }
0x600: {  	[tilespmem:s2], [sflag:$0x1] =	stream.linear.gather [hbm4b:s3+s2], $0x4000, $0x38;
	[tilespmem:$0x10000] =	vst v63  }
0x601: {  	_ = 	snop  }
0x602: {  	[tilespmem:s21], [sflag:$0x3] =	stream.linear.gather [hbm4b:s0+s2], $0x4000, $0x38;
	[tilespmem:$0x10000] =	vst v63  }
0x603: {  	_ =	swait.ge [sflag:s10], $0x4000  }
0x604: {  	[sflag:s10] =	ssyncset.done $0x0  }
0x605: {  	[sflag:s10] =	ssyncadd.s32 $0xFFFFC000  }
0x606: {  	_ =	swait.ge [sflag:s8], $0x4000  }
0x607: {  	[sflag:s8] =	ssyncset.done $0x0  }
0x608: {  	[sflag:s8] =	ssyncadd.s32 $0xFFFFC000  }
0x609: {  	_ =	swait.ge [sflag:s5], $0x4000  }
0x60a: {  	s0 =	sld [smem:$0x7A6]  }
0x60b: {  	[sflag:s5] =	ssyncset.done $0x0  }
0x60c: {  	s3 =	sld [smem:$0x7A7];
	[sflag:s5] =	ssyncadd.s32 $0xFFFFC000  }
0x60d: {  	[hbm4b:s0+s2] =	stream.linear.scatter [tilespmem:s4], [sflag:$0x6], $0x4000, $0x38;
	[tilespmem:$0x10000] =	vst v63  }
0x60e: {  	s0 =	sld [smem:$0x7A8]  }
0x60f: {  	[tilespmem:s4], [sflag:$0x2] =	stream.linear.gather [hbm4b:s3+s2], $0x4000, $0x38;
	[tilespmem:$0x10000] =	vst v63  }
0x610: {  	_ = 	snop  }
0x611: {  	[tilespmem:s14], [sflag:$0x4] =	stream.linear.gather [hbm4b:s0+s2], $0x4000, $0x38;
	[tilespmem:$0x10000] =	vst v63  }
0x612: {  	_ =	swait.ge [sflag:s15], $0x4000  }
0x613: {  	[sflag:s15] =	ssyncset.done $0x0  }
0x614: {  	[sflag:s15] =	ssyncadd.s32 $0xFFFFC000  }
0x615: {  	_ =	swait.ge [sflag:s13], $0x4000  }
0x616: {  	[sflag:s13] =	ssyncset.done $0x0  }
0x617: {  	[sflag:s13] =	ssyncadd.s32 $0xFFFFC000  }
0x618: {  	_ =	swait.ge [sflag:s7], $0x4000  }
0x619: {  	s0 =	sld [smem:$0x7A9]  }
0x61a: {  	[sflag:s7] =	ssyncset.done $0x0  }
0x61b: {  	s3 =	sld [smem:$0x7AA];
	[sflag:s7] =	ssyncadd.s32 $0xFFFFC000  }
0x61c: {  	[hbm4b:s0+s2] =	stream.linear.scatter [tilespmem:s2], [sflag:$0x5], $0x4000, $0x38;
	[tilespmem:$0x10000] =	vst v63  }
0x61d: {  	s0 =	sld [smem:$0x7AB]  }
0x61e: {  	[tilespmem:s2], [sflag:$0x1] =	stream.linear.gather [hbm4b:s3+s2], $0x4000, $0x38;
	[tilespmem:$0x10000] =	vst v63  }
0x61f: {  	_ = 	snop  }
0x620: {  	[tilespmem:s21], [sflag:$0x3] =	stream.linear.gather [hbm4b:s0+s2], $0x4000, $0x38;
	[tilespmem:$0x10000] =	vst v63  }
0x621: {  	_ =	swait.ge [sflag:s10], $0x4000  }
0x622: {  	[sflag:s10] =	ssyncset.done $0x0  }
0x623: {  	[sflag:s10] =	ssyncadd.s32 $0xFFFFC000  }
0x624: {  	_ =	swait.ge [sflag:s8], $0x4000  }
0x625: {  	[sflag:s8] =	ssyncset.done $0x0  }
0x626: {  	[sflag:s8] =	ssyncadd.s32 $0xFFFFC000  }
0x627: {  	_ =	swait.ge [sflag:s5], $0x4000  }
0x628: {  	s0 =	sld [smem:$0x7AC]  }
0x629: {  	[sflag:s5] =	ssyncset.done $0x0  }
0x62a: {  	s3 =	sld [smem:$0x7AD];
	[sflag:s5] =	ssyncadd.s32 $0xFFFFC000  }
0x62b: {  	[hbm4b:s0+s2] =	stream.linear.scatter [tilespmem:s4], [sflag:$0x6], $0x4000, $0x38;
	[tilespmem:$0x10000] =	vst v63  }
0x62c: {  	s0 =	sld [smem:$0x7AE]  }
0x62d: {  	[tilespmem:s4], [sflag:$0x2] =	stream.linear.gather [hbm4b:s3+s2], $0x4000, $0x38;
	[tilespmem:$0x10000] =	vst v63  }
0x62e: {  	_ = 	snop  }
0x62f: {  	[tilespmem:s14], [sflag:$0x4] =	stream.linear.gather [hbm4b:s0+s2], $0x4000, $0x38;
	[tilespmem:$0x10000] =	vst v63  }
0x630: {  	_ =	swait.ge [sflag:s15], $0x4000  }
0x631: {  	[sflag:s15] =	ssyncset.done $0x0  }
0x632: {  	[sflag:s15] =	ssyncadd.s32 $0xFFFFC000  }
0x633: {  	_ =	swait.ge [sflag:s13], $0x4000  }
0x634: {  	[sflag:s13] =	ssyncset.done $0x0  }
0x635: {  	[sflag:s13] =	ssyncadd.s32 $0xFFFFC000  }
0x636: {  	_ =	swait.ge [sflag:s7], $0x4000  }
0x637: {  	s0 =	sld [smem:$0x7AF]  }
0x638: {  	[sflag:s7] =	ssyncset.done $0x0  }
0x639: {  	s3 =	sld [smem:$0x7B0];
	[sflag:s7] =	ssyncadd.s32 $0xFFFFC000  }
0x63a: {  	[hbm4b:s0+s2] =	stream.linear.scatter [tilespmem:s2], [sflag:$0x5], $0x4000, $0x38;
	[tilespmem:$0x10000] =	vst v63  }
0x63b: {  	s0 =	sld [smem:$0x7B1]  }
0x63c: {  	[tilespmem:s2], [sflag:$0x1] =	stream.linear.gather [hbm4b:s3+s2], $0x4000, $0x38;
	[tilespmem:$0x10000] =	vst v63  }
0x63d: {  	_ = 	snop  }
0x63e: {  	[tilespmem:s21], [sflag:$0x3] =	stream.linear.gather [hbm4b:s0+s2], $0x4000, $0x38;
	[tilespmem:$0x10000] =	vst v63  }
0x63f: {  	_ =	swait.ge [sflag:s10], $0x4000  }
0x640: {  	[sflag:s10] =	ssyncset.done $0x0  }
0x641: {  	[sflag:s10] =	ssyncadd.s32 $0xFFFFC000  }
0x642: {  	_ =	swait.ge [sflag:s8], $0x4000  }
0x643: {  	[sflag:s8] =	ssyncset.done $0x0  }
0x644: {  	[sflag:s8] =	ssyncadd.s32 $0xFFFFC000  }
0x645: {  	_ =	swait.ge [sflag:s5], $0x4000  }
0x646: {  	s0 =	sld [smem:$0x7B2]  }
0x647: {  	[sflag:s5] =	ssyncset.done $0x0  }
0x648: {  	s3 =	sld [smem:$0x7B3];
	[sflag:s5] =	ssyncadd.s32 $0xFFFFC000  }
0x649: {  	[hbm4b:s0+s2] =	stream.linear.scatter [tilespmem:s4], [sflag:$0x6], $0x4000, $0x38;
	[tilespmem:$0x10000] =	vst v63  }
0x64a: {  	s0 =	sld [smem:$0x7B4]  }
0x64b: {  	[tilespmem:s4], [sflag:$0x2] =	stream.linear.gather [hbm4b:s3+s2], $0x4000, $0x38;
	[tilespmem:$0x10000] =	vst v63  }
0x64c: {  	_ = 	snop  }
0x64d: {  	[tilespmem:s14], [sflag:$0x4] =	stream.linear.gather [hbm4b:s0+s2], $0x4000, $0x38;
	[tilespmem:$0x10000] =	vst v63  }
0x64e: {  	_ =	swait.ge [sflag:s15], $0x4000  }
0x64f: {  	[sflag:s15] =	ssyncset.done $0x0  }
0x650: {  	[sflag:s15] =	ssyncadd.s32 $0xFFFFC000  }
0x651: {  	_ =	swait.ge [sflag:s13], $0x4000  }
0x652: {  	[sflag:s13] =	ssyncset.done $0x0  }
0x653: {  	[sflag:s13] =	ssyncadd.s32 $0xFFFFC000  }
0x654: {  	_ =	swait.ge [sflag:s7], $0x4000  }
0x655: {  	s0 =	sld [smem:$0x7B5]  }
0x656: {  	[sflag:s7] =	ssyncset.done $0x0  }
0x657: {  	s3 =	sld [smem:$0x7B6];
	[sflag:s7] =	ssyncadd.s32 $0xFFFFC000  }
0x658: {  	[hbm4b:s0+s2] =	stream.linear.scatter [tilespmem:s2], [sflag:$0x5], $0x4000, $0x38;
	[tilespmem:$0x10000] =	vst v63  }
0x659: {  	s0 =	sld [smem:$0x7B7]  }
0x65a: {  	[tilespmem:s2], [sflag:$0x1] =	stream.linear.gather [hbm4b:s3+s2], $0x4000, $0x38;
	[tilespmem:$0x10000] =	vst v63  }
0x65b: {  	_ = 	snop  }
0x65c: {  	[tilespmem:s21], [sflag:$0x3] =	stream.linear.gather [hbm4b:s0+s2], $0x4000, $0x38;
	[tilespmem:$0x10000] =	vst v63  }
0x65d: {  	_ =	swait.ge [sflag:s10], $0x4000  }
0x65e: {  	[sflag:s10] =	ssyncset.done $0x0  }
0x65f: {  	[sflag:s10] =	ssyncadd.s32 $0xFFFFC000  }
0x660: {  	_ =	swait.ge [sflag:s8], $0x4000  }
0x661: {  	[sflag:s8] =	ssyncset.done $0x0  }
0x662: {  	[sflag:s8] =	ssyncadd.s32 $0xFFFFC000  }
0x663: {  	_ =	swait.ge [sflag:s5], $0x4000  }
0x664: {  	s0 =	sld [smem:$0x7B8]  }
0x665: {  	[sflag:s5] =	ssyncset.done $0x0  }
0x666: {  	s3 =	sld [smem:$0x7B9];
	[sflag:s5] =	ssyncadd.s32 $0xFFFFC000  }
0x667: {  	[hbm4b:s0+s2] =	stream.linear.scatter [tilespmem:s4], [sflag:$0x6], $0x4000, $0x38;
	[tilespmem:$0x10000] =	vst v63  }
0x668: {  	s0 =	sld [smem:$0x7BA]  }
0x669: {  	[tilespmem:s4], [sflag:$0x2] =	stream.linear.gather [hbm4b:s3+s2], $0x4000, $0x38;
	[tilespmem:$0x10000] =	vst v63  }
0x66a: {  	_ = 	snop  }
0x66b: {  	[tilespmem:s14], [sflag:$0x4] =	stream.linear.gather [hbm4b:s0+s2], $0x4000, $0x38;
	[tilespmem:$0x10000] =	vst v63  }
0x66c: {  	_ =	swait.ge [sflag:s15], $0x4000  }
0x66d: {  	[sflag:s15] =	ssyncset.done $0x0  }
0x66e: {  	[sflag:s15] =	ssyncadd.s32 $0xFFFFC000  }
0x66f: {  	_ =	swait.ge [sflag:s13], $0x4000  }
0x670: {  	[sflag:s13] =	ssyncset.done $0x0  }
0x671: {  	[sflag:s13] =	ssyncadd.s32 $0xFFFFC000  }
0x672: {  	_ =	swait.ge [sflag:s7], $0x4000  }
0x673: {  	s0 =	sld [smem:$0x7BB]  }
0x674: {  	[sflag:s7] =	ssyncset.done $0x0  }
0x675: {  	s3 =	sld [smem:$0x7BC];
	[sflag:s7] =	ssyncadd.s32 $0xFFFFC000  }
0x676: {  	[hbm4b:s0+s2] =	stream.linear.scatter [tilespmem:s2], [sflag:$0x5], $0x4000, $0x38;
	[tilespmem:$0x10000] =	vst v63  }
0x677: {  	s0 =	sld [smem:$0x7BD]  }
0x678: {  	[tilespmem:s2], [sflag:$0x1] =	stream.linear.gather [hbm4b:s3+s2], $0x4000, $0x38;
	[tilespmem:$0x10000] =	vst v63  }
0x679: {  	_ = 	snop  }
0x67a: {  	[tilespmem:s21], [sflag:$0x3] =	stream.linear.gather [hbm4b:s0+s2], $0x4000, $0x38;
	[tilespmem:$0x10000] =	vst v63  }
0x67b: {  	_ =	swait.ge [sflag:s10], $0x4000  }
0x67c: {  	[sflag:s10] =	ssyncset.done $0x0  }
0x67d: {  	[sflag:s10] =	ssyncadd.s32 $0xFFFFC000  }
0x67e: {  	_ =	swait.ge [sflag:s8], $0x4000  }
0x67f: {  	[sflag:s8] =	ssyncset.done $0x0  }
0x680: {  	[sflag:s8] =	ssyncadd.s32 $0xFFFFC000  }
0x681: {  	_ =	swait.ge [sflag:s5], $0x4000  }
0x682: {  	s0 =	sld [smem:$0x7BE]  }
0x683: {  	[sflag:s5] =	ssyncset.done $0x0  }
0x684: {  	s3 =	sld [smem:$0x7BF];
	[sflag:s5] =	ssyncadd.s32 $0xFFFFC000  }
0x685: {  	[hbm4b:s0+s2] =	stream.linear.scatter [tilespmem:s4], [sflag:$0x6], $0x4000, $0x38;
	[tilespmem:$0x10000] =	vst v63  }
0x686: {  	s0 =	sld [smem:$0x7C0]  }
0x687: {  	[tilespmem:s4], [sflag:$0x2] =	stream.linear.gather [hbm4b:s3+s2], $0x4000, $0x38;
	[tilespmem:$0x10000] =	vst v63  }
0x688: {  	_ = 	snop  }
0x689: {  	[tilespmem:s14], [sflag:$0x4] =	stream.linear.gather [hbm4b:s0+s2], $0x4000, $0x38;
	[tilespmem:$0x10000] =	vst v63  }
0x68a: {  	_ =	swait.ge [sflag:s15], $0x4000  }
0x68b: {  	[sflag:s15] =	ssyncset.done $0x0  }
0x68c: {  	[sflag:s15] =	ssyncadd.s32 $0xFFFFC000  }
0x68d: {  	_ =	swait.ge [sflag:s13], $0x4000  }
0x68e: {  	[sflag:s13] =	ssyncset.done $0x0  }
0x68f: {  	[sflag:s13] =	ssyncadd.s32 $0xFFFFC000  }
0x690: {  	_ =	swait.ge [sflag:s7], $0x4000  }
0x691: {  	s0 =	sld [smem:$0x7C1]  }
0x692: {  	[sflag:s7] =	ssyncset.done $0x0  }
0x693: {  	s3 =	sld [smem:$0x7C2];
	[sflag:s7] =	ssyncadd.s32 $0xFFFFC000  }
0x694: {  	[hbm4b:s0+s2] =	stream.linear.scatter [tilespmem:s2], [sflag:$0x5], $0x4000, $0x38;
	[tilespmem:$0x10000] =	vst v63  }
0x695: {  	s0 =	sld [smem:$0x7C3]  }
0x696: {  	[tilespmem:s2], [sflag:$0x1] =	stream.linear.gather [hbm4b:s3+s2], $0x4000, $0x38;
	[tilespmem:$0x10000] =	vst v63  }
0x697: {  	_ = 	snop  }
0x698: {  	[tilespmem:s21], [sflag:$0x3] =	stream.linear.gather [hbm4b:s0+s2], $0x4000, $0x38;
	[tilespmem:$0x10000] =	vst v63  }
0x699: {  	_ =	swait.ge [sflag:s10], $0x4000  }
0x69a: {  	[sflag:s10] =	ssyncset.done $0x0  }
0x69b: {  	[sflag:s10] =	ssyncadd.s32 $0xFFFFC000  }
0x69c: {  	_ =	swait.ge [sflag:s8], $0x4000  }
0x69d: {  	[sflag:s8] =	ssyncset.done $0x0  }
0x69e: {  	[sflag:s8] =	ssyncadd.s32 $0xFFFFC000  }
0x69f: {  	_ =	swait.ge [sflag:s5], $0x4000  }
0x6a0: {  	s0 =	sld [smem:$0x7C4]  }
0x6a1: {  	[sflag:s5] =	ssyncset.done $0x0  }
0x6a2: {  	s3 =	sld [smem:$0x7C5];
	[sflag:s5] =	ssyncadd.s32 $0xFFFFC000  }
0x6a3: {  	[hbm4b:s0+s2] =	stream.linear.scatter [tilespmem:s4], [sflag:$0x6], $0x4000, $0x38;
	[tilespmem:$0x10000] =	vst v63  }
0x6a4: {  	s0 =	sld [smem:$0x7C6]  }
0x6a5: {  	[tilespmem:s4], [sflag:$0x2] =	stream.linear.gather [hbm4b:s3+s2], $0x4000, $0x38;
	[tilespmem:$0x10000] =	vst v63  }
0x6a6: {  	_ = 	snop  }
0x6a7: {  	[tilespmem:s14], [sflag:$0x4] =	stream.linear.gather [hbm4b:s0+s2], $0x4000, $0x38;
	[tilespmem:$0x10000] =	vst v63  }
0x6a8: {  	_ =	swait.ge [sflag:s15], $0x4000  }
0x6a9: {  	[sflag:s15] =	ssyncset.done $0x0  }
0x6aa: {  	[sflag:s15] =	ssyncadd.s32 $0xFFFFC000  }
0x6ab: {  	_ =	swait.ge [sflag:s13], $0x4000  }
0x6ac: {  	[sflag:s13] =	ssyncset.done $0x0  }
0x6ad: {  	[sflag:s13] =	ssyncadd.s32 $0xFFFFC000  }
0x6ae: {  	_ =	swait.ge [sflag:s7], $0x4000  }
0x6af: {  	s0 =	sld [smem:$0x7C7]  }
0x6b0: {  	[sflag:s7] =	ssyncset.done $0x0  }
0x6b1: {  	s3 =	sld [smem:$0x7C8];
	[sflag:s7] =	ssyncadd.s32 $0xFFFFC000  }
0x6b2: {  	[hbm4b:s0+s2] =	stream.linear.scatter [tilespmem:s2], [sflag:$0x5], $0x4000, $0x38;
	[tilespmem:$0x10000] =	vst v63  }
0x6b3: {  	s0 =	sld [smem:$0x7C9]  }
0x6b4: {  	[tilespmem:s2], [sflag:$0x1] =	stream.linear.gather [hbm4b:s3+s2], $0x4000, $0x38;
	[tilespmem:$0x10000] =	vst v63  }
0x6b5: {  	_ = 	snop  }
0x6b6: {  	[tilespmem:s21], [sflag:$0x3] =	stream.linear.gather [hbm4b:s0+s2], $0x4000, $0x38;
	[tilespmem:$0x10000] =	vst v63  }
0x6b7: {  	_ =	swait.ge [sflag:s10], $0x4000  }
0x6b8: {  	[sflag:s10] =	ssyncset.done $0x0  }
0x6b9: {  	[sflag:s10] =	ssyncadd.s32 $0xFFFFC000  }
0x6ba: {  	_ =	swait.ge [sflag:s8], $0x4000  }
0x6bb: {  	[sflag:s8] =	ssyncset.done $0x0  }
0x6bc: {  	[sflag:s8] =	ssyncadd.s32 $0xFFFFC000  }
0x6bd: {  	_ =	swait.ge [sflag:s5], $0x4000  }
0x6be: {  	s0 =	sld [smem:$0x7CA]  }
0x6bf: {  	[sflag:s5] =	ssyncset.done $0x0  }
0x6c0: {  	s3 =	sld [smem:$0x7CB];
	[sflag:s5] =	ssyncadd.s32 $0xFFFFC000  }
0x6c1: {  	[hbm4b:s0+s2] =	stream.linear.scatter [tilespmem:s4], [sflag:$0x6], $0x4000, $0x38;
	[tilespmem:$0x10000] =	vst v63  }
0x6c2: {  	s0 =	sld [smem:$0x7CC]  }
0x6c3: {  	[tilespmem:s4], [sflag:$0x2] =	stream.linear.gather [hbm4b:s3+s2], $0x4000, $0x38;
	[tilespmem:$0x10000] =	vst v63  }
0x6c4: {  	_ = 	snop  }
0x6c5: {  	[tilespmem:s14], [sflag:$0x4] =	stream.linear.gather [hbm4b:s0+s2], $0x4000, $0x38;
	[tilespmem:$0x10000] =	vst v63  }
0x6c6: {  	_ =	swait.ge [sflag:s15], $0x4000  }
0x6c7: {  	[sflag:s15] =	ssyncset.done $0x0  }
0x6c8: {  	[sflag:s15] =	ssyncadd.s32 $0xFFFFC000  }
0x6c9: {  	_ =	swait.ge [sflag:s13], $0x4000  }
0x6ca: {  	[sflag:s13] =	ssyncset.done $0x0  }
0x6cb: {  	[sflag:s13] =	ssyncadd.s32 $0xFFFFC000  }
0x6cc: {  	_ =	swait.ge [sflag:s7], $0x4000  }
0x6cd: {  	s0 =	sld [smem:$0x7CD]  }
0x6ce: {  	[sflag:s7] =	ssyncset.done $0x0  }
0x6cf: {  	s3 =	sld [smem:$0x7CE];
	[sflag:s7] =	ssyncadd.s32 $0xFFFFC000  }
0x6d0: {  	[hbm4b:s0+s2] =	stream.linear.scatter [tilespmem:s2], [sflag:$0x5], $0x4000, $0x38;
	[tilespmem:$0x10000] =	vst v63  }
0x6d1: {  	s0 =	sld [smem:$0x7CF]  }
0x6d2: {  	[tilespmem:s2], [sflag:$0x1] =	stream.linear.gather [hbm4b:s3+s2], $0x4000, $0x38;
	[tilespmem:$0x10000] =	vst v63  }
0x6d3: {  	_ = 	snop  }
0x6d4: {  	[tilespmem:s21], [sflag:$0x3] =	stream.linear.gather [hbm4b:s0+s2], $0x4000, $0x38;
	[tilespmem:$0x10000] =	vst v63  }
0x6d5: {  	_ =	swait.ge [sflag:s10], $0x4000  }
0x6d6: {  	[sflag:s10] =	ssyncset.done $0x0  }
0x6d7: {  	[sflag:s10] =	ssyncadd.s32 $0xFFFFC000  }
0x6d8: {  	_ =	swait.ge [sflag:s8], $0x4000  }
0x6d9: {  	[sflag:s8] =	ssyncset.done $0x0  }
0x6da: {  	[sflag:s8] =	ssyncadd.s32 $0xFFFFC000  }
0x6db: {  	_ =	swait.ge [sflag:s5], $0x4000  }
0x6dc: {  	s0 =	sld [smem:$0x7D0]  }
0x6dd: {  	[sflag:s5] =	ssyncset.done $0x0  }
0x6de: {  	s3 =	sld [smem:$0x7D1];
	[sflag:s5] =	ssyncadd.s32 $0xFFFFC000  }
0x6df: {  	[hbm4b:s0+s2] =	stream.linear.scatter [tilespmem:s4], [sflag:$0x6], $0x4000, $0x38;
	[tilespmem:$0x10000] =	vst v63  }
0x6e0: {  	s0 =	sld [smem:$0x7D2]  }
0x6e1: {  	[tilespmem:s4], [sflag:$0x2] =	stream.linear.gather [hbm4b:s3+s2], $0x4000, $0x38;
	[tilespmem:$0x10000] =	vst v63  }
0x6e2: {  	_ = 	snop  }
0x6e3: {  	[tilespmem:s14], [sflag:$0x4] =	stream.linear.gather [hbm4b:s0+s2], $0x4000, $0x38;
	[tilespmem:$0x10000] =	vst v63  }
0x6e4: {  	_ =	swait.ge [sflag:s15], $0x4000  }
0x6e5: {  	[sflag:s15] =	ssyncset.done $0x0  }
0x6e6: {  	[sflag:s15] =	ssyncadd.s32 $0xFFFFC000  }
0x6e7: {  	_ =	swait.ge [sflag:s13], $0x4000  }
0x6e8: {  	[sflag:s13] =	ssyncset.done $0x0  }
0x6e9: {  	[sflag:s13] =	ssyncadd.s32 $0xFFFFC000  }
0x6ea: {  	_ =	swait.ge [sflag:s7], $0x4000  }
0x6eb: {  	s0 =	sld [smem:$0x7D3]  }
0x6ec: {  	[sflag:s7] =	ssyncset.done $0x0  }
0x6ed: {  	s3 =	sld [smem:$0x7D4];
	[sflag:s7] =	ssyncadd.s32 $0xFFFFC000  }
0x6ee: {  	[hbm4b:s0+s2] =	stream.linear.scatter [tilespmem:s2], [sflag:$0x5], $0x4000, $0x38;
	[tilespmem:$0x10000] =	vst v63  }
0x6ef: {  	s0 =	sld [smem:$0x7D5]  }
0x6f0: {  	[tilespmem:s2], [sflag:$0x1] =	stream.linear.gather [hbm4b:s3+s2], $0x4000, $0x38;
	[tilespmem:$0x10000] =	vst v63  }
0x6f1: {  	_ = 	snop  }
0x6f2: {  	[tilespmem:s21], [sflag:$0x3] =	stream.linear.gather [hbm4b:s0+s2], $0x4000, $0x38;
	[tilespmem:$0x10000] =	vst v63  }
0x6f3: {  	_ =	swait.ge [sflag:s10], $0x4000  }
0x6f4: {  	[sflag:s10] =	ssyncset.done $0x0  }
0x6f5: {  	[sflag:s10] =	ssyncadd.s32 $0xFFFFC000  }
0x6f6: {  	_ =	swait.ge [sflag:s8], $0x4000  }
0x6f7: {  	[sflag:s8] =	ssyncset.done $0x0  }
0x6f8: {  	[sflag:s8] =	ssyncadd.s32 $0xFFFFC000  }
0x6f9: {  	_ =	swait.ge [sflag:s5], $0x4000  }
0x6fa: {  	s0 =	sld [smem:$0x7D6]  }
0x6fb: {  	[sflag:s5] =	ssyncset.done $0x0  }
0x6fc: {  	s3 =	sld [smem:$0x7D7];
	[sflag:s5] =	ssyncadd.s32 $0xFFFFC000  }
0x6fd: {  	[hbm4b:s0+s2] =	stream.linear.scatter [tilespmem:s4], [sflag:$0x6], $0x4000, $0x38;
	[tilespmem:$0x10000] =	vst v63  }
0x6fe: {  	s0 =	sld [smem:$0x7D8]  }
0x6ff: {  	[tilespmem:s4], [sflag:$0x2] =	stream.linear.gather [hbm4b:s3+s2], $0x4000, $0x38;
	[tilespmem:$0x10000] =	vst v63  }
0x700: {  	_ = 	snop  }
0x701: {  	[tilespmem:s14], [sflag:$0x4] =	stream.linear.gather [hbm4b:s0+s2], $0x4000, $0x38;
	[tilespmem:$0x10000] =	vst v63  }
0x702: {  	_ =	swait.ge [sflag:s15], $0x4000  }
0x703: {  	[sflag:s15] =	ssyncset.done $0x0  }
0x704: {  	[sflag:s15] =	ssyncadd.s32 $0xFFFFC000  }
0x705: {  	_ =	swait.ge [sflag:s13], $0x4000  }
0x706: {  	[sflag:s13] =	ssyncset.done $0x0  }
0x707: {  	[sflag:s13] =	ssyncadd.s32 $0xFFFFC000  }
0x708: {  	_ =	swait.ge [sflag:s7], $0x4000  }
0x709: {  	s0 =	sld [smem:$0x7D9]  }
0x70a: {  	[sflag:s7] =	ssyncset.done $0x0  }
0x70b: {  	s3 =	sld [smem:$0x7DA];
	[sflag:s7] =	ssyncadd.s32 $0xFFFFC000  }
0x70c: {  	[hbm4b:s0+s2] =	stream.linear.scatter [tilespmem:s2], [sflag:$0x5], $0x4000, $0x38;
	[tilespmem:$0x10000] =	vst v63  }
0x70d: {  	s0 =	sld [smem:$0x7DB]  }
0x70e: {  	[tilespmem:s2], [sflag:$0x1] =	stream.linear.gather [hbm4b:s3+s2], $0x4000, $0x38;
	[tilespmem:$0x10000] =	vst v63  }
0x70f: {  	_ = 	snop  }
0x710: {  	[tilespmem:s21], [sflag:$0x3] =	stream.linear.gather [hbm4b:s0+s2], $0x4000, $0x38;
	[tilespmem:$0x10000] =	vst v63  }
0x711: {  	_ =	swait.ge [sflag:s10], $0x4000  }
0x712: {  	[sflag:s10] =	ssyncset.done $0x0  }
0x713: {  	[sflag:s10] =	ssyncadd.s32 $0xFFFFC000  }
0x714: {  	_ =	swait.ge [sflag:s8], $0x4000  }
0x715: {  	[sflag:s8] =	ssyncset.done $0x0  }
0x716: {  	[sflag:s8] =	ssyncadd.s32 $0xFFFFC000  }
0x717: {  	_ =	swait.ge [sflag:s5], $0x4000  }
0x718: {  	s0 =	sld [smem:$0x7DC]  }
0x719: {  	[sflag:s5] =	ssyncset.done $0x0  }
0x71a: {  	s3 =	sld [smem:$0x7DD];
	[sflag:s5] =	ssyncadd.s32 $0xFFFFC000  }
0x71b: {  	[hbm4b:s0+s2] =	stream.linear.scatter [tilespmem:s4], [sflag:$0x6], $0x4000, $0x38;
	[tilespmem:$0x10000] =	vst v63  }
0x71c: {  	s0 =	sld [smem:$0x7DE]  }
0x71d: {  	[tilespmem:s4], [sflag:$0x2] =	stream.linear.gather [hbm4b:s3+s2], $0x4000, $0x38;
	[tilespmem:$0x10000] =	vst v63  }
0x71e: {  	_ = 	snop  }
0x71f: {  	[tilespmem:s14], [sflag:$0x4] =	stream.linear.gather [hbm4b:s0+s2], $0x4000, $0x38;
	[tilespmem:$0x10000] =	vst v63  }
0x720: {  	_ =	swait.ge [sflag:s15], $0x4000  }
0x721: {  	[sflag:s15] =	ssyncset.done $0x0  }
0x722: {  	[sflag:s15] =	ssyncadd.s32 $0xFFFFC000  }
0x723: {  	_ =	swait.ge [sflag:s13], $0x4000  }
0x724: {  	[sflag:s13] =	ssyncset.done $0x0  }
0x725: {  	[sflag:s13] =	ssyncadd.s32 $0xFFFFC000  }
0x726: {  	_ =	swait.ge [sflag:s7], $0x4000  }
0x727: {  	s0 =	sld [smem:$0x7DF]  }
0x728: {  	[sflag:s7] =	ssyncset.done $0x0  }
0x729: {  	s3 =	sld [smem:$0x7E0];
	[sflag:s7] =	ssyncadd.s32 $0xFFFFC000  }
0x72a: {  	[hbm4b:s0+s2] =	stream.linear.scatter [tilespmem:s2], [sflag:$0x5], $0x4000, $0x38;
	[tilespmem:$0x10000] =	vst v63  }
0x72b: {  	s0 =	sld [smem:$0x7E1]  }
0x72c: {  	[tilespmem:s2], [sflag:$0x1] =	stream.linear.gather [hbm4b:s3+s2], $0x4000, $0x38;
	[tilespmem:$0x10000] =	vst v63  }
0x72d: {  	_ = 	snop  }
0x72e: {  	[tilespmem:s21], [sflag:$0x3] =	stream.linear.gather [hbm4b:s0+s2], $0x4000, $0x38;
	[tilespmem:$0x10000] =	vst v63  }
0x72f: {  	_ =	swait.ge [sflag:s10], $0x4000  }
0x730: {  	[sflag:s10] =	ssyncset.done $0x0  }
0x731: {  	[sflag:s10] =	ssyncadd.s32 $0xFFFFC000  }
0x732: {  	_ =	swait.ge [sflag:s8], $0x4000  }
0x733: {  	[sflag:s8] =	ssyncset.done $0x0  }
0x734: {  	[sflag:s8] =	ssyncadd.s32 $0xFFFFC000  }
0x735: {  	_ =	swait.ge [sflag:s5], $0x4000  }
0x736: {  	s0 =	sld [smem:$0x7E2]  }
0x737: {  	[sflag:s5] =	ssyncset.done $0x0  }
0x738: {  	s3 =	sld [smem:$0x7E3];
	[sflag:s5] =	ssyncadd.s32 $0xFFFFC000  }
0x739: {  	[hbm4b:s0+s2] =	stream.linear.scatter [tilespmem:s4], [sflag:$0x6], $0x4000, $0x38;
	[tilespmem:$0x10000] =	vst v63  }
0x73a: {  	s0 =	sld [smem:$0x7E4]  }
0x73b: {  	[tilespmem:s4], [sflag:$0x2] =	stream.linear.gather [hbm4b:s3+s2], $0x4000, $0x38;
	[tilespmem:$0x10000] =	vst v63  }
0x73c: {  	_ = 	snop  }
0x73d: {  	[tilespmem:s14], [sflag:$0x4] =	stream.linear.gather [hbm4b:s0+s2], $0x4000, $0x38;
	[tilespmem:$0x10000] =	vst v63  }
0x73e: {  	_ =	swait.ge [sflag:s15], $0x4000  }
0x73f: {  	[sflag:s15] =	ssyncset.done $0x0  }
0x740: {  	[sflag:s15] =	ssyncadd.s32 $0xFFFFC000  }
0x741: {  	_ =	swait.ge [sflag:s13], $0x4000  }
0x742: {  	[sflag:s13] =	ssyncset.done $0x0  }
0x743: {  	[sflag:s13] =	ssyncadd.s32 $0xFFFFC000  }
0x744: {  	_ =	swait.ge [sflag:s7], $0x4000  }
0x745: {  	s0 =	sld [smem:$0x7E5]  }
0x746: {  	[sflag:s7] =	ssyncset.done $0x0  }
0x747: {  	s3 =	sld [smem:$0x7E6];
	[sflag:s7] =	ssyncadd.s32 $0xFFFFC000  }
0x748: {  	[hbm4b:s0+s2] =	stream.linear.scatter [tilespmem:s2], [sflag:$0x5], $0x4000, $0x38;
	[tilespmem:$0x10000] =	vst v63  }
0x749: {  	s0 =	sld [smem:$0x7E7]  }
0x74a: {  	[tilespmem:s2], [sflag:$0x1] =	stream.linear.gather [hbm4b:s3+s2], $0x4000, $0x38;
	[tilespmem:$0x10000] =	vst v63  }
0x74b: {  	_ = 	snop  }
0x74c: {  	[tilespmem:s21], [sflag:$0x3] =	stream.linear.gather [hbm4b:s0+s2], $0x4000, $0x38;
	[tilespmem:$0x10000] =	vst v63  }
0x74d: {  	_ =	swait.ge [sflag:s10], $0x4000  }
0x74e: {  	[sflag:s10] =	ssyncset.done $0x0  }
0x74f: {  	[sflag:s10] =	ssyncadd.s32 $0xFFFFC000  }
0x750: {  	_ =	swait.ge [sflag:s8], $0x4000  }
0x751: {  	[sflag:s8] =	ssyncset.done $0x0  }
0x752: {  	[sflag:s8] =	ssyncadd.s32 $0xFFFFC000  }
0x753: {  	_ =	swait.ge [sflag:s5], $0x4000  }
0x754: {  	s0 =	sld [smem:$0x7E8]  }
0x755: {  	[sflag:s5] =	ssyncset.done $0x0  }
0x756: {  	s3 =	sld [smem:$0x7E9];
	[sflag:s5] =	ssyncadd.s32 $0xFFFFC000  }
0x757: {  	[hbm4b:s0+s2] =	stream.linear.scatter [tilespmem:s4], [sflag:$0x6], $0x4000, $0x38;
	[tilespmem:$0x10000] =	vst v63  }
0x758: {  	s0 =	sld [smem:$0x7EA]  }
0x759: {  	[tilespmem:s4], [sflag:$0x2] =	stream.linear.gather [hbm4b:s3+s2], $0x4000, $0x38;
	[tilespmem:$0x10000] =	vst v63  }
0x75a: {  	_ = 	snop  }
0x75b: {  	[tilespmem:s14], [sflag:$0x4] =	stream.linear.gather [hbm4b:s0+s2], $0x4000, $0x38;
	[tilespmem:$0x10000] =	vst v63  }
0x75c: {  	_ =	swait.ge [sflag:s15], $0x4000  }
0x75d: {  	[sflag:s15] =	ssyncset.done $0x0  }
0x75e: {  	[sflag:s15] =	ssyncadd.s32 $0xFFFFC000  }
0x75f: {  	_ =	swait.ge [sflag:s13], $0x4000  }
0x760: {  	[sflag:s13] =	ssyncset.done $0x0  }
0x761: {  	[sflag:s13] =	ssyncadd.s32 $0xFFFFC000  }
0x762: {  	_ =	swait.ge [sflag:s7], $0x4000  }
0x763: {  	s0 =	sld [smem:$0x7EB]  }
0x764: {  	[sflag:s7] =	ssyncset.done $0x0  }
0x765: {  	s3 =	sld [smem:$0x7EC];
	[sflag:s7] =	ssyncadd.s32 $0xFFFFC000  }
0x766: {  	[hbm4b:s0+s2] =	stream.linear.scatter [tilespmem:s2], [sflag:$0x5], $0x4000, $0x38;
	[tilespmem:$0x10000] =	vst v63  }
0x767: {  	s0 =	sld [smem:$0x7ED]  }
0x768: {  	[tilespmem:s2], [sflag:$0x1] =	stream.linear.gather [hbm4b:s3+s2], $0x4000, $0x38;
	[tilespmem:$0x10000] =	vst v63  }
0x769: {  	_ = 	snop  }
0x76a: {  	[tilespmem:s21], [sflag:$0x3] =	stream.linear.gather [hbm4b:s0+s2], $0x4000, $0x38;
	[tilespmem:$0x10000] =	vst v63  }
0x76b: {  	_ =	swait.ge [sflag:s10], $0x4000  }
0x76c: {  	[sflag:s10] =	ssyncset.done $0x0  }
0x76d: {  	[sflag:s10] =	ssyncadd.s32 $0xFFFFC000  }
0x76e: {  	_ =	swait.ge [sflag:s8], $0x4000  }
0x76f: {  	[sflag:s8] =	ssyncset.done $0x0  }
0x770: {  	[sflag:s8] =	ssyncadd.s32 $0xFFFFC000  }
0x771: {  	_ =	swait.ge [sflag:s5], $0x4000  }
0x772: {  	s0 =	sld [smem:$0x7EE]  }
0x773: {  	[sflag:s5] =	ssyncset.done $0x0  }
0x774: {  	s3 =	sld [smem:$0x7EF];
	[sflag:s5] =	ssyncadd.s32 $0xFFFFC000  }
0x775: {  	[hbm4b:s0+s2] =	stream.linear.scatter [tilespmem:s4], [sflag:$0x6], $0x4000, $0x38;
	[tilespmem:$0x10000] =	vst v63  }
0x776: {  	s0 =	sld [smem:$0x7F0]  }
0x777: {  	[tilespmem:s4], [sflag:$0x2] =	stream.linear.gather [hbm4b:s3+s2], $0x4000, $0x38;
	[tilespmem:$0x10000] =	vst v63  }
0x778: {  	_ = 	snop  }
0x779: {  	[tilespmem:s14], [sflag:$0x4] =	stream.linear.gather [hbm4b:s0+s2], $0x4000, $0x38;
	[tilespmem:$0x10000] =	vst v63  }
0x77a: {  	_ =	swait.ge [sflag:s15], $0x4000  }
0x77b: {  	[sflag:s15] =	ssyncset.done $0x0  }
0x77c: {  	[sflag:s15] =	ssyncadd.s32 $0xFFFFC000  }
0x77d: {  	_ =	swait.ge [sflag:s13], $0x4000  }
0x77e: {  	[sflag:s13] =	ssyncset.done $0x0  }
0x77f: {  	[sflag:s13] =	ssyncadd.s32 $0xFFFFC000  }
0x780: {  	_ =	swait.ge [sflag:s7], $0x4000  }
0x781: {  	s0 =	sld [smem:$0x7F1]  }
0x782: {  	[sflag:s7] =	ssyncset.done $0x0  }
0x783: {  	s3 =	sld [smem:$0x7F2];
	[sflag:s7] =	ssyncadd.s32 $0xFFFFC000  }
0x784: {  	[hbm4b:s0+s2] =	stream.linear.scatter [tilespmem:s2], [sflag:$0x5], $0x4000, $0x38;
	[tilespmem:$0x10000] =	vst v63  }
0x785: {  	s0 =	sld [smem:$0x7F3]  }
0x786: {  	[tilespmem:s2], [sflag:$0x1] =	stream.linear.gather [hbm4b:s3+s2], $0x4000, $0x38;
	[tilespmem:$0x10000] =	vst v63  }
0x787: {  	_ = 	snop  }
0x788: {  	[tilespmem:s21], [sflag:$0x3] =	stream.linear.gather [hbm4b:s0+s2], $0x4000, $0x38;
	[tilespmem:$0x10000] =	vst v63  }
0x789: {  	_ =	swait.ge [sflag:s10], $0x4000  }
0x78a: {  	[sflag:s10] =	ssyncset.done $0x0  }
0x78b: {  	[sflag:s10] =	ssyncadd.s32 $0xFFFFC000  }
0x78c: {  	_ =	swait.ge [sflag:s8], $0x4000  }
0x78d: {  	[sflag:s8] =	ssyncset.done $0x0  }
0x78e: {  	[sflag:s8] =	ssyncadd.s32 $0xFFFFC000  }
0x78f: {  	_ =	swait.ge [sflag:s5], $0x4000  }
0x790: {  	s0 =	sld [smem:$0x7F4]  }
0x791: {  	[sflag:s5] =	ssyncset.done $0x0  }
0x792: {  	s3 =	sld [smem:$0x7F5];
	[sflag:s5] =	ssyncadd.s32 $0xFFFFC000  }
0x793: {  	[hbm4b:s0+s2] =	stream.linear.scatter [tilespmem:s4], [sflag:$0x6], $0x4000, $0x38;
	[tilespmem:$0x10000] =	vst v63  }
0x794: {  	s0 =	sld [smem:$0x7F6]  }
0x795: {  	[tilespmem:s4], [sflag:$0x2] =	stream.linear.gather [hbm4b:s3+s2], $0x4000, $0x38;
	[tilespmem:$0x10000] =	vst v63  }
0x796: {  	_ = 	snop  }
0x797: {  	[tilespmem:s14], [sflag:$0x4] =	stream.linear.gather [hbm4b:s0+s2], $0x4000, $0x38;
	[tilespmem:$0x10000] =	vst v63  }
0x798: {  	_ =	swait.ge [sflag:s15], $0x4000  }
0x799: {  	[sflag:s15] =	ssyncset.done $0x0  }
0x79a: {  	[sflag:s15] =	ssyncadd.s32 $0xFFFFC000  }
0x79b: {  	_ =	swait.ge [sflag:s13], $0x4000  }
0x79c: {  	[sflag:s13] =	ssyncset.done $0x0  }
0x79d: {  	[sflag:s13] =	ssyncadd.s32 $0xFFFFC000  }
0x79e: {  	_ =	swait.ge [sflag:s7], $0x4000  }
0x79f: {  	s0 =	sld [smem:$0x7F7]  }
0x7a0: {  	[sflag:s7] =	ssyncset.done $0x0  }
0x7a1: {  	s3 =	sld [smem:$0x7F8];
	[sflag:s7] =	ssyncadd.s32 $0xFFFFC000  }
0x7a2: {  	[hbm4b:s0+s2] =	stream.linear.scatter [tilespmem:s2], [sflag:$0x5], $0x4000, $0x38;
	[tilespmem:$0x10000] =	vst v63  }
0x7a3: {  	s0 =	sld [smem:$0x7F9]  }
0x7a4: {  	[tilespmem:s2], [sflag:$0x1] =	stream.linear.gather [hbm4b:s3+s2], $0x4000, $0x38;
	[tilespmem:$0x10000] =	vst v63  }
0x7a5: {  	_ = 	snop  }
0x7a6: {  	[tilespmem:s21], [sflag:$0x3] =	stream.linear.gather [hbm4b:s0+s2], $0x4000, $0x38;
	[tilespmem:$0x10000] =	vst v63  }
0x7a7: {  	_ =	swait.ge [sflag:s10], $0x4000  }
0x7a8: {  	[sflag:s10] =	ssyncset.done $0x0  }
0x7a9: {  	[sflag:s10] =	ssyncadd.s32 $0xFFFFC000  }
0x7aa: {  	_ =	swait.ge [sflag:s8], $0x4000  }
0x7ab: {  	[sflag:s8] =	ssyncset.done $0x0  }
0x7ac: {  	[sflag:s8] =	ssyncadd.s32 $0xFFFFC000  }
0x7ad: {  	_ =	swait.ge [sflag:s5], $0x4000  }
0x7ae: {  	s0 =	sld [smem:$0x7FA]  }
0x7af: {  	[sflag:s5] =	ssyncset.done $0x0  }
0x7b0: {  	s3 =	sld [smem:$0x7FB];
	[sflag:s5] =	ssyncadd.s32 $0xFFFFC000  }
0x7b1: {  	[hbm4b:s0+s2] =	stream.linear.scatter [tilespmem:s4], [sflag:$0x6], $0x4000, $0x38;
	[tilespmem:$0x10000] =	vst v63  }
0x7b2: {  	_ = 	snop  }
0x7b3: {  	[tilespmem:s4], [sflag:$0x2] =	stream.linear.gather [hbm4b:s3+s2], $0x4000, $0x38;
	[tilespmem:$0x10000] =	vst v63  }
0x7b4: {  	s0 =	sld [smem:$0x7FC];
	s3 =	smov.u32 s6;
	s6 =	smov.u32 s9  }
0x7b5: {  	s9 =	smov.u32 s11;
	s11 =	smov.u32 s12;
	s12 =	smov.u32 s16  }
0x7b6: {  	s16 =	smov.u32 s17;
	s17 =	smov.u32 s18;
	s18 =	smov.u32 s19  }
0x7b7: {  	s19 =	smov.u32 s20;
	s20 =	smov.u32 s22;
	s22 =	smov.u32 s23  }
0x7b8: {  	s23 =	smov.u32 s24;
	s24 =	smov.u32 s25;
	s25 =	smov.u32 s26  }
0x7b9: {  	s26 =	smov.u32 s28;
	s28 =	smov.u32 s29;
	s29 =	smov.u32 s30  }
0x7ba: {  	[tilespmem:s14], [sflag:$0x4] =	stream.linear.gather [hbm4b:s0+s2], $0x4000, $0x38;
	[tilespmem:$0x10000] =	vst v63  }
0x7bb: {  	s30 =	smov.u32 s31;
	s31 =	sld [smem:$0x76D];
	_ =	swait.ge [sflag:s15], $0x4000  }
0x7bc: {  	[sflag:s15] =	ssyncset.done $0x0  }
0x7bd: {  	[sflag:s15] =	ssyncadd.s32 $0xFFFFC000  }
0x7be: {  	_ =	swait.ge [sflag:s13], $0x4000  }
0x7bf: {  	[sflag:s13] =	ssyncset.done $0x0  }
0x7c0: {  	[sflag:s13] =	ssyncadd.s32 $0xFFFFC000  }
0x7c1: {  	_ =	swait.ge [sflag:s7], $0x4000  }
0x7c2: {  	s0 =	sld [smem:$0x7FD]  }
0x7c3: {  	[sflag:s7] =	ssyncset.done $0x0  }
0x7c4: {  	[sflag:s7] =	ssyncadd.s32 $0xFFFFC000  }
0x7c5: {  	[hbm4b:s0+s2] =	stream.linear.scatter [tilespmem:s2], [sflag:$0x5], $0x4000, $0x38;
	[tilespmem:$0x10000] =	vst v63  }
0x7c6: {  	_ = 	snop  }
0x7c7: {  	[tilespmem:s2], [sflag:$0x1] =	stream.linear.gather [hbm4b:s30+s2], $0x4000, $0x38;
	[tilespmem:$0x10000] =	vst v63  }
0x7c8: {  	_ = 	snop  }
0x7c9: {  	[tilespmem:s21], [sflag:$0x3] =	stream.linear.gather [hbm4b:s31+s2], $0x4000, $0x38;
	[tilespmem:$0x10000] =	vst v63  }
0x7ca: {  	_ =	swait.ge [sflag:s10], $0x4000  }
0x7cb: {  	[sflag:s10] =	ssyncset.done $0x0  }
0x7cc: {  	[sflag:s10] =	ssyncadd.s32 $0xFFFFC000  }
0x7cd: {  	_ =	swait.ge [sflag:s8], $0x4000  }
0x7ce: {  	[sflag:s8] =	ssyncset.done $0x0  }
0x7cf: {  	[sflag:s8] =	ssyncadd.s32 $0xFFFFC000  }
0x7d0: {  	_ =	swait.ge [sflag:s5], $0x4000  }
0x7d1: {  	[sflag:s5] =	ssyncset.done $0x0  }
0x7d2: {  	[sflag:s5] =	ssyncadd.s32 $0xFFFFC000  }
0x7d3: {  	[hbm4b:s26+s2] =	stream.linear.scatter [tilespmem:s4], [sflag:$0x6], $0x4000, $0x38;
	[tilespmem:$0x10000] =	vst v63  }
0x7d4: {  	_ = 	snop  }
0x7d5: {  	[tilespmem:s4], [sflag:$0x2] =	stream.linear.gather [hbm4b:s28+s2], $0x4000, $0x38;
	[tilespmem:$0x10000] =	vst v63  }
0x7d6: {  	_ = 	snop  }
0x7d7: {  	[tilespmem:s14], [sflag:$0x4] =	stream.linear.gather [hbm4b:s29+s2], $0x4000, $0x38;
	[tilespmem:$0x10000] =	vst v63  }
0x7d8: {  	_ =	swait.ge [sflag:s15], $0x4000  }
0x7d9: {  	[sflag:s15] =	ssyncset.done $0x0  }
0x7da: {  	[sflag:s15] =	ssyncadd.s32 $0xFFFFC000  }
0x7db: {  	_ =	swait.ge [sflag:s13], $0x4000  }
0x7dc: {  	[sflag:s13] =	ssyncset.done $0x0  }
0x7dd: {  	[sflag:s13] =	ssyncadd.s32 $0xFFFFC000  }
0x7de: {  	_ =	swait.ge [sflag:s7], $0x4000  }
0x7df: {  	[sflag:s7] =	ssyncset.done $0x0  }
0x7e0: {  	[sflag:s7] =	ssyncadd.s32 $0xFFFFC000  }
0x7e1: {  	[hbm4b:s23+s2] =	stream.linear.scatter [tilespmem:s2], [sflag:$0x5], $0x4000, $0x38;
	[tilespmem:$0x10000] =	vst v63  }
0x7e2: {  	_ = 	snop  }
0x7e3: {  	[tilespmem:s2], [sflag:$0x1] =	stream.linear.gather [hbm4b:s24+s2], $0x4000, $0x38;
	[tilespmem:$0x10000] =	vst v63  }
0x7e4: {  	_ = 	snop  }
0x7e5: {  	[tilespmem:s21], [sflag:$0x3] =	stream.linear.gather [hbm4b:s25+s2], $0x4000, $0x38;
	[tilespmem:$0x10000] =	vst v63  }
0x7e6: {  	_ =	swait.ge [sflag:s10], $0x4000  }
0x7e7: {  	[sflag:s10] =	ssyncset.done $0x0  }
0x7e8: {  	[sflag:s10] =	ssyncadd.s32 $0xFFFFC000  }
0x7e9: {  	_ =	swait.ge [sflag:s8], $0x4000  }
0x7ea: {  	[sflag:s8] =	ssyncset.done $0x0  }
0x7eb: {  	[sflag:s8] =	ssyncadd.s32 $0xFFFFC000  }
0x7ec: {  	_ =	swait.ge [sflag:s5], $0x4000  }
0x7ed: {  	[sflag:s5] =	ssyncset.done $0x0  }
0x7ee: {  	[sflag:s5] =	ssyncadd.s32 $0xFFFFC000  }
0x7ef: {  	[hbm4b:s19+s2] =	stream.linear.scatter [tilespmem:s4], [sflag:$0x6], $0x4000, $0x38;
	[tilespmem:$0x10000] =	vst v63  }
0x7f0: {  	_ = 	snop  }
0x7f1: {  	[tilespmem:s4], [sflag:$0x2] =	stream.linear.gather [hbm4b:s20+s2], $0x4000, $0x38;
	[tilespmem:$0x10000] =	vst v63  }
0x7f2: {  	_ = 	snop  }
0x7f3: {  	[tilespmem:s14], [sflag:$0x4] =	stream.linear.gather [hbm4b:s22+s2], $0x4000, $0x38;
	[tilespmem:$0x10000] =	vst v63  }
0x7f4: {  	_ =	swait.ge [sflag:s15], $0x4000  }
0x7f5: {  	[sflag:s15] =	ssyncset.done $0x0  }
0x7f6: {  	[sflag:s15] =	ssyncadd.s32 $0xFFFFC000  }
0x7f7: {  	_ =	swait.ge [sflag:s13], $0x4000  }
0x7f8: {  	[sflag:s13] =	ssyncset.done $0x0  }
0x7f9: {  	[sflag:s13] =	ssyncadd.s32 $0xFFFFC000  }
0x7fa: {  	_ =	swait.ge [sflag:s7], $0x4000  }
0x7fb: {  	[sflag:s7] =	ssyncset.done $0x0  }
0x7fc: {  	[sflag:s7] =	ssyncadd.s32 $0xFFFFC000  }
0x7fd: {  	[hbm4b:s16+s2] =	stream.linear.scatter [tilespmem:s2], [sflag:$0x5], $0x4000, $0x38;
	[tilespmem:$0x10000] =	vst v63  }
0x7fe: {  	_ = 	snop  }
0x7ff: {  	[tilespmem:s2], [sflag:$0x1] =	stream.linear.gather [hbm4b:s17+s2], $0x4000, $0x38;
	[tilespmem:$0x10000] =	vst v63  }
0x800: {  	_ = 	snop  }
0x801: {  	[tilespmem:s21], [sflag:$0x3] =	stream.linear.gather [hbm4b:s18+s2], $0x4000, $0x38;
	[tilespmem:$0x10000] =	vst v63  }
0x802: {  	_ =	swait.ge [sflag:s10], $0x4000  }
0x803: {  	[sflag:s10] =	ssyncset.done $0x0  }
0x804: {  	[sflag:s10] =	ssyncadd.s32 $0xFFFFC000  }
0x805: {  	_ =	swait.ge [sflag:s8], $0x4000  }
0x806: {  	[sflag:s8] =	ssyncset.done $0x0  }
0x807: {  	[sflag:s8] =	ssyncadd.s32 $0xFFFFC000  }
0x808: {  	_ =	swait.ge [sflag:s5], $0x4000  }
0x809: {  	[sflag:s5] =	ssyncset.done $0x0  }
0x80a: {  	[sflag:s5] =	ssyncadd.s32 $0xFFFFC000  }
0x80b: {  	[hbm4b:s9+s2] =	stream.linear.scatter [tilespmem:s4], [sflag:$0x6], $0x4000, $0x38;
	[tilespmem:$0x10000] =	vst v63  }
0x80c: {  	_ = 	snop  }
0x80d: {  	[tilespmem:s4], [sflag:$0x2] =	stream.linear.gather [hbm4b:s11+s2], $0x4000, $0x38;
	[tilespmem:$0x10000] =	vst v63  }
0x80e: {  	_ = 	snop  }
0x80f: {  	[tilespmem:s14], [sflag:$0x4] =	stream.linear.gather [hbm4b:s12+s2], $0x4000, $0x38;
	[tilespmem:$0x10000] =	vst v63  }
0x810: {  	_ =	swait.ge [sflag:s15], $0x4000  }
0x811: {  	[sflag:s15] =	ssyncset.done $0x0  }
0x812: {  	[sflag:s15] =	ssyncadd.s32 $0xFFFFC000  }
0x813: {  	_ =	swait.ge [sflag:s13], $0x4000  }
0x814: {  	[sflag:s13] =	ssyncset.done $0x0  }
0x815: {  	[sflag:s13] =	ssyncadd.s32 $0xFFFFC000  }
0x816: {  	_ =	swait.ge [sflag:s7], $0x4000  }
0x817: {  	[sflag:s7] =	ssyncset.done $0x0  }
0x818: {  	[sflag:s7] =	ssyncadd.s32 $0xFFFFC000  }
0x819: {  	[hbm4b:s6+s2] =	stream.linear.scatter [tilespmem:s2], [sflag:$0x5], $0x4000, $0x38;
	[tilespmem:$0x10000] =	vst v63  }
0x81a: {  	_ =	swait.ge [sflag:s10], $0x4000  }
0x81b: {  	[sflag:s10] =	ssyncset.done $0x0  }
0x81c: {  	[sflag:s10] =	ssyncadd.s32 $0xFFFFC000  }
0x81d: {  	_ =	swait.ge [sflag:s8], $0x4000  }
0x81e: {  	[sflag:s8] =	ssyncset.done $0x0  }
0x81f: {  	[sflag:s8] =	ssyncadd.s32 $0xFFFFC000  }
0x820: {  	_ =	swait.ge [sflag:s5], $0x4000  }
0x821: {  	[sflag:s5] =	ssyncset.done $0x0  }
0x822: {  	p1 =	sne.s32 s1, $0x1;
	[sflag:s5] =	ssyncadd.s32 $0xFFFFC000  }
0x823: {  	[hbm4b:s3+s2] =	stream.linear.scatter [tilespmem:s4], [sflag:$0x6], $0x4000, $0x38;
	[tilespmem:$0x10000] =	vst v63  }
.Ltmp2:
0x824: {  	_ =	swait.ge [sflag:s7], $0x4000;
	(pc) =	sbr.rel @p1 .LBB2_2-.Ltmp2, $4  }
0x825: {  	[sflag:s7] =	ssyncset.done $0x0  }
0x826: {  	[sflag:s7] =	ssyncadd.s32 $0xFFFFC000  }
0x827: {  	_ =	swait.ge [sflag:s5], $0x4000  }
0x828: {  	s1 =	sadd.s32 $0xFFFFFFFF, s1;
	s0 =	rddreg [dreg:$0x3];
	[sflag:s5] =	ssyncset.done $0x0  }
.LBB2_3:
0x829: {  	[sflag:s5] =	ssyncadd.s32 @p0 $0xFFFFC000  }
0x82a: {  	[tilespmem:s2], [sflag:$0x1] =	stream.linear.gather [hbm4b:s0+s2], $0x4000, $0x38;
	[tilespmem:$0x10000] =	vst v63  }
0x82b: {  	s1 =	rddreg [dreg:$0x4]  }
0x82c: {  	[tilespmem:s21], [sflag:$0x3] =	stream.linear.gather [hbm4b:s1+s2], $0x4000, $0x38;
	[tilespmem:$0x10000] =	vst v63  }
0x82d: {  	s0 =	rddreg [dreg:$0x5]  }
0x82e: {  	[tilespmem:s4], [sflag:$0x2] =	stream.linear.gather [hbm4b:s0+s2], $0x4000, $0x38;
	[tilespmem:$0x10000] =	vst v63  }
0x82f: {  	s1 =	rddreg [dreg:$0x6]  }
0x830: {  	[tilespmem:s14], [sflag:$0x4] =	stream.linear.gather [hbm4b:s1+s2], $0x4000, $0x38;
	[tilespmem:$0x10000] =	vst v63  }
0x831: {  	_ =	swait.ge [sflag:s15], $0x4000  }
0x832: {  	[sflag:s15] =	ssyncset.done $0x0  }
0x833: {  	[sflag:s15] =	ssyncadd.s32 $0xFFFFC000  }
0x834: {  	_ =	swait.ge [sflag:s13], $0x4000  }
0x835: {  	[sflag:s13] =	ssyncset.done $0x0  }
0x836: {  	s0 =	rddreg [dreg:$0x7];
	[sflag:s13] =	ssyncadd.s32 $0xFFFFC000  }
0x837: {  	[hbm4b:s0+s2] =	stream.linear.scatter [tilespmem:s2], [sflag:$0x5], $0x4000, $0x38;
	[tilespmem:$0x10000] =	vst v63  }
0x838: {  	s1 =	rddreg [dreg:$0x8]  }
0x839: {  	[tilespmem:s2], [sflag:$0x1] =	stream.linear.gather [hbm4b:s1+s2], $0x4000, $0x38;
	[tilespmem:$0x10000] =	vst v63  }
0x83a: {  	s0 =	rddreg [dreg:$0x9]  }
0x83b: {  	[tilespmem:s21], [sflag:$0x3] =	stream.linear.gather [hbm4b:s0+s2], $0x4000, $0x38;
	[tilespmem:$0x10000] =	vst v63  }
0x83c: {  	_ =	swait.ge [sflag:s10], $0x4000  }
0x83d: {  	[sflag:s10] =	ssyncset.done $0x0  }
0x83e: {  	[sflag:s10] =	ssyncadd.s32 $0xFFFFC000  }
0x83f: {  	_ =	swait.ge [sflag:s8], $0x4000  }
0x840: {  	[sflag:s8] =	ssyncset.done $0x0  }
0x841: {  	s0 =	rddreg [dreg:$0xa];
	[sflag:s8] =	ssyncadd.s32 $0xFFFFC000  }
0x842: {  	[hbm4b:s0+s2] =	stream.linear.scatter [tilespmem:s4], [sflag:$0x6], $0x4000, $0x38;
	[tilespmem:$0x10000] =	vst v63  }
0x843: {  	s1 =	rddreg [dreg:$0xb]  }
0x844: {  	[tilespmem:s4], [sflag:$0x2] =	stream.linear.gather [hbm4b:s1+s2], $0x4000, $0x38;
	[tilespmem:$0x10000] =	vst v63  }
0x845: {  	s0 =	rddreg [dreg:$0xc]  }
0x846: {  	[tilespmem:s14], [sflag:$0x4] =	stream.linear.gather [hbm4b:s0+s2], $0x4000, $0x38;
	[tilespmem:$0x10000] =	vst v63  }
0x847: {  	_ =	swait.ge [sflag:s15], $0x4000  }
0x848: {  	[sflag:s15] =	ssyncset.done $0x0  }
0x849: {  	[sflag:s15] =	ssyncadd.s32 $0xFFFFC000  }
0x84a: {  	_ =	swait.ge [sflag:s13], $0x4000  }
0x84b: {  	[sflag:s13] =	ssyncset.done $0x0  }
0x84c: {  	[sflag:s13] =	ssyncadd.s32 $0xFFFFC000  }
0x84d: {  	_ =	swait.ge [sflag:s7], $0x4000  }
0x84e: {  	[sflag:s7] =	ssyncset.done $0x0  }
0x84f: {  	s0 =	rddreg [dreg:$0xd];
	[sflag:s7] =	ssyncadd.s32 $0xFFFFC000  }
0x850: {  	[hbm4b:s0+s2] =	stream.linear.scatter [tilespmem:s2], [sflag:$0x5], $0x4000, $0x38;
	[tilespmem:$0x10000] =	vst v63  }
0x851: {  	s1 =	rddreg [dreg:$0xe]  }
0x852: {  	[tilespmem:s2], [sflag:$0x1] =	stream.linear.gather [hbm4b:s1+s2], $0x4000, $0x38;
	[tilespmem:$0x10000] =	vst v63  }
0x853: {  	s0 =	rddreg [dreg:$0xf]  }
0x854: {  	[tilespmem:s21], [sflag:$0x3] =	stream.linear.gather [hbm4b:s0+s2], $0x4000, $0x38;
	[tilespmem:$0x10000] =	vst v63  }
0x855: {  	_ =	swait.ge [sflag:s10], $0x4000  }
0x856: {  	[sflag:s10] =	ssyncset.done $0x0  }
0x857: {  	[sflag:s10] =	ssyncadd.s32 $0xFFFFC000  }
0x858: {  	_ =	swait.ge [sflag:s8], $0x4000  }
0x859: {  	[sflag:s8] =	ssyncset.done $0x0  }
0x85a: {  	[sflag:s8] =	ssyncadd.s32 $0xFFFFC000  }
0x85b: {  	_ =	swait.ge [sflag:s5], $0x4000  }
0x85c: {  	[sflag:s5] =	ssyncset.done $0x0  }
0x85d: {  	s0 =	rddreg [dreg:$0x10];
	[sflag:s5] =	ssyncadd.s32 $0xFFFFC000  }
0x85e: {  	[hbm4b:s0+s2] =	stream.linear.scatter [tilespmem:s4], [sflag:$0x6], $0x4000, $0x38;
	[tilespmem:$0x10000] =	vst v63  }
0x85f: {  	s1 =	rddreg [dreg:$0x11]  }
0x860: {  	[tilespmem:s4], [sflag:$0x2] =	stream.linear.gather [hbm4b:s1+s2], $0x4000, $0x38;
	[tilespmem:$0x10000] =	vst v63  }
0x861: {  	s0 =	rddreg [dreg:$0x12]  }
0x862: {  	[tilespmem:s14], [sflag:$0x4] =	stream.linear.gather [hbm4b:s0+s2], $0x4000, $0x38;
	[tilespmem:$0x10000] =	vst v63  }
0x863: {  	_ =	swait.ge [sflag:s15], $0x4000  }
0x864: {  	[sflag:s15] =	ssyncset.done $0x0  }
0x865: {  	[sflag:s15] =	ssyncadd.s32 $0xFFFFC000  }
0x866: {  	_ =	swait.ge [sflag:s13], $0x4000  }
0x867: {  	[sflag:s13] =	ssyncset.done $0x0  }
0x868: {  	[sflag:s13] =	ssyncadd.s32 $0xFFFFC000  }
0x869: {  	_ =	swait.ge [sflag:s7], $0x4000  }
0x86a: {  	[sflag:s7] =	ssyncset.done $0x0  }
0x86b: {  	s0 =	rddreg [dreg:$0x13];
	[sflag:s7] =	ssyncadd.s32 $0xFFFFC000  }
0x86c: {  	[hbm4b:s0+s2] =	stream.linear.scatter [tilespmem:s2], [sflag:$0x5], $0x4000, $0x38;
	[tilespmem:$0x10000] =	vst v63  }
0x86d: {  	s1 =	rddreg [dreg:$0x14]  }
0x86e: {  	[tilespmem:s2], [sflag:$0x1] =	stream.linear.gather [hbm4b:s1+s2], $0x4000, $0x38;
	[tilespmem:$0x10000] =	vst v63  }
0x86f: {  	s0 =	rddreg [dreg:$0x15]  }
0x870: {  	[tilespmem:s21], [sflag:$0x3] =	stream.linear.gather [hbm4b:s0+s2], $0x4000, $0x38;
	[tilespmem:$0x10000] =	vst v63  }
0x871: {  	_ =	swait.ge [sflag:s10], $0x4000  }
0x872: {  	[sflag:s10] =	ssyncset.done $0x0  }
0x873: {  	[sflag:s10] =	ssyncadd.s32 $0xFFFFC000  }
0x874: {  	_ =	swait.ge [sflag:s8], $0x4000  }
0x875: {  	[sflag:s8] =	ssyncset.done $0x0  }
0x876: {  	[sflag:s8] =	ssyncadd.s32 $0xFFFFC000  }
0x877: {  	_ =	swait.ge [sflag:s5], $0x4000  }
0x878: {  	[sflag:s5] =	ssyncset.done $0x0  }
0x879: {  	s0 =	rddreg [dreg:$0x16];
	[sflag:s5] =	ssyncadd.s32 $0xFFFFC000  }
0x87a: {  	[hbm4b:s0+s2] =	stream.linear.scatter [tilespmem:s4], [sflag:$0x6], $0x4000, $0x38;
	[tilespmem:$0x10000] =	vst v63  }
0x87b: {  	s1 =	rddreg [dreg:$0x17]  }
0x87c: {  	[tilespmem:s4], [sflag:$0x2] =	stream.linear.gather [hbm4b:s1+s2], $0x4000, $0x38;
	[tilespmem:$0x10000] =	vst v63  }
0x87d: {  	s0 =	rddreg [dreg:$0x18]  }
0x87e: {  	[tilespmem:s14], [sflag:$0x4] =	stream.linear.gather [hbm4b:s0+s2], $0x4000, $0x38;
	[tilespmem:$0x10000] =	vst v63  }
0x87f: {  	_ =	swait.ge [sflag:s15], $0x4000  }
0x880: {  	[sflag:s15] =	ssyncset.done $0x0  }
0x881: {  	[sflag:s15] =	ssyncadd.s32 $0xFFFFC000  }
0x882: {  	_ =	swait.ge [sflag:s13], $0x4000  }
0x883: {  	[sflag:s13] =	ssyncset.done $0x0  }
0x884: {  	[sflag:s13] =	ssyncadd.s32 $0xFFFFC000  }
0x885: {  	_ =	swait.ge [sflag:s7], $0x4000  }
0x886: {  	[sflag:s7] =	ssyncset.done $0x0  }
0x887: {  	s0 =	rddreg [dreg:$0x19];
	[sflag:s7] =	ssyncadd.s32 $0xFFFFC000  }
0x888: {  	[hbm4b:s0+s2] =	stream.linear.scatter [tilespmem:s2], [sflag:$0x5], $0x4000, $0x38;
	[tilespmem:$0x10000] =	vst v63  }
0x889: {  	s1 =	rddreg [dreg:$0x1a]  }
0x88a: {  	[tilespmem:s2], [sflag:$0x1] =	stream.linear.gather [hbm4b:s1+s2], $0x4000, $0x38;
	[tilespmem:$0x10000] =	vst v63  }
0x88b: {  	s0 =	rddreg [dreg:$0x1b]  }
0x88c: {  	[tilespmem:s21], [sflag:$0x3] =	stream.linear.gather [hbm4b:s0+s2], $0x4000, $0x38;
	[tilespmem:$0x10000] =	vst v63  }
0x88d: {  	_ =	swait.ge [sflag:s10], $0x4000  }
0x88e: {  	[sflag:s10] =	ssyncset.done $0x0  }
0x88f: {  	[sflag:s10] =	ssyncadd.s32 $0xFFFFC000  }
0x890: {  	_ =	swait.ge [sflag:s8], $0x4000  }
0x891: {  	[sflag:s8] =	ssyncset.done $0x0  }
0x892: {  	[sflag:s8] =	ssyncadd.s32 $0xFFFFC000  }
0x893: {  	_ =	swait.ge [sflag:s5], $0x4000  }
0x894: {  	[sflag:s5] =	ssyncset.done $0x0  }
0x895: {  	s0 =	rddreg [dreg:$0x1c];
	[sflag:s5] =	ssyncadd.s32 $0xFFFFC000  }
0x896: {  	[hbm4b:s0+s2] =	stream.linear.scatter [tilespmem:s4], [sflag:$0x6], $0x4000, $0x38;
	[tilespmem:$0x10000] =	vst v63  }
0x897: {  	s1 =	rddreg [dreg:$0x1d]  }
0x898: {  	[tilespmem:s4], [sflag:$0x2] =	stream.linear.gather [hbm4b:s1+s2], $0x4000, $0x38;
	[tilespmem:$0x10000] =	vst v63  }
0x899: {  	s0 =	rddreg [dreg:$0x1e]  }
0x89a: {  	[tilespmem:s14], [sflag:$0x4] =	stream.linear.gather [hbm4b:s0+s2], $0x4000, $0x38;
	[tilespmem:$0x10000] =	vst v63  }
0x89b: {  	_ =	swait.ge [sflag:s15], $0x4000  }
0x89c: {  	[sflag:s15] =	ssyncset.done $0x0  }
0x89d: {  	[sflag:s15] =	ssyncadd.s32 $0xFFFFC000  }
0x89e: {  	_ =	swait.ge [sflag:s13], $0x4000  }
0x89f: {  	[sflag:s13] =	ssyncset.done $0x0  }
0x8a0: {  	[sflag:s13] =	ssyncadd.s32 $0xFFFFC000  }
0x8a1: {  	_ =	swait.ge [sflag:s7], $0x4000  }
0x8a2: {  	s0 =	rddreg [dreg:$0x1f];
	[sflag:s7] =	ssyncset.done $0x0  }
0x8a3: {  	s1 =	sld [smem:$0x76E];
	[sflag:s7] =	ssyncadd.s32 $0xFFFFC000  }
0x8a4: {  	[hbm4b:s0+s2] =	stream.linear.scatter [tilespmem:s2], [sflag:$0x5], $0x4000, $0x38;
	[tilespmem:$0x10000] =	vst v63  }
0x8a5: {  	s0 =	sld [smem:$0x76F]  }
0x8a6: {  	[tilespmem:s2], [sflag:$0x1] =	stream.linear.gather [hbm4b:s1+s2], $0x4000, $0x38;
	[tilespmem:$0x10000] =	vst v63  }
0x8a7: {  	_ = 	snop  }
0x8a8: {  	[tilespmem:s21], [sflag:$0x3] =	stream.linear.gather [hbm4b:s0+s2], $0x4000, $0x38;
	[tilespmem:$0x10000] =	vst v63  }
0x8a9: {  	_ =	swait.ge [sflag:s10], $0x4000  }
0x8aa: {  	[sflag:s10] =	ssyncset.done $0x0  }
0x8ab: {  	[sflag:s10] =	ssyncadd.s32 $0xFFFFC000  }
0x8ac: {  	_ =	swait.ge [sflag:s8], $0x4000  }
0x8ad: {  	[sflag:s8] =	ssyncset.done $0x0  }
0x8ae: {  	[sflag:s8] =	ssyncadd.s32 $0xFFFFC000  }
0x8af: {  	_ =	swait.ge [sflag:s5], $0x4000  }
0x8b0: {  	s0 =	sld [smem:$0x770]  }
0x8b1: {  	[sflag:s5] =	ssyncset.done $0x0  }
0x8b2: {  	s1 =	sld [smem:$0x771];
	[sflag:s5] =	ssyncadd.s32 $0xFFFFC000  }
0x8b3: {  	[hbm4b:s0+s2] =	stream.linear.scatter [tilespmem:s4], [sflag:$0x6], $0x4000, $0x38;
	[tilespmem:$0x10000] =	vst v63  }
0x8b4: {  	s0 =	sld [smem:$0x772]  }
0x8b5: {  	[tilespmem:s4], [sflag:$0x2] =	stream.linear.gather [hbm4b:s1+s2], $0x4000, $0x38;
	[tilespmem:$0x10000] =	vst v63  }
0x8b6: {  	_ = 	snop  }
0x8b7: {  	[tilespmem:s14], [sflag:$0x4] =	stream.linear.gather [hbm4b:s0+s2], $0x4000, $0x38;
	[tilespmem:$0x10000] =	vst v63  }
0x8b8: {  	_ =	swait.ge [sflag:s15], $0x4000  }
0x8b9: {  	[sflag:s15] =	ssyncset.done $0x0  }
0x8ba: {  	[sflag:s15] =	ssyncadd.s32 $0xFFFFC000  }
0x8bb: {  	_ =	swait.ge [sflag:s13], $0x4000  }
0x8bc: {  	[sflag:s13] =	ssyncset.done $0x0  }
0x8bd: {  	[sflag:s13] =	ssyncadd.s32 $0xFFFFC000  }
0x8be: {  	_ =	swait.ge [sflag:s7], $0x4000  }
0x8bf: {  	s0 =	sld [smem:$0x773]  }
0x8c0: {  	[sflag:s7] =	ssyncset.done $0x0  }
0x8c1: {  	s1 =	sld [smem:$0x774];
	[sflag:s7] =	ssyncadd.s32 $0xFFFFC000  }
0x8c2: {  	[hbm4b:s0+s2] =	stream.linear.scatter [tilespmem:s2], [sflag:$0x5], $0x4000, $0x38;
	[tilespmem:$0x10000] =	vst v63  }
0x8c3: {  	s0 =	sld [smem:$0x775]  }
0x8c4: {  	[tilespmem:s2], [sflag:$0x1] =	stream.linear.gather [hbm4b:s1+s2], $0x4000, $0x38;
	[tilespmem:$0x10000] =	vst v63  }
0x8c5: {  	_ = 	snop  }
0x8c6: {  	[tilespmem:s21], [sflag:$0x3] =	stream.linear.gather [hbm4b:s0+s2], $0x4000, $0x38;
	[tilespmem:$0x10000] =	vst v63  }
0x8c7: {  	_ =	swait.ge [sflag:s10], $0x4000  }
0x8c8: {  	[sflag:s10] =	ssyncset.done $0x0  }
0x8c9: {  	[sflag:s10] =	ssyncadd.s32 $0xFFFFC000  }
0x8ca: {  	_ =	swait.ge [sflag:s8], $0x4000  }
0x8cb: {  	[sflag:s8] =	ssyncset.done $0x0  }
0x8cc: {  	[sflag:s8] =	ssyncadd.s32 $0xFFFFC000  }
0x8cd: {  	_ =	swait.ge [sflag:s5], $0x4000  }
0x8ce: {  	s0 =	sld [smem:$0x776]  }
0x8cf: {  	[sflag:s5] =	ssyncset.done $0x0  }
0x8d0: {  	s1 =	sld [smem:$0x777];
	[sflag:s5] =	ssyncadd.s32 $0xFFFFC000  }
0x8d1: {  	[hbm4b:s0+s2] =	stream.linear.scatter [tilespmem:s4], [sflag:$0x6], $0x4000, $0x38;
	[tilespmem:$0x10000] =	vst v63  }
0x8d2: {  	s0 =	sld [smem:$0x778]  }
0x8d3: {  	[tilespmem:s4], [sflag:$0x2] =	stream.linear.gather [hbm4b:s1+s2], $0x4000, $0x38;
	[tilespmem:$0x10000] =	vst v63  }
0x8d4: {  	_ = 	snop  }
0x8d5: {  	[tilespmem:s14], [sflag:$0x4] =	stream.linear.gather [hbm4b:s0+s2], $0x4000, $0x38;
	[tilespmem:$0x10000] =	vst v63  }
0x8d6: {  	_ =	swait.ge [sflag:s15], $0x4000  }
0x8d7: {  	[sflag:s15] =	ssyncset.done $0x0  }
0x8d8: {  	[sflag:s15] =	ssyncadd.s32 $0xFFFFC000  }
0x8d9: {  	_ =	swait.ge [sflag:s13], $0x4000  }
0x8da: {  	[sflag:s13] =	ssyncset.done $0x0  }
0x8db: {  	[sflag:s13] =	ssyncadd.s32 $0xFFFFC000  }
0x8dc: {  	_ =	swait.ge [sflag:s7], $0x4000  }
0x8dd: {  	s0 =	sld [smem:$0x779]  }
0x8de: {  	[sflag:s7] =	ssyncset.done $0x0  }
0x8df: {  	s1 =	sld [smem:$0x77A];
	[sflag:s7] =	ssyncadd.s32 $0xFFFFC000  }
0x8e0: {  	[hbm4b:s0+s2] =	stream.linear.scatter [tilespmem:s2], [sflag:$0x5], $0x4000, $0x38;
	[tilespmem:$0x10000] =	vst v63  }
0x8e1: {  	s0 =	sld [smem:$0x77B]  }
0x8e2: {  	[tilespmem:s2], [sflag:$0x1] =	stream.linear.gather [hbm4b:s1+s2], $0x4000, $0x38;
	[tilespmem:$0x10000] =	vst v63  }
0x8e3: {  	_ = 	snop  }
0x8e4: {  	[tilespmem:s21], [sflag:$0x3] =	stream.linear.gather [hbm4b:s0+s2], $0x4000, $0x38;
	[tilespmem:$0x10000] =	vst v63  }
0x8e5: {  	_ =	swait.ge [sflag:s10], $0x4000  }
0x8e6: {  	[sflag:s10] =	ssyncset.done $0x0  }
0x8e7: {  	[sflag:s10] =	ssyncadd.s32 $0xFFFFC000  }
0x8e8: {  	_ =	swait.ge [sflag:s8], $0x4000  }
0x8e9: {  	[sflag:s8] =	ssyncset.done $0x0  }
0x8ea: {  	[sflag:s8] =	ssyncadd.s32 $0xFFFFC000  }
0x8eb: {  	_ =	swait.ge [sflag:s5], $0x4000  }
0x8ec: {  	s0 =	sld [smem:$0x77C]  }
0x8ed: {  	[sflag:s5] =	ssyncset.done $0x0  }
0x8ee: {  	s1 =	sld [smem:$0x77D];
	[sflag:s5] =	ssyncadd.s32 $0xFFFFC000  }
0x8ef: {  	[hbm4b:s0+s2] =	stream.linear.scatter [tilespmem:s4], [sflag:$0x6], $0x4000, $0x38;
	[tilespmem:$0x10000] =	vst v63  }
0x8f0: {  	s0 =	sld [smem:$0x77E]  }
0x8f1: {  	[tilespmem:s4], [sflag:$0x2] =	stream.linear.gather [hbm4b:s1+s2], $0x4000, $0x38;
	[tilespmem:$0x10000] =	vst v63  }
0x8f2: {  	_ = 	snop  }
0x8f3: {  	[tilespmem:s14], [sflag:$0x4] =	stream.linear.gather [hbm4b:s0+s2], $0x4000, $0x38;
	[tilespmem:$0x10000] =	vst v63  }
0x8f4: {  	_ =	swait.ge [sflag:s15], $0x4000  }
0x8f5: {  	[sflag:s15] =	ssyncset.done $0x0  }
0x8f6: {  	[sflag:s15] =	ssyncadd.s32 $0xFFFFC000  }
0x8f7: {  	_ =	swait.ge [sflag:s13], $0x4000  }
0x8f8: {  	[sflag:s13] =	ssyncset.done $0x0  }
0x8f9: {  	[sflag:s13] =	ssyncadd.s32 $0xFFFFC000  }
0x8fa: {  	_ =	swait.ge [sflag:s7], $0x4000  }
0x8fb: {  	s0 =	sld [smem:$0x77F]  }
0x8fc: {  	[sflag:s7] =	ssyncset.done $0x0  }
0x8fd: {  	s1 =	sld [smem:$0x780];
	[sflag:s7] =	ssyncadd.s32 $0xFFFFC000  }
0x8fe: {  	[hbm4b:s0+s2] =	stream.linear.scatter [tilespmem:s2], [sflag:$0x5], $0x4000, $0x38;
	[tilespmem:$0x10000] =	vst v63  }
0x8ff: {  	s0 =	sld [smem:$0x781]  }
0x900: {  	[tilespmem:s2], [sflag:$0x1] =	stream.linear.gather [hbm4b:s1+s2], $0x4000, $0x38;
	[tilespmem:$0x10000] =	vst v63  }
0x901: {  	_ = 	snop  }
0x902: {  	[tilespmem:s21], [sflag:$0x3] =	stream.linear.gather [hbm4b:s0+s2], $0x4000, $0x38;
	[tilespmem:$0x10000] =	vst v63  }
0x903: {  	_ =	swait.ge [sflag:s10], $0x4000  }
0x904: {  	[sflag:s10] =	ssyncset.done $0x0  }
0x905: {  	[sflag:s10] =	ssyncadd.s32 $0xFFFFC000  }
0x906: {  	_ =	swait.ge [sflag:s8], $0x4000  }
0x907: {  	[sflag:s8] =	ssyncset.done $0x0  }
0x908: {  	[sflag:s8] =	ssyncadd.s32 $0xFFFFC000  }
0x909: {  	_ =	swait.ge [sflag:s5], $0x4000  }
0x90a: {  	s0 =	sld [smem:$0x782]  }
0x90b: {  	[sflag:s5] =	ssyncset.done $0x0  }
0x90c: {  	s1 =	sld [smem:$0x783];
	[sflag:s5] =	ssyncadd.s32 $0xFFFFC000  }
0x90d: {  	[hbm4b:s0+s2] =	stream.linear.scatter [tilespmem:s4], [sflag:$0x6], $0x4000, $0x38;
	[tilespmem:$0x10000] =	vst v63  }
0x90e: {  	s0 =	sld [smem:$0x784]  }
0x90f: {  	[tilespmem:s4], [sflag:$0x2] =	stream.linear.gather [hbm4b:s1+s2], $0x4000, $0x38;
	[tilespmem:$0x10000] =	vst v63  }
0x910: {  	_ = 	snop  }
0x911: {  	[tilespmem:s14], [sflag:$0x4] =	stream.linear.gather [hbm4b:s0+s2], $0x4000, $0x38;
	[tilespmem:$0x10000] =	vst v63  }
0x912: {  	_ =	swait.ge [sflag:s15], $0x4000  }
0x913: {  	[sflag:s15] =	ssyncset.done $0x0  }
0x914: {  	[sflag:s15] =	ssyncadd.s32 $0xFFFFC000  }
0x915: {  	_ =	swait.ge [sflag:s13], $0x4000  }
0x916: {  	[sflag:s13] =	ssyncset.done $0x0  }
0x917: {  	[sflag:s13] =	ssyncadd.s32 $0xFFFFC000  }
0x918: {  	_ =	swait.ge [sflag:s7], $0x4000  }
0x919: {  	s0 =	sld [smem:$0x785]  }
0x91a: {  	[sflag:s7] =	ssyncset.done $0x0  }
0x91b: {  	s1 =	sld [smem:$0x786];
	[sflag:s7] =	ssyncadd.s32 $0xFFFFC000  }
0x91c: {  	[hbm4b:s0+s2] =	stream.linear.scatter [tilespmem:s2], [sflag:$0x5], $0x4000, $0x38;
	[tilespmem:$0x10000] =	vst v63  }
0x91d: {  	s0 =	sld [smem:$0x787]  }
0x91e: {  	[tilespmem:s2], [sflag:$0x1] =	stream.linear.gather [hbm4b:s1+s2], $0x4000, $0x38;
	[tilespmem:$0x10000] =	vst v63  }
0x91f: {  	_ = 	snop  }
0x920: {  	[tilespmem:s21], [sflag:$0x3] =	stream.linear.gather [hbm4b:s0+s2], $0x4000, $0x38;
	[tilespmem:$0x10000] =	vst v63  }
0x921: {  	_ =	swait.ge [sflag:s10], $0x4000  }
0x922: {  	[sflag:s10] =	ssyncset.done $0x0  }
0x923: {  	[sflag:s10] =	ssyncadd.s32 $0xFFFFC000  }
0x924: {  	_ =	swait.ge [sflag:s8], $0x4000  }
0x925: {  	[sflag:s8] =	ssyncset.done $0x0  }
0x926: {  	[sflag:s8] =	ssyncadd.s32 $0xFFFFC000  }
0x927: {  	_ =	swait.ge [sflag:s5], $0x4000  }
0x928: {  	s0 =	sld [smem:$0x788]  }
0x929: {  	[sflag:s5] =	ssyncset.done $0x0  }
0x92a: {  	s1 =	sld [smem:$0x789];
	[sflag:s5] =	ssyncadd.s32 $0xFFFFC000  }
0x92b: {  	[hbm4b:s0+s2] =	stream.linear.scatter [tilespmem:s4], [sflag:$0x6], $0x4000, $0x38;
	[tilespmem:$0x10000] =	vst v63  }
0x92c: {  	s0 =	sld [smem:$0x78A]  }
0x92d: {  	[tilespmem:s4], [sflag:$0x2] =	stream.linear.gather [hbm4b:s1+s2], $0x4000, $0x38;
	[tilespmem:$0x10000] =	vst v63  }
0x92e: {  	_ = 	snop  }
0x92f: {  	[tilespmem:s14], [sflag:$0x4] =	stream.linear.gather [hbm4b:s0+s2], $0x4000, $0x38;
	[tilespmem:$0x10000] =	vst v63  }
0x930: {  	_ =	swait.ge [sflag:s15], $0x4000  }
0x931: {  	[sflag:s15] =	ssyncset.done $0x0  }
0x932: {  	[sflag:s15] =	ssyncadd.s32 $0xFFFFC000  }
0x933: {  	_ =	swait.ge [sflag:s13], $0x4000  }
0x934: {  	[sflag:s13] =	ssyncset.done $0x0  }
0x935: {  	[sflag:s13] =	ssyncadd.s32 $0xFFFFC000  }
0x936: {  	_ =	swait.ge [sflag:s7], $0x4000  }
0x937: {  	s0 =	sld [smem:$0x78B]  }
0x938: {  	[sflag:s7] =	ssyncset.done $0x0  }
0x939: {  	s1 =	sld [smem:$0x78C];
	[sflag:s7] =	ssyncadd.s32 $0xFFFFC000  }
0x93a: {  	[hbm4b:s0+s2] =	stream.linear.scatter [tilespmem:s2], [sflag:$0x5], $0x4000, $0x38;
	[tilespmem:$0x10000] =	vst v63  }
0x93b: {  	s0 =	sld [smem:$0x78D]  }
0x93c: {  	[tilespmem:s2], [sflag:$0x1] =	stream.linear.gather [hbm4b:s1+s2], $0x4000, $0x38;
	[tilespmem:$0x10000] =	vst v63  }
0x93d: {  	_ = 	snop  }
0x93e: {  	[tilespmem:s21], [sflag:$0x3] =	stream.linear.gather [hbm4b:s0+s2], $0x4000, $0x38;
	[tilespmem:$0x10000] =	vst v63  }
0x93f: {  	_ =	swait.ge [sflag:s10], $0x4000  }
0x940: {  	[sflag:s10] =	ssyncset.done $0x0  }
0x941: {  	[sflag:s10] =	ssyncadd.s32 $0xFFFFC000  }
0x942: {  	_ =	swait.ge [sflag:s8], $0x4000  }
0x943: {  	[sflag:s8] =	ssyncset.done $0x0  }
0x944: {  	[sflag:s8] =	ssyncadd.s32 $0xFFFFC000  }
0x945: {  	_ =	swait.ge [sflag:s5], $0x4000  }
0x946: {  	s0 =	sld [smem:$0x78E]  }
0x947: {  	[sflag:s5] =	ssyncset.done $0x0  }
0x948: {  	s1 =	sld [smem:$0x78F];
	[sflag:s5] =	ssyncadd.s32 $0xFFFFC000  }
0x949: {  	[hbm4b:s0+s2] =	stream.linear.scatter [tilespmem:s4], [sflag:$0x6], $0x4000, $0x38;
	[tilespmem:$0x10000] =	vst v63  }
0x94a: {  	s0 =	sld [smem:$0x790]  }
0x94b: {  	[tilespmem:s4], [sflag:$0x2] =	stream.linear.gather [hbm4b:s1+s2], $0x4000, $0x38;
	[tilespmem:$0x10000] =	vst v63  }
0x94c: {  	_ = 	snop  }
0x94d: {  	[tilespmem:s14], [sflag:$0x4] =	stream.linear.gather [hbm4b:s0+s2], $0x4000, $0x38;
	[tilespmem:$0x10000] =	vst v63  }
0x94e: {  	_ =	swait.ge [sflag:s15], $0x4000  }
0x94f: {  	[sflag:s15] =	ssyncset.done $0x0  }
0x950: {  	[sflag:s15] =	ssyncadd.s32 $0xFFFFC000  }
0x951: {  	_ =	swait.ge [sflag:s13], $0x4000  }
0x952: {  	[sflag:s13] =	ssyncset.done $0x0  }
0x953: {  	[sflag:s13] =	ssyncadd.s32 $0xFFFFC000  }
0x954: {  	_ =	swait.ge [sflag:s7], $0x4000  }
0x955: {  	[sflag:s7] =	ssyncset.done $0x0;
	s0 =	sld [smem:$0x791]  }
0x956: {  	[sflag:s7] =	ssyncadd.s32 $0xFFFFC000  }
0x957: {  	s1 =	sld [smem:$0x792]  }
0x958: {  	[hbm4b:s0+s2] =	stream.linear.scatter [tilespmem:s2], [sflag:$0x5], $0x4000, $0x38;
	[tilespmem:$0x10000] =	vst v63  }
0x959: {  	s0 =	sld [smem:$0x793]  }
0x95a: {  	[tilespmem:s2], [sflag:$0x1] =	stream.linear.gather [hbm4b:s1+s2], $0x4000, $0x38;
	[tilespmem:$0x10000] =	vst v63  }
0x95b: {  	_ = 	snop  }
0x95c: {  	[tilespmem:s21], [sflag:$0x3] =	stream.linear.gather [hbm4b:s0+s2], $0x4000, $0x38;
	[tilespmem:$0x10000] =	vst v63  }
0x95d: {  	_ =	swait.ge [sflag:s10], $0x4000  }
0x95e: {  	[sflag:s10] =	ssyncset.done $0x0  }
0x95f: {  	[sflag:s10] =	ssyncadd.s32 $0xFFFFC000  }
0x960: {  	_ =	swait.ge [sflag:s8], $0x4000  }
0x961: {  	[sflag:s8] =	ssyncset.done $0x0  }
0x962: {  	[sflag:s8] =	ssyncadd.s32 $0xFFFFC000  }
0x963: {  	_ =	swait.ge [sflag:s5], $0x4000  }
0x964: {  	s0 =	sld [smem:$0x794]  }
0x965: {  	[sflag:s5] =	ssyncset.done $0x0  }
0x966: {  	s1 =	sld [smem:$0x795];
	[sflag:s5] =	ssyncadd.s32 $0xFFFFC000  }
0x967: {  	[hbm4b:s0+s2] =	stream.linear.scatter [tilespmem:s4], [sflag:$0x6], $0x4000, $0x38;
	[tilespmem:$0x10000] =	vst v63  }
0x968: {  	s0 =	sld [smem:$0x796]  }
0x969: {  	[tilespmem:s4], [sflag:$0x2] =	stream.linear.gather [hbm4b:s1+s2], $0x4000, $0x38;
	[tilespmem:$0x10000] =	vst v63  }
0x96a: {  	_ = 	snop  }
0x96b: {  	[tilespmem:s14], [sflag:$0x4] =	stream.linear.gather [hbm4b:s0+s2], $0x4000, $0x38;
	[tilespmem:$0x10000] =	vst v63  }
0x96c: {  	_ =	swait.ge [sflag:s15], $0x4000  }
0x96d: {  	[sflag:s15] =	ssyncset.done $0x0  }
0x96e: {  	[sflag:s15] =	ssyncadd.s32 $0xFFFFC000  }
0x96f: {  	_ =	swait.ge [sflag:s13], $0x4000  }
0x970: {  	[sflag:s13] =	ssyncset.done $0x0  }
0x971: {  	[sflag:s13] =	ssyncadd.s32 $0xFFFFC000  }
0x972: {  	_ =	swait.ge [sflag:s7], $0x4000  }
0x973: {  	s0 =	sld [smem:$0x797]  }
0x974: {  	[sflag:s7] =	ssyncset.done $0x0  }
0x975: {  	s1 =	sld [smem:$0x798];
	[sflag:s7] =	ssyncadd.s32 $0xFFFFC000  }
0x976: {  	[hbm4b:s0+s2] =	stream.linear.scatter [tilespmem:s2], [sflag:$0x5], $0x4000, $0x38;
	[tilespmem:$0x10000] =	vst v63  }
0x977: {  	s0 =	sld [smem:$0x799]  }
0x978: {  	[tilespmem:s2], [sflag:$0x1] =	stream.linear.gather [hbm4b:s1+s2], $0x4000, $0x38;
	[tilespmem:$0x10000] =	vst v63  }
0x979: {  	_ = 	snop  }
0x97a: {  	[tilespmem:s21], [sflag:$0x3] =	stream.linear.gather [hbm4b:s0+s2], $0x4000, $0x38;
	[tilespmem:$0x10000] =	vst v63  }
0x97b: {  	_ =	swait.ge [sflag:s10], $0x4000  }
0x97c: {  	[sflag:s10] =	ssyncset.done $0x0  }
0x97d: {  	[sflag:s10] =	ssyncadd.s32 $0xFFFFC000  }
0x97e: {  	_ =	swait.ge [sflag:s8], $0x4000  }
0x97f: {  	[sflag:s8] =	ssyncset.done $0x0  }
0x980: {  	[sflag:s8] =	ssyncadd.s32 $0xFFFFC000  }
0x981: {  	_ =	swait.ge [sflag:s5], $0x4000  }
0x982: {  	s0 =	sld [smem:$0x79A]  }
0x983: {  	[sflag:s5] =	ssyncset.done $0x0  }
0x984: {  	s1 =	sld [smem:$0x79B];
	[sflag:s5] =	ssyncadd.s32 $0xFFFFC000  }
0x985: {  	[hbm4b:s0+s2] =	stream.linear.scatter [tilespmem:s4], [sflag:$0x6], $0x4000, $0x38;
	[tilespmem:$0x10000] =	vst v63  }
0x986: {  	s0 =	sld [smem:$0x79C]  }
0x987: {  	[tilespmem:s4], [sflag:$0x2] =	stream.linear.gather [hbm4b:s1+s2], $0x4000, $0x38;
	[tilespmem:$0x10000] =	vst v63  }
0x988: {  	_ = 	snop  }
0x989: {  	[tilespmem:s14], [sflag:$0x4] =	stream.linear.gather [hbm4b:s0+s2], $0x4000, $0x38;
	[tilespmem:$0x10000] =	vst v63  }
0x98a: {  	_ =	swait.ge [sflag:s15], $0x4000  }
0x98b: {  	[sflag:s15] =	ssyncset.done $0x0  }
0x98c: {  	[sflag:s15] =	ssyncadd.s32 $0xFFFFC000  }
0x98d: {  	_ =	swait.ge [sflag:s13], $0x4000  }
0x98e: {  	[sflag:s13] =	ssyncset.done $0x0  }
0x98f: {  	[sflag:s13] =	ssyncadd.s32 $0xFFFFC000  }
0x990: {  	_ =	swait.ge [sflag:s7], $0x4000  }
0x991: {  	s0 =	sld [smem:$0x79D]  }
0x992: {  	[sflag:s7] =	ssyncset.done $0x0  }
0x993: {  	s1 =	sld [smem:$0x79E];
	[sflag:s7] =	ssyncadd.s32 $0xFFFFC000  }
0x994: {  	[hbm4b:s0+s2] =	stream.linear.scatter [tilespmem:s2], [sflag:$0x5], $0x4000, $0x38;
	[tilespmem:$0x10000] =	vst v63  }
0x995: {  	s0 =	sld [smem:$0x79F]  }
0x996: {  	[tilespmem:s2], [sflag:$0x1] =	stream.linear.gather [hbm4b:s1+s2], $0x4000, $0x38;
	[tilespmem:$0x10000] =	vst v63  }
0x997: {  	_ = 	snop  }
0x998: {  	[tilespmem:s21], [sflag:$0x3] =	stream.linear.gather [hbm4b:s0+s2], $0x4000, $0x38;
	[tilespmem:$0x10000] =	vst v63  }
0x999: {  	_ =	swait.ge [sflag:s10], $0x4000  }
0x99a: {  	[sflag:s10] =	ssyncset.done $0x0  }
0x99b: {  	[sflag:s10] =	ssyncadd.s32 $0xFFFFC000  }
0x99c: {  	_ =	swait.ge [sflag:s8], $0x4000  }
0x99d: {  	[sflag:s8] =	ssyncset.done $0x0  }
0x99e: {  	[sflag:s8] =	ssyncadd.s32 $0xFFFFC000  }
0x99f: {  	_ =	swait.ge [sflag:s5], $0x4000  }
0x9a0: {  	s0 =	sld [smem:$0x7A0]  }
0x9a1: {  	[sflag:s5] =	ssyncset.done $0x0  }
0x9a2: {  	s1 =	sld [smem:$0x7A1];
	[sflag:s5] =	ssyncadd.s32 $0xFFFFC000  }
0x9a3: {  	[hbm4b:s0+s2] =	stream.linear.scatter [tilespmem:s4], [sflag:$0x6], $0x4000, $0x38;
	[tilespmem:$0x10000] =	vst v63  }
0x9a4: {  	s0 =	sld [smem:$0x7A2]  }
0x9a5: {  	[tilespmem:s4], [sflag:$0x2] =	stream.linear.gather [hbm4b:s1+s2], $0x4000, $0x38;
	[tilespmem:$0x10000] =	vst v63  }
0x9a6: {  	_ = 	snop  }
0x9a7: {  	[tilespmem:s14], [sflag:$0x4] =	stream.linear.gather [hbm4b:s0+s2], $0x4000, $0x38;
	[tilespmem:$0x10000] =	vst v63  }
0x9a8: {  	_ =	swait.ge [sflag:s15], $0x4000  }
0x9a9: {  	[sflag:s15] =	ssyncset.done $0x0  }
0x9aa: {  	[sflag:s15] =	ssyncadd.s32 $0xFFFFC000  }
0x9ab: {  	_ =	swait.ge [sflag:s13], $0x4000  }
0x9ac: {  	[sflag:s13] =	ssyncset.done $0x0  }
0x9ad: {  	[sflag:s13] =	ssyncadd.s32 $0xFFFFC000  }
0x9ae: {  	_ =	swait.ge [sflag:s7], $0x4000  }
0x9af: {  	s0 =	sld [smem:$0x7A3]  }
0x9b0: {  	[sflag:s7] =	ssyncset.done $0x0  }
0x9b1: {  	s1 =	sld [smem:$0x7A4];
	[sflag:s7] =	ssyncadd.s32 $0xFFFFC000  }
0x9b2: {  	[hbm4b:s0+s2] =	stream.linear.scatter [tilespmem:s2], [sflag:$0x5], $0x4000, $0x38;
	[tilespmem:$0x10000] =	vst v63  }
0x9b3: {  	s0 =	sld [smem:$0x7A5]  }
0x9b4: {  	[tilespmem:s2], [sflag:$0x1] =	stream.linear.gather [hbm4b:s1+s2], $0x4000, $0x38;
	[tilespmem:$0x10000] =	vst v63  }
0x9b5: {  	_ = 	snop  }
0x9b6: {  	[tilespmem:s21], [sflag:$0x3] =	stream.linear.gather [hbm4b:s0+s2], $0x4000, $0x38;
	[tilespmem:$0x10000] =	vst v63  }
0x9b7: {  	_ =	swait.ge [sflag:s10], $0x4000  }
0x9b8: {  	[sflag:s10] =	ssyncset.done $0x0  }
0x9b9: {  	[sflag:s10] =	ssyncadd.s32 $0xFFFFC000  }
0x9ba: {  	_ =	swait.ge [sflag:s8], $0x4000  }
0x9bb: {  	[sflag:s8] =	ssyncset.done $0x0  }
0x9bc: {  	[sflag:s8] =	ssyncadd.s32 $0xFFFFC000  }
0x9bd: {  	_ =	swait.ge [sflag:s5], $0x4000  }
0x9be: {  	s0 =	sld [smem:$0x7A6]  }
0x9bf: {  	[sflag:s5] =	ssyncset.done $0x0  }
0x9c0: {  	s1 =	sld [smem:$0x7A7];
	[sflag:s5] =	ssyncadd.s32 $0xFFFFC000  }
0x9c1: {  	[hbm4b:s0+s2] =	stream.linear.scatter [tilespmem:s4], [sflag:$0x6], $0x4000, $0x38;
	[tilespmem:$0x10000] =	vst v63  }
0x9c2: {  	s0 =	sld [smem:$0x7A8]  }
0x9c3: {  	[tilespmem:s4], [sflag:$0x2] =	stream.linear.gather [hbm4b:s1+s2], $0x4000, $0x38;
	[tilespmem:$0x10000] =	vst v63  }
0x9c4: {  	_ = 	snop  }
0x9c5: {  	[tilespmem:s14], [sflag:$0x4] =	stream.linear.gather [hbm4b:s0+s2], $0x4000, $0x38;
	[tilespmem:$0x10000] =	vst v63  }
0x9c6: {  	_ =	swait.ge [sflag:s15], $0x4000  }
0x9c7: {  	[sflag:s15] =	ssyncset.done $0x0  }
0x9c8: {  	[sflag:s15] =	ssyncadd.s32 $0xFFFFC000  }
0x9c9: {  	_ =	swait.ge [sflag:s13], $0x4000  }
0x9ca: {  	[sflag:s13] =	ssyncset.done $0x0  }
0x9cb: {  	[sflag:s13] =	ssyncadd.s32 $0xFFFFC000  }
0x9cc: {  	_ =	swait.ge [sflag:s7], $0x4000  }
0x9cd: {  	s0 =	sld [smem:$0x7A9]  }
0x9ce: {  	[sflag:s7] =	ssyncset.done $0x0  }
0x9cf: {  	s1 =	sld [smem:$0x7AA];
	[sflag:s7] =	ssyncadd.s32 $0xFFFFC000  }
0x9d0: {  	[hbm4b:s0+s2] =	stream.linear.scatter [tilespmem:s2], [sflag:$0x5], $0x4000, $0x38;
	[tilespmem:$0x10000] =	vst v63  }
0x9d1: {  	s0 =	sld [smem:$0x7AB]  }
0x9d2: {  	[tilespmem:s2], [sflag:$0x1] =	stream.linear.gather [hbm4b:s1+s2], $0x4000, $0x38;
	[tilespmem:$0x10000] =	vst v63  }
0x9d3: {  	_ = 	snop  }
0x9d4: {  	[tilespmem:s21], [sflag:$0x3] =	stream.linear.gather [hbm4b:s0+s2], $0x4000, $0x38;
	[tilespmem:$0x10000] =	vst v63  }
0x9d5: {  	_ =	swait.ge [sflag:s10], $0x4000  }
0x9d6: {  	[sflag:s10] =	ssyncset.done $0x0  }
0x9d7: {  	[sflag:s10] =	ssyncadd.s32 $0xFFFFC000  }
0x9d8: {  	_ =	swait.ge [sflag:s8], $0x4000  }
0x9d9: {  	[sflag:s8] =	ssyncset.done $0x0  }
0x9da: {  	[sflag:s8] =	ssyncadd.s32 $0xFFFFC000  }
0x9db: {  	_ =	swait.ge [sflag:s5], $0x4000  }
0x9dc: {  	s0 =	sld [smem:$0x7AC]  }
0x9dd: {  	[sflag:s5] =	ssyncset.done $0x0  }
0x9de: {  	s1 =	sld [smem:$0x7AD];
	[sflag:s5] =	ssyncadd.s32 $0xFFFFC000  }
0x9df: {  	[hbm4b:s0+s2] =	stream.linear.scatter [tilespmem:s4], [sflag:$0x6], $0x4000, $0x38;
	[tilespmem:$0x10000] =	vst v63  }
0x9e0: {  	s0 =	sld [smem:$0x7AE]  }
0x9e1: {  	[tilespmem:s4], [sflag:$0x2] =	stream.linear.gather [hbm4b:s1+s2], $0x4000, $0x38;
	[tilespmem:$0x10000] =	vst v63  }
0x9e2: {  	_ = 	snop  }
0x9e3: {  	[tilespmem:s14], [sflag:$0x4] =	stream.linear.gather [hbm4b:s0+s2], $0x4000, $0x38;
	[tilespmem:$0x10000] =	vst v63  }
0x9e4: {  	_ =	swait.ge [sflag:s15], $0x4000  }
0x9e5: {  	[sflag:s15] =	ssyncset.done $0x0  }
0x9e6: {  	[sflag:s15] =	ssyncadd.s32 $0xFFFFC000  }
0x9e7: {  	_ =	swait.ge [sflag:s13], $0x4000  }
0x9e8: {  	[sflag:s13] =	ssyncset.done $0x0  }
0x9e9: {  	[sflag:s13] =	ssyncadd.s32 $0xFFFFC000  }
0x9ea: {  	_ =	swait.ge [sflag:s7], $0x4000  }
0x9eb: {  	s0 =	sld [smem:$0x7AF]  }
0x9ec: {  	[sflag:s7] =	ssyncset.done $0x0  }
0x9ed: {  	s1 =	sld [smem:$0x7B0];
	[sflag:s7] =	ssyncadd.s32 $0xFFFFC000  }
0x9ee: {  	[hbm4b:s0+s2] =	stream.linear.scatter [tilespmem:s2], [sflag:$0x5], $0x4000, $0x38;
	[tilespmem:$0x10000] =	vst v63  }
0x9ef: {  	s0 =	sld [smem:$0x7B1]  }
0x9f0: {  	[tilespmem:s2], [sflag:$0x1] =	stream.linear.gather [hbm4b:s1+s2], $0x4000, $0x38;
	[tilespmem:$0x10000] =	vst v63  }
0x9f1: {  	_ = 	snop  }
0x9f2: {  	[tilespmem:s21], [sflag:$0x3] =	stream.linear.gather [hbm4b:s0+s2], $0x4000, $0x38;
	[tilespmem:$0x10000] =	vst v63  }
0x9f3: {  	_ =	swait.ge [sflag:s10], $0x4000  }
0x9f4: {  	[sflag:s10] =	ssyncset.done $0x0  }
0x9f5: {  	[sflag:s10] =	ssyncadd.s32 $0xFFFFC000  }
0x9f6: {  	_ =	swait.ge [sflag:s8], $0x4000  }
0x9f7: {  	[sflag:s8] =	ssyncset.done $0x0  }
0x9f8: {  	[sflag:s8] =	ssyncadd.s32 $0xFFFFC000  }
0x9f9: {  	_ =	swait.ge [sflag:s5], $0x4000  }
0x9fa: {  	s0 =	sld [smem:$0x7B2]  }
0x9fb: {  	[sflag:s5] =	ssyncset.done $0x0  }
0x9fc: {  	s1 =	sld [smem:$0x7B3];
	[sflag:s5] =	ssyncadd.s32 $0xFFFFC000  }
0x9fd: {  	[hbm4b:s0+s2] =	stream.linear.scatter [tilespmem:s4], [sflag:$0x6], $0x4000, $0x38;
	[tilespmem:$0x10000] =	vst v63  }
0x9fe: {  	s0 =	sld [smem:$0x7B4]  }
0x9ff: {  	[tilespmem:s4], [sflag:$0x2] =	stream.linear.gather [hbm4b:s1+s2], $0x4000, $0x38;
	[tilespmem:$0x10000] =	vst v63  }
0xa00: {  	_ = 	snop  }
0xa01: {  	[tilespmem:s14], [sflag:$0x4] =	stream.linear.gather [hbm4b:s0+s2], $0x4000, $0x38;
	[tilespmem:$0x10000] =	vst v63  }
0xa02: {  	_ =	swait.ge [sflag:s15], $0x4000  }
0xa03: {  	[sflag:s15] =	ssyncset.done $0x0  }
0xa04: {  	[sflag:s15] =	ssyncadd.s32 $0xFFFFC000  }
0xa05: {  	_ =	swait.ge [sflag:s13], $0x4000  }
0xa06: {  	[sflag:s13] =	ssyncset.done $0x0  }
0xa07: {  	[sflag:s13] =	ssyncadd.s32 $0xFFFFC000  }
0xa08: {  	_ =	swait.ge [sflag:s7], $0x4000  }
0xa09: {  	s0 =	sld [smem:$0x7B5]  }
0xa0a: {  	[sflag:s7] =	ssyncset.done $0x0  }
0xa0b: {  	s1 =	sld [smem:$0x7B6];
	[sflag:s7] =	ssyncadd.s32 $0xFFFFC000  }
0xa0c: {  	[hbm4b:s0+s2] =	stream.linear.scatter [tilespmem:s2], [sflag:$0x5], $0x4000, $0x38;
	[tilespmem:$0x10000] =	vst v63  }
0xa0d: {  	s0 =	sld [smem:$0x7B7]  }
0xa0e: {  	[tilespmem:s2], [sflag:$0x1] =	stream.linear.gather [hbm4b:s1+s2], $0x4000, $0x38;
	[tilespmem:$0x10000] =	vst v63  }
0xa0f: {  	_ = 	snop  }
0xa10: {  	[tilespmem:s21], [sflag:$0x3] =	stream.linear.gather [hbm4b:s0+s2], $0x4000, $0x38;
	[tilespmem:$0x10000] =	vst v63  }
0xa11: {  	_ =	swait.ge [sflag:s10], $0x4000  }
0xa12: {  	[sflag:s10] =	ssyncset.done $0x0  }
0xa13: {  	[sflag:s10] =	ssyncadd.s32 $0xFFFFC000  }
0xa14: {  	_ =	swait.ge [sflag:s8], $0x4000  }
0xa15: {  	[sflag:s8] =	ssyncset.done $0x0  }
0xa16: {  	[sflag:s8] =	ssyncadd.s32 $0xFFFFC000  }
0xa17: {  	_ =	swait.ge [sflag:s5], $0x4000  }
0xa18: {  	s0 =	sld [smem:$0x7B8]  }
0xa19: {  	[sflag:s5] =	ssyncset.done $0x0  }
0xa1a: {  	s1 =	sld [smem:$0x7B9];
	[sflag:s5] =	ssyncadd.s32 $0xFFFFC000  }
0xa1b: {  	[hbm4b:s0+s2] =	stream.linear.scatter [tilespmem:s4], [sflag:$0x6], $0x4000, $0x38;
	[tilespmem:$0x10000] =	vst v63  }
0xa1c: {  	s0 =	sld [smem:$0x7BA]  }
0xa1d: {  	[tilespmem:s4], [sflag:$0x2] =	stream.linear.gather [hbm4b:s1+s2], $0x4000, $0x38;
	[tilespmem:$0x10000] =	vst v63  }
0xa1e: {  	_ = 	snop  }
0xa1f: {  	[tilespmem:s14], [sflag:$0x4] =	stream.linear.gather [hbm4b:s0+s2], $0x4000, $0x38;
	[tilespmem:$0x10000] =	vst v63  }
0xa20: {  	_ =	swait.ge [sflag:s15], $0x4000  }
0xa21: {  	[sflag:s15] =	ssyncset.done $0x0  }
0xa22: {  	[sflag:s15] =	ssyncadd.s32 $0xFFFFC000  }
0xa23: {  	_ =	swait.ge [sflag:s13], $0x4000  }
0xa24: {  	[sflag:s13] =	ssyncset.done $0x0  }
0xa25: {  	[sflag:s13] =	ssyncadd.s32 $0xFFFFC000  }
0xa26: {  	_ =	swait.ge [sflag:s7], $0x4000  }
0xa27: {  	s0 =	sld [smem:$0x7BB]  }
0xa28: {  	[sflag:s7] =	ssyncset.done $0x0  }
0xa29: {  	s1 =	sld [smem:$0x7BC];
	[sflag:s7] =	ssyncadd.s32 $0xFFFFC000  }
0xa2a: {  	[hbm4b:s0+s2] =	stream.linear.scatter [tilespmem:s2], [sflag:$0x5], $0x4000, $0x38;
	[tilespmem:$0x10000] =	vst v63  }
0xa2b: {  	s0 =	sld [smem:$0x7BD]  }
0xa2c: {  	[tilespmem:s2], [sflag:$0x1] =	stream.linear.gather [hbm4b:s1+s2], $0x4000, $0x38;
	[tilespmem:$0x10000] =	vst v63  }
0xa2d: {  	_ = 	snop  }
0xa2e: {  	[tilespmem:s21], [sflag:$0x3] =	stream.linear.gather [hbm4b:s0+s2], $0x4000, $0x38;
	[tilespmem:$0x10000] =	vst v63  }
0xa2f: {  	_ =	swait.ge [sflag:s10], $0x4000  }
0xa30: {  	[sflag:s10] =	ssyncset.done $0x0  }
0xa31: {  	[sflag:s10] =	ssyncadd.s32 $0xFFFFC000  }
0xa32: {  	_ =	swait.ge [sflag:s8], $0x4000  }
0xa33: {  	[sflag:s8] =	ssyncset.done $0x0  }
0xa34: {  	[sflag:s8] =	ssyncadd.s32 $0xFFFFC000  }
0xa35: {  	_ =	swait.ge [sflag:s5], $0x4000  }
0xa36: {  	s0 =	sld [smem:$0x7BE]  }
0xa37: {  	[sflag:s5] =	ssyncset.done $0x0  }
0xa38: {  	s1 =	sld [smem:$0x7BF];
	[sflag:s5] =	ssyncadd.s32 $0xFFFFC000  }
0xa39: {  	[hbm4b:s0+s2] =	stream.linear.scatter [tilespmem:s4], [sflag:$0x6], $0x4000, $0x38;
	[tilespmem:$0x10000] =	vst v63  }
0xa3a: {  	s0 =	sld [smem:$0x7C0]  }
0xa3b: {  	[tilespmem:s4], [sflag:$0x2] =	stream.linear.gather [hbm4b:s1+s2], $0x4000, $0x38;
	[tilespmem:$0x10000] =	vst v63  }
0xa3c: {  	_ = 	snop  }
0xa3d: {  	[tilespmem:s14], [sflag:$0x4] =	stream.linear.gather [hbm4b:s0+s2], $0x4000, $0x38;
	[tilespmem:$0x10000] =	vst v63  }
0xa3e: {  	_ =	swait.ge [sflag:s15], $0x4000  }
0xa3f: {  	[sflag:s15] =	ssyncset.done $0x0  }
0xa40: {  	[sflag:s15] =	ssyncadd.s32 $0xFFFFC000  }
0xa41: {  	_ =	swait.ge [sflag:s13], $0x4000  }
0xa42: {  	[sflag:s13] =	ssyncset.done $0x0  }
0xa43: {  	[sflag:s13] =	ssyncadd.s32 $0xFFFFC000  }
0xa44: {  	_ =	swait.ge [sflag:s7], $0x4000  }
0xa45: {  	s0 =	sld [smem:$0x7C1]  }
0xa46: {  	[sflag:s7] =	ssyncset.done $0x0  }
0xa47: {  	s1 =	sld [smem:$0x7C2];
	[sflag:s7] =	ssyncadd.s32 $0xFFFFC000  }
0xa48: {  	[hbm4b:s0+s2] =	stream.linear.scatter [tilespmem:s2], [sflag:$0x5], $0x4000, $0x38;
	[tilespmem:$0x10000] =	vst v63  }
0xa49: {  	s0 =	sld [smem:$0x7C3]  }
0xa4a: {  	[tilespmem:s2], [sflag:$0x1] =	stream.linear.gather [hbm4b:s1+s2], $0x4000, $0x38;
	[tilespmem:$0x10000] =	vst v63  }
0xa4b: {  	_ = 	snop  }
0xa4c: {  	[tilespmem:s21], [sflag:$0x3] =	stream.linear.gather [hbm4b:s0+s2], $0x4000, $0x38;
	[tilespmem:$0x10000] =	vst v63  }
0xa4d: {  	_ =	swait.ge [sflag:s10], $0x4000  }
0xa4e: {  	[sflag:s10] =	ssyncset.done $0x0  }
0xa4f: {  	[sflag:s10] =	ssyncadd.s32 $0xFFFFC000  }
0xa50: {  	_ =	swait.ge [sflag:s8], $0x4000  }
0xa51: {  	[sflag:s8] =	ssyncset.done $0x0  }
0xa52: {  	[sflag:s8] =	ssyncadd.s32 $0xFFFFC000  }
0xa53: {  	_ =	swait.ge [sflag:s5], $0x4000  }
0xa54: {  	s0 =	sld [smem:$0x7C4]  }
0xa55: {  	[sflag:s5] =	ssyncset.done $0x0  }
0xa56: {  	s1 =	sld [smem:$0x7C5];
	[sflag:s5] =	ssyncadd.s32 $0xFFFFC000  }
0xa57: {  	[hbm4b:s0+s2] =	stream.linear.scatter [tilespmem:s4], [sflag:$0x6], $0x4000, $0x38;
	[tilespmem:$0x10000] =	vst v63  }
0xa58: {  	s0 =	sld [smem:$0x7C6]  }
0xa59: {  	[tilespmem:s4], [sflag:$0x2] =	stream.linear.gather [hbm4b:s1+s2], $0x4000, $0x38;
	[tilespmem:$0x10000] =	vst v63  }
0xa5a: {  	_ = 	snop  }
0xa5b: {  	[tilespmem:s14], [sflag:$0x4] =	stream.linear.gather [hbm4b:s0+s2], $0x4000, $0x38;
	[tilespmem:$0x10000] =	vst v63  }
0xa5c: {  	_ =	swait.ge [sflag:s15], $0x4000  }
0xa5d: {  	[sflag:s15] =	ssyncset.done $0x0  }
0xa5e: {  	[sflag:s15] =	ssyncadd.s32 $0xFFFFC000  }
0xa5f: {  	_ =	swait.ge [sflag:s13], $0x4000  }
0xa60: {  	[sflag:s13] =	ssyncset.done $0x0  }
0xa61: {  	[sflag:s13] =	ssyncadd.s32 $0xFFFFC000  }
0xa62: {  	_ =	swait.ge [sflag:s7], $0x4000  }
0xa63: {  	s0 =	sld [smem:$0x7C7]  }
0xa64: {  	[sflag:s7] =	ssyncset.done $0x0  }
0xa65: {  	s1 =	sld [smem:$0x7C8];
	[sflag:s7] =	ssyncadd.s32 $0xFFFFC000  }
0xa66: {  	[hbm4b:s0+s2] =	stream.linear.scatter [tilespmem:s2], [sflag:$0x5], $0x4000, $0x38;
	[tilespmem:$0x10000] =	vst v63  }
0xa67: {  	s0 =	sld [smem:$0x7C9]  }
0xa68: {  	[tilespmem:s2], [sflag:$0x1] =	stream.linear.gather [hbm4b:s1+s2], $0x4000, $0x38;
	[tilespmem:$0x10000] =	vst v63  }
0xa69: {  	_ = 	snop  }
0xa6a: {  	[tilespmem:s21], [sflag:$0x3] =	stream.linear.gather [hbm4b:s0+s2], $0x4000, $0x38;
	[tilespmem:$0x10000] =	vst v63  }
0xa6b: {  	_ =	swait.ge [sflag:s10], $0x4000  }
0xa6c: {  	[sflag:s10] =	ssyncset.done $0x0  }
0xa6d: {  	[sflag:s10] =	ssyncadd.s32 $0xFFFFC000  }
0xa6e: {  	_ =	swait.ge [sflag:s8], $0x4000  }
0xa6f: {  	[sflag:s8] =	ssyncset.done $0x0  }
0xa70: {  	[sflag:s8] =	ssyncadd.s32 $0xFFFFC000  }
0xa71: {  	_ =	swait.ge [sflag:s5], $0x4000  }
0xa72: {  	s0 =	sld [smem:$0x7CA]  }
0xa73: {  	[sflag:s5] =	ssyncset.done $0x0  }
0xa74: {  	s1 =	sld [smem:$0x7CB];
	[sflag:s5] =	ssyncadd.s32 $0xFFFFC000  }
0xa75: {  	[hbm4b:s0+s2] =	stream.linear.scatter [tilespmem:s4], [sflag:$0x6], $0x4000, $0x38;
	[tilespmem:$0x10000] =	vst v63  }
0xa76: {  	s0 =	sld [smem:$0x7CC]  }
0xa77: {  	[tilespmem:s4], [sflag:$0x2] =	stream.linear.gather [hbm4b:s1+s2], $0x4000, $0x38;
	[tilespmem:$0x10000] =	vst v63  }
0xa78: {  	_ = 	snop  }
0xa79: {  	[tilespmem:s14], [sflag:$0x4] =	stream.linear.gather [hbm4b:s0+s2], $0x4000, $0x38;
	[tilespmem:$0x10000] =	vst v63  }
0xa7a: {  	_ =	swait.ge [sflag:s15], $0x4000  }
0xa7b: {  	[sflag:s15] =	ssyncset.done $0x0  }
0xa7c: {  	[sflag:s15] =	ssyncadd.s32 $0xFFFFC000  }
0xa7d: {  	_ =	swait.ge [sflag:s13], $0x4000  }
0xa7e: {  	[sflag:s13] =	ssyncset.done $0x0  }
0xa7f: {  	[sflag:s13] =	ssyncadd.s32 $0xFFFFC000  }
0xa80: {  	_ =	swait.ge [sflag:s7], $0x4000  }
0xa81: {  	s0 =	sld [smem:$0x7CD]  }
0xa82: {  	[sflag:s7] =	ssyncset.done $0x0  }
0xa83: {  	s1 =	sld [smem:$0x7CE];
	[sflag:s7] =	ssyncadd.s32 $0xFFFFC000  }
0xa84: {  	[hbm4b:s0+s2] =	stream.linear.scatter [tilespmem:s2], [sflag:$0x5], $0x4000, $0x38;
	[tilespmem:$0x10000] =	vst v63  }
0xa85: {  	s0 =	sld [smem:$0x7CF]  }
0xa86: {  	[tilespmem:s2], [sflag:$0x1] =	stream.linear.gather [hbm4b:s1+s2], $0x4000, $0x38;
	[tilespmem:$0x10000] =	vst v63  }
0xa87: {  	_ = 	snop  }
0xa88: {  	[tilespmem:s21], [sflag:$0x3] =	stream.linear.gather [hbm4b:s0+s2], $0x4000, $0x38;
	[tilespmem:$0x10000] =	vst v63  }
0xa89: {  	_ =	swait.ge [sflag:s10], $0x4000  }
0xa8a: {  	[sflag:s10] =	ssyncset.done $0x0  }
0xa8b: {  	[sflag:s10] =	ssyncadd.s32 $0xFFFFC000  }
0xa8c: {  	_ =	swait.ge [sflag:s8], $0x4000  }
0xa8d: {  	[sflag:s8] =	ssyncset.done $0x0  }
0xa8e: {  	[sflag:s8] =	ssyncadd.s32 $0xFFFFC000  }
0xa8f: {  	_ =	swait.ge [sflag:s5], $0x4000  }
0xa90: {  	s0 =	sld [smem:$0x7D0]  }
0xa91: {  	[sflag:s5] =	ssyncset.done $0x0  }
0xa92: {  	s1 =	sld [smem:$0x7D1];
	[sflag:s5] =	ssyncadd.s32 $0xFFFFC000  }
0xa93: {  	[hbm4b:s0+s2] =	stream.linear.scatter [tilespmem:s4], [sflag:$0x6], $0x4000, $0x38;
	[tilespmem:$0x10000] =	vst v63  }
0xa94: {  	s0 =	sld [smem:$0x7D2]  }
0xa95: {  	[tilespmem:s4], [sflag:$0x2] =	stream.linear.gather [hbm4b:s1+s2], $0x4000, $0x38;
	[tilespmem:$0x10000] =	vst v63  }
0xa96: {  	_ = 	snop  }
0xa97: {  	[tilespmem:s14], [sflag:$0x4] =	stream.linear.gather [hbm4b:s0+s2], $0x4000, $0x38;
	[tilespmem:$0x10000] =	vst v63  }
0xa98: {  	_ =	swait.ge [sflag:s15], $0x4000  }
0xa99: {  	[sflag:s15] =	ssyncset.done $0x0  }
0xa9a: {  	[sflag:s15] =	ssyncadd.s32 $0xFFFFC000  }
0xa9b: {  	_ =	swait.ge [sflag:s13], $0x4000  }
0xa9c: {  	[sflag:s13] =	ssyncset.done $0x0  }
0xa9d: {  	[sflag:s13] =	ssyncadd.s32 $0xFFFFC000  }
0xa9e: {  	_ =	swait.ge [sflag:s7], $0x4000  }
0xa9f: {  	s0 =	sld [smem:$0x7D3]  }
0xaa0: {  	[sflag:s7] =	ssyncset.done $0x0  }
0xaa1: {  	s1 =	sld [smem:$0x7D4];
	[sflag:s7] =	ssyncadd.s32 $0xFFFFC000  }
0xaa2: {  	[hbm4b:s0+s2] =	stream.linear.scatter [tilespmem:s2], [sflag:$0x5], $0x4000, $0x38;
	[tilespmem:$0x10000] =	vst v63  }
0xaa3: {  	s0 =	sld [smem:$0x7D5]  }
0xaa4: {  	[tilespmem:s2], [sflag:$0x1] =	stream.linear.gather [hbm4b:s1+s2], $0x4000, $0x38;
	[tilespmem:$0x10000] =	vst v63  }
0xaa5: {  	_ = 	snop  }
0xaa6: {  	[tilespmem:s21], [sflag:$0x3] =	stream.linear.gather [hbm4b:s0+s2], $0x4000, $0x38;
	[tilespmem:$0x10000] =	vst v63  }
0xaa7: {  	_ =	swait.ge [sflag:s10], $0x4000  }
0xaa8: {  	[sflag:s10] =	ssyncset.done $0x0  }
0xaa9: {  	[sflag:s10] =	ssyncadd.s32 $0xFFFFC000  }
0xaaa: {  	_ =	swait.ge [sflag:s8], $0x4000  }
0xaab: {  	[sflag:s8] =	ssyncset.done $0x0  }
0xaac: {  	[sflag:s8] =	ssyncadd.s32 $0xFFFFC000  }
0xaad: {  	_ =	swait.ge [sflag:s5], $0x4000  }
0xaae: {  	s0 =	sld [smem:$0x7D6]  }
0xaaf: {  	[sflag:s5] =	ssyncset.done $0x0  }
0xab0: {  	s1 =	sld [smem:$0x7D7];
	[sflag:s5] =	ssyncadd.s32 $0xFFFFC000  }
0xab1: {  	[hbm4b:s0+s2] =	stream.linear.scatter [tilespmem:s4], [sflag:$0x6], $0x4000, $0x38;
	[tilespmem:$0x10000] =	vst v63  }
0xab2: {  	s0 =	sld [smem:$0x7D8]  }
0xab3: {  	[tilespmem:s4], [sflag:$0x2] =	stream.linear.gather [hbm4b:s1+s2], $0x4000, $0x38;
	[tilespmem:$0x10000] =	vst v63  }
0xab4: {  	_ = 	snop  }
0xab5: {  	[tilespmem:s14], [sflag:$0x4] =	stream.linear.gather [hbm4b:s0+s2], $0x4000, $0x38;
	[tilespmem:$0x10000] =	vst v63  }
0xab6: {  	_ =	swait.ge [sflag:s15], $0x4000  }
0xab7: {  	[sflag:s15] =	ssyncset.done $0x0  }
0xab8: {  	[sflag:s15] =	ssyncadd.s32 $0xFFFFC000  }
0xab9: {  	_ =	swait.ge [sflag:s13], $0x4000  }
0xaba: {  	[sflag:s13] =	ssyncset.done $0x0  }
0xabb: {  	[sflag:s13] =	ssyncadd.s32 $0xFFFFC000  }
0xabc: {  	_ =	swait.ge [sflag:s7], $0x4000  }
0xabd: {  	s0 =	sld [smem:$0x7D9]  }
0xabe: {  	[sflag:s7] =	ssyncset.done $0x0  }
0xabf: {  	s1 =	sld [smem:$0x7DA];
	[sflag:s7] =	ssyncadd.s32 $0xFFFFC000  }
0xac0: {  	[hbm4b:s0+s2] =	stream.linear.scatter [tilespmem:s2], [sflag:$0x5], $0x4000, $0x38;
	[tilespmem:$0x10000] =	vst v63  }
0xac1: {  	s0 =	sld [smem:$0x7DB]  }
0xac2: {  	[tilespmem:s2], [sflag:$0x1] =	stream.linear.gather [hbm4b:s1+s2], $0x4000, $0x38;
	[tilespmem:$0x10000] =	vst v63  }
0xac3: {  	_ = 	snop  }
0xac4: {  	[tilespmem:s21], [sflag:$0x3] =	stream.linear.gather [hbm4b:s0+s2], $0x4000, $0x38;
	[tilespmem:$0x10000] =	vst v63  }
0xac5: {  	_ =	swait.ge [sflag:s10], $0x4000  }
0xac6: {  	[sflag:s10] =	ssyncset.done $0x0  }
0xac7: {  	[sflag:s10] =	ssyncadd.s32 $0xFFFFC000  }
0xac8: {  	_ =	swait.ge [sflag:s8], $0x4000  }
0xac9: {  	[sflag:s8] =	ssyncset.done $0x0  }
0xaca: {  	[sflag:s8] =	ssyncadd.s32 $0xFFFFC000  }
0xacb: {  	_ =	swait.ge [sflag:s5], $0x4000  }
0xacc: {  	s0 =	sld [smem:$0x7DC]  }
0xacd: {  	[sflag:s5] =	ssyncset.done $0x0  }
0xace: {  	s1 =	sld [smem:$0x7DD];
	[sflag:s5] =	ssyncadd.s32 $0xFFFFC000  }
0xacf: {  	[hbm4b:s0+s2] =	stream.linear.scatter [tilespmem:s4], [sflag:$0x6], $0x4000, $0x38;
	[tilespmem:$0x10000] =	vst v63  }
0xad0: {  	s0 =	sld [smem:$0x7DE]  }
0xad1: {  	[tilespmem:s4], [sflag:$0x2] =	stream.linear.gather [hbm4b:s1+s2], $0x4000, $0x38;
	[tilespmem:$0x10000] =	vst v63  }
0xad2: {  	_ = 	snop  }
0xad3: {  	[tilespmem:s14], [sflag:$0x4] =	stream.linear.gather [hbm4b:s0+s2], $0x4000, $0x38;
	[tilespmem:$0x10000] =	vst v63  }
0xad4: {  	_ =	swait.ge [sflag:s15], $0x4000  }
0xad5: {  	[sflag:s15] =	ssyncset.done $0x0  }
0xad6: {  	[sflag:s15] =	ssyncadd.s32 $0xFFFFC000  }
0xad7: {  	_ =	swait.ge [sflag:s13], $0x4000  }
0xad8: {  	[sflag:s13] =	ssyncset.done $0x0  }
0xad9: {  	[sflag:s13] =	ssyncadd.s32 $0xFFFFC000  }
0xada: {  	_ =	swait.ge [sflag:s7], $0x4000  }
0xadb: {  	s0 =	sld [smem:$0x7DF]  }
0xadc: {  	[sflag:s7] =	ssyncset.done $0x0  }
0xadd: {  	s1 =	sld [smem:$0x7E0];
	[sflag:s7] =	ssyncadd.s32 $0xFFFFC000  }
0xade: {  	[hbm4b:s0+s2] =	stream.linear.scatter [tilespmem:s2], [sflag:$0x5], $0x4000, $0x38;
	[tilespmem:$0x10000] =	vst v63  }
0xadf: {  	s0 =	sld [smem:$0x7E1]  }
0xae0: {  	[tilespmem:s2], [sflag:$0x1] =	stream.linear.gather [hbm4b:s1+s2], $0x4000, $0x38;
	[tilespmem:$0x10000] =	vst v63  }
0xae1: {  	_ = 	snop  }
0xae2: {  	[tilespmem:s21], [sflag:$0x3] =	stream.linear.gather [hbm4b:s0+s2], $0x4000, $0x38;
	[tilespmem:$0x10000] =	vst v63  }
0xae3: {  	_ =	swait.ge [sflag:s10], $0x4000  }
0xae4: {  	[sflag:s10] =	ssyncset.done $0x0  }
0xae5: {  	[sflag:s10] =	ssyncadd.s32 $0xFFFFC000  }
0xae6: {  	_ =	swait.ge [sflag:s8], $0x4000  }
0xae7: {  	[sflag:s8] =	ssyncset.done $0x0  }
0xae8: {  	[sflag:s8] =	ssyncadd.s32 $0xFFFFC000  }
0xae9: {  	_ =	swait.ge [sflag:s5], $0x4000  }
0xaea: {  	s0 =	sld [smem:$0x7E2]  }
0xaeb: {  	[sflag:s5] =	ssyncset.done $0x0  }
0xaec: {  	s1 =	sld [smem:$0x7E3];
	[sflag:s5] =	ssyncadd.s32 $0xFFFFC000  }
0xaed: {  	[hbm4b:s0+s2] =	stream.linear.scatter [tilespmem:s4], [sflag:$0x6], $0x4000, $0x38;
	[tilespmem:$0x10000] =	vst v63  }
0xaee: {  	s0 =	sld [smem:$0x7E4]  }
0xaef: {  	[tilespmem:s4], [sflag:$0x2] =	stream.linear.gather [hbm4b:s1+s2], $0x4000, $0x38;
	[tilespmem:$0x10000] =	vst v63  }
0xaf0: {  	_ = 	snop  }
0xaf1: {  	[tilespmem:s14], [sflag:$0x4] =	stream.linear.gather [hbm4b:s0+s2], $0x4000, $0x38;
	[tilespmem:$0x10000] =	vst v63  }
0xaf2: {  	_ =	swait.ge [sflag:s15], $0x4000  }
0xaf3: {  	[sflag:s15] =	ssyncset.done $0x0  }
0xaf4: {  	[sflag:s15] =	ssyncadd.s32 $0xFFFFC000  }
0xaf5: {  	_ =	swait.ge [sflag:s13], $0x4000  }
0xaf6: {  	[sflag:s13] =	ssyncset.done $0x0  }
0xaf7: {  	[sflag:s13] =	ssyncadd.s32 $0xFFFFC000  }
0xaf8: {  	_ =	swait.ge [sflag:s7], $0x4000  }
0xaf9: {  	s0 =	sld [smem:$0x7E5]  }
0xafa: {  	[sflag:s7] =	ssyncset.done $0x0  }
0xafb: {  	s1 =	sld [smem:$0x7E6];
	[sflag:s7] =	ssyncadd.s32 $0xFFFFC000  }
0xafc: {  	[hbm4b:s0+s2] =	stream.linear.scatter [tilespmem:s2], [sflag:$0x5], $0x4000, $0x38;
	[tilespmem:$0x10000] =	vst v63  }
0xafd: {  	s0 =	sld [smem:$0x7E7]  }
0xafe: {  	[tilespmem:s2], [sflag:$0x1] =	stream.linear.gather [hbm4b:s1+s2], $0x4000, $0x38;
	[tilespmem:$0x10000] =	vst v63  }
0xaff: {  	_ = 	snop  }
0xb00: {  	[tilespmem:s21], [sflag:$0x3] =	stream.linear.gather [hbm4b:s0+s2], $0x4000, $0x38;
	[tilespmem:$0x10000] =	vst v63  }
0xb01: {  	_ =	swait.ge [sflag:s10], $0x4000  }
0xb02: {  	[sflag:s10] =	ssyncset.done $0x0  }
0xb03: {  	[sflag:s10] =	ssyncadd.s32 $0xFFFFC000  }
0xb04: {  	_ =	swait.ge [sflag:s8], $0x4000  }
0xb05: {  	[sflag:s8] =	ssyncset.done $0x0  }
0xb06: {  	[sflag:s8] =	ssyncadd.s32 $0xFFFFC000  }
0xb07: {  	_ =	swait.ge [sflag:s5], $0x4000  }
0xb08: {  	s0 =	sld [smem:$0x7E8]  }
0xb09: {  	[sflag:s5] =	ssyncset.done $0x0  }
0xb0a: {  	s1 =	sld [smem:$0x7E9];
	[sflag:s5] =	ssyncadd.s32 $0xFFFFC000  }
0xb0b: {  	[hbm4b:s0+s2] =	stream.linear.scatter [tilespmem:s4], [sflag:$0x6], $0x4000, $0x38;
	[tilespmem:$0x10000] =	vst v63  }
0xb0c: {  	s0 =	sld [smem:$0x7EA]  }
0xb0d: {  	[tilespmem:s4], [sflag:$0x2] =	stream.linear.gather [hbm4b:s1+s2], $0x4000, $0x38;
	[tilespmem:$0x10000] =	vst v63  }
0xb0e: {  	_ = 	snop  }
0xb0f: {  	[tilespmem:s14], [sflag:$0x4] =	stream.linear.gather [hbm4b:s0+s2], $0x4000, $0x38;
	[tilespmem:$0x10000] =	vst v63  }
0xb10: {  	_ =	swait.ge [sflag:s15], $0x4000  }
0xb11: {  	[sflag:s15] =	ssyncset.done $0x0  }
0xb12: {  	[sflag:s15] =	ssyncadd.s32 $0xFFFFC000  }
0xb13: {  	_ =	swait.ge [sflag:s13], $0x4000  }
0xb14: {  	[sflag:s13] =	ssyncset.done $0x0  }
0xb15: {  	[sflag:s13] =	ssyncadd.s32 $0xFFFFC000  }
0xb16: {  	_ =	swait.ge [sflag:s7], $0x4000  }
0xb17: {  	s0 =	sld [smem:$0x7EB]  }
0xb18: {  	[sflag:s7] =	ssyncset.done $0x0  }
0xb19: {  	s1 =	sld [smem:$0x7EC];
	[sflag:s7] =	ssyncadd.s32 $0xFFFFC000  }
0xb1a: {  	[hbm4b:s0+s2] =	stream.linear.scatter [tilespmem:s2], [sflag:$0x5], $0x4000, $0x38;
	[tilespmem:$0x10000] =	vst v63  }
0xb1b: {  	s0 =	sld [smem:$0x7ED]  }
0xb1c: {  	[tilespmem:s2], [sflag:$0x1] =	stream.linear.gather [hbm4b:s1+s2], $0x4000, $0x38;
	[tilespmem:$0x10000] =	vst v63  }
0xb1d: {  	_ = 	snop  }
0xb1e: {  	[tilespmem:s21], [sflag:$0x3] =	stream.linear.gather [hbm4b:s0+s2], $0x4000, $0x38;
	[tilespmem:$0x10000] =	vst v63  }
0xb1f: {  	_ =	swait.ge [sflag:s10], $0x4000  }
0xb20: {  	[sflag:s10] =	ssyncset.done $0x0  }
0xb21: {  	[sflag:s10] =	ssyncadd.s32 $0xFFFFC000  }
0xb22: {  	_ =	swait.ge [sflag:s8], $0x4000  }
0xb23: {  	[sflag:s8] =	ssyncset.done $0x0  }
0xb24: {  	[sflag:s8] =	ssyncadd.s32 $0xFFFFC000  }
0xb25: {  	_ =	swait.ge [sflag:s5], $0x4000  }
0xb26: {  	s0 =	sld [smem:$0x7EE]  }
0xb27: {  	[sflag:s5] =	ssyncset.done $0x0  }
0xb28: {  	s1 =	sld [smem:$0x7EF];
	[sflag:s5] =	ssyncadd.s32 $0xFFFFC000  }
0xb29: {  	[hbm4b:s0+s2] =	stream.linear.scatter [tilespmem:s4], [sflag:$0x6], $0x4000, $0x38;
	[tilespmem:$0x10000] =	vst v63  }
0xb2a: {  	s0 =	sld [smem:$0x7F0]  }
0xb2b: {  	[tilespmem:s4], [sflag:$0x2] =	stream.linear.gather [hbm4b:s1+s2], $0x4000, $0x38;
	[tilespmem:$0x10000] =	vst v63  }
0xb2c: {  	_ = 	snop  }
0xb2d: {  	[tilespmem:s14], [sflag:$0x4] =	stream.linear.gather [hbm4b:s0+s2], $0x4000, $0x38;
	[tilespmem:$0x10000] =	vst v63  }
0xb2e: {  	_ =	swait.ge [sflag:s15], $0x4000  }
0xb2f: {  	[sflag:s15] =	ssyncset.done $0x0  }
0xb30: {  	[sflag:s15] =	ssyncadd.s32 $0xFFFFC000  }
0xb31: {  	_ =	swait.ge [sflag:s13], $0x4000  }
0xb32: {  	[sflag:s13] =	ssyncset.done $0x0  }
0xb33: {  	[sflag:s13] =	ssyncadd.s32 $0xFFFFC000  }
0xb34: {  	_ =	swait.ge [sflag:s7], $0x4000  }
0xb35: {  	s0 =	sld [smem:$0x7F1]  }
0xb36: {  	[sflag:s7] =	ssyncset.done $0x0  }
0xb37: {  	s1 =	sld [smem:$0x7F2];
	[sflag:s7] =	ssyncadd.s32 $0xFFFFC000  }
0xb38: {  	[hbm4b:s0+s2] =	stream.linear.scatter [tilespmem:s2], [sflag:$0x5], $0x4000, $0x38;
	[tilespmem:$0x10000] =	vst v63  }
0xb39: {  	s0 =	sld [smem:$0x7F3]  }
0xb3a: {  	[tilespmem:s2], [sflag:$0x1] =	stream.linear.gather [hbm4b:s1+s2], $0x4000, $0x38;
	[tilespmem:$0x10000] =	vst v63  }
0xb3b: {  	_ = 	snop  }
0xb3c: {  	[tilespmem:s21], [sflag:$0x3] =	stream.linear.gather [hbm4b:s0+s2], $0x4000, $0x38;
	[tilespmem:$0x10000] =	vst v63  }
0xb3d: {  	_ =	swait.ge [sflag:s10], $0x4000  }
0xb3e: {  	[sflag:s10] =	ssyncset.done $0x0  }
0xb3f: {  	[sflag:s10] =	ssyncadd.s32 $0xFFFFC000  }
0xb40: {  	_ =	swait.ge [sflag:s8], $0x4000  }
0xb41: {  	[sflag:s8] =	ssyncset.done $0x0  }
0xb42: {  	[sflag:s8] =	ssyncadd.s32 $0xFFFFC000  }
0xb43: {  	_ =	swait.ge [sflag:s5], $0x4000  }
0xb44: {  	s0 =	sld [smem:$0x7F4]  }
0xb45: {  	[sflag:s5] =	ssyncset.done $0x0  }
0xb46: {  	s1 =	sld [smem:$0x7F5];
	[sflag:s5] =	ssyncadd.s32 $0xFFFFC000  }
0xb47: {  	[hbm4b:s0+s2] =	stream.linear.scatter [tilespmem:s4], [sflag:$0x6], $0x4000, $0x38;
	[tilespmem:$0x10000] =	vst v63  }
0xb48: {  	s0 =	sld [smem:$0x7F6]  }
0xb49: {  	[tilespmem:s4], [sflag:$0x2] =	stream.linear.gather [hbm4b:s1+s2], $0x4000, $0x38;
	[tilespmem:$0x10000] =	vst v63  }
0xb4a: {  	_ = 	snop  }
0xb4b: {  	[tilespmem:s14], [sflag:$0x4] =	stream.linear.gather [hbm4b:s0+s2], $0x4000, $0x38;
	[tilespmem:$0x10000] =	vst v63  }
0xb4c: {  	_ =	swait.ge [sflag:s15], $0x4000  }
0xb4d: {  	[sflag:s15] =	ssyncset.done $0x0  }
0xb4e: {  	[sflag:s15] =	ssyncadd.s32 $0xFFFFC000  }
0xb4f: {  	_ =	swait.ge [sflag:s13], $0x4000  }
0xb50: {  	[sflag:s13] =	ssyncset.done $0x0  }
0xb51: {  	[sflag:s13] =	ssyncadd.s32 $0xFFFFC000  }
0xb52: {  	_ =	swait.ge [sflag:s7], $0x4000  }
0xb53: {  	s0 =	sld [smem:$0x7F7]  }
0xb54: {  	[sflag:s7] =	ssyncset.done $0x0  }
0xb55: {  	s1 =	sld [smem:$0x7F8];
	[sflag:s7] =	ssyncadd.s32 $0xFFFFC000  }
0xb56: {  	[hbm4b:s0+s2] =	stream.linear.scatter [tilespmem:s2], [sflag:$0x5], $0x4000, $0x38;
	[tilespmem:$0x10000] =	vst v63  }
0xb57: {  	s0 =	sld [smem:$0x7F9]  }
0xb58: {  	[tilespmem:s2], [sflag:$0x1] =	stream.linear.gather [hbm4b:s1+s2], $0x4000, $0x38;
	[tilespmem:$0x10000] =	vst v63  }
0xb59: {  	_ = 	snop  }
0xb5a: {  	[tilespmem:s21], [sflag:$0x3] =	stream.linear.gather [hbm4b:s0+s2], $0x4000, $0x38;
	[tilespmem:$0x10000] =	vst v63  }
0xb5b: {  	_ =	swait.ge [sflag:s10], $0x4000  }
0xb5c: {  	[sflag:s10] =	ssyncset.done $0x0  }
0xb5d: {  	[sflag:s10] =	ssyncadd.s32 $0xFFFFC000  }
0xb5e: {  	_ =	swait.ge [sflag:s8], $0x4000  }
0xb5f: {  	[sflag:s8] =	ssyncset.done $0x0  }
0xb60: {  	[sflag:s8] =	ssyncadd.s32 $0xFFFFC000  }
0xb61: {  	_ =	swait.ge [sflag:s5], $0x4000  }
0xb62: {  	s0 =	sld [smem:$0x7FA]  }
0xb63: {  	[sflag:s5] =	ssyncset.done $0x0  }
0xb64: {  	s1 =	sld [smem:$0x7FB];
	[sflag:s5] =	ssyncadd.s32 $0xFFFFC000  }
0xb65: {  	[hbm4b:s0+s2] =	stream.linear.scatter [tilespmem:s4], [sflag:$0x6], $0x4000, $0x38;
	[tilespmem:$0x10000] =	vst v63  }
0xb66: {  	s0 =	sld [smem:$0x7FC]  }
0xb67: {  	[tilespmem:s4], [sflag:$0x2] =	stream.linear.gather [hbm4b:s1+s2], $0x4000, $0x38;
	[tilespmem:$0x10000] =	vst v63  }
0xb68: {  	_ = 	snop  }
0xb69: {  	[tilespmem:s14], [sflag:$0x4] =	stream.linear.gather [hbm4b:s0+s2], $0x4000, $0x38;
	[tilespmem:$0x10000] =	vst v63  }
0xb6a: {  	_ =	swait.ge [sflag:s15], $0x4000  }
0xb6b: {  	[sflag:s15] =	ssyncset.done $0x0  }
0xb6c: {  	[sflag:s15] =	ssyncadd.s32 $0xFFFFC000  }
0xb6d: {  	_ =	swait.ge [sflag:s13], $0x4000  }
0xb6e: {  	[sflag:s13] =	ssyncset.done $0x0  }
0xb6f: {  	[sflag:s13] =	ssyncadd.s32 $0xFFFFC000  }
0xb70: {  	_ =	swait.ge [sflag:s7], $0x4000  }
0xb71: {  	s1 =	sld [smem:$0x7FD]  }
0xb72: {  	[sflag:s7] =	ssyncset.done $0x0  }
0xb73: {  	[sflag:s7] =	ssyncadd.s32 $0xFFFFC000  }
0xb74: {  	[hbm4b:s1+s2] =	stream.linear.scatter [tilespmem:s2], [sflag:$0x5], $0x4000, $0x38;
	[tilespmem:$0x10000] =	vst v63  }
0xb75: {  	_ = 	snop  }
0xb76: {  	[tilespmem:s2], [sflag:$0x1] =	stream.linear.gather [hbm4b:s30+s2], $0x4000, $0x38;
	[tilespmem:$0x10000] =	vst v63  }
0xb77: {  	_ = 	snop  }
0xb78: {  	[tilespmem:s21], [sflag:$0x3] =	stream.linear.gather [hbm4b:s31+s2], $0x4000, $0x38;
	[tilespmem:$0x10000] =	vst v63  }
0xb79: {  	_ =	swait.ge [sflag:s10], $0x4000  }
0xb7a: {  	[sflag:s10] =	ssyncset.done $0x0  }
0xb7b: {  	[sflag:s10] =	ssyncadd.s32 $0xFFFFC000  }
0xb7c: {  	_ =	swait.ge [sflag:s8], $0x4000  }
0xb7d: {  	[sflag:s8] =	ssyncset.done $0x0  }
0xb7e: {  	[sflag:s8] =	ssyncadd.s32 $0xFFFFC000  }
0xb7f: {  	_ =	swait.ge [sflag:s5], $0x4000  }
0xb80: {  	[sflag:s5] =	ssyncset.done $0x0  }
0xb81: {  	[sflag:s5] =	ssyncadd.s32 $0xFFFFC000  }
0xb82: {  	[hbm4b:s26+s2] =	stream.linear.scatter [tilespmem:s4], [sflag:$0x6], $0x4000, $0x38;
	[tilespmem:$0x10000] =	vst v63  }
0xb83: {  	_ = 	snop  }
0xb84: {  	[tilespmem:s4], [sflag:$0x2] =	stream.linear.gather [hbm4b:s28+s2], $0x4000, $0x38;
	[tilespmem:$0x10000] =	vst v63  }
0xb85: {  	_ = 	snop  }
0xb86: {  	[tilespmem:s14], [sflag:$0x4] =	stream.linear.gather [hbm4b:s29+s2], $0x4000, $0x38;
	[tilespmem:$0x10000] =	vst v63  }
0xb87: {  	_ =	swait.ge [sflag:s15], $0x4000  }
0xb88: {  	[sflag:s15] =	ssyncset.done $0x0  }
0xb89: {  	[sflag:s15] =	ssyncadd.s32 $0xFFFFC000  }
0xb8a: {  	_ =	swait.ge [sflag:s13], $0x4000  }
0xb8b: {  	[sflag:s13] =	ssyncset.done $0x0  }
0xb8c: {  	[sflag:s13] =	ssyncadd.s32 $0xFFFFC000  }
0xb8d: {  	_ =	swait.ge [sflag:s7], $0x4000  }
0xb8e: {  	[sflag:s7] =	ssyncset.done $0x0  }
0xb8f: {  	[sflag:s7] =	ssyncadd.s32 $0xFFFFC000  }
0xb90: {  	[hbm4b:s23+s2] =	stream.linear.scatter [tilespmem:s2], [sflag:$0x5], $0x4000, $0x38;
	[tilespmem:$0x10000] =	vst v63  }
0xb91: {  	_ = 	snop  }
0xb92: {  	[tilespmem:s2], [sflag:$0x1] =	stream.linear.gather [hbm4b:s24+s2], $0x4000, $0x38;
	[tilespmem:$0x10000] =	vst v63  }
0xb93: {  	_ = 	snop  }
0xb94: {  	[tilespmem:s21], [sflag:$0x3] =	stream.linear.gather [hbm4b:s25+s2], $0x4000, $0x38;
	[tilespmem:$0x10000] =	vst v63  }
0xb95: {  	_ =	swait.ge [sflag:s10], $0x4000  }
0xb96: {  	[sflag:s10] =	ssyncset.done $0x0  }
0xb97: {  	[sflag:s10] =	ssyncadd.s32 $0xFFFFC000  }
0xb98: {  	_ =	swait.ge [sflag:s8], $0x4000  }
0xb99: {  	[sflag:s8] =	ssyncset.done $0x0  }
0xb9a: {  	[sflag:s8] =	ssyncadd.s32 $0xFFFFC000  }
0xb9b: {  	_ =	swait.ge [sflag:s5], $0x4000  }
0xb9c: {  	[sflag:s5] =	ssyncset.done $0x0  }
0xb9d: {  	[sflag:s5] =	ssyncadd.s32 $0xFFFFC000  }
0xb9e: {  	[hbm4b:s19+s2] =	stream.linear.scatter [tilespmem:s4], [sflag:$0x6], $0x4000, $0x38;
	[tilespmem:$0x10000] =	vst v63  }
0xb9f: {  	_ = 	snop  }
0xba0: {  	[tilespmem:s4], [sflag:$0x2] =	stream.linear.gather [hbm4b:s20+s2], $0x4000, $0x38;
	[tilespmem:$0x10000] =	vst v63  }
0xba1: {  	_ = 	snop  }
0xba2: {  	[tilespmem:s14], [sflag:$0x4] =	stream.linear.gather [hbm4b:s22+s2], $0x4000, $0x38;
	[tilespmem:$0x10000] =	vst v63  }
0xba3: {  	_ =	swait.ge [sflag:s15], $0x4000  }
0xba4: {  	[sflag:s15] =	ssyncset.done $0x0  }
0xba5: {  	[sflag:s15] =	ssyncadd.s32 $0xFFFFC000  }
0xba6: {  	_ =	swait.ge [sflag:s13], $0x4000  }
0xba7: {  	[sflag:s13] =	ssyncset.done $0x0  }
0xba8: {  	[sflag:s13] =	ssyncadd.s32 $0xFFFFC000  }
0xba9: {  	_ =	swait.ge [sflag:s7], $0x4000  }
0xbaa: {  	[sflag:s7] =	ssyncset.done $0x0  }
0xbab: {  	[sflag:s7] =	ssyncadd.s32 $0xFFFFC000  }
0xbac: {  	[hbm4b:s16+s2] =	stream.linear.scatter [tilespmem:s2], [sflag:$0x5], $0x4000, $0x38;
	[tilespmem:$0x10000] =	vst v63  }
0xbad: {  	_ = 	snop  }
0xbae: {  	[tilespmem:s2], [sflag:$0x1] =	stream.linear.gather [hbm4b:s17+s2], $0x4000, $0x38;
	[tilespmem:$0x10000] =	vst v63  }
0xbaf: {  	_ = 	snop  }
0xbb0: {  	[tilespmem:s21], [sflag:$0x3] =	stream.linear.gather [hbm4b:s18+s2], $0x4000, $0x38;
	[tilespmem:$0x10000] =	vst v63  }
0xbb1: {  	_ =	swait.ge [sflag:s10], $0x4000  }
0xbb2: {  	[sflag:s10] =	ssyncset.done $0x0  }
0xbb3: {  	[sflag:s10] =	ssyncadd.s32 $0xFFFFC000  }
0xbb4: {  	_ =	swait.ge [sflag:s8], $0x4000  }
0xbb5: {  	[sflag:s8] =	ssyncset.done $0x0  }
0xbb6: {  	[sflag:s8] =	ssyncadd.s32 $0xFFFFC000  }
0xbb7: {  	_ =	swait.ge [sflag:s5], $0x4000  }
0xbb8: {  	[sflag:s5] =	ssyncset.done $0x0  }
0xbb9: {  	[sflag:s5] =	ssyncadd.s32 $0xFFFFC000  }
0xbba: {  	[hbm4b:s9+s2] =	stream.linear.scatter [tilespmem:s4], [sflag:$0x6], $0x4000, $0x38;
	[tilespmem:$0x10000] =	vst v63  }
0xbbb: {  	_ = 	snop  }
0xbbc: {  	[tilespmem:s4], [sflag:$0x2] =	stream.linear.gather [hbm4b:s11+s2], $0x4000, $0x38;
	[tilespmem:$0x10000] =	vst v63  }
0xbbd: {  	_ = 	snop  }
0xbbe: {  	[tilespmem:s14], [sflag:$0x4] =	stream.linear.gather [hbm4b:s12+s2], $0x4000, $0x38;
	[tilespmem:$0x10000] =	vst v63  }
0xbbf: {  	_ =	swait.ge [sflag:s15], $0x4000  }
0xbc0: {  	[sflag:s15] =	ssyncset.done $0x0  }
0xbc1: {  	[sflag:s15] =	ssyncadd.s32 $0xFFFFC000  }
0xbc2: {  	_ =	swait.ge [sflag:s13], $0x4000  }
0xbc3: {  	[sflag:s13] =	ssyncset.done $0x0  }
0xbc4: {  	[sflag:s13] =	ssyncadd.s32 $0xFFFFC000  }
0xbc5: {  	_ =	swait.ge [sflag:s7], $0x4000  }
0xbc6: {  	[sflag:s7] =	ssyncset.done $0x0  }
0xbc7: {  	[sflag:s7] =	ssyncadd.s32 $0xFFFFC000  }
0xbc8: {  	[hbm4b:s6+s2] =	stream.linear.scatter [tilespmem:s2], [sflag:$0x5], $0x4000, $0x38;
	[tilespmem:$0x10000] =	vst v63  }
0xbc9: {  	_ =	swait.ge [sflag:s10], $0x4000  }
0xbca: {  	[sflag:s10] =	ssyncset.done $0x0  }
0xbcb: {  	[sflag:s10] =	ssyncadd.s32 $0xFFFFC000  }
0xbcc: {  	_ =	swait.ge [sflag:s8], $0x4000  }
0xbcd: {  	[sflag:s8] =	ssyncset.done $0x0  }
0xbce: {  	[sflag:s8] =	ssyncadd.s32 $0xFFFFC000  }
0xbcf: {  	_ =	swait.ge [sflag:s5], $0x4000  }
0xbd0: {  	[sflag:s5] =	ssyncset.done $0x0  }
0xbd1: {  	[sflag:s5] =	ssyncadd.s32 $0xFFFFC000  }
0xbd2: {  	[hbm4b:s3+s2] =	stream.linear.scatter [tilespmem:s4], [sflag:$0x6], $0x4000, $0x38;
	[tilespmem:$0x10000] =	vst v63  }
0xbd3: {  	_ =	swait.ge [sflag:s7], $0x4000  }
0xbd4: {  	[sflag:s7] =	ssyncset.done $0x0  }
0xbd5: {  	[sflag:s7] =	ssyncadd.s32 $0xFFFFC000  }
0xbd6: {  	_ =	swait.ge [sflag:s5], $0x4000  }
0xbd7: {  	[sflag:s5] =	ssyncset.done $0x0  }
0xbd8: {  	[sflag:s5] =	ssyncadd.s32 $0xFFFFC000  }
0xbd9: {  	_ =	sfence.sel $0x180000  }
0xbda: {  	[bflag:$0x0] =	sbarrier.arrive $0xFFFF  }
0xbdb: {  	_ =	strace $0x9000004D  }
0xbdc: {  	s31 =	stileid.u32;
	[bflag:$0x2] =	sbarrier.arrive $0xFFFF  }
0xbdd: {  	p0 =	sne.s32 s31, $0x0;
	s0 =	rddreg [dreg:$0x2]  }
0xbde: {  	s0 =	sadd.s32 @!p0 $0x100000, s0  }
0xbdf: {  	[sflag:s0] =	ssyncadd.tile.s32 @!p0 $0x1;
	_ =	shalt  }
.Lfunc_end2:
_tile_overlayer_lowered:
.L_overlay_start_2:
0xbe0: {  	(tag) =	ssettag $0x2  }
0xbe1: {  	s0 =	rddreg [dreg:$0x0];
	s2 =	stileid.u32  }
0xbe2: {  	s1 =	rddreg [dreg:$0x1];
	p0 =	sne.s32 s2, $0x0  }
0xbe3: {  	s3 =	rddreg [dreg:$0x2];
	[bflag:$0x3] =	sbarrier.arrive $0xFFFF;
	s2 =	simm.s32 @!p0 $0x1C07  }
0xbe4: {  	[timem:s3], [sflag:s2] =	dma.local @!p0 [hbm:s0], s1  }
0xbe5: {  	s0 =	simm.s32 @!p0 $0x7  }
0xbe6: {  	_ =	swait.ge @!p0 [sflag:s0], s1  }
0xbe7: {  	s1 =	ssub.s32 @!p0 $0x0, s1;
	[sflag:s0] =	ssyncset.done @!p0 $0x0  }
0xbe8: {  	[sflag:s0] =	ssyncadd.s32 @!p0 s1  }
0xbe9: {  	[bflag:$0x3] =	sbarrier.arrive $0xFFFF  }
0xbea: {  	_ =	shalt  }

// kernel: sparse-core-data-format-call.1.cloned.1.call-start
scs
called_computation.1_lowered:
.L_overlay_start_0:
0x0: {  	s2 =	sld [smem:$0x3FD9]  }
0x1: {  	s3 =	sld [smem:$0x3FFE];
	_ =	sdelay $0x1  }
0x2: {  	s1 =	srdreg.scid  }
0x3: {  	s0 =	sand.u32 $0x1, s1  }
0x4: {  	s19 =	sshll.u32 s0, $0xA;
	s2 =	sadd.s32 s3, s2  }
0x5: {  	s2 =	sadd.s32 s2, s19  }
0x6: {  	[smem:$0x3FC6] =	sst s2  }
0x7: {  	_ = 	snop  }
0x8: {  	s20 =	sld [smem:$0x3FC9]  }
0x9: {  	s4 =	sld [smem:$0x3FD0];
	(tm) =	ssettm $0x1  }
0xa: {  	s21 =	sld [smem:$0x3FFB];
	_ =	sdelay $0x3  }
0xb: {  	_ =	strace s21  }
0xc: {  	s2 =	sld [smem:$0x3FFC];
	_ =	sdelay $0x3  }
0xd: {  	_ =	strace s2  }
0xe: {  	s2 =	sld [smem:$0x3FFD];
	_ =	sdelay $0x3  }
0xf: {  	_ =	strace s2  }
0x10: {  	_ =	strace $0x8FFFFFFF  }
0x11: {  	s22 =	sld [smem:$0x3FDB];
	_ =	sdelay $0x1  }
0x12: {  	s5 =	simm.s32 $_scs_section_size  }
0x13: {  	s6 =	simm.s32 $_size__tile_overlayer_lowered;
	s7 =	simm.s32 $_tile_overlayer_lowered  }
0x14: {  	s8 =	simm.s32 $0x1BFF;
	s23 =	sshll.u32 s7, $0x1;
	s5 =	sadd.s32 s5, s22  }
0x15: {  	s24 =	simm.s32 $0x0;
	s6 =	sshll.u32 s6, $0x1;
	s7 =	sadd.s32 s23, s5  }
0x16: {  	[timem:s24], [sflag:s8] =	dma.local [hbm:s7], s6  }
0x17: {  	_ =	swait.ge [sflag:s8], s6  }
0x18: {  	s6 =	ssub.s32 $0x0, s6;
	[sflag:s8] =	ssyncset.done $0x0  }
0x19: {  	[sflag:s8] =	ssyncadd.s32 s6;
	_ =	sdelay $0x1  }
0x1a: {  	s25 =	simm.s32 $0x1B8B  }
0x1b: {  	_ =	swait.ge [sflag:s25], $0x1  }
0x1c: {  	[sflag:s25] =	ssyncset.done $0x0  }
0x1d: {  	[sflag:s25] =	ssyncadd.s32 $0xFFFFFFFF  }
0x1e: {  	s6 =	sld [smem:$0x0]  }
0x1f: {  	s7 =	sand.u32 $0xFFFFFFFE, s1  }
0x20: {  	p0 =	sne.s32 s1, s7  }
0x21: {  	s7 =	sshll.u32 @p0 s7, $0xE  }
0x22: {  	s7 =	sadd.s32 @p0 $0x11B8D, s7;
	s8 =	sshll.u32 @p0 s6, $0x11  }
0x23: {  	s7 =	sor.u32 @p0 s8, s7  }
0x24: {  	[sflag:s7] =	ssyncadd.remote.s32 @p0 $0x1;
	_ =	sdelay $0x1  }
0x25: {  	s7 =	simm.s32 @p0 $0x1B8D  }
0x26: {  	_ =	swait.eq @p0 [sflag:s7], $0x1  }
0x27: {  	[sflag:s7] =	ssyncadd.s32 @p0 $0xFFFFFFFF  }
0x28: {  	s8 =	sshll.u32 @!p0 s1, $0xE  }
0x29: {  	s8 =	sor.u32 @!p0 $0x4000, s8;
	s7 =	simm.s32 @!p0 $0x1B8D  }
0x2a: {  	s6 =	sshll.u32 @!p0 s6, $0x11;
	s8 =	sadd.s32 @!p0 $0x11B8D, s8;
	_ =	swait.eq @!p0 [sflag:s7], $0x1  }
0x2b: {  	s6 =	sor.u32 @!p0 s6, s8;
	[sflag:s7] =	ssyncadd.s32 @!p0 $0xFFFFFFFF  }
0x2c: {  	s26 =	simm.s32 $0x1B8E;
	[sflag:s6] =	ssyncadd.remote.s32 @!p0 $0x1  }
0x2d: {  	s27 =	simm.s32 $execute0_lowered;
	[smem:$0x3FD2] =	sst s26  }
0x2e: {  	s6 =	sshll.u32 s27, $0x1;
	_ =	strace $0x80000049;
	[dreg:$0x1] =	wrdreg $0xFFFFFFFF  }
0x2f: {  	s28 =	simm.s32 $_size_execute0_lowered;
	s5 =	sadd.s32 s5, s6;
	[dreg:$0x0] =	wrdreg $0x0  }
0x30: {  	s6 =	sshll.u32 s28, $0x1;
	[dreg:$0x2] =	wrdreg s5  }
0x31: {  	[dreg:$0x3] =	wrdreg s6  }
0x32: {  	[dreg:$0x4] =	wrdreg $0xC0  }
0x33: {  	_ =	task [dreg:s24], $0x5FFFF  }
0x34: {  	[dreg:$0x1] =	wrdreg $0xFFFFFFFF  }
0x35: {  	[dreg:$0x0] =	wrdreg $0x60  }
0x36: {  	[dreg:$0x2] =	wrdreg s20  }
0x37: {  	[dreg:$0x3] =	wrdreg s4  }
0x38: {  	[dreg:$0x4] =	wrdreg $0xA  }
0x39: {  	_ =	task.clear_ibuf [dreg:s24], $0x5FFFF;
	_ =	strace $0x90000049  }
0x3a: {  	s29 =	simm.s32 $0xA;
	_ =	strace $0x8000004B  }
0x3b: {  	_ =	swait.ge [sflag:s29], $0x1  }
0x3c: {  	[sflag:s29] =	ssyncadd.s32 $0xFFFFFFFF  }
0x3d: {  	_ =	strace $0x9000004B  }
0x3e: {  	_ =	sfence  }
0x3f: {  	s30 =	sld [smem:$0x0];
	_ =	sdelay $0x2  }
0x40: {  	s31 =	sshll.u32 s1, $0xD;
	s1 =	sshrl.u32 s1, $0x2  }
0x41: {  	s4 =	sand.u32 $0x4000, s31;
	s1 =	sadd.s32 s1, s30  }
0x42: {  	s0 =	sor.u32 s4, s0;
	s1 =	sshll.u32 s1, $0x11  }
0x43: {  	s0 =	sor.u32 s1, s0  }
0x44: {  	s0 =	sadd.s32 $0x8F2B, s0  }
0x45: {  	[sflag:s0] =	ssyncadd.remote.s32 $0x1  }
0x46: {  	_ =	sfence.sel $0xFFFF  }
0x47: {  	[dreg:$0x0] =	wrdreg $0xFFFFFFFF;
	(pc) =	sbr.abs _section_cstart, $3  }
0x48: {  	[dreg:$0x1] =	wrdreg $0xFFFFFFFF  }
0x49: {  	_ =	task.clear_ibuf [dreg:s24], $0x2FFFF;
	_ =	strace $0x9FFFFFFF  }
0x4a: {  	(tm) =	ssettm $0x7FFFFFFF  }
0x4b: {  	_ =	shalt  }
tec
execute0_lowered:
.L_overlay_start_1:
0x0: {  	(tag) =	ssettag $0x1  }
0x1: {  	s0 =	srdreg.scid  }
0x2: {  	s1 =	sshll.u32 s0, $0x4  }
0x3: {  	s2 =	rddreg [dreg:$0x0];
	s0 =	stileid.u32;
	s1 =	sand.u32 $0x10, s1  }
0x4: {  	s4 =	rddreg [dreg:$0x1];
	s1 =	sor.u32 s0, s1  }
0x5: {  	s7 =	simm.s32 $0x1;
	s8 =	simm.s32 $0x2;
	s3 =	sshll.u32 s1, $0x1  }
0x6: {  	s9 =	simm.s32 $0x0;
	s12 =	simm.s32 $0x0;
	s6 =	ssub.s32 $0x1000, s3  }
.Ltmp0:
0x7: {  	s11 =	simm.s32 $0x0;
	s5 =	sand.u32 $0x3E, s6;
	(pc) =	sbr.rel .LBB1_1-.Ltmp0, $4  }
0x8: {  	s1 =	rddreg [dreg:$0x2];
	_ =	strace $0x8000004A;
	p0 =	sne.s32 s5, $0x0  }
0x9: {  	s6 =	sshrl.u32 s6, $0x6;
	s5 =	simm.s32 $0x1;
	s7 =	simm.s32 @!p0 $0x0  }
0xa: {  	s10 =	smov.u32 s3;
	[sflag:s5] =	ssyncpa.u1 $0x0;
	s6 =	sadd.s32 s7, s6  }
0xb: {  	[sflag:s8] =	ssyncpa.u1 $0x0;
	s8 =	simm.s32 $0x0;
	s7 =	sadd.s32 $0x1, s6  }
.LBB1_9:
0xc: {  	s14 =	sadd.s32 $0x40, s10  }
0xd: {  	p1 =	sgt.s32 s14, $0xFFF  }
0xe: {  	s14 =	smov.u32 @p1 s3;
	p1 =	sne.s32 s11, s7  }
.Ltmp1:
0xf: {  	p0 =	slt.u32 s11, $0x2;
	(pc) =	sbr.rel @!p1 .LBB1_10-.Ltmp1, $4  }
0x10: {  	s13 =	simm.s32 @!p0 $0x2  }
0x11: {  	s15 =	sadd.s32 $0x1, s11;
	_ =	swait.ge @!p0 [sflag:s13], $0x4000  }
0x12: {  	s12 =	smov.u32 s10;
	s9 =	sadd.s32 $0x4000, s9;
	[sflag:s13] =	ssyncset.done @!p0 $0x0  }
0x13: {  	s11 =	smov.u32 s15;
	s10 =	smov.u32 s14;
	[sflag:s13] =	ssyncadd.s32 @!p0 $0xFFFFC000  }
.LBB1_1:
0x14: {  	p0 =	sge.u32 s11, s6  }
0x15: {  	s13 =	sxor.u32 @!p0 $0xFFFFFFFF, s11  }
0x16: {  	s31 =	sadd.s32 $0xFFFFFFFF, s11;
	s14 =	sshll.u32 @!p0 s10, $0xA;
	s13 =	sshll.u32 @!p0 s13, $0xE  }
0x17: {  	s15 =	simm.s32 @!p0 $0x0;
	s14 =	sadd.s32 @!p0 s2, s14;
	s13 =	sand.u32 @!p0 $0x4000, s13  }
0x18: {  	[tilespmem:s13], [sflag:$0x1] =	stream.linear.gather @!p0 [hbm4b:s14+s15], $0x4000, $0x38;
	[tilespmem:$0x10000] =	vst v63  }
0x19: {  	p0 =	sge.u32 s31, s6  }
.Ltmp2:
0x1a: {  	_ = 	snop;
	(pc) =	sbr.rel @p0 .LBB1_9-.Ltmp2, $1  }
0x1b: {  	_ =	sdelay $0x3  }
0x1c: {  	s13 =	sshll.u32 s9, $0x2  }
0x1d: {  	_ =	swait.ge [sflag:s5], $0x4000;
	s14 =	sshll.u32 s11, $0xE;
	s16 =	simm.s32 $0x0  }
0x1e: {  	p1 =	por $0x1, $0x1;
	s13 =	sand.u32 $0x10000, s13;
	[sflag:s5] =	ssyncset.done $0x0  }
0x1f: {  	s14 =	sand.u32 $0x4000, s14;
	s15 =	sshrl.u32 s13, $0x2;
	[sflag:s5] =	ssyncadd.s32 $0xFFFFC000  }
0x20: {  	s13 =	sor.u32 $0x8000, s14;
	s14 =	sadd.s32 $0x8040, s15;
	s15 =	sadd.s32 $0x40, s15  }
.LBB1_3:
0x21: {  	s16 =	sshll.u32 s16, $0x2  }
0x22: {  	p0 =	por p1, p1;
	s17 =	sshra.s32 s16, $0x2  }
0x23: {  	s18 =	simm.s32 $0x0;
	s16 =	sadd.s32 s17, s14;
	s17 =	sadd.s32 s17, s15  }
.LBB1_4:
0x24: {  	v0 =	vmov s17;
	_ =	sdelay $0x3  }
0x25: {  	s20 =	simm.s32 $0x0  }
0x26: {  	v6 =	vld.idx.msk [tilespmem:v0+s20+$0x30 ss:$0x1], $0xffff  }
0x27: {  	v7 =	vld.idx.msk [tilespmem:v0+s20+$0xFFFFFFC0 ss:$0x1], $0xffff  }
0x28: {  	v5 =	vld.idx.msk [tilespmem:v0+s20+$0xFFFFFFD0 ss:$0x1], $0xffff  }
0x29: {  	v4 =	vld.idx.msk [tilespmem:v0+s20+$0xFFFFFFE0 ss:$0x1], $0xffff  }
0x2a: {  	v3 =	vld.idx.msk [tilespmem:v0+s20+$0xFFFFFFF0 ss:$0x1], $0xffff  }
0x2b: {  	v1 =	vld.idx.msk [tilespmem:v0+s20+$0x0 ss:$0x1], $0xffff  }
0x2c: {  	v2 =	vld.idx.msk [tilespmem:v0+s20+$0x10 ss:$0x1], $0xffff;
	[tilespmem:s16+$0x30] =	vst v6  }
0x2d: {  	s19 =	simm.s32 $0x80;
	s21 =	simm.s32 $0x400;
	[tilespmem:s16+$0xFFFFFFC0] =	vst v7;
	v6 =	vld.idx.msk [tilespmem:v0+s20+$0x20 ss:$0x1], $0xffff;
	s20 =	smov.u32 s16  }
.LBB1_5:
0x2e: {  	p1 =	sne.s32 s21, $0xE00;
	v7 =	vld.idx.msk [tilespmem:v0+s19+$0x30 ss:$0x1], $0xffff;
	[tilespmem:s20+$0xFFFFFFD0] =	vst v5  }
0x2f: {  	v8 =	vld.idx.msk [tilespmem:v0+s19+$0xFFFFFFC0 ss:$0x1], $0xffff;
	[tilespmem:s20+$0xFFFFFFE0] =	vst v4  }
0x30: {  	v5 =	vld.idx.msk [tilespmem:v0+s19+$0xFFFFFFD0 ss:$0x1], $0xffff;
	[tilespmem:s20+$0xFFFFFFF0] =	vst v3  }
.Ltmp3:
0x31: {  	v4 =	vld.idx.msk [tilespmem:v0+s19+$0xFFFFFFE0 ss:$0x1], $0xffff;
	[tilespmem:s20+$0x0] =	vst v1;
	(pc) =	sbr.rel @p1 .LBB1_5-.Ltmp3, $4  }
0x32: {  	v3 =	vld.idx.msk [tilespmem:v0+s19+$0xFFFFFFF0 ss:$0x1], $0xffff;
	[tilespmem:s20+$0x10] =	vst v2  }
0x33: {  	v1 =	vld.idx.msk [tilespmem:v0+s19+$0x0 ss:$0x1], $0xffff;
	[tilespmem:s20+$0x20] =	vst v6;
	s20 =	sadd.s32 $0x400, s20  }
0x34: {  	v2 =	vld.idx.msk [tilespmem:v0+s19+$0x10 ss:$0x1], $0xffff;
	[tilespmem:s20+$0x30] =	vst v7  }
0x35: {  	[tilespmem:s20+$0xFFFFFFC0] =	vst v8;
	v6 =	vld.idx.msk [tilespmem:v0+s19+$0x20 ss:$0x1], $0xffff;
	s19 =	sshra.s32 s21, $0x2;
	s21 =	sadd.s32 $0x200, s21  }
0x36: {  	_ =	sdelay $0x2  }
0x37: {  	[tilespmem:s20+$0xFFFFFFD0] =	vst v5  }
0x38: {  	v56 =	vld.idx.msk [tilespmem:v0+s19+$0x30 ss:$0x1], $0xffff;
	[tilespmem:s20+$0xFFFFFFE0] =	vst v4  }
0x39: {  	v57 =	vld.idx.msk [tilespmem:v0+s19+$0xFFFFFFC0 ss:$0x1], $0xffff;
	[tilespmem:s20+$0xFFFFFFF0] =	vst v3  }
0x3a: {  	v58 =	vld.idx.msk [tilespmem:v0+s19+$0xFFFFFFD0 ss:$0x1], $0xffff;
	[tilespmem:s20+$0x0] =	vst v1  }
0x3b: {  	v59 =	vld.idx.msk [tilespmem:v0+s19+$0xFFFFFFE0 ss:$0x1], $0xffff;
	[tilespmem:s20+$0x10] =	vst v2  }
0x3c: {  	v60 =	vld.idx.msk [tilespmem:v0+s19+$0xFFFFFFF0 ss:$0x1], $0xffff;
	s31 =	sadd.s32 $0x400, s20;
	[tilespmem:s20+$0x20] =	vst v6  }
0x3d: {  	v61 =	vld.idx.msk [tilespmem:v0+s19+$0x0 ss:$0x1], $0xffff;
	[tilespmem:s31+$0x30] =	vst v56  }
0x3e: {  	v62 =	vld.idx.msk [tilespmem:v0+s19+$0x10 ss:$0x1], $0xffff;
	s18 =	sadd.s32 $0x1, s18;
	[tilespmem:s31+$0xFFFFFFC0] =	vst v57  }
0x3f: {  	v63 =	vld.idx.msk [tilespmem:v0+s19+$0x20 ss:$0x1], $0xffff;
	p1 =	sne.s32 s18, $0x8;
	[tilespmem:s31+$0xFFFFFFD0] =	vst v58  }
.Ltmp4:
0x40: {  	[tilespmem:s31+$0xFFFFFFE0] =	vst v59;
	(pc) =	sbr.rel @p1 .LBB1_4-.Ltmp4, $4  }
0x41: {  	[tilespmem:s31+$0xFFFFFFF0] =	vst v60  }
0x42: {  	[tilespmem:s31+$0x0] =	vst v61  }
0x43: {  	[tilespmem:s31+$0x10] =	vst v62  }
0x44: {  	s16 =	sadd.s32 $0x80, s16;
	s17 =	sadd.s32 $0x400, s17;
	[tilespmem:s31+$0x20] =	vst v63  }
.Ltmp5:
0x45: {  	(pc) =	sbr.rel @p0 .LBB1_3-.Ltmp5, $2  }
0x46: {  	_ =	sdelay $0x2  }
0x47: {  	s16 =	simm.s32 $0x2000;
	p1 =	por $0x0, $0x0  }
.Ltmp6:
0x48: {  	(pc) =	sbr.rel .LBB1_9-.Ltmp6, $4  }
0x49: {  	_ = 	snop  }
0x4a: {  	s12 =	sshll.u32 s12, $0xA  }
0x4b: {  	s12 =	sadd.s32 s4, s12  }
0x4c: {  	[hbm4b:s12+s8] =	stream.linear.scatter [tilespmem:s13], [sflag:$0x2], $0x4000, $0x38;
	[tilespmem:$0x10000] =	vst v63  }
.LBB1_10:
0x4d: {  	_ =	sfence.sel $0x180000  }
0x4e: {  	s2 =	simm.s32 $0x1;
	[bflag:$0x0] =	sbarrier.arrive $0xFFFF  }
0x4f: {  	s31 =	simm.s32 $0x2;
	[sflag:s2] =	ssyncpa.u1 $0x1  }
0x50: {  	[sflag:s31] =	ssyncpa.u1 $0x1  }
0x51: {  	p0 =	sne.s32 s0, $0x0;
	_ =	strace $0x9000004A  }
0x52: {  	s0 =	sadd.s32 @!p0 $0x100000, s1;
	[bflag:$0x2] =	sbarrier.arrive $0xFFFF  }
0x53: {  	[sflag:s0] =	ssyncadd.tile.s32 @!p0 $0x1;
	_ =	shalt  }
.Lfunc_end1:
_tile_overlayer_lowered:
.L_overlay_start_2:
0x54: {  	(tag) =	ssettag $0x2  }
0x55: {  	s0 =	rddreg [dreg:$0x0];
	s2 =	stileid.u32  }
0x56: {  	s1 =	rddreg [dreg:$0x1];
	p0 =	sne.s32 s2, $0x0  }
0x57: {  	s3 =	rddreg [dreg:$0x2];
	[bflag:$0x3] =	sbarrier.arrive $0xFFFF;
	s2 =	simm.s32 @!p0 $0x1C01  }
0x58: {  	[timem:s3], [sflag:s2] =	dma.local @!p0 [hbm:s0], s1  }
0x59: {  	s0 =	simm.s32 @!p0 $0x1  }
0x5a: {  	_ =	swait.ge @!p0 [sflag:s0], s1  }
0x5b: {  	s1 =	ssub.s32 @!p0 $0x0, s1;
	[sflag:s0] =	ssyncset.done @!p0 $0x0  }
0x5c: {  	[sflag:s0] =	ssyncadd.s32 @!p0 s1  }
0x5d: {  	[bflag:$0x3] =	sbarrier.arrive $0xFFFF  }
0x5e: {  	_ =	shalt  }

// kernel: sparse-core-data-format-call.cloned.1.call-start
scs
called_computation_lowered:
.L_overlay_start_0:
0x0: {  	s2 =	sld [smem:$0x3FD9]  }
0x1: {  	s3 =	sld [smem:$0x3FFE];
	_ =	sdelay $0x1  }
0x2: {  	s1 =	srdreg.scid  }
0x3: {  	s0 =	sand.u32 $0x1, s1  }
0x4: {  	s18 =	sshll.u32 s0, $0xA;
	s2 =	sadd.s32 s3, s2  }
0x5: {  	s2 =	sadd.s32 s2, s18  }
0x6: {  	[smem:$0x3FC6] =	sst s2  }
0x7: {  	_ = 	snop  }
0x8: {  	s2 =	sld [smem:$0x3FC8];
	(tm) =	ssettm $0x1  }
0x9: {  	s19 =	sld [smem:$0x3FFB];
	_ =	sdelay $0x3  }
0xa: {  	_ =	strace s19  }
0xb: {  	s3 =	sld [smem:$0x3FFC];
	_ =	sdelay $0x3  }
0xc: {  	_ =	strace s3  }
0xd: {  	s3 =	sld [smem:$0x3FFD];
	_ =	sdelay $0x3  }
0xe: {  	_ =	strace s3  }
0xf: {  	_ =	strace $0x8FFFFFFF  }
0x10: {  	s20 =	sld [smem:$0x3FDB];
	_ =	sdelay $0x1  }
0x11: {  	s4 =	simm.s32 $_scs_section_size  }
0x12: {  	s5 =	simm.s32 $_size__tile_overlayer_lowered;
	s6 =	simm.s32 $_tile_overlayer_lowered  }
0x13: {  	s23 =	simm.s32 $0x1BFF;
	s22 =	sshll.u32 s6, $0x1;
	s3 =	sadd.s32 s4, s20  }
0x14: {  	s7 =	simm.s32 $0x0;
	s21 =	sshll.u32 s5, $0x1;
	s5 =	sadd.s32 s22, s3  }
0x15: {  	[timem:s7], [sflag:s23] =	dma.local [hbm:s5], s21  }
0x16: {  	_ =	swait.ge [sflag:s23], s21  }
0x17: {  	s4 =	ssub.s32 $0x0, s21;
	[sflag:s23] =	ssyncset.done $0x0  }
0x18: {  	[sflag:s23] =	ssyncadd.s32 s4;
	_ =	sdelay $0x1  }
0x19: {  	s24 =	simm.s32 $0x1B8B  }
0x1a: {  	_ =	swait.ge [sflag:s24], $0x1  }
0x1b: {  	[sflag:s24] =	ssyncset.done $0x0  }
0x1c: {  	s26 =	simm.s32 $0x1B8E;
	s25 =	sld [smem:$0x3FFE];
	[sflag:s24] =	ssyncadd.s32 $0xFFFFFFFF  }
0x1d: {  	s27 =	simm.s32 $execute0_lowered;
	[smem:$0x3FD2] =	sst s26  }
0x1e: {  	s5 =	sshll.u32 s27, $0x1;
	_ =	strace $0x80000046;
	[dreg:$0x1] =	wrdreg $0xFFFFFFFF  }
0x1f: {  	s28 =	simm.s32 $_size_execute0_lowered;
	s3 =	sadd.s32 s3, s5;
	[dreg:$0x0] =	wrdreg $0x0  }
0x20: {  	s5 =	sshll.u32 s28, $0x1;
	[dreg:$0x2] =	wrdreg s3  }
0x21: {  	[dreg:$0x3] =	wrdreg s5  }
0x22: {  	[dreg:$0x4] =	wrdreg $0xC0  }
0x23: {  	_ =	task [dreg:s7], $0x5FFFF  }
0x24: {  	[dreg:$0x1] =	wrdreg $0xFFFFFFFF  }
0x25: {  	[dreg:$0x0] =	wrdreg $0x60  }
0x26: {  	[dreg:$0x2] =	wrdreg s2  }
0x27: {  	[dreg:$0x3] =	wrdreg s25  }
0x28: {  	[dreg:$0x4] =	wrdreg $0x9  }
0x29: {  	_ =	task.clear_ibuf [dreg:s7], $0x5FFFF;
	_ =	strace $0x90000046  }
0x2a: {  	s29 =	simm.s32 $0x9;
	_ =	strace $0x80000048  }
0x2b: {  	_ =	swait.ge [sflag:s29], $0x1  }
0x2c: {  	[sflag:s29] =	ssyncadd.s32 $0xFFFFFFFF  }
0x2d: {  	_ =	strace $0x90000048  }
0x2e: {  	_ =	sfence  }
0x2f: {  	s30 =	sld [smem:$0x0];
	_ =	sdelay $0x2  }
0x30: {  	s31 =	sshll.u32 s1, $0xD;
	s1 =	sshrl.u32 s1, $0x2  }
0x31: {  	s3 =	sand.u32 $0x4000, s31;
	s1 =	sadd.s32 s1, s30  }
0x32: {  	s0 =	sor.u32 s3, s0;
	s1 =	sshll.u32 s1, $0x11  }
0x33: {  	s0 =	sor.u32 s1, s0  }
0x34: {  	s0 =	sadd.s32 $0x8F2B, s0  }
0x35: {  	[sflag:s0] =	ssyncadd.remote.s32 $0x1  }
0x36: {  	_ =	sfence.sel $0xFFFF  }
0x37: {  	[dreg:$0x0] =	wrdreg $0xFFFFFFFF;
	(pc) =	sbr.abs _section_cstart, $3  }
0x38: {  	[dreg:$0x1] =	wrdreg $0xFFFFFFFF  }
0x39: {  	_ =	task.clear_ibuf [dreg:s7], $0x2FFFF;
	_ =	strace $0x9FFFFFFF  }
0x3a: {  	(tm) =	ssettm $0x7FFFFFFF  }
0x3b: {  	_ =	shalt  }
tec
execute0_lowered:
.L_overlay_start_1:
0x0: {  	(tag) =	ssettag $0x1  }
0x1: {  	s0 =	srdreg.scid  }
0x2: {  	s1 =	sshll.u32 s0, $0x4  }
0x3: {  	s2 =	rddreg [dreg:$0x0];
	s0 =	stileid.u32;
	s1 =	sand.u32 $0x10, s1  }
0x4: {  	s4 =	rddreg [dreg:$0x1];
	s7 =	simm.s32 $0x1;
	s1 =	sor.u32 s0, s1  }
0x5: {  	s8 =	simm.s32 $0x2;
	s9 =	simm.s32 $0x0;
	s3 =	sshll.u32 s1, $0x1  }
0x6: {  	s12 =	simm.s32 $0x0;
	s11 =	simm.s32 $0x0;
	s6 =	ssub.s32 $0x400, s3  }
.Ltmp0:
0x7: {  	s4 =	sadd.s32 $0xC00, s4;
	s5 =	sand.u32 $0x3E, s6;
	(pc) =	sbr.rel .LBB1_1-.Ltmp0, $4  }
0x8: {  	s1 =	rddreg [dreg:$0x2];
	_ =	strace $0x80000047;
	p0 =	sne.s32 s5, $0x0  }
0x9: {  	s6 =	sshrl.u32 s6, $0x6;
	s5 =	simm.s32 $0x1;
	s7 =	simm.s32 @!p0 $0x0  }
0xa: {  	s10 =	smov.u32 s3;
	[sflag:s5] =	ssyncpa.u1 $0x0;
	s6 =	sadd.s32 s7, s6  }
0xb: {  	[sflag:s8] =	ssyncpa.u1 $0x0;
	s8 =	simm.s32 $0x0;
	s7 =	sadd.s32 $0x1, s6  }
.LBB1_9:
0xc: {  	s14 =	sadd.s32 $0x40, s10  }
0xd: {  	p1 =	sgt.s32 s14, $0x3FF  }
0xe: {  	s14 =	smov.u32 @p1 s3;
	p1 =	sne.s32 s11, s7  }
.Ltmp1:
0xf: {  	p0 =	slt.u32 s11, $0x2;
	(pc) =	sbr.rel @!p1 .LBB1_10-.Ltmp1, $4  }
0x10: {  	s13 =	simm.s32 @!p0 $0x2  }
0x11: {  	s15 =	sadd.s32 $0x1, s11;
	_ =	swait.ge @!p0 [sflag:s13], $0x4000  }
0x12: {  	s12 =	smov.u32 s10;
	s9 =	sadd.s32 $0x4000, s9;
	[sflag:s13] =	ssyncset.done @!p0 $0x0  }
0x13: {  	s11 =	smov.u32 s15;
	s10 =	smov.u32 s14;
	[sflag:s13] =	ssyncadd.s32 @!p0 $0xFFFFC000  }
.LBB1_1:
0x14: {  	p0 =	sge.u32 s11, s6  }
0x15: {  	s13 =	sxor.u32 @!p0 $0xFFFFFFFF, s11  }
0x16: {  	s31 =	sadd.s32 $0xFFFFFFFF, s11;
	s14 =	sshll.u32 @!p0 s10, $0xA;
	s13 =	sshll.u32 @!p0 s13, $0xE  }
0x17: {  	s15 =	simm.s32 @!p0 $0x0;
	s14 =	sadd.s32 @!p0 s2, s14;
	s13 =	sand.u32 @!p0 $0x4000, s13  }
0x18: {  	[tilespmem:s13], [sflag:$0x1] =	stream.linear.gather @!p0 [hbm4b:s14+s15], $0x4000, $0x38;
	[tilespmem:$0x10000] =	vst v63  }
0x19: {  	p0 =	sge.u32 s31, s6  }
.Ltmp2:
0x1a: {  	_ = 	snop;
	(pc) =	sbr.rel @p0 .LBB1_9-.Ltmp2, $1  }
0x1b: {  	_ =	sdelay $0x3  }
0x1c: {  	s13 =	sshll.u32 s9, $0x2  }
0x1d: {  	_ =	swait.ge [sflag:s5], $0x4000;
	s14 =	sshll.u32 s11, $0xE;
	s16 =	simm.s32 $0x0  }
0x1e: {  	p1 =	por $0x1, $0x1;
	s13 =	sand.u32 $0x10000, s13;
	[sflag:s5] =	ssyncset.done $0x0  }
0x1f: {  	s14 =	sand.u32 $0x4000, s14;
	s15 =	sshrl.u32 s13, $0x2;
	[sflag:s5] =	ssyncadd.s32 $0xFFFFC000  }
0x20: {  	s13 =	sor.u32 $0x8000, s14;
	s14 =	sadd.s32 $0x8040, s15;
	s15 =	sadd.s32 $0x40, s15  }
.LBB1_3:
0x21: {  	s16 =	sshll.u32 s16, $0x2  }
0x22: {  	p0 =	por p1, p1;
	s17 =	sshra.s32 s16, $0x2  }
0x23: {  	s18 =	simm.s32 $0x0;
	s16 =	sadd.s32 s17, s14;
	s17 =	sadd.s32 s17, s15  }
.LBB1_4:
0x24: {  	v0 =	vmov s17;
	_ =	sdelay $0x3  }
0x25: {  	s20 =	simm.s32 $0x0  }
0x26: {  	v6 =	vld.idx.msk [tilespmem:v0+s20+$0x30 ss:$0x1], $0xffff  }
0x27: {  	v7 =	vld.idx.msk [tilespmem:v0+s20+$0xFFFFFFC0 ss:$0x1], $0xffff  }
0x28: {  	v5 =	vld.idx.msk [tilespmem:v0+s20+$0xFFFFFFD0 ss:$0x1], $0xffff  }
0x29: {  	v4 =	vld.idx.msk [tilespmem:v0+s20+$0xFFFFFFE0 ss:$0x1], $0xffff  }
0x2a: {  	v3 =	vld.idx.msk [tilespmem:v0+s20+$0xFFFFFFF0 ss:$0x1], $0xffff  }
0x2b: {  	v1 =	vld.idx.msk [tilespmem:v0+s20+$0x0 ss:$0x1], $0xffff  }
0x2c: {  	v2 =	vld.idx.msk [tilespmem:v0+s20+$0x10 ss:$0x1], $0xffff;
	[tilespmem:s16+$0x30] =	vst v6  }
0x2d: {  	s19 =	simm.s32 $0x80;
	s21 =	simm.s32 $0x400;
	[tilespmem:s16+$0xFFFFFFC0] =	vst v7;
	v6 =	vld.idx.msk [tilespmem:v0+s20+$0x20 ss:$0x1], $0xffff;
	s20 =	smov.u32 s16  }
.LBB1_5:
0x2e: {  	p1 =	sne.s32 s21, $0xE00;
	v7 =	vld.idx.msk [tilespmem:v0+s19+$0x30 ss:$0x1], $0xffff;
	[tilespmem:s20+$0xFFFFFFD0] =	vst v5  }
0x2f: {  	v8 =	vld.idx.msk [tilespmem:v0+s19+$0xFFFFFFC0 ss:$0x1], $0xffff;
	[tilespmem:s20+$0xFFFFFFE0] =	vst v4  }
0x30: {  	v5 =	vld.idx.msk [tilespmem:v0+s19+$0xFFFFFFD0 ss:$0x1], $0xffff;
	[tilespmem:s20+$0xFFFFFFF0] =	vst v3  }
.Ltmp3:
0x31: {  	v4 =	vld.idx.msk [tilespmem:v0+s19+$0xFFFFFFE0 ss:$0x1], $0xffff;
	[tilespmem:s20+$0x0] =	vst v1;
	(pc) =	sbr.rel @p1 .LBB1_5-.Ltmp3, $4  }
0x32: {  	v3 =	vld.idx.msk [tilespmem:v0+s19+$0xFFFFFFF0 ss:$0x1], $0xffff;
	[tilespmem:s20+$0x10] =	vst v2  }
0x33: {  	v1 =	vld.idx.msk [tilespmem:v0+s19+$0x0 ss:$0x1], $0xffff;
	[tilespmem:s20+$0x20] =	vst v6;
	s20 =	sadd.s32 $0x400, s20  }
0x34: {  	v2 =	vld.idx.msk [tilespmem:v0+s19+$0x10 ss:$0x1], $0xffff;
	[tilespmem:s20+$0x30] =	vst v7  }
0x35: {  	[tilespmem:s20+$0xFFFFFFC0] =	vst v8;
	v6 =	vld.idx.msk [tilespmem:v0+s19+$0x20 ss:$0x1], $0xffff;
	s19 =	sshra.s32 s21, $0x2;
	s21 =	sadd.s32 $0x200, s21  }
0x36: {  	_ =	sdelay $0x2  }
0x37: {  	[tilespmem:s20+$0xFFFFFFD0] =	vst v5  }
0x38: {  	v56 =	vld.idx.msk [tilespmem:v0+s19+$0x30 ss:$0x1], $0xffff;
	[tilespmem:s20+$0xFFFFFFE0] =	vst v4  }
0x39: {  	v57 =	vld.idx.msk [tilespmem:v0+s19+$0xFFFFFFC0 ss:$0x1], $0xffff;
	[tilespmem:s20+$0xFFFFFFF0] =	vst v3  }
0x3a: {  	v58 =	vld.idx.msk [tilespmem:v0+s19+$0xFFFFFFD0 ss:$0x1], $0xffff;
	[tilespmem:s20+$0x0] =	vst v1  }
0x3b: {  	v59 =	vld.idx.msk [tilespmem:v0+s19+$0xFFFFFFE0 ss:$0x1], $0xffff;
	[tilespmem:s20+$0x10] =	vst v2  }
0x3c: {  	v60 =	vld.idx.msk [tilespmem:v0+s19+$0xFFFFFFF0 ss:$0x1], $0xffff;
	s31 =	sadd.s32 $0x400, s20;
	[tilespmem:s20+$0x20] =	vst v6  }
0x3d: {  	v61 =	vld.idx.msk [tilespmem:v0+s19+$0x0 ss:$0x1], $0xffff;
	[tilespmem:s31+$0x30] =	vst v56  }
0x3e: {  	v62 =	vld.idx.msk [tilespmem:v0+s19+$0x10 ss:$0x1], $0xffff;
	s18 =	sadd.s32 $0x1, s18;
	[tilespmem:s31+$0xFFFFFFC0] =	vst v57  }
0x3f: {  	v63 =	vld.idx.msk [tilespmem:v0+s19+$0x20 ss:$0x1], $0xffff;
	p1 =	sne.s32 s18, $0x8;
	[tilespmem:s31+$0xFFFFFFD0] =	vst v58  }
.Ltmp4:
0x40: {  	[tilespmem:s31+$0xFFFFFFE0] =	vst v59;
	(pc) =	sbr.rel @p1 .LBB1_4-.Ltmp4, $4  }
0x41: {  	[tilespmem:s31+$0xFFFFFFF0] =	vst v60  }
0x42: {  	[tilespmem:s31+$0x0] =	vst v61  }
0x43: {  	[tilespmem:s31+$0x10] =	vst v62  }
0x44: {  	s16 =	sadd.s32 $0x80, s16;
	s17 =	sadd.s32 $0x400, s17;
	[tilespmem:s31+$0x20] =	vst v63  }
.Ltmp5:
0x45: {  	(pc) =	sbr.rel @p0 .LBB1_3-.Ltmp5, $2  }
0x46: {  	_ =	sdelay $0x2  }
0x47: {  	s16 =	simm.s32 $0x2000;
	p1 =	por $0x0, $0x0  }
.Ltmp6:
0x48: {  	(pc) =	sbr.rel .LBB1_9-.Ltmp6, $4  }
0x49: {  	_ = 	snop  }
0x4a: {  	s12 =	sshll.u32 s12, $0xA  }
0x4b: {  	s12 =	sadd.s32 s4, s12  }
0x4c: {  	[hbm4b:s12+s8] =	stream.linear.scatter [tilespmem:s13], [sflag:$0x2], $0x4000, $0x38;
	[tilespmem:$0x10000] =	vst v63  }
.LBB1_10:
0x4d: {  	_ =	sfence.sel $0x180000  }
0x4e: {  	s2 =	simm.s32 $0x1;
	[bflag:$0x0] =	sbarrier.arrive $0xFFFF  }
0x4f: {  	s31 =	simm.s32 $0x2;
	[sflag:s2] =	ssyncpa.u1 $0x1  }
0x50: {  	[sflag:s31] =	ssyncpa.u1 $0x1  }
0x51: {  	p0 =	sne.s32 s0, $0x0;
	_ =	strace $0x90000047  }
0x52: {  	s0 =	sadd.s32 @!p0 $0x100000, s1;
	[bflag:$0x2] =	sbarrier.arrive $0xFFFF  }
0x53: {  	[sflag:s0] =	ssyncadd.tile.s32 @!p0 $0x1;
	_ =	shalt  }
.Lfunc_end1:
_tile_overlayer_lowered:
.L_overlay_start_2:
0x54: {  	(tag) =	ssettag $0x2  }
0x55: {  	s0 =	rddreg [dreg:$0x0];
	s2 =	stileid.u32  }
0x56: {  	s1 =	rddreg [dreg:$0x1];
	p0 =	sne.s32 s2, $0x0  }
0x57: {  	s3 =	rddreg [dreg:$0x2];
	[bflag:$0x3] =	sbarrier.arrive $0xFFFF;
	s2 =	simm.s32 @!p0 $0x1C01  }
0x58: {  	[timem:s3], [sflag:s2] =	dma.local @!p0 [hbm:s0], s1  }
0x59: {  	s0 =	simm.s32 @!p0 $0x1  }
0x5a: {  	_ =	swait.ge @!p0 [sflag:s0], s1  }
0x5b: {  	s1 =	ssub.s32 @!p0 $0x0, s1;
	[sflag:s0] =	ssyncset.done @!p0 $0x0  }
0x5c: {  	[sflag:s0] =	ssyncadd.s32 @!p0 s1  }
0x5d: {  	[bflag:$0x3] =	sbarrier.arrive $0xFFFF  }
0x5e: {  	_ =	shalt  }

</sc_bundles>
